<compile_context>
chip_gen: v7x
topology: tpu7x:2x2x1
jax: 0.10.2.dev20260603
libtpu: 0.0.44.dev20260713+nightly
codegen_flags: <defaults>
</compile_context>

<pallas_src>
import functools
import math

import jax
import jax.numpy as jnp
from jax import lax
from jax.experimental import pallas as pl
from jax.experimental.pallas import tpu as pltpu
from jax.experimental.pallas import tpu_sc as plsc

PI = math.pi
CUTOFF = 10.0
LOG2 = math.log(2.0)

N = 10000
E = 320000
F = 128

NC = 2
NS = 16
EPW = E // (NC * NS)
BE_SC = 80
NB_SC = EPW // BE_SC
NPAD = 10240
RPT = NPAD // NS

BE_TC = 3200
CHUNKS = (102400, 102400, 115200)

import numpy as _np
_PERM = _np.empty(F, dtype=_np.int32)
for _j in range(F // 32):
    for _m in range(16):
        _PERM[16 * _j + _m] = 32 * _j + _m
        _PERM[64 + 16 * _j + _m] = 32 * _j + 16 + _m


def _ssp(v):
    return jax.nn.softplus(v) - LOG2


def _filter_body(eat_ref, el_ref, w0t_ref, b0_ref, w2t_ref, b2_ref, out_ref):
    a = lax.dot_general(eat_ref[...], w0t_ref[...],
                        (((0,), (0,)), ((), ())),
                        preferred_element_type=jnp.float32)
    a = _ssp(a + b0_ref[...])
    w = jnp.dot(a, w2t_ref[...], preferred_element_type=jnp.float32) + b2_ref[...]
    el = el_ref[...]
    c = 0.5 * (jnp.cos(el * (PI / CUTOFF)) + 1.0)
    c = c * (el <= CUTOFF).astype(jnp.float32) * (el >= 0.0).astype(jnp.float32)
    out_ref[...] = w * c.reshape(BE_TC, 1)


def _filter_tc(edge_attr_t, edge_length, w0t, b0, w2t, b2, ebase, esz):
    g = edge_attr_t.shape[0]
    ob = ebase // BE_TC
    return pl.pallas_call(
        _filter_body,
        grid=(esz // BE_TC,),
        in_specs=[
            pl.BlockSpec((g, BE_TC), lambda i: (0, i + ob)),
            pl.BlockSpec((1, BE_TC), lambda i: (0, i + ob)),
            pl.BlockSpec((g, F), lambda i: (0, 0)),
            pl.BlockSpec((1, F), lambda i: (0, 0)),
            pl.BlockSpec((F, F), lambda i: (0, 0)),
            pl.BlockSpec((1, F), lambda i: (0, 0)),
        ],
        out_specs=pl.BlockSpec((BE_TC, F), lambda i: (i, 0)),
        out_shape=jax.ShapeDtypeStruct((esz, F), jnp.float32),
    )(edge_attr_t, edge_length, w0t, b0, w2t, b2)


def _lin1_body(x_ref, wt_ref, out_ref):
    out_ref[...] = jnp.dot(x_ref[...], wt_ref[...],
                           preferred_element_type=jnp.float32)


def _lin1_tc(x, lin1t):
    rb = 1000
    return pl.pallas_call(
        _lin1_body,
        grid=(N // rb,),
        in_specs=[
            pl.BlockSpec((rb, F), lambda i: (i, 0)),
            pl.BlockSpec((F, F), lambda i: (0, 0)),
        ],
        out_specs=pl.BlockSpec((rb, F), lambda i: (i, 0)),
        out_shape=jax.ShapeDtypeStruct((N, F), jnp.float32),
    )(x, lin1t)


def _make_msg_body(nb, ebase):

    def _msg_body(h_hbm, w_hbm, src_hbm, dst_hbm, out_hbm,
                  src0, src1, dst0, dst1, rows0, rows1, wv0, wv1, agg_sh,
                  sg0, sg1, sw0, sw1, si0, si1, sd0, sd1, ss0, ss1):
        c = lax.axis_index("c")
        s = lax.axis_index("s")
        wid = c * NS + s
        wbase_w = wid * nb * BE_SC
        wbase_e = ebase + wbase_w

        srcs, dsts = (src0, src1), (dst0, dst1)
        rows, wvs = (rows0, rows1), (wv0, wv1)
        sgs, sws, sis = (sg0, sg1), (sw0, sw1), (si0, si1)
        sds, sss = (sd0, sd1), (ss0, ss1)

        def zrow(i, _):
            for j in range(F // 16):
                rows0[i, pl.ds(j * 16, 16)] = jnp.zeros((16,), jnp.float32)
            return 0
        lax.fori_loop(0, BE_SC, zrow, 0)

        def zcopy(k, _):
            pltpu.sync_copy(rows0, agg_sh.at[pl.ds(s * RPT + k * BE_SC, BE_SC)])
            return 0
        lax.fori_loop(0, RPT // BE_SC, zcopy, 0)
        plsc.subcore_barrier()

        def fetch_src(b, buf):
            pltpu.async_copy(src_hbm.at[pl.ds(wbase_e + b * BE_SC, BE_SC)],
                             srcs[buf], sis[buf])

        def wait_src(buf):
            pltpu.make_async_copy(src_hbm.at[pl.ds(0, BE_SC)],
                                  srcs[buf], sis[buf]).wait()

        def fetch_dst(b, buf):
            pltpu.async_copy(dst_hbm.at[pl.ds(wbase_e + b * BE_SC, BE_SC)],
                             dsts[buf], sds[buf])

        def wait_dst(buf):
            pltpu.make_async_copy(dst_hbm.at[pl.ds(0, BE_SC)],
                                  dsts[buf], sds[buf]).wait()

        def issue(b, buf):
            pltpu.async_copy(h_hbm.at[srcs[buf]], rows[buf], sgs[buf])
            pltpu.async_copy(w_hbm.at[pl.ds(wbase_w + b * BE_SC, BE_SC)],
                             wvs[buf], sws[buf])

        def wait_in(buf):
            pltpu.make_async_copy(h_hbm.at[srcs[buf]], rows[buf], sgs[buf]).wait()
            pltpu.make_async_copy(w_hbm.at[pl.ds(0, BE_SC)],
                                  wvs[buf], sws[buf]).wait()

        def mul(buf):
            def body(i, _):
                for j in range(F // 16):
                    sl = pl.ds(j * 16, 16)
                    rows[buf][i, sl] = rows[buf][i, sl] * wvs[buf][i, sl]
                return 0
            lax.fori_loop(0, BE_SC, body, 0)

        def scatter(buf):
            pltpu.async_copy(rows[buf], agg_sh.at[dsts[buf]], sss[buf], add=True)

        def wait_scatter(buf):
            pltpu.make_async_copy(rows[buf], agg_sh.at[dsts[buf]], sss[buf]).wait()

        fetch_src(0, 0)
        fetch_dst(0, 0)
        wait_src(0)
        issue(0, 0)
        fetch_src(1, 1)

        def pair(i, _):
            for k in range(2):
                b = 2 * i + k
                buf, obuf = k, 1 - k
                @pl.when(jnp.logical_or(i > 0, k > 0))
                def _():
                    wait_scatter(obuf)
                @pl.when(b + 1 < nb)
                def _():
                    fetch_dst(b + 1, obuf)
                    wait_src(obuf)
                    issue(b + 1, obuf)
                wait_in(buf)
                @pl.when(b + 2 < nb)
                def _():
                    fetch_src(b + 2, buf)
                mul(buf)
                wait_dst(buf)
                scatter(buf)
            return 0
        lax.fori_loop(0, nb // 2, pair, 0)

        if nb % 2 == 1:
            wait_in(0)
            mul(0)
            wait_scatter(1)
            wait_dst(0)
            scatter(0)
            wait_scatter(0)
        else:
            wait_scatter(1)

        plsc.subcore_barrier()
        pltpu.sync_copy(agg_sh.at[pl.ds(s * RPT, RPT)],
                        out_hbm.at[c, pl.ds(s * RPT, RPT)])

    return _msg_body


def _msg_sc(h, w, src, dst, nb, ebase):
    mesh = plsc.VectorSubcoreMesh(core_axis_name="c", subcore_axis_name="s")
    f = pl.kernel(
        _make_msg_body(nb, ebase),
        out_type=jax.ShapeDtypeStruct((NC, NPAD, F), jnp.float32),
        mesh=mesh,
        scratch_types=[
            pltpu.VMEM((BE_SC,), jnp.int32),
            pltpu.VMEM((BE_SC,), jnp.int32),
            pltpu.VMEM((BE_SC,), jnp.int32),
            pltpu.VMEM((BE_SC,), jnp.int32),
            pltpu.VMEM((BE_SC, F), jnp.float32),
            pltpu.VMEM((BE_SC, F), jnp.float32),
            pltpu.VMEM((BE_SC, F), jnp.float32),
            pltpu.VMEM((BE_SC, F), jnp.float32),
            pltpu.VMEM_SHARED((NPAD, F), jnp.float32),
        ] + [pltpu.SemaphoreType.DMA] * 10,
    )
    return f(h, w, src, dst)


def _final_body(*refs):
    p_refs, (l2t_ref, b2_ref, lt_ref, b_ref, out_ref) = refs[:-5], refs[-5:]
    agg = sum(p[0] + p[1] for p in p_refs)
    h2 = jnp.dot(agg, l2t_ref[...], preferred_element_type=jnp.float32)
    h2 = _ssp(h2 + b2_ref[...])
    out_ref[...] = jnp.dot(h2, lt_ref[...],
                           preferred_element_type=jnp.float32) + b_ref[...]


def _final_tc(parts, lin2t, b2, lint, b):
    rb = 1000
    out = lint.shape[-1]
    return pl.pallas_call(
        _final_body,
        grid=(N // rb,),
        in_specs=[pl.BlockSpec((NC, rb, F), lambda i: (0, i, 0))
                  for _ in parts] + [
            pl.BlockSpec((F, out), lambda i: (0, 0)),
            pl.BlockSpec((1, out), lambda i: (0, 0)),
            pl.BlockSpec((out, out), lambda i: (0, 0)),
            pl.BlockSpec((1, out), lambda i: (0, 0)),
        ],
        out_specs=pl.BlockSpec((rb, out), lambda i: (i, 0)),
        out_shape=jax.ShapeDtypeStruct((N, out), jnp.float32),
    )(*parts, lin2t, b2, lint, b)


@jax.jit
def kernel(x, edge_index, edge_length, edge_attr,
           lin1_w, nnW0_w, nnW0_b, nnW2_w, nnW2_b,
           lin2_w, lin2_b, lin_w, lin_b):
    h = _lin1_tc(x, lin1_w.T)
    src = edge_index[0]
    dst = edge_index[1]
    eat = edge_attr.T
    el2 = edge_length[None, :]
    w0t, b0 = nnW0_w.T, nnW0_b[None, :]
    w2t, b2 = nnW2_w.T, nnW2_b[None, :]
    parts = []
    off = 0
    for sz in CHUNKS:
        w_c = _filter_tc(eat, el2, w0t, b0, w2t, b2, off, sz)
        parts.append(_msg_sc(h, w_c, src, dst, sz // (NC * NS * BE_SC), off))
        off += sz
    return _final_tc(parts, lin2_w.T, lin2_b[None, :],
                     lin_w.T, lin_b[None, :])

# --- scband reference (transcript-rebuilt; emitter-appended) ---
"""Pipeline reference for scband-interaction-block-62672162783766 (READ-ONLY COPY).

The authoritative reference and input builder live on the scoring server;
editing this copy changes nothing except your own understanding.
"""

import jax, jax.numpy as jnp
import numpy as np

PI = float(np.pi)
CUTOFF = 10.0

def ssp(x):
    # ShiftedSoftplus: softplus(x) - log(2)
    return jax.nn.softplus(x) - jnp.log(2.0)

def setup_inputs(seed: int = 0):
    key = jax.random.key(seed)
    ks = jax.random.split(key, 16)
    N, E = 10000, 320000
    H, F, OUT, G = 128, 128, 128, 50  # hidden, num_filters, out_channels, num_gaussians
    x = jax.random.normal(ks[0], (N, H), dtype=jnp.float32)
    edge_index = jax.random.randint(ks[1], (2, E), 0, N, dtype=jnp.int32)
    edge_length = jax.random.uniform(ks[2], (E,), dtype=jnp.float32)
    edge_attr = jax.random.normal(ks[3], (E, G), dtype=jnp.float32)
    s = 0.05
    params = {
        'lin1_w': jax.random.normal(ks[4], (F, H), dtype=jnp.float32) * s,   # Linear(H,F,bias=False)
        'nnW0_w': jax.random.normal(ks[5], (F, G), dtype=jnp.float32) * s,   # Linear(G,F)
        'nnW0_b': jax.random.normal(ks[6], (F,), dtype=jnp.float32) * s,
        'nnW2_w': jax.random.normal(ks[7], (F, F), dtype=jnp.float32) * s,   # Linear(F,F)
        'nnW2_b': jax.random.normal(ks[8], (F,), dtype=jnp.float32) * s,
        'lin2_w': jax.random.normal(ks[9], (OUT, F), dtype=jnp.float32) * s, # Linear(F,OUT)
        'lin2_b': jax.random.normal(ks[10], (OUT,), dtype=jnp.float32) * s,
        'lin_w': jax.random.normal(ks[11], (OUT, OUT), dtype=jnp.float32) * s,  # Linear(OUT,OUT)
        'lin_b': jax.random.normal(ks[12], (OUT,), dtype=jnp.float32) * s,
    }
    out = {'x': x, 'edge_index': edge_index, 'edge_length': edge_length, 'edge_attr': edge_attr}
    out.update(params)
    return out

def reference(x, edge_index, edge_length, edge_attr,
              lin1_w, nnW0_w, nnW0_b, nnW2_w, nnW2_b,
              lin2_w, lin2_b, lin_w, lin_b):
    # CFConv.nn_W: Linear -> ShiftedSoftplus -> Linear on edge_attr
    W = ssp(edge_attr @ nnW0_w.T + nnW0_b) @ nnW2_w.T + nnW2_b
    # smooth cutoff envelope
    C = 0.5 * (jnp.cos(edge_length * PI / CUTOFF) + 1.0)
    C = C * (edge_length <= CUTOFF).astype(jnp.float32) * (edge_length >= 0.0).astype(jnp.float32)
    W = W * C[:, None]
    # lin1 (no bias)
    h = x @ lin1_w.T
    # message passing: gather x_j at source, weight by W, scatter-add to dst
    src = edge_index[0]
    dst = edge_index[1]
    msg = h[src] * W
    agg = jax.ops.segment_sum(msg, dst, num_segments=x.shape[0])
    # lin2
    h2 = agg @ lin2_w.T + lin2_b
    # InteractionBlock: act + lin
    h2 = ssp(h2)
    out = h2 @ lin_w.T + lin_b
    return out

if __name__ == "__main__":
    import jax
    _d = setup_inputs()
    print(jax.jit(kernel)(*tuple(_d.values())))

</pallas_src>

<mosaic_0001>
#map = affine_map<(d0, d1) -> (0, 0)>
#map1 = affine_map<(d0, d1) -> (0)>
#map2 = affine_map<(d0, d1) -> (0, 0, 0)>
module attributes {stable_mosaic.version = 14 : i64} {
  func.func @_msg_body(%arg0: i32, %arg1: i32, %arg2: memref<10000x128xf32, #tpu.memory_space<hbm>>, %arg3: memref<102400x128xf32, #tpu.memory_space<hbm>>, %arg4: memref<320000xi32, #tpu.memory_space<hbm>>, %arg5: memref<320000xi32, #tpu.memory_space<hbm>>, %arg6: memref<2x10240x128xf32, #tpu.memory_space<hbm>>, %arg7: memref<80xi32, #tpu.memory_space<vmem>>, %arg8: memref<80xi32, #tpu.memory_space<vmem>>, %arg9: memref<80xi32, #tpu.memory_space<vmem>>, %arg10: memref<80xi32, #tpu.memory_space<vmem>>, %arg11: memref<80x128xf32, #tpu.memory_space<vmem>>, %arg12: memref<80x128xf32, #tpu.memory_space<vmem>>, %arg13: memref<80x128xf32, #tpu.memory_space<vmem>>, %arg14: memref<80x128xf32, #tpu.memory_space<vmem>>, %arg15: memref<10240x128xf32, #tpu.memory_space<vmem_shared>>, %arg16: memref<!tpu.dma_semaphore, #tpu.memory_space<semaphore_mem>>, %arg17: memref<!tpu.dma_semaphore, #tpu.memory_space<semaphore_mem>>, %arg18: memref<!tpu.dma_semaphore, #tpu.memory_space<semaphore_mem>>, %arg19: memref<!tpu.dma_semaphore, #tpu.memory_space<semaphore_mem>>, %arg20: memref<!tpu.dma_semaphore, #tpu.memory_space<semaphore_mem>>, %arg21: memref<!tpu.dma_semaphore, #tpu.memory_space<semaphore_mem>>, %arg22: memref<!tpu.dma_semaphore, #tpu.memory_space<semaphore_mem>>, %arg23: memref<!tpu.dma_semaphore, #tpu.memory_space<semaphore_mem>>, %arg24: memref<!tpu.dma_semaphore, #tpu.memory_space<semaphore_mem>>, %arg25: memref<!tpu.dma_semaphore, #tpu.memory_space<semaphore_mem>>) attributes {dimension_semantics = [#tpu.dimension_semantics<core_parallel>, #tpu.dimension_semantics<subcore_parallel>], iteration_bounds = array<i64: 2, 16>, scalar_prefetch = 0 : i64, scratch_operands = 19 : i64, tpu.core_type = #tpu.core_type<sc_vector_subcore>, window_params = [{transform_indices = #map}, {transform_indices = #map}, {transform_indices = #map1}, {transform_indices = #map1}, {transform_indices = #map2}]} {
    %mul3A = arith.constant 16 : i32
    %mul3A_0 = arith.muli %arg0, %mul3A : i32
    %add3A = arith.addi %mul3A_0, %arg1 : i32
    %mul3A_1 = arith.constant 40 : i32
    %mul3A_2 = arith.muli %add3A, %mul3A_1 : i32
    %mul3A_3 = arith.constant 80 : i32
    %mul3A_4 = arith.muli %mul3A_2, %mul3A_3 : i32
    %add3A_5 = arith.constant 0 : i32
    %add3A_6 = arith.addi %add3A_5, %mul3A_4 : i32
    %scan3A = arith.constant 0 : i32
    %scan3A_7 = arith.constant 0 : i32
    %scan3A_8 = arith.constant 80 : i32
    %scan3A_9 = arith.addi %scan3A_7, %scan3A_8 : i32
    %scan3A_10 = arith.constant 1 : i32
    %scan3A_11 = scf.for %scan3A_58 = %scan3A_7 to %scan3A_9 step %scan3A_10 iter_args(%scan3A_59 = %scan3A) -> (i32)  : i32 {
      %broadcast_in_dim3A = arith.constant 0.000000e+00 : f32
      %broadcast_in_dim3A_60 = vector.broadcast %broadcast_in_dim3A : f32 to vector<16xf32>
      %swap3A = arith.index_cast %scan3A_58 : i32 to index
      %swap3A_61 = arith.constant 0 : index
      %swap3A_62 = tpu.vector_load %arg11[%swap3A, %swap3A_61] {strides = array<i32>} : memref<80x128xf32, #tpu.memory_space<vmem>>, vector<1x16xf32>,
      %swap3A_63 = vector.shape_cast %swap3A_62 : vector<1x16xf32> to vector<16xf32>
      %swap3A_64 = vector.shape_cast %broadcast_in_dim3A_60 : vector<16xf32> to vector<1x16xf32>
      tpu.vector_store %arg11[%swap3A, %swap3A_61], %swap3A_64 {strides = array<i32>} : memref<80x128xf32, #tpu.memory_space<vmem>>, vector<1x16xf32>,
      %broadcast_in_dim3A_65 = arith.constant 0.000000e+00 : f32
      %broadcast_in_dim3A_66 = vector.broadcast %broadcast_in_dim3A_65 : f32 to vector<16xf32>
      %swap3A_67 = arith.index_cast %scan3A_58 : i32 to index
      %swap3A_68 = arith.constant 16 : index
      %swap3A_69 = tpu.vector_load %arg11[%swap3A_67, %swap3A_68] {strides = array<i32>} : memref<80x128xf32, #tpu.memory_space<vmem>>, vector<1x16xf32>,
      %swap3A_70 = vector.shape_cast %swap3A_69 : vector<1x16xf32> to vector<16xf32>
      %swap3A_71 = vector.shape_cast %broadcast_in_dim3A_66 : vector<16xf32> to vector<1x16xf32>
      tpu.vector_store %arg11[%swap3A_67, %swap3A_68], %swap3A_71 {strides = array<i32>} : memref<80x128xf32, #tpu.memory_space<vmem>>, vector<1x16xf32>,
      %broadcast_in_dim3A_72 = arith.constant 0.000000e+00 : f32
      %broadcast_in_dim3A_73 = vector.broadcast %broadcast_in_dim3A_72 : f32 to vector<16xf32>
      %swap3A_74 = arith.index_cast %scan3A_58 : i32 to index
      %swap3A_75 = arith.constant 32 : index
      %swap3A_76 = tpu.vector_load %arg11[%swap3A_74, %swap3A_75] {strides = array<i32>} : memref<80x128xf32, #tpu.memory_space<vmem>>, vector<1x16xf32>,
      %swap3A_77 = vector.shape_cast %swap3A_76 : vector<1x16xf32> to vector<16xf32>
      %swap3A_78 = vector.shape_cast %broadcast_in_dim3A_73 : vector<16xf32> to vector<1x16xf32>
      tpu.vector_store %arg11[%swap3A_74, %swap3A_75], %swap3A_78 {strides = array<i32>} : memref<80x128xf32, #tpu.memory_space<vmem>>, vector<1x16xf32>,
      %broadcast_in_dim3A_79 = arith.constant 0.000000e+00 : f32
      %broadcast_in_dim3A_80 = vector.broadcast %broadcast_in_dim3A_79 : f32 to vector<16xf32>
      %swap3A_81 = arith.index_cast %scan3A_58 : i32 to index
      %swap3A_82 = arith.constant 48 : index
      %swap3A_83 = tpu.vector_load %arg11[%swap3A_81, %swap3A_82] {strides = array<i32>} : memref<80x128xf32, #tpu.memory_space<vmem>>, vector<1x16xf32>,
      %swap3A_84 = vector.shape_cast %swap3A_83 : vector<1x16xf32> to vector<16xf32>
      %swap3A_85 = vector.shape_cast %broadcast_in_dim3A_80 : vector<16xf32> to vector<1x16xf32>
      tpu.vector_store %arg11[%swap3A_81, %swap3A_82], %swap3A_85 {strides = array<i32>} : memref<80x128xf32, #tpu.memory_space<vmem>>, vector<1x16xf32>,
      %broadcast_in_dim3A_86 = arith.constant 0.000000e+00 : f32
      %broadcast_in_dim3A_87 = vector.broadcast %broadcast_in_dim3A_86 : f32 to vector<16xf32>
      %swap3A_88 = arith.index_cast %scan3A_58 : i32 to index
      %swap3A_89 = arith.constant 64 : index
      %swap3A_90 = tpu.vector_load %arg11[%swap3A_88, %swap3A_89] {strides = array<i32>} : memref<80x128xf32, #tpu.memory_space<vmem>>, vector<1x16xf32>,
      %swap3A_91 = vector.shape_cast %swap3A_90 : vector<1x16xf32> to vector<16xf32>
      %swap3A_92 = vector.shape_cast %broadcast_in_dim3A_87 : vector<16xf32> to vector<1x16xf32>
      tpu.vector_store %arg11[%swap3A_88, %swap3A_89], %swap3A_92 {strides = array<i32>} : memref<80x128xf32, #tpu.memory_space<vmem>>, vector<1x16xf32>,
      %broadcast_in_dim3A_93 = arith.constant 0.000000e+00 : f32
      %broadcast_in_dim3A_94 = vector.broadcast %broadcast_in_dim3A_93 : f32 to vector<16xf32>
      %swap3A_95 = arith.index_cast %scan3A_58 : i32 to index
      %swap3A_96 = arith.constant 80 : index
      %swap3A_97 = tpu.vector_load %arg11[%swap3A_95, %swap3A_96] {strides = array<i32>} : memref<80x128xf32, #tpu.memory_space<vmem>>, vector<1x16xf32>,
      %swap3A_98 = vector.shape_cast %swap3A_97 : vector<1x16xf32> to vector<16xf32>
      %swap3A_99 = vector.shape_cast %broadcast_in_dim3A_94 : vector<16xf32> to vector<1x16xf32>
      tpu.vector_store %arg11[%swap3A_95, %swap3A_96], %swap3A_99 {strides = array<i32>} : memref<80x128xf32, #tpu.memory_space<vmem>>, vector<1x16xf32>,
      %broadcast_in_dim3A_100 = arith.constant 0.000000e+00 : f32
      %broadcast_in_dim3A_101 = vector.broadcast %broadcast_in_dim3A_100 : f32 to vector<16xf32>
      %swap3A_102 = arith.index_cast %scan3A_58 : i32 to index
      %swap3A_103 = arith.constant 96 : index
      %swap3A_104 = tpu.vector_load %arg11[%swap3A_102, %swap3A_103] {strides = array<i32>} : memref<80x128xf32, #tpu.memory_space<vmem>>, vector<1x16xf32>,
      %swap3A_105 = vector.shape_cast %swap3A_104 : vector<1x16xf32> to vector<16xf32>
      %swap3A_106 = vector.shape_cast %broadcast_in_dim3A_101 : vector<16xf32> to vector<1x16xf32>
      tpu.vector_store %arg11[%swap3A_102, %swap3A_103], %swap3A_106 {strides = array<i32>} : memref<80x128xf32, #tpu.memory_space<vmem>>, vector<1x16xf32>,
      %broadcast_in_dim3A_107 = arith.constant 0.000000e+00 : f32
      %broadcast_in_dim3A_108 = vector.broadcast %broadcast_in_dim3A_107 : f32 to vector<16xf32>
      %swap3A_109 = arith.index_cast %scan3A_58 : i32 to index
      %swap3A_110 = arith.constant 112 : index
      %swap3A_111 = tpu.vector_load %arg11[%swap3A_109, %swap3A_110] {strides = array<i32>} : memref<80x128xf32, #tpu.memory_space<vmem>>, vector<1x16xf32>,
      %swap3A_112 = vector.shape_cast %swap3A_111 : vector<1x16xf32> to vector<16xf32>
      %swap3A_113 = vector.shape_cast %broadcast_in_dim3A_108 : vector<16xf32> to vector<1x16xf32>
      tpu.vector_store %arg11[%swap3A_109, %swap3A_110], %swap3A_113 {strides = array<i32>} : memref<80x128xf32, #tpu.memory_space<vmem>>, vector<1x16xf32>,
      %scan3A_114 = arith.constant 0 : i32
      scf.yield %scan3A_114 : i32
    }
    %scan3A_12 = arith.constant 80 : i32
    %scan3A_13 = arith.constant 0 : i32
    %scan3A_14 = arith.constant 0 : i32
    %scan3A_15 = arith.constant 8 : i32
    %scan3A_16 = arith.addi %scan3A_14, %scan3A_15 : i32
    %scan3A_17 = arith.constant 1 : i32
    %scan3A_18 = scf.for %scan3A_58 = %scan3A_14 to %scan3A_16 step %scan3A_17 iter_args(%scan3A_59 = %scan3A_13) -> (i32)  : i32 {
      %mul3A_60 = arith.constant 640 : i32
      %mul3A_61 = arith.muli %arg1, %mul3A_60 : i32
      %mul3A_62 = arith.constant 80 : i32
      %mul3A_63 = arith.muli %scan3A_58, %mul3A_62 : i32
      %add3A_64 = arith.addi %mul3A_61, %mul3A_63 : i32
      "tpu.region"() ({
        %run_scoped3A = tpu.sem_alloc : memref<!tpu.dma_semaphore, #tpu.memory_space<semaphore_mem>>
        %dma_start3A_66 = arith.constant 0 : i32
        %dma_start3A_67 = tpu.memref_slice %arg15[%add3A_64, %dma_start3A_66] : memref<10240x128xf32, #tpu.memory_space<vmem_shared>> -> memref<80x128xf32, #tpu.memory_space<vmem_shared>>
        %dma_start3A_68 = arith.constant 0 : i32
        %dma_start3A_69 = tpu.memref_slice %arg15[%add3A_64, %dma_start3A_68] : memref<10240x128xf32, #tpu.memory_space<vmem_shared>> -> memref<80x128xf32, #tpu.memory_space<vmem_shared>>
        tpu.enqueue_dma source(%arg11 : memref<80x128xf32, #tpu.memory_space<vmem>>) target(%dma_start3A_69 : memref<80x128xf32, #tpu.memory_space<vmem_shared>>) target_semaphore(%run_scoped3A : memref<!tpu.dma_semaphore, #tpu.memory_space<semaphore_mem>>)
        %dma_wait3A_70 = arith.constant 0 : i32
        %dma_wait3A_71 = tpu.memref_slice %arg15[%add3A_64, %dma_wait3A_70] : memref<10240x128xf32, #tpu.memory_space<vmem_shared>> -> memref<80x128xf32, #tpu.memory_space<vmem_shared>>
        %dma_wait3A_72 = arith.constant 0 : i32
        %dma_wait3A_73 = tpu.memref_slice %arg15[%add3A_64, %dma_wait3A_72] : memref<10240x128xf32, #tpu.memory_space<vmem_shared>> -> memref<80x128xf32, #tpu.memory_space<vmem_shared>>
        tpu.wait_dma2 semaphore(%run_scoped3A : memref<!tpu.dma_semaphore, #tpu.memory_space<semaphore_mem>>) src(%arg11 : memref<80x128xf32, #tpu.memory_space<vmem>>) dst(%dma_wait3A_73 : memref<80x128xf32, #tpu.memory_space<vmem_shared>>)
        tpu.yield
      }) : () -> ()
      %scan3A_65 = arith.constant 0 : i32
      scf.yield %scan3A_65 : i32
    }
    %scan3A_19 = arith.constant 8 : i32
    %barrier3A = arith.constant 0 : index
    tpu.barrier barrier_id(%barrier3A)
    %add3A_20 = arith.constant 0 : i32
    %add3A_21 = arith.addi %add3A_6, %add3A_20 : i32
    %dma_start3A = tpu.memref_slice %arg4[%add3A_21] : memref<320000xi32, #tpu.memory_space<hbm>> -> memref<80xi32, #tpu.memory_space<hbm>>
    %dma_start3A_22 = tpu.memref_slice %arg4[%add3A_21] : memref<320000xi32, #tpu.memory_space<hbm>> -> memref<80xi32, #tpu.memory_space<hbm>>
    tpu.enqueue_dma source(%dma_start3A_22 : memref<80xi32, #tpu.memory_space<hbm>>) target(%arg7 : memref<80xi32, #tpu.memory_space<vmem>>) target_semaphore(%arg20 : memref<!tpu.dma_semaphore, #tpu.memory_space<semaphore_mem>>)
    %add3A_23 = arith.constant 0 : i32
    %add3A_24 = arith.addi %add3A_6, %add3A_23 : i32
    %dma_start3A_25 = tpu.memref_slice %arg5[%add3A_24] : memref<320000xi32, #tpu.memory_space<hbm>> -> memref<80xi32, #tpu.memory_space<hbm>>
    %dma_start3A_26 = tpu.memref_slice %arg5[%add3A_24] : memref<320000xi32, #tpu.memory_space<hbm>> -> memref<80xi32, #tpu.memory_space<hbm>>
    tpu.enqueue_dma source(%dma_start3A_26 : memref<80xi32, #tpu.memory_space<hbm>>) target(%arg9 : memref<80xi32, #tpu.memory_space<vmem>>) target_semaphore(%arg22 : memref<!tpu.dma_semaphore, #tpu.memory_space<semaphore_mem>>)
    %dma_wait3A = arith.constant 0 : i32
    %dma_wait3A_27 = tpu.memref_slice %arg4[%dma_wait3A] : memref<320000xi32, #tpu.memory_space<hbm>> -> memref<80xi32, #tpu.memory_space<hbm>>
    %dma_wait3A_28 = arith.constant 0 : i32
    %dma_wait3A_29 = tpu.memref_slice %arg4[%dma_wait3A_28] : memref<320000xi32, #tpu.memory_space<hbm>> -> memref<80xi32, #tpu.memory_space<hbm>>
    tpu.wait_dma2 semaphore(%arg20 : memref<!tpu.dma_semaphore, #tpu.memory_space<semaphore_mem>>) src(%dma_wait3A_29 : memref<80xi32, #tpu.memory_space<hbm>>) dst(%arg7 : memref<80xi32, #tpu.memory_space<vmem>>)
    %dma_start3A_30 = arith.constant 0 : i32
    %dma_start3A_31 = arith.constant 0 : i32
    %dma_start3A_32 = tpu.memref_slice %arg2[%dma_start3A_30, %dma_start3A_31] : memref<10000x128xf32, #tpu.memory_space<hbm>> -> memref<10000x128xf32, #tpu.memory_space<hbm>>
    tpu.enqueue_indirect_dma source(%dma_start3A_32 : memref<10000x128xf32, #tpu.memory_space<hbm>>) target(%arg11 : memref<80x128xf32, #tpu.memory_space<vmem>>) offsets(%arg7 : memref<80xi32, #tpu.memory_space<vmem>>) semaphore(%arg16 : memref<!tpu.dma_semaphore, #tpu.memory_space<semaphore_mem>>)
    %add3A_33 = arith.constant 0 : i32
    %add3A_34 = arith.addi %mul3A_4, %add3A_33 : i32
    %dma_start3A_35 = arith.constant 0 : i32
    %dma_start3A_36 = tpu.memref_slice %arg3[%add3A_34, %dma_start3A_35] : memref<102400x128xf32, #tpu.memory_space<hbm>> -> memref<80x128xf32, #tpu.memory_space<hbm>>
    %dma_start3A_37 = arith.constant 0 : i32
    %dma_start3A_38 = tpu.memref_slice %arg3[%add3A_34, %dma_start3A_37] : memref<102400x128xf32, #tpu.memory_space<hbm>> -> memref<80x128xf32, #tpu.memory_space<hbm>>
    tpu.enqueue_dma source(%dma_start3A_38 : memref<80x128xf32, #tpu.memory_space<hbm>>) target(%arg13 : memref<80x128xf32, #tpu.memory_space<vmem>>) target_semaphore(%arg18 : memref<!tpu.dma_semaphore, #tpu.memory_space<semaphore_mem>>)
    %add3A_39 = arith.constant 80 : i32
    %add3A_40 = arith.addi %add3A_6, %add3A_39 : i32
    %dma_start3A_41 = tpu.memref_slice %arg4[%add3A_40] : memref<320000xi32, #tpu.memory_space<hbm>> -> memref<80xi32, #tpu.memory_space<hbm>>
    %dma_start3A_42 = tpu.memref_slice %arg4[%add3A_40] : memref<320000xi32, #tpu.memory_space<hbm>> -> memref<80xi32, #tpu.memory_space<hbm>>
    tpu.enqueue_dma source(%dma_start3A_42 : memref<80xi32, #tpu.memory_space<hbm>>) target(%arg8 : memref<80xi32, #tpu.memory_space<vmem>>) target_semaphore(%arg21 : memref<!tpu.dma_semaphore, #tpu.memory_space<semaphore_mem>>)
    %scan3A_43 = arith.constant 0 : i32
    %scan3A_44 = arith.constant 0 : i32
    %scan3A_45 = arith.constant 20 : i32
    %scan3A_46 = arith.addi %scan3A_44, %scan3A_45 : i32
    %scan3A_47 = arith.constant 1 : i32
    %scan3A_48 = scf.for %scan3A_58 = %scan3A_44 to %scan3A_46 step %scan3A_47 iter_args(%scan3A_59 = %scan3A_43) -> (i32)  : i32 {
      %mul3A_60 = arith.constant 2 : i32
      %mul3A_61 = arith.muli %mul3A_60, %scan3A_58 : i32
      %add3A_62 = arith.constant 0 : i32
      %add3A_63 = arith.addi %mul3A_61, %add3A_62 : i32
      %gt3A = arith.constant 0 : i32
      %gt3A_64 = arith.cmpi sgt, %scan3A_58, %gt3A : i32
      %or3A = arith.constant false
      %or3A_65 = arith.ori %gt3A_64, %or3A : i1
      %convert_element_type3A = arith.extui %or3A_65 : i1 to i32
      %cond3A = arith.constant 0 : i32
      %cond3A_66 = arith.cmpi ne, %convert_element_type3A, %cond3A : i32
      scf.if %cond3A_66 {
        %dma_wait3A_152 = arith.constant 0 : i32
        %dma_wait3A_153 = arith.constant 0 : i32
        %dma_wait3A_154 = tpu.memref_slice %arg15[%dma_wait3A_152, %dma_wait3A_153] : memref<10240x128xf32, #tpu.memory_space<vmem_shared>> -> memref<10240x128xf32, #tpu.memory_space<vmem_shared>>
        tpu.wait_indirect_dma semaphore(%arg25 : memref<!tpu.dma_semaphore, #tpu.memory_space<semaphore_mem>>) src(%arg12 : memref<80x128xf32, #tpu.memory_space<vmem>>) dst(%dma_wait3A_154 : memref<10240x128xf32, #tpu.memory_space<vmem_shared>>)
      } else {
      }
      %add3A_67 = arith.constant 1 : i32
      %add3A_68 = arith.addi %add3A_63, %add3A_67 : i32
      %lt3A = arith.constant 40 : i32
      %lt3A_69 = arith.cmpi slt, %add3A_68, %lt3A : i32
      %convert_element_type3A_70 = arith.extui %lt3A_69 : i1 to i32
      %cond3A_71 = arith.constant 0 : i32
      %cond3A_72 = arith.cmpi ne, %convert_element_type3A_70, %cond3A_71 : i32
      scf.if %cond3A_72 {
        %add3A_152 = arith.constant 1 : i32
        %add3A_153 = arith.addi %add3A_63, %add3A_152 : i32
        %mul3A_154 = arith.constant 80 : i32
        %mul3A_155 = arith.muli %add3A_153, %mul3A_154 : i32
        %add3A_156 = arith.addi %add3A_6, %mul3A_155 : i32
        %dma_start3A_157 = tpu.memref_slice %arg5[%add3A_156] : memref<320000xi32, #tpu.memory_space<hbm>> -> memref<80xi32, #tpu.memory_space<hbm>>
        %dma_start3A_158 = tpu.memref_slice %arg5[%add3A_156] : memref<320000xi32, #tpu.memory_space<hbm>> -> memref<80xi32, #tpu.memory_space<hbm>>
        tpu.enqueue_dma source(%dma_start3A_158 : memref<80xi32, #tpu.memory_space<hbm>>) target(%arg10 : memref<80xi32, #tpu.memory_space<vmem>>) target_semaphore(%arg23 : memref<!tpu.dma_semaphore, #tpu.memory_space<semaphore_mem>>)
        %dma_wait3A_159 = arith.constant 0 : i32
        %dma_wait3A_160 = tpu.memref_slice %arg4[%dma_wait3A_159] : memref<320000xi32, #tpu.memory_space<hbm>> -> memref<80xi32, #tpu.memory_space<hbm>>
        %dma_wait3A_161 = arith.constant 0 : i32
        %dma_wait3A_162 = tpu.memref_slice %arg4[%dma_wait3A_161] : memref<320000xi32, #tpu.memory_space<hbm>> -> memref<80xi32, #tpu.memory_space<hbm>>
        tpu.wait_dma2 semaphore(%arg21 : memref<!tpu.dma_semaphore, #tpu.memory_space<semaphore_mem>>) src(%dma_wait3A_162 : memref<80xi32, #tpu.memory_space<hbm>>) dst(%arg8 : memref<80xi32, #tpu.memory_space<vmem>>)
        %add3A_163 = arith.constant 1 : i32
        %add3A_164 = arith.addi %add3A_63, %add3A_163 : i32
        %dma_start3A_165 = arith.constant 0 : i32
        %dma_start3A_166 = arith.constant 0 : i32
        %dma_start3A_167 = tpu.memref_slice %arg2[%dma_start3A_165, %dma_start3A_166] : memref<10000x128xf32, #tpu.memory_space<hbm>> -> memref<10000x128xf32, #tpu.memory_space<hbm>>
        tpu.enqueue_indirect_dma source(%dma_start3A_167 : memref<10000x128xf32, #tpu.memory_space<hbm>>) target(%arg12 : memref<80x128xf32, #tpu.memory_space<vmem>>) offsets(%arg8 : memref<80xi32, #tpu.memory_space<vmem>>) semaphore(%arg17 : memref<!tpu.dma_semaphore, #tpu.memory_space<semaphore_mem>>)
        %mul3A_168 = arith.constant 80 : i32
        %mul3A_169 = arith.muli %add3A_164, %mul3A_168 : i32
        %add3A_170 = arith.addi %mul3A_4, %mul3A_169 : i32
        %dma_start3A_171 = arith.constant 0 : i32
        %dma_start3A_172 = tpu.memref_slice %arg3[%add3A_170, %dma_start3A_171] : memref<102400x128xf32, #tpu.memory_space<hbm>> -> memref<80x128xf32, #tpu.memory_space<hbm>>
        %dma_start3A_173 = arith.constant 0 : i32
        %dma_start3A_174 = tpu.memref_slice %arg3[%add3A_170, %dma_start3A_173] : memref<102400x128xf32, #tpu.memory_space<hbm>> -> memref<80x128xf32, #tpu.memory_space<hbm>>
        tpu.enqueue_dma source(%dma_start3A_174 : memref<80x128xf32, #tpu.memory_space<hbm>>) target(%arg14 : memref<80x128xf32, #tpu.memory_space<vmem>>) target_semaphore(%arg19 : memref<!tpu.dma_semaphore, #tpu.memory_space<semaphore_mem>>)
      } else {
      }
      %dma_wait3A_73 = arith.constant 0 : i32
      %dma_wait3A_74 = arith.constant 0 : i32
      %dma_wait3A_75 = tpu.memref_slice %arg2[%dma_wait3A_73, %dma_wait3A_74] : memref<10000x128xf32, #tpu.memory_space<hbm>> -> memref<10000x128xf32, #tpu.memory_space<hbm>>
      tpu.wait_indirect_dma semaphore(%arg16 : memref<!tpu.dma_semaphore, #tpu.memory_space<semaphore_mem>>) src(%dma_wait3A_75 : memref<10000x128xf32, #tpu.memory_space<hbm>>) dst(%arg11 : memref<80x128xf32, #tpu.memory_space<vmem>>)
      %dma_wait3A_76 = arith.constant 0 : i32
      %dma_wait3A_77 = arith.constant 0 : i32
      %dma_wait3A_78 = tpu.memref_slice %arg3[%dma_wait3A_76, %dma_wait3A_77] : memref<102400x128xf32, #tpu.memory_space<hbm>> -> memref<80x128xf32, #tpu.memory_space<hbm>>
      %dma_wait3A_79 = arith.constant 0 : i32
      %dma_wait3A_80 = arith.constant 0 : i32
      %dma_wait3A_81 = tpu.memref_slice %arg3[%dma_wait3A_79, %dma_wait3A_80] : memref<102400x128xf32, #tpu.memory_space<hbm>> -> memref<80x128xf32, #tpu.memory_space<hbm>>
      tpu.wait_dma2 semaphore(%arg18 : memref<!tpu.dma_semaphore, #tpu.memory_space<semaphore_mem>>) src(%dma_wait3A_81 : memref<80x128xf32, #tpu.memory_space<hbm>>) dst(%arg13 : memref<80x128xf32, #tpu.memory_space<vmem>>)
      %add3A_82 = arith.constant 2 : i32
      %add3A_83 = arith.addi %add3A_63, %add3A_82 : i32
      %lt3A_84 = arith.constant 40 : i32
      %lt3A_85 = arith.cmpi slt, %add3A_83, %lt3A_84 : i32
      %convert_element_type3A_86 = arith.extui %lt3A_85 : i1 to i32
      %cond3A_87 = arith.constant 0 : i32
      %cond3A_88 = arith.cmpi ne, %convert_element_type3A_86, %cond3A_87 : i32
      scf.if %cond3A_88 {
        %add3A_152 = arith.constant 2 : i32
        %add3A_153 = arith.addi %add3A_63, %add3A_152 : i32
        %mul3A_154 = arith.constant 80 : i32
        %mul3A_155 = arith.muli %add3A_153, %mul3A_154 : i32
        %add3A_156 = arith.addi %add3A_6, %mul3A_155 : i32
        %dma_start3A_157 = tpu.memref_slice %arg4[%add3A_156] : memref<320000xi32, #tpu.memory_space<hbm>> -> memref<80xi32, #tpu.memory_space<hbm>>
        %dma_start3A_158 = tpu.memref_slice %arg4[%add3A_156] : memref<320000xi32, #tpu.memory_space<hbm>> -> memref<80xi32, #tpu.memory_space<hbm>>
        tpu.enqueue_dma source(%dma_start3A_158 : memref<80xi32, #tpu.memory_space<hbm>>) target(%arg7 : memref<80xi32, #tpu.memory_space<vmem>>) target_semaphore(%arg20 : memref<!tpu.dma_semaphore, #tpu.memory_space<semaphore_mem>>)
      } else {
      }
      %scan3A_89 = arith.constant 0 : i32
      %scan3A_90 = arith.constant 0 : i32
      %scan3A_91 = arith.constant 80 : i32
      %scan3A_92 = arith.addi %scan3A_90, %scan3A_91 : i32
      %scan3A_93 = arith.constant 1 : i32
      %scan3A_94 = scf.for %scan3A_152 = %scan3A_90 to %scan3A_92 step %scan3A_93 iter_args(%scan3A_153 = %scan3A_89) -> (i32)  : i32 {
        %get3A = arith.index_cast %scan3A_152 : i32 to index
        %get3A_154 = arith.constant 0 : index
        %get3A_155 = tpu.vector_load %arg11[%get3A, %get3A_154] {strides = array<i32>} : memref<80x128xf32, #tpu.memory_space<vmem>>, vector<1x16xf32>,
        %get3A_156 = vector.shape_cast %get3A_155 : vector<1x16xf32> to vector<16xf32>
        %get3A_157 = arith.index_cast %scan3A_152 : i32 to index
        %get3A_158 = arith.constant 0 : index
        %get3A_159 = tpu.vector_load %arg13[%get3A_157, %get3A_158] {strides = array<i32>} : memref<80x128xf32, #tpu.memory_space<vmem>>, vector<1x16xf32>,
        %get3A_160 = vector.shape_cast %get3A_159 : vector<1x16xf32> to vector<16xf32>
        %mul3A_161 = arith.mulf %get3A_156, %get3A_160 : vector<16xf32>
        %swap3A = arith.index_cast %scan3A_152 : i32 to index
        %swap3A_162 = arith.constant 0 : index
        %swap3A_163 = tpu.vector_load %arg11[%swap3A, %swap3A_162] {strides = array<i32>} : memref<80x128xf32, #tpu.memory_space<vmem>>, vector<1x16xf32>,
        %swap3A_164 = vector.shape_cast %swap3A_163 : vector<1x16xf32> to vector<16xf32>
        %swap3A_165 = vector.shape_cast %mul3A_161 : vector<16xf32> to vector<1x16xf32>
        tpu.vector_store %arg11[%swap3A, %swap3A_162], %swap3A_165 {strides = array<i32>} : memref<80x128xf32, #tpu.memory_space<vmem>>, vector<1x16xf32>,
        %get3A_166 = arith.index_cast %scan3A_152 : i32 to index
        %get3A_167 = arith.constant 16 : index
        %get3A_168 = tpu.vector_load %arg11[%get3A_166, %get3A_167] {strides = array<i32>} : memref<80x128xf32, #tpu.memory_space<vmem>>, vector<1x16xf32>,
        %get3A_169 = vector.shape_cast %get3A_168 : vector<1x16xf32> to vector<16xf32>
        %get3A_170 = arith.index_cast %scan3A_152 : i32 to index
        %get3A_171 = arith.constant 16 : index
        %get3A_172 = tpu.vector_load %arg13[%get3A_170, %get3A_171] {strides = array<i32>} : memref<80x128xf32, #tpu.memory_space<vmem>>, vector<1x16xf32>,
        %get3A_173 = vector.shape_cast %get3A_172 : vector<1x16xf32> to vector<16xf32>
        %mul3A_174 = arith.mulf %get3A_169, %get3A_173 : vector<16xf32>
        %swap3A_175 = arith.index_cast %scan3A_152 : i32 to index
        %swap3A_176 = arith.constant 16 : index
        %swap3A_177 = tpu.vector_load %arg11[%swap3A_175, %swap3A_176] {strides = array<i32>} : memref<80x128xf32, #tpu.memory_space<vmem>>, vector<1x16xf32>,
        %swap3A_178 = vector.shape_cast %swap3A_177 : vector<1x16xf32> to vector<16xf32>
        %swap3A_179 = vector.shape_cast %mul3A_174 : vector<16xf32> to vector<1x16xf32>
        tpu.vector_store %arg11[%swap3A_175, %swap3A_176], %swap3A_179 {strides = array<i32>} : memref<80x128xf32, #tpu.memory_space<vmem>>, vector<1x16xf32>,
        %get3A_180 = arith.index_cast %scan3A_152 : i32 to index
        %get3A_181 = arith.constant 32 : index
        %get3A_182 = tpu.vector_load %arg11[%get3A_180, %get3A_181] {strides = array<i32>} : memref<80x128xf32, #tpu.memory_space<vmem>>, vector<1x16xf32>,
        %get3A_183 = vector.shape_cast %get3A_182 : vector<1x16xf32> to vector<16xf32>
        %get3A_184 = arith.index_cast %scan3A_152 : i32 to index
        %get3A_185 = arith.constant 32 : index
        %get3A_186 = tpu.vector_load %arg13[%get3A_184, %get3A_185] {strides = array<i32>} : memref<80x128xf32, #tpu.memory_space<vmem>>, vector<1x16xf32>,
        %get3A_187 = vector.shape_cast %get3A_186 : vector<1x16xf32> to vector<16xf32>
        %mul3A_188 = arith.mulf %get3A_183, %get3A_187 : vector<16xf32>
        %swap3A_189 = arith.index_cast %scan3A_152 : i32 to index
        %swap3A_190 = arith.constant 32 : index
        %swap3A_191 = tpu.vector_load %arg11[%swap3A_189, %swap3A_190] {strides = array<i32>} : memref<80x128xf32, #tpu.memory_space<vmem>>, vector<1x16xf32>,
        %swap3A_192 = vector.shape_cast %swap3A_191 : vector<1x16xf32> to vector<16xf32>
        %swap3A_193 = vector.shape_cast %mul3A_188 : vector<16xf32> to vector<1x16xf32>
        tpu.vector_store %arg11[%swap3A_189, %swap3A_190], %swap3A_193 {strides = array<i32>} : memref<80x128xf32, #tpu.memory_space<vmem>>, vector<1x16xf32>,
        %get3A_194 = arith.index_cast %scan3A_152 : i32 to index
        %get3A_195 = arith.constant 48 : index
        %get3A_196 = tpu.vector_load %arg11[%get3A_194, %get3A_195] {strides = array<i32>} : memref<80x128xf32, #tpu.memory_space<vmem>>, vector<1x16xf32>,
        %get3A_197 = vector.shape_cast %get3A_196 : vector<1x16xf32> to vector<16xf32>
        %get3A_198 = arith.index_cast %scan3A_152 : i32 to index
        %get3A_199 = arith.constant 48 : index
        %get3A_200 = tpu.vector_load %arg13[%get3A_198, %get3A_199] {strides = array<i32>} : memref<80x128xf32, #tpu.memory_space<vmem>>, vector<1x16xf32>,
        %get3A_201 = vector.shape_cast %get3A_200 : vector<1x16xf32> to vector<16xf32>
        %mul3A_202 = arith.mulf %get3A_197, %get3A_201 : vector<16xf32>
        %swap3A_203 = arith.index_cast %scan3A_152 : i32 to index
        %swap3A_204 = arith.constant 48 : index
        %swap3A_205 = tpu.vector_load %arg11[%swap3A_203, %swap3A_204] {strides = array<i32>} : memref<80x128xf32, #tpu.memory_space<vmem>>, vector<1x16xf32>,
        %swap3A_206 = vector.shape_cast %swap3A_205 : vector<1x16xf32> to vector<16xf32>
        %swap3A_207 = vector.shape_cast %mul3A_202 : vector<16xf32> to vector<1x16xf32>
        tpu.vector_store %arg11[%swap3A_203, %swap3A_204], %swap3A_207 {strides = array<i32>} : memref<80x128xf32, #tpu.memory_space<vmem>>, vector<1x16xf32>,
        %get3A_208 = arith.index_cast %scan3A_152 : i32 to index
        %get3A_209 = arith.constant 64 : index
        %get3A_210 = tpu.vector_load %arg11[%get3A_208, %get3A_209] {strides = array<i32>} : memref<80x128xf32, #tpu.memory_space<vmem>>, vector<1x16xf32>,
        %get3A_211 = vector.shape_cast %get3A_210 : vector<1x16xf32> to vector<16xf32>
        %get3A_212 = arith.index_cast %scan3A_152 : i32 to index
        %get3A_213 = arith.constant 64 : index
        %get3A_214 = tpu.vector_load %arg13[%get3A_212, %get3A_213] {strides = array<i32>} : memref<80x128xf32, #tpu.memory_space<vmem>>, vector<1x16xf32>,
        %get3A_215 = vector.shape_cast %get3A_214 : vector<1x16xf32> to vector<16xf32>
        %mul3A_216 = arith.mulf %get3A_211, %get3A_215 : vector<16xf32>
        %swap3A_217 = arith.index_cast %scan3A_152 : i32 to index
        %swap3A_218 = arith.constant 64 : index
        %swap3A_219 = tpu.vector_load %arg11[%swap3A_217, %swap3A_218] {strides = array<i32>} : memref<80x128xf32, #tpu.memory_space<vmem>>, vector<1x16xf32>,
        %swap3A_220 = vector.shape_cast %swap3A_219 : vector<1x16xf32> to vector<16xf32>
        %swap3A_221 = vector.shape_cast %mul3A_216 : vector<16xf32> to vector<1x16xf32>
        tpu.vector_store %arg11[%swap3A_217, %swap3A_218], %swap3A_221 {strides = array<i32>} : memref<80x128xf32, #tpu.memory_space<vmem>>, vector<1x16xf32>,
        %get3A_222 = arith.index_cast %scan3A_152 : i32 to index
        %get3A_223 = arith.constant 80 : index
        %get3A_224 = tpu.vector_load %arg11[%get3A_222, %get3A_223] {strides = array<i32>} : memref<80x128xf32, #tpu.memory_space<vmem>>, vector<1x16xf32>,
        %get3A_225 = vector.shape_cast %get3A_224 : vector<1x16xf32> to vector<16xf32>
        %get3A_226 = arith.index_cast %scan3A_152 : i32 to index
        %get3A_227 = arith.constant 80 : index
        %get3A_228 = tpu.vector_load %arg13[%get3A_226, %get3A_227] {strides = array<i32>} : memref<80x128xf32, #tpu.memory_space<vmem>>, vector<1x16xf32>,
        %get3A_229 = vector.shape_cast %get3A_228 : vector<1x16xf32> to vector<16xf32>
        %mul3A_230 = arith.mulf %get3A_225, %get3A_229 : vector<16xf32>
        %swap3A_231 = arith.index_cast %scan3A_152 : i32 to index
        %swap3A_232 = arith.constant 80 : index
        %swap3A_233 = tpu.vector_load %arg11[%swap3A_231, %swap3A_232] {strides = array<i32>} : memref<80x128xf32, #tpu.memory_space<vmem>>, vector<1x16xf32>,
        %swap3A_234 = vector.shape_cast %swap3A_233 : vector<1x16xf32> to vector<16xf32>
        %swap3A_235 = vector.shape_cast %mul3A_230 : vector<16xf32> to vector<1x16xf32>
        tpu.vector_store %arg11[%swap3A_231, %swap3A_232], %swap3A_235 {strides = array<i32>} : memref<80x128xf32, #tpu.memory_space<vmem>>, vector<1x16xf32>,
        %get3A_236 = arith.index_cast %scan3A_152 : i32 to index
        %get3A_237 = arith.constant 96 : index
        %get3A_238 = tpu.vector_load %arg11[%get3A_236, %get3A_237] {strides = array<i32>} : memref<80x128xf32, #tpu.memory_space<vmem>>, vector<1x16xf32>,
        %get3A_239 = vector.shape_cast %get3A_238 : vector<1x16xf32> to vector<16xf32>
        %get3A_240 = arith.index_cast %scan3A_152 : i32 to index
        %get3A_241 = arith.constant 96 : index
        %get3A_242 = tpu.vector_load %arg13[%get3A_240, %get3A_241] {strides = array<i32>} : memref<80x128xf32, #tpu.memory_space<vmem>>, vector<1x16xf32>,
        %get3A_243 = vector.shape_cast %get3A_242 : vector<1x16xf32> to vector<16xf32>
        %mul3A_244 = arith.mulf %get3A_239, %get3A_243 : vector<16xf32>
        %swap3A_245 = arith.index_cast %scan3A_152 : i32 to index
        %swap3A_246 = arith.constant 96 : index
        %swap3A_247 = tpu.vector_load %arg11[%swap3A_245, %swap3A_246] {strides = array<i32>} : memref<80x128xf32, #tpu.memory_space<vmem>>, vector<1x16xf32>,
        %swap3A_248 = vector.shape_cast %swap3A_247 : vector<1x16xf32> to vector<16xf32>
        %swap3A_249 = vector.shape_cast %mul3A_244 : vector<16xf32> to vector<1x16xf32>
        tpu.vector_store %arg11[%swap3A_245, %swap3A_246], %swap3A_249 {strides = array<i32>} : memref<80x128xf32, #tpu.memory_space<vmem>>, vector<1x16xf32>,
        %get3A_250 = arith.index_cast %scan3A_152 : i32 to index
        %get3A_251 = arith.constant 112 : index
        %get3A_252 = tpu.vector_load %arg11[%get3A_250, %get3A_251] {strides = array<i32>} : memref<80x128xf32, #tpu.memory_space<vmem>>, vector<1x16xf32>,
        %get3A_253 = vector.shape_cast %get3A_252 : vector<1x16xf32> to vector<16xf32>
        %get3A_254 = arith.index_cast %scan3A_152 : i32 to index
        %get3A_255 = arith.constant 112 : index
        %get3A_256 = tpu.vector_load %arg13[%get3A_254, %get3A_255] {strides = array<i32>} : memref<80x128xf32, #tpu.memory_space<vmem>>, vector<1x16xf32>,
        %get3A_257 = vector.shape_cast %get3A_256 : vector<1x16xf32> to vector<16xf32>
        %mul3A_258 = arith.mulf %get3A_253, %get3A_257 : vector<16xf32>
        %swap3A_259 = arith.index_cast %scan3A_152 : i32 to index
        %swap3A_260 = arith.constant 112 : index
        %swap3A_261 = tpu.vector_load %arg11[%swap3A_259, %swap3A_260] {strides = array<i32>} : memref<80x128xf32, #tpu.memory_space<vmem>>, vector<1x16xf32>,
        %swap3A_262 = vector.shape_cast %swap3A_261 : vector<1x16xf32> to vector<16xf32>
        %swap3A_263 = vector.shape_cast %mul3A_258 : vector<16xf32> to vector<1x16xf32>
        tpu.vector_store %arg11[%swap3A_259, %swap3A_260], %swap3A_263 {strides = array<i32>} : memref<80x128xf32, #tpu.memory_space<vmem>>, vector<1x16xf32>,
        %scan3A_264 = arith.constant 0 : i32
        scf.yield %scan3A_264 : i32
      }
      %scan3A_95 = arith.constant 80 : i32
      %dma_wait3A_96 = arith.constant 0 : i32
      %dma_wait3A_97 = tpu.memref_slice %arg5[%dma_wait3A_96] : memref<320000xi32, #tpu.memory_space<hbm>> -> memref<80xi32, #tpu.memory_space<hbm>>
      %dma_wait3A_98 = arith.constant 0 : i32
      %dma_wait3A_99 = tpu.memref_slice %arg5[%dma_wait3A_98] : memref<320000xi32, #tpu.memory_space<hbm>> -> memref<80xi32, #tpu.memory_space<hbm>>
      tpu.wait_dma2 semaphore(%arg22 : memref<!tpu.dma_semaphore, #tpu.memory_space<semaphore_mem>>) src(%dma_wait3A_99 : memref<80xi32, #tpu.memory_space<hbm>>) dst(%arg9 : memref<80xi32, #tpu.memory_space<vmem>>)
      %dma_start3A_100 = arith.constant 0 : i32
      %dma_start3A_101 = arith.constant 0 : i32
      %dma_start3A_102 = tpu.memref_slice %arg15[%dma_start3A_100, %dma_start3A_101] : memref<10240x128xf32, #tpu.memory_space<vmem_shared>> -> memref<10240x128xf32, #tpu.memory_space<vmem_shared>>
      tpu.enqueue_indirect_dma source(%arg11 : memref<80x128xf32, #tpu.memory_space<vmem>>) target(%dma_start3A_102 : memref<10240x128xf32, #tpu.memory_space<vmem_shared>>) offsets(%arg9 : memref<80xi32, #tpu.memory_space<vmem>>) semaphore(%arg24 : memref<!tpu.dma_semaphore, #tpu.memory_space<semaphore_mem>>) {add = true}
      %mul3A_103 = arith.constant 2 : i32
      %mul3A_104 = arith.muli %mul3A_103, %scan3A_58 : i32
      %add3A_105 = arith.constant 1 : i32
      %add3A_106 = arith.addi %mul3A_104, %add3A_105 : i32
      %gt3A_107 = arith.constant 0 : i32
      %gt3A_108 = arith.cmpi sgt, %scan3A_58, %gt3A_107 : i32
      %or3A_109 = arith.constant true
      %or3A_110 = arith.ori %gt3A_108, %or3A_109 : i1
      %convert_element_type3A_111 = arith.extui %or3A_110 : i1 to i32
      %cond3A_112 = arith.constant 0 : i32
      %cond3A_113 = arith.cmpi ne, %convert_element_type3A_111, %cond3A_112 : i32
      scf.if %cond3A_113 {
        %dma_wait3A_152 = arith.constant 0 : i32
        %dma_wait3A_153 = arith.constant 0 : i32
        %dma_wait3A_154 = tpu.memref_slice %arg15[%dma_wait3A_152, %dma_wait3A_153] : memref<10240x128xf32, #tpu.memory_space<vmem_shared>> -> memref<10240x128xf32, #tpu.memory_space<vmem_shared>>
        tpu.wait_indirect_dma semaphore(%arg24 : memref<!tpu.dma_semaphore, #tpu.memory_space<semaphore_mem>>) src(%arg11 : memref<80x128xf32, #tpu.memory_space<vmem>>) dst(%dma_wait3A_154 : memref<10240x128xf32, #tpu.memory_space<vmem_shared>>)
      } else {
      }
      %add3A_114 = arith.constant 1 : i32
      %add3A_115 = arith.addi %add3A_106, %add3A_114 : i32
      %lt3A_116 = arith.constant 40 : i32
      %lt3A_117 = arith.cmpi slt, %add3A_115, %lt3A_116 : i32
      %convert_element_type3A_118 = arith.extui %lt3A_117 : i1 to i32
      %cond3A_119 = arith.constant 0 : i32
      %cond3A_120 = arith.cmpi ne, %convert_element_type3A_118, %cond3A_119 : i32
      scf.if %cond3A_120 {
        %add3A_152 = arith.constant 1 : i32
        %add3A_153 = arith.addi %add3A_106, %add3A_152 : i32
        %mul3A_154 = arith.constant 80 : i32
        %mul3A_155 = arith.muli %add3A_153, %mul3A_154 : i32
        %add3A_156 = arith.addi %add3A_6, %mul3A_155 : i32
        %dma_start3A_157 = tpu.memref_slice %arg5[%add3A_156] : memref<320000xi32, #tpu.memory_space<hbm>> -> memref<80xi32, #tpu.memory_space<hbm>>
        %dma_start3A_158 = tpu.memref_slice %arg5[%add3A_156] : memref<320000xi32, #tpu.memory_space<hbm>> -> memref<80xi32, #tpu.memory_space<hbm>>
        tpu.enqueue_dma source(%dma_start3A_158 : memref<80xi32, #tpu.memory_space<hbm>>) target(%arg9 : memref<80xi32, #tpu.memory_space<vmem>>) target_semaphore(%arg22 : memref<!tpu.dma_semaphore, #tpu.memory_space<semaphore_mem>>)
        %dma_wait3A_159 = arith.constant 0 : i32
        %dma_wait3A_160 = tpu.memref_slice %arg4[%dma_wait3A_159] : memref<320000xi32, #tpu.memory_space<hbm>> -> memref<80xi32, #tpu.memory_space<hbm>>
        %dma_wait3A_161 = arith.constant 0 : i32
        %dma_wait3A_162 = tpu.memref_slice %arg4[%dma_wait3A_161] : memref<320000xi32, #tpu.memory_space<hbm>> -> memref<80xi32, #tpu.memory_space<hbm>>
        tpu.wait_dma2 semaphore(%arg20 : memref<!tpu.dma_semaphore, #tpu.memory_space<semaphore_mem>>) src(%dma_wait3A_162 : memref<80xi32, #tpu.memory_space<hbm>>) dst(%arg7 : memref<80xi32, #tpu.memory_space<vmem>>)
        %add3A_163 = arith.constant 1 : i32
        %add3A_164 = arith.addi %add3A_106, %add3A_163 : i32
        %dma_start3A_165 = arith.constant 0 : i32
        %dma_start3A_166 = arith.constant 0 : i32
        %dma_start3A_167 = tpu.memref_slice %arg2[%dma_start3A_165, %dma_start3A_166] : memref<10000x128xf32, #tpu.memory_space<hbm>> -> memref<10000x128xf32, #tpu.memory_space<hbm>>
        tpu.enqueue_indirect_dma source(%dma_start3A_167 : memref<10000x128xf32, #tpu.memory_space<hbm>>) target(%arg11 : memref<80x128xf32, #tpu.memory_space<vmem>>) offsets(%arg7 : memref<80xi32, #tpu.memory_space<vmem>>) semaphore(%arg16 : memref<!tpu.dma_semaphore, #tpu.memory_space<semaphore_mem>>)
        %mul3A_168 = arith.constant 80 : i32
        %mul3A_169 = arith.muli %add3A_164, %mul3A_168 : i32
        %add3A_170 = arith.addi %mul3A_4, %mul3A_169 : i32
        %dma_start3A_171 = arith.constant 0 : i32
        %dma_start3A_172 = tpu.memref_slice %arg3[%add3A_170, %dma_start3A_171] : memref<102400x128xf32, #tpu.memory_space<hbm>> -> memref<80x128xf32, #tpu.memory_space<hbm>>
        %dma_start3A_173 = arith.constant 0 : i32
        %dma_start3A_174 = tpu.memref_slice %arg3[%add3A_170, %dma_start3A_173] : memref<102400x128xf32, #tpu.memory_space<hbm>> -> memref<80x128xf32, #tpu.memory_space<hbm>>
        tpu.enqueue_dma source(%dma_start3A_174 : memref<80x128xf32, #tpu.memory_space<hbm>>) target(%arg13 : memref<80x128xf32, #tpu.memory_space<vmem>>) target_semaphore(%arg18 : memref<!tpu.dma_semaphore, #tpu.memory_space<semaphore_mem>>)
      } else {
      }
      %dma_wait3A_121 = arith.constant 0 : i32
      %dma_wait3A_122 = arith.constant 0 : i32
      %dma_wait3A_123 = tpu.memref_slice %arg2[%dma_wait3A_121, %dma_wait3A_122] : memref<10000x128xf32, #tpu.memory_space<hbm>> -> memref<10000x128xf32, #tpu.memory_space<hbm>>
      tpu.wait_indirect_dma semaphore(%arg17 : memref<!tpu.dma_semaphore, #tpu.memory_space<semaphore_mem>>) src(%dma_wait3A_123 : memref<10000x128xf32, #tpu.memory_space<hbm>>) dst(%arg12 : memref<80x128xf32, #tpu.memory_space<vmem>>)
      %dma_wait3A_124 = arith.constant 0 : i32
      %dma_wait3A_125 = arith.constant 0 : i32
      %dma_wait3A_126 = tpu.memref_slice %arg3[%dma_wait3A_124, %dma_wait3A_125] : memref<102400x128xf32, #tpu.memory_space<hbm>> -> memref<80x128xf32, #tpu.memory_space<hbm>>
      %dma_wait3A_127 = arith.constant 0 : i32
      %dma_wait3A_128 = arith.constant 0 : i32
      %dma_wait3A_129 = tpu.memref_slice %arg3[%dma_wait3A_127, %dma_wait3A_128] : memref<102400x128xf32, #tpu.memory_space<hbm>> -> memref<80x128xf32, #tpu.memory_space<hbm>>
      tpu.wait_dma2 semaphore(%arg19 : memref<!tpu.dma_semaphore, #tpu.memory_space<semaphore_mem>>) src(%dma_wait3A_129 : memref<80x128xf32, #tpu.memory_space<hbm>>) dst(%arg14 : memref<80x128xf32, #tpu.memory_space<vmem>>)
      %add3A_130 = arith.constant 2 : i32
      %add3A_131 = arith.addi %add3A_106, %add3A_130 : i32
      %lt3A_132 = arith.constant 40 : i32
      %lt3A_133 = arith.cmpi slt, %add3A_131, %lt3A_132 : i32
      %convert_element_type3A_134 = arith.extui %lt3A_133 : i1 to i32
      %cond3A_135 = arith.constant 0 : i32
      %cond3A_136 = arith.cmpi ne, %convert_element_type3A_134, %cond3A_135 : i32
      scf.if %cond3A_136 {
        %add3A_152 = arith.constant 2 : i32
        %add3A_153 = arith.addi %add3A_106, %add3A_152 : i32
        %mul3A_154 = arith.constant 80 : i32
        %mul3A_155 = arith.muli %add3A_153, %mul3A_154 : i32
        %add3A_156 = arith.addi %add3A_6, %mul3A_155 : i32
        %dma_start3A_157 = tpu.memref_slice %arg4[%add3A_156] : memref<320000xi32, #tpu.memory_space<hbm>> -> memref<80xi32, #tpu.memory_space<hbm>>
        %dma_start3A_158 = tpu.memref_slice %arg4[%add3A_156] : memref<320000xi32, #tpu.memory_space<hbm>> -> memref<80xi32, #tpu.memory_space<hbm>>
        tpu.enqueue_dma source(%dma_start3A_158 : memref<80xi32, #tpu.memory_space<hbm>>) target(%arg8 : memref<80xi32, #tpu.memory_space<vmem>>) target_semaphore(%arg21 : memref<!tpu.dma_semaphore, #tpu.memory_space<semaphore_mem>>)
      } else {
      }
      %scan3A_137 = arith.constant 0 : i32
      %scan3A_138 = arith.constant 0 : i32
      %scan3A_139 = arith.constant 80 : i32
      %scan3A_140 = arith.addi %scan3A_138, %scan3A_139 : i32
      %scan3A_141 = arith.constant 1 : i32
      %scan3A_142 = scf.for %scan3A_152 = %scan3A_138 to %scan3A_140 step %scan3A_141 iter_args(%scan3A_153 = %scan3A_137) -> (i32)  : i32 {
        %get3A = arith.index_cast %scan3A_152 : i32 to index
        %get3A_154 = arith.constant 0 : index
        %get3A_155 = tpu.vector_load %arg12[%get3A, %get3A_154] {strides = array<i32>} : memref<80x128xf32, #tpu.memory_space<vmem>>, vector<1x16xf32>,
        %get3A_156 = vector.shape_cast %get3A_155 : vector<1x16xf32> to vector<16xf32>
        %get3A_157 = arith.index_cast %scan3A_152 : i32 to index
        %get3A_158 = arith.constant 0 : index
        %get3A_159 = tpu.vector_load %arg14[%get3A_157, %get3A_158] {strides = array<i32>} : memref<80x128xf32, #tpu.memory_space<vmem>>, vector<1x16xf32>,
        %get3A_160 = vector.shape_cast %get3A_159 : vector<1x16xf32> to vector<16xf32>
        %mul3A_161 = arith.mulf %get3A_156, %get3A_160 : vector<16xf32>
        %swap3A = arith.index_cast %scan3A_152 : i32 to index
        %swap3A_162 = arith.constant 0 : index
        %swap3A_163 = tpu.vector_load %arg12[%swap3A, %swap3A_162] {strides = array<i32>} : memref<80x128xf32, #tpu.memory_space<vmem>>, vector<1x16xf32>,
        %swap3A_164 = vector.shape_cast %swap3A_163 : vector<1x16xf32> to vector<16xf32>
        %swap3A_165 = vector.shape_cast %mul3A_161 : vector<16xf32> to vector<1x16xf32>
        tpu.vector_store %arg12[%swap3A, %swap3A_162], %swap3A_165 {strides = array<i32>} : memref<80x128xf32, #tpu.memory_space<vmem>>, vector<1x16xf32>,
        %get3A_166 = arith.index_cast %scan3A_152 : i32 to index
        %get3A_167 = arith.constant 16 : index
        %get3A_168 = tpu.vector_load %arg12[%get3A_166, %get3A_167] {strides = array<i32>} : memref<80x128xf32, #tpu.memory_space<vmem>>, vector<1x16xf32>,
        %get3A_169 = vector.shape_cast %get3A_168 : vector<1x16xf32> to vector<16xf32>
        %get3A_170 = arith.index_cast %scan3A_152 : i32 to index
        %get3A_171 = arith.constant 16 : index
        %get3A_172 = tpu.vector_load %arg14[%get3A_170, %get3A_171] {strides = array<i32>} : memref<80x128xf32, #tpu.memory_space<vmem>>, vector<1x16xf32>,
        %get3A_173 = vector.shape_cast %get3A_172 : vector<1x16xf32> to vector<16xf32>
        %mul3A_174 = arith.mulf %get3A_169, %get3A_173 : vector<16xf32>
        %swap3A_175 = arith.index_cast %scan3A_152 : i32 to index
        %swap3A_176 = arith.constant 16 : index
        %swap3A_177 = tpu.vector_load %arg12[%swap3A_175, %swap3A_176] {strides = array<i32>} : memref<80x128xf32, #tpu.memory_space<vmem>>, vector<1x16xf32>,
        %swap3A_178 = vector.shape_cast %swap3A_177 : vector<1x16xf32> to vector<16xf32>
        %swap3A_179 = vector.shape_cast %mul3A_174 : vector<16xf32> to vector<1x16xf32>
        tpu.vector_store %arg12[%swap3A_175, %swap3A_176], %swap3A_179 {strides = array<i32>} : memref<80x128xf32, #tpu.memory_space<vmem>>, vector<1x16xf32>,
        %get3A_180 = arith.index_cast %scan3A_152 : i32 to index
        %get3A_181 = arith.constant 32 : index
        %get3A_182 = tpu.vector_load %arg12[%get3A_180, %get3A_181] {strides = array<i32>} : memref<80x128xf32, #tpu.memory_space<vmem>>, vector<1x16xf32>,
        %get3A_183 = vector.shape_cast %get3A_182 : vector<1x16xf32> to vector<16xf32>
        %get3A_184 = arith.index_cast %scan3A_152 : i32 to index
        %get3A_185 = arith.constant 32 : index
        %get3A_186 = tpu.vector_load %arg14[%get3A_184, %get3A_185] {strides = array<i32>} : memref<80x128xf32, #tpu.memory_space<vmem>>, vector<1x16xf32>,
        %get3A_187 = vector.shape_cast %get3A_186 : vector<1x16xf32> to vector<16xf32>
        %mul3A_188 = arith.mulf %get3A_183, %get3A_187 : vector<16xf32>
        %swap3A_189 = arith.index_cast %scan3A_152 : i32 to index
        %swap3A_190 = arith.constant 32 : index
        %swap3A_191 = tpu.vector_load %arg12[%swap3A_189, %swap3A_190] {strides = array<i32>} : memref<80x128xf32, #tpu.memory_space<vmem>>, vector<1x16xf32>,
        %swap3A_192 = vector.shape_cast %swap3A_191 : vector<1x16xf32> to vector<16xf32>
        %swap3A_193 = vector.shape_cast %mul3A_188 : vector<16xf32> to vector<1x16xf32>
        tpu.vector_store %arg12[%swap3A_189, %swap3A_190], %swap3A_193 {strides = array<i32>} : memref<80x128xf32, #tpu.memory_space<vmem>>, vector<1x16xf32>,
        %get3A_194 = arith.index_cast %scan3A_152 : i32 to index
        %get3A_195 = arith.constant 48 : index
        %get3A_196 = tpu.vector_load %arg12[%get3A_194, %get3A_195] {strides = array<i32>} : memref<80x128xf32, #tpu.memory_space<vmem>>, vector<1x16xf32>,
        %get3A_197 = vector.shape_cast %get3A_196 : vector<1x16xf32> to vector<16xf32>
        %get3A_198 = arith.index_cast %scan3A_152 : i32 to index
        %get3A_199 = arith.constant 48 : index
        %get3A_200 = tpu.vector_load %arg14[%get3A_198, %get3A_199] {strides = array<i32>} : memref<80x128xf32, #tpu.memory_space<vmem>>, vector<1x16xf32>,
        %get3A_201 = vector.shape_cast %get3A_200 : vector<1x16xf32> to vector<16xf32>
        %mul3A_202 = arith.mulf %get3A_197, %get3A_201 : vector<16xf32>
        %swap3A_203 = arith.index_cast %scan3A_152 : i32 to index
        %swap3A_204 = arith.constant 48 : index
        %swap3A_205 = tpu.vector_load %arg12[%swap3A_203, %swap3A_204] {strides = array<i32>} : memref<80x128xf32, #tpu.memory_space<vmem>>, vector<1x16xf32>,
        %swap3A_206 = vector.shape_cast %swap3A_205 : vector<1x16xf32> to vector<16xf32>
        %swap3A_207 = vector.shape_cast %mul3A_202 : vector<16xf32> to vector<1x16xf32>
        tpu.vector_store %arg12[%swap3A_203, %swap3A_204], %swap3A_207 {strides = array<i32>} : memref<80x128xf32, #tpu.memory_space<vmem>>, vector<1x16xf32>,
        %get3A_208 = arith.index_cast %scan3A_152 : i32 to index
        %get3A_209 = arith.constant 64 : index
        %get3A_210 = tpu.vector_load %arg12[%get3A_208, %get3A_209] {strides = array<i32>} : memref<80x128xf32, #tpu.memory_space<vmem>>, vector<1x16xf32>,
        %get3A_211 = vector.shape_cast %get3A_210 : vector<1x16xf32> to vector<16xf32>
        %get3A_212 = arith.index_cast %scan3A_152 : i32 to index
        %get3A_213 = arith.constant 64 : index
        %get3A_214 = tpu.vector_load %arg14[%get3A_212, %get3A_213] {strides = array<i32>} : memref<80x128xf32, #tpu.memory_space<vmem>>, vector<1x16xf32>,
        %get3A_215 = vector.shape_cast %get3A_214 : vector<1x16xf32> to vector<16xf32>
        %mul3A_216 = arith.mulf %get3A_211, %get3A_215 : vector<16xf32>
        %swap3A_217 = arith.index_cast %scan3A_152 : i32 to index
        %swap3A_218 = arith.constant 64 : index
        %swap3A_219 = tpu.vector_load %arg12[%swap3A_217, %swap3A_218] {strides = array<i32>} : memref<80x128xf32, #tpu.memory_space<vmem>>, vector<1x16xf32>,
        %swap3A_220 = vector.shape_cast %swap3A_219 : vector<1x16xf32> to vector<16xf32>
        %swap3A_221 = vector.shape_cast %mul3A_216 : vector<16xf32> to vector<1x16xf32>
        tpu.vector_store %arg12[%swap3A_217, %swap3A_218], %swap3A_221 {strides = array<i32>} : memref<80x128xf32, #tpu.memory_space<vmem>>, vector<1x16xf32>,
        %get3A_222 = arith.index_cast %scan3A_152 : i32 to index
        %get3A_223 = arith.constant 80 : index
        %get3A_224 = tpu.vector_load %arg12[%get3A_222, %get3A_223] {strides = array<i32>} : memref<80x128xf32, #tpu.memory_space<vmem>>, vector<1x16xf32>,
        %get3A_225 = vector.shape_cast %get3A_224 : vector<1x16xf32> to vector<16xf32>
        %get3A_226 = arith.index_cast %scan3A_152 : i32 to index
        %get3A_227 = arith.constant 80 : index
        %get3A_228 = tpu.vector_load %arg14[%get3A_226, %get3A_227] {strides = array<i32>} : memref<80x128xf32, #tpu.memory_space<vmem>>, vector<1x16xf32>,
        %get3A_229 = vector.shape_cast %get3A_228 : vector<1x16xf32> to vector<16xf32>
        %mul3A_230 = arith.mulf %get3A_225, %get3A_229 : vector<16xf32>
        %swap3A_231 = arith.index_cast %scan3A_152 : i32 to index
        %swap3A_232 = arith.constant 80 : index
        %swap3A_233 = tpu.vector_load %arg12[%swap3A_231, %swap3A_232] {strides = array<i32>} : memref<80x128xf32, #tpu.memory_space<vmem>>, vector<1x16xf32>,
        %swap3A_234 = vector.shape_cast %swap3A_233 : vector<1x16xf32> to vector<16xf32>
        %swap3A_235 = vector.shape_cast %mul3A_230 : vector<16xf32> to vector<1x16xf32>
        tpu.vector_store %arg12[%swap3A_231, %swap3A_232], %swap3A_235 {strides = array<i32>} : memref<80x128xf32, #tpu.memory_space<vmem>>, vector<1x16xf32>,
        %get3A_236 = arith.index_cast %scan3A_152 : i32 to index
        %get3A_237 = arith.constant 96 : index
        %get3A_238 = tpu.vector_load %arg12[%get3A_236, %get3A_237] {strides = array<i32>} : memref<80x128xf32, #tpu.memory_space<vmem>>, vector<1x16xf32>,
        %get3A_239 = vector.shape_cast %get3A_238 : vector<1x16xf32> to vector<16xf32>
        %get3A_240 = arith.index_cast %scan3A_152 : i32 to index
        %get3A_241 = arith.constant 96 : index
        %get3A_242 = tpu.vector_load %arg14[%get3A_240, %get3A_241] {strides = array<i32>} : memref<80x128xf32, #tpu.memory_space<vmem>>, vector<1x16xf32>,
        %get3A_243 = vector.shape_cast %get3A_242 : vector<1x16xf32> to vector<16xf32>
        %mul3A_244 = arith.mulf %get3A_239, %get3A_243 : vector<16xf32>
        %swap3A_245 = arith.index_cast %scan3A_152 : i32 to index
        %swap3A_246 = arith.constant 96 : index
        %swap3A_247 = tpu.vector_load %arg12[%swap3A_245, %swap3A_246] {strides = array<i32>} : memref<80x128xf32, #tpu.memory_space<vmem>>, vector<1x16xf32>,
        %swap3A_248 = vector.shape_cast %swap3A_247 : vector<1x16xf32> to vector<16xf32>
        %swap3A_249 = vector.shape_cast %mul3A_244 : vector<16xf32> to vector<1x16xf32>
        tpu.vector_store %arg12[%swap3A_245, %swap3A_246], %swap3A_249 {strides = array<i32>} : memref<80x128xf32, #tpu.memory_space<vmem>>, vector<1x16xf32>,
        %get3A_250 = arith.index_cast %scan3A_152 : i32 to index
        %get3A_251 = arith.constant 112 : index
        %get3A_252 = tpu.vector_load %arg12[%get3A_250, %get3A_251] {strides = array<i32>} : memref<80x128xf32, #tpu.memory_space<vmem>>, vector<1x16xf32>,
        %get3A_253 = vector.shape_cast %get3A_252 : vector<1x16xf32> to vector<16xf32>
        %get3A_254 = arith.index_cast %scan3A_152 : i32 to index
        %get3A_255 = arith.constant 112 : index
        %get3A_256 = tpu.vector_load %arg14[%get3A_254, %get3A_255] {strides = array<i32>} : memref<80x128xf32, #tpu.memory_space<vmem>>, vector<1x16xf32>,
        %get3A_257 = vector.shape_cast %get3A_256 : vector<1x16xf32> to vector<16xf32>
        %mul3A_258 = arith.mulf %get3A_253, %get3A_257 : vector<16xf32>
        %swap3A_259 = arith.index_cast %scan3A_152 : i32 to index
        %swap3A_260 = arith.constant 112 : index
        %swap3A_261 = tpu.vector_load %arg12[%swap3A_259, %swap3A_260] {strides = array<i32>} : memref<80x128xf32, #tpu.memory_space<vmem>>, vector<1x16xf32>,
        %swap3A_262 = vector.shape_cast %swap3A_261 : vector<1x16xf32> to vector<16xf32>
        %swap3A_263 = vector.shape_cast %mul3A_258 : vector<16xf32> to vector<1x16xf32>
        tpu.vector_store %arg12[%swap3A_259, %swap3A_260], %swap3A_263 {strides = array<i32>} : memref<80x128xf32, #tpu.memory_space<vmem>>, vector<1x16xf32>,
        %scan3A_264 = arith.constant 0 : i32
        scf.yield %scan3A_264 : i32
      }
      %scan3A_143 = arith.constant 80 : i32
      %dma_wait3A_144 = arith.constant 0 : i32
      %dma_wait3A_145 = tpu.memref_slice %arg5[%dma_wait3A_144] : memref<320000xi32, #tpu.memory_space<hbm>> -> memref<80xi32, #tpu.memory_space<hbm>>
      %dma_wait3A_146 = arith.constant 0 : i32
      %dma_wait3A_147 = tpu.memref_slice %arg5[%dma_wait3A_146] : memref<320000xi32, #tpu.memory_space<hbm>> -> memref<80xi32, #tpu.memory_space<hbm>>
      tpu.wait_dma2 semaphore(%arg23 : memref<!tpu.dma_semaphore, #tpu.memory_space<semaphore_mem>>) src(%dma_wait3A_147 : memref<80xi32, #tpu.memory_space<hbm>>) dst(%arg10 : memref<80xi32, #tpu.memory_space<vmem>>)
      %dma_start3A_148 = arith.constant 0 : i32
      %dma_start3A_149 = arith.constant 0 : i32
      %dma_start3A_150 = tpu.memref_slice %arg15[%dma_start3A_148, %dma_start3A_149] : memref<10240x128xf32, #tpu.memory_space<vmem_shared>> -> memref<10240x128xf32, #tpu.memory_space<vmem_shared>>
      tpu.enqueue_indirect_dma source(%arg12 : memref<80x128xf32, #tpu.memory_space<vmem>>) target(%dma_start3A_150 : memref<10240x128xf32, #tpu.memory_space<vmem_shared>>) offsets(%arg10 : memref<80xi32, #tpu.memory_space<vmem>>) semaphore(%arg25 : memref<!tpu.dma_semaphore, #tpu.memory_space<semaphore_mem>>) {add = true}
      %scan3A_151 = arith.constant 0 : i32
      scf.yield %scan3A_151 : i32
    }
    %scan3A_49 = arith.constant 20 : i32
    %dma_wait3A_50 = arith.constant 0 : i32
    %dma_wait3A_51 = arith.constant 0 : i32
    %dma_wait3A_52 = tpu.memref_slice %arg15[%dma_wait3A_50, %dma_wait3A_51] : memref<10240x128xf32, #tpu.memory_space<vmem_shared>> -> memref<10240x128xf32, #tpu.memory_space<vmem_shared>>
    tpu.wait_indirect_dma semaphore(%arg25 : memref<!tpu.dma_semaphore, #tpu.memory_space<semaphore_mem>>) src(%arg12 : memref<80x128xf32, #tpu.memory_space<vmem>>) dst(%dma_wait3A_52 : memref<10240x128xf32, #tpu.memory_space<vmem_shared>>)
    %barrier3A_53 = arith.constant 0 : index
    tpu.barrier barrier_id(%barrier3A_53)
    %mul3A_54 = arith.constant 640 : i32
    %mul3A_55 = arith.muli %arg1, %mul3A_54 : i32
    %mul3A_56 = arith.constant 640 : i32
    %mul3A_57 = arith.muli %arg1, %mul3A_56 : i32
    "tpu.region"() ({
      %run_scoped3A = tpu.sem_alloc : memref<!tpu.dma_semaphore, #tpu.memory_space<semaphore_mem>>
      %dma_start3A_58 = arith.constant 0 : i32
      %dma_start3A_59 = tpu.memref_slice %arg6[%arg0, %mul3A_57, %dma_start3A_58] : memref<2x10240x128xf32, #tpu.memory_space<hbm>> -> memref<1x640x128xf32, #tpu.memory_space<hbm>>
      %dma_start3A_60 = tpu.memref_squeeze %dma_start3A_59 : memref<1x640x128xf32, #tpu.memory_space<hbm>> -> memref<640x128xf32, #tpu.memory_space<hbm>>
      %dma_start3A_61 = arith.constant 0 : i32
      %dma_start3A_62 = tpu.memref_slice %arg15[%mul3A_55, %dma_start3A_61] : memref<10240x128xf32, #tpu.memory_space<vmem_shared>> -> memref<640x128xf32, #tpu.memory_space<vmem_shared>>
      tpu.enqueue_dma source(%dma_start3A_62 : memref<640x128xf32, #tpu.memory_space<vmem_shared>>) target(%dma_start3A_60 : memref<640x128xf32, #tpu.memory_space<hbm>>) target_semaphore(%run_scoped3A : memref<!tpu.dma_semaphore, #tpu.memory_space<semaphore_mem>>)
      %dma_wait3A_63 = arith.constant 0 : i32
      %dma_wait3A_64 = tpu.memref_slice %arg6[%arg0, %mul3A_57, %dma_wait3A_63] : memref<2x10240x128xf32, #tpu.memory_space<hbm>> -> memref<1x640x128xf32, #tpu.memory_space<hbm>>
      %dma_wait3A_65 = tpu.memref_squeeze %dma_wait3A_64 : memref<1x640x128xf32, #tpu.memory_space<hbm>> -> memref<640x128xf32, #tpu.memory_space<hbm>>
      %dma_wait3A_66 = arith.constant 0 : i32
      %dma_wait3A_67 = tpu.memref_slice %arg15[%mul3A_55, %dma_wait3A_66] : memref<10240x128xf32, #tpu.memory_space<vmem_shared>> -> memref<640x128xf32, #tpu.memory_space<vmem_shared>>
      tpu.wait_dma2 semaphore(%run_scoped3A : memref<!tpu.dma_semaphore, #tpu.memory_space<semaphore_mem>>) src(%dma_wait3A_67 : memref<640x128xf32, #tpu.memory_space<vmem_shared>>) dst(%dma_wait3A_65 : memref<640x128xf32, #tpu.memory_space<hbm>>)
      tpu.yield
    }) : () -> ()
    return
  }
}

#map = affine_map<(d0, d1) -> (0, 0)>
#map1 = affine_map<(d0, d1) -> (0)>
#map2 = affine_map<(d0, d1) -> (0, 0, 0)>
module attributes {stable_mosaic.version = 14 : i64} {
  func.func @_msg_body(%arg0: i32, %arg1: i32, %arg2: memref<10000x128xf32, #tpu.memory_space<hbm>>, %arg3: memref<102400x128xf32, #tpu.memory_space<hbm>>, %arg4: memref<320000xi32, #tpu.memory_space<hbm>>, %arg5: memref<320000xi32, #tpu.memory_space<hbm>>, %arg6: memref<2x10240x128xf32, #tpu.memory_space<hbm>>, %arg7: memref<80xi32, #tpu.memory_space<vmem>>, %arg8: memref<80xi32, #tpu.memory_space<vmem>>, %arg9: memref<80xi32, #tpu.memory_space<vmem>>, %arg10: memref<80xi32, #tpu.memory_space<vmem>>, %arg11: memref<80x128xf32, #tpu.memory_space<vmem>>, %arg12: memref<80x128xf32, #tpu.memory_space<vmem>>, %arg13: memref<80x128xf32, #tpu.memory_space<vmem>>, %arg14: memref<80x128xf32, #tpu.memory_space<vmem>>, %arg15: memref<10240x128xf32, #tpu.memory_space<vmem_shared>>, %arg16: memref<!tpu.dma_semaphore, #tpu.memory_space<semaphore_mem>>, %arg17: memref<!tpu.dma_semaphore, #tpu.memory_space<semaphore_mem>>, %arg18: memref<!tpu.dma_semaphore, #tpu.memory_space<semaphore_mem>>, %arg19: memref<!tpu.dma_semaphore, #tpu.memory_space<semaphore_mem>>, %arg20: memref<!tpu.dma_semaphore, #tpu.memory_space<semaphore_mem>>, %arg21: memref<!tpu.dma_semaphore, #tpu.memory_space<semaphore_mem>>, %arg22: memref<!tpu.dma_semaphore, #tpu.memory_space<semaphore_mem>>, %arg23: memref<!tpu.dma_semaphore, #tpu.memory_space<semaphore_mem>>, %arg24: memref<!tpu.dma_semaphore, #tpu.memory_space<semaphore_mem>>, %arg25: memref<!tpu.dma_semaphore, #tpu.memory_space<semaphore_mem>>) attributes {dimension_semantics = [#tpu.dimension_semantics<core_parallel>, #tpu.dimension_semantics<subcore_parallel>], iteration_bounds = array<i64: 2, 16>, scalar_prefetch = 0 : i64, scratch_operands = 19 : i64, tpu.core_type = #tpu.core_type<sc_vector_subcore>, window_params = [{transform_indices = #map}, {transform_indices = #map}, {transform_indices = #map1}, {transform_indices = #map1}, {transform_indices = #map2}]} {
    %mul3A = arith.constant 16 : i32
    %mul3A_0 = arith.muli %arg0, %mul3A : i32
    %add3A = arith.addi %mul3A_0, %arg1 : i32
    %mul3A_1 = arith.constant 40 : i32
    %mul3A_2 = arith.muli %add3A, %mul3A_1 : i32
    %mul3A_3 = arith.constant 80 : i32
    %mul3A_4 = arith.muli %mul3A_2, %mul3A_3 : i32
    %add3A_5 = arith.constant 102400 : i32
    %add3A_6 = arith.addi %add3A_5, %mul3A_4 : i32
    %scan3A = arith.constant 0 : i32
    %scan3A_7 = arith.constant 0 : i32
    %scan3A_8 = arith.constant 80 : i32
    %scan3A_9 = arith.addi %scan3A_7, %scan3A_8 : i32
    %scan3A_10 = arith.constant 1 : i32
    %scan3A_11 = scf.for %scan3A_58 = %scan3A_7 to %scan3A_9 step %scan3A_10 iter_args(%scan3A_59 = %scan3A) -> (i32)  : i32 {
      %broadcast_in_dim3A = arith.constant 0.000000e+00 : f32
      %broadcast_in_dim3A_60 = vector.broadcast %broadcast_in_dim3A : f32 to vector<16xf32>
      %swap3A = arith.index_cast %scan3A_58 : i32 to index
      %swap3A_61 = arith.constant 0 : index
      %swap3A_62 = tpu.vector_load %arg11[%swap3A, %swap3A_61] {strides = array<i32>} : memref<80x128xf32, #tpu.memory_space<vmem>>, vector<1x16xf32>,
      %swap3A_63 = vector.shape_cast %swap3A_62 : vector<1x16xf32> to vector<16xf32>
      %swap3A_64 = vector.shape_cast %broadcast_in_dim3A_60 : vector<16xf32> to vector<1x16xf32>
      tpu.vector_store %arg11[%swap3A, %swap3A_61], %swap3A_64 {strides = array<i32>} : memref<80x128xf32, #tpu.memory_space<vmem>>, vector<1x16xf32>,
      %broadcast_in_dim3A_65 = arith.constant 0.000000e+00 : f32
      %broadcast_in_dim3A_66 = vector.broadcast %broadcast_in_dim3A_65 : f32 to vector<16xf32>
      %swap3A_67 = arith.index_cast %scan3A_58 : i32 to index
      %swap3A_68 = arith.constant 16 : index
      %swap3A_69 = tpu.vector_load %arg11[%swap3A_67, %swap3A_68] {strides = array<i32>} : memref<80x128xf32, #tpu.memory_space<vmem>>, vector<1x16xf32>,
      %swap3A_70 = vector.shape_cast %swap3A_69 : vector<1x16xf32> to vector<16xf32>
      %swap3A_71 = vector.shape_cast %broadcast_in_dim3A_66 : vector<16xf32> to vector<1x16xf32>
      tpu.vector_store %arg11[%swap3A_67, %swap3A_68], %swap3A_71 {strides = array<i32>} : memref<80x128xf32, #tpu.memory_space<vmem>>, vector<1x16xf32>,
      %broadcast_in_dim3A_72 = arith.constant 0.000000e+00 : f32
      %broadcast_in_dim3A_73 = vector.broadcast %broadcast_in_dim3A_72 : f32 to vector<16xf32>
      %swap3A_74 = arith.index_cast %scan3A_58 : i32 to index
      %swap3A_75 = arith.constant 32 : index
      %swap3A_76 = tpu.vector_load %arg11[%swap3A_74, %swap3A_75] {strides = array<i32>} : memref<80x128xf32, #tpu.memory_space<vmem>>, vector<1x16xf32>,
      %swap3A_77 = vector.shape_cast %swap3A_76 : vector<1x16xf32> to vector<16xf32>
      %swap3A_78 = vector.shape_cast %broadcast_in_dim3A_73 : vector<16xf32> to vector<1x16xf32>
      tpu.vector_store %arg11[%swap3A_74, %swap3A_75], %swap3A_78 {strides = array<i32>} : memref<80x128xf32, #tpu.memory_space<vmem>>, vector<1x16xf32>,
      %broadcast_in_dim3A_79 = arith.constant 0.000000e+00 : f32
      %broadcast_in_dim3A_80 = vector.broadcast %broadcast_in_dim3A_79 : f32 to vector<16xf32>
      %swap3A_81 = arith.index_cast %scan3A_58 : i32 to index
      %swap3A_82 = arith.constant 48 : index
      %swap3A_83 = tpu.vector_load %arg11[%swap3A_81, %swap3A_82] {strides = array<i32>} : memref<80x128xf32, #tpu.memory_space<vmem>>, vector<1x16xf32>,
      %swap3A_84 = vector.shape_cast %swap3A_83 : vector<1x16xf32> to vector<16xf32>
      %swap3A_85 = vector.shape_cast %broadcast_in_dim3A_80 : vector<16xf32> to vector<1x16xf32>
      tpu.vector_store %arg11[%swap3A_81, %swap3A_82], %swap3A_85 {strides = array<i32>} : memref<80x128xf32, #tpu.memory_space<vmem>>, vector<1x16xf32>,
      %broadcast_in_dim3A_86 = arith.constant 0.000000e+00 : f32
      %broadcast_in_dim3A_87 = vector.broadcast %broadcast_in_dim3A_86 : f32 to vector<16xf32>
      %swap3A_88 = arith.index_cast %scan3A_58 : i32 to index
      %swap3A_89 = arith.constant 64 : index
      %swap3A_90 = tpu.vector_load %arg11[%swap3A_88, %swap3A_89] {strides = array<i32>} : memref<80x128xf32, #tpu.memory_space<vmem>>, vector<1x16xf32>,
      %swap3A_91 = vector.shape_cast %swap3A_90 : vector<1x16xf32> to vector<16xf32>
      %swap3A_92 = vector.shape_cast %broadcast_in_dim3A_87 : vector<16xf32> to vector<1x16xf32>
      tpu.vector_store %arg11[%swap3A_88, %swap3A_89], %swap3A_92 {strides = array<i32>} : memref<80x128xf32, #tpu.memory_space<vmem>>, vector<1x16xf32>,
      %broadcast_in_dim3A_93 = arith.constant 0.000000e+00 : f32
      %broadcast_in_dim3A_94 = vector.broadcast %broadcast_in_dim3A_93 : f32 to vector<16xf32>
      %swap3A_95 = arith.index_cast %scan3A_58 : i32 to index
      %swap3A_96 = arith.constant 80 : index
      %swap3A_97 = tpu.vector_load %arg11[%swap3A_95, %swap3A_96] {strides = array<i32>} : memref<80x128xf32, #tpu.memory_space<vmem>>, vector<1x16xf32>,
      %swap3A_98 = vector.shape_cast %swap3A_97 : vector<1x16xf32> to vector<16xf32>
      %swap3A_99 = vector.shape_cast %broadcast_in_dim3A_94 : vector<16xf32> to vector<1x16xf32>
      tpu.vector_store %arg11[%swap3A_95, %swap3A_96], %swap3A_99 {strides = array<i32>} : memref<80x128xf32, #tpu.memory_space<vmem>>, vector<1x16xf32>,
      %broadcast_in_dim3A_100 = arith.constant 0.000000e+00 : f32
      %broadcast_in_dim3A_101 = vector.broadcast %broadcast_in_dim3A_100 : f32 to vector<16xf32>
      %swap3A_102 = arith.index_cast %scan3A_58 : i32 to index
      %swap3A_103 = arith.constant 96 : index
      %swap3A_104 = tpu.vector_load %arg11[%swap3A_102, %swap3A_103] {strides = array<i32>} : memref<80x128xf32, #tpu.memory_space<vmem>>, vector<1x16xf32>,
      %swap3A_105 = vector.shape_cast %swap3A_104 : vector<1x16xf32> to vector<16xf32>
      %swap3A_106 = vector.shape_cast %broadcast_in_dim3A_101 : vector<16xf32> to vector<1x16xf32>
      tpu.vector_store %arg11[%swap3A_102, %swap3A_103], %swap3A_106 {strides = array<i32>} : memref<80x128xf32, #tpu.memory_space<vmem>>, vector<1x16xf32>,
      %broadcast_in_dim3A_107 = arith.constant 0.000000e+00 : f32
      %broadcast_in_dim3A_108 = vector.broadcast %broadcast_in_dim3A_107 : f32 to vector<16xf32>
      %swap3A_109 = arith.index_cast %scan3A_58 : i32 to index
      %swap3A_110 = arith.constant 112 : index
      %swap3A_111 = tpu.vector_load %arg11[%swap3A_109, %swap3A_110] {strides = array<i32>} : memref<80x128xf32, #tpu.memory_space<vmem>>, vector<1x16xf32>,
      %swap3A_112 = vector.shape_cast %swap3A_111 : vector<1x16xf32> to vector<16xf32>
      %swap3A_113 = vector.shape_cast %broadcast_in_dim3A_108 : vector<16xf32> to vector<1x16xf32>
      tpu.vector_store %arg11[%swap3A_109, %swap3A_110], %swap3A_113 {strides = array<i32>} : memref<80x128xf32, #tpu.memory_space<vmem>>, vector<1x16xf32>,
      %scan3A_114 = arith.constant 0 : i32
      scf.yield %scan3A_114 : i32
    }
    %scan3A_12 = arith.constant 80 : i32
    %scan3A_13 = arith.constant 0 : i32
    %scan3A_14 = arith.constant 0 : i32
    %scan3A_15 = arith.constant 8 : i32
    %scan3A_16 = arith.addi %scan3A_14, %scan3A_15 : i32
    %scan3A_17 = arith.constant 1 : i32
    %scan3A_18 = scf.for %scan3A_58 = %scan3A_14 to %scan3A_16 step %scan3A_17 iter_args(%scan3A_59 = %scan3A_13) -> (i32)  : i32 {
      %mul3A_60 = arith.constant 640 : i32
      %mul3A_61 = arith.muli %arg1, %mul3A_60 : i32
      %mul3A_62 = arith.constant 80 : i32
      %mul3A_63 = arith.muli %scan3A_58, %mul3A_62 : i32
      %add3A_64 = arith.addi %mul3A_61, %mul3A_63 : i32
      "tpu.region"() ({
        %run_scoped3A = tpu.sem_alloc : memref<!tpu.dma_semaphore, #tpu.memory_space<semaphore_mem>>
        %dma_start3A_66 = arith.constant 0 : i32
        %dma_start3A_67 = tpu.memref_slice %arg15[%add3A_64, %dma_start3A_66] : memref<10240x128xf32, #tpu.memory_space<vmem_shared>> -> memref<80x128xf32, #tpu.memory_space<vmem_shared>>
        %dma_start3A_68 = arith.constant 0 : i32
        %dma_start3A_69 = tpu.memref_slice %arg15[%add3A_64, %dma_start3A_68] : memref<10240x128xf32, #tpu.memory_space<vmem_shared>> -> memref<80x128xf32, #tpu.memory_space<vmem_shared>>
        tpu.enqueue_dma source(%arg11 : memref<80x128xf32, #tpu.memory_space<vmem>>) target(%dma_start3A_69 : memref<80x128xf32, #tpu.memory_space<vmem_shared>>) target_semaphore(%run_scoped3A : memref<!tpu.dma_semaphore, #tpu.memory_space<semaphore_mem>>)
        %dma_wait3A_70 = arith.constant 0 : i32
        %dma_wait3A_71 = tpu.memref_slice %arg15[%add3A_64, %dma_wait3A_70] : memref<10240x128xf32, #tpu.memory_space<vmem_shared>> -> memref<80x128xf32, #tpu.memory_space<vmem_shared>>
        %dma_wait3A_72 = arith.constant 0 : i32
        %dma_wait3A_73 = tpu.memref_slice %arg15[%add3A_64, %dma_wait3A_72] : memref<10240x128xf32, #tpu.memory_space<vmem_shared>> -> memref<80x128xf32, #tpu.memory_space<vmem_shared>>
        tpu.wait_dma2 semaphore(%run_scoped3A : memref<!tpu.dma_semaphore, #tpu.memory_space<semaphore_mem>>) src(%arg11 : memref<80x128xf32, #tpu.memory_space<vmem>>) dst(%dma_wait3A_73 : memref<80x128xf32, #tpu.memory_space<vmem_shared>>)
        tpu.yield
      }) : () -> ()
      %scan3A_65 = arith.constant 0 : i32
      scf.yield %scan3A_65 : i32
    }
    %scan3A_19 = arith.constant 8 : i32
    %barrier3A = arith.constant 0 : index
    tpu.barrier barrier_id(%barrier3A)
    %add3A_20 = arith.constant 0 : i32
    %add3A_21 = arith.addi %add3A_6, %add3A_20 : i32
    %dma_start3A = tpu.memref_slice %arg4[%add3A_21] : memref<320000xi32, #tpu.memory_space<hbm>> -> memref<80xi32, #tpu.memory_space<hbm>>
    %dma_start3A_22 = tpu.memref_slice %arg4[%add3A_21] : memref<320000xi32, #tpu.memory_space<hbm>> -> memref<80xi32, #tpu.memory_space<hbm>>
    tpu.enqueue_dma source(%dma_start3A_22 : memref<80xi32, #tpu.memory_space<hbm>>) target(%arg7 : memref<80xi32, #tpu.memory_space<vmem>>) target_semaphore(%arg20 : memref<!tpu.dma_semaphore, #tpu.memory_space<semaphore_mem>>)
    %add3A_23 = arith.constant 0 : i32
    %add3A_24 = arith.addi %add3A_6, %add3A_23 : i32
    %dma_start3A_25 = tpu.memref_slice %arg5[%add3A_24] : memref<320000xi32, #tpu.memory_space<hbm>> -> memref<80xi32, #tpu.memory_space<hbm>>
    %dma_start3A_26 = tpu.memref_slice %arg5[%add3A_24] : memref<320000xi32, #tpu.memory_space<hbm>> -> memref<80xi32, #tpu.memory_space<hbm>>
    tpu.enqueue_dma source(%dma_start3A_26 : memref<80xi32, #tpu.memory_space<hbm>>) target(%arg9 : memref<80xi32, #tpu.memory_space<vmem>>) target_semaphore(%arg22 : memref<!tpu.dma_semaphore, #tpu.memory_space<semaphore_mem>>)
    %dma_wait3A = arith.constant 0 : i32
    %dma_wait3A_27 = tpu.memref_slice %arg4[%dma_wait3A] : memref<320000xi32, #tpu.memory_space<hbm>> -> memref<80xi32, #tpu.memory_space<hbm>>
    %dma_wait3A_28 = arith.constant 0 : i32
    %dma_wait3A_29 = tpu.memref_slice %arg4[%dma_wait3A_28] : memref<320000xi32, #tpu.memory_space<hbm>> -> memref<80xi32, #tpu.memory_space<hbm>>
    tpu.wait_dma2 semaphore(%arg20 : memref<!tpu.dma_semaphore, #tpu.memory_space<semaphore_mem>>) src(%dma_wait3A_29 : memref<80xi32, #tpu.memory_space<hbm>>) dst(%arg7 : memref<80xi32, #tpu.memory_space<vmem>>)
    %dma_start3A_30 = arith.constant 0 : i32
    %dma_start3A_31 = arith.constant 0 : i32
    %dma_start3A_32 = tpu.memref_slice %arg2[%dma_start3A_30, %dma_start3A_31] : memref<10000x128xf32, #tpu.memory_space<hbm>> -> memref<10000x128xf32, #tpu.memory_space<hbm>>
    tpu.enqueue_indirect_dma source(%dma_start3A_32 : memref<10000x128xf32, #tpu.memory_space<hbm>>) target(%arg11 : memref<80x128xf32, #tpu.memory_space<vmem>>) offsets(%arg7 : memref<80xi32, #tpu.memory_space<vmem>>) semaphore(%arg16 : memref<!tpu.dma_semaphore, #tpu.memory_space<semaphore_mem>>)
    %add3A_33 = arith.constant 0 : i32
    %add3A_34 = arith.addi %mul3A_4, %add3A_33 : i32
    %dma_start3A_35 = arith.constant 0 : i32
    %dma_start3A_36 = tpu.memref_slice %arg3[%add3A_34, %dma_start3A_35] : memref<102400x128xf32, #tpu.memory_space<hbm>> -> memref<80x128xf32, #tpu.memory_space<hbm>>
    %dma_start3A_37 = arith.constant 0 : i32
    %dma_start3A_38 = tpu.memref_slice %arg3[%add3A_34, %dma_start3A_37] : memref<102400x128xf32, #tpu.memory_space<hbm>> -> memref<80x128xf32, #tpu.memory_space<hbm>>
    tpu.enqueue_dma source(%dma_start3A_38 : memref<80x128xf32, #tpu.memory_space<hbm>>) target(%arg13 : memref<80x128xf32, #tpu.memory_space<vmem>>) target_semaphore(%arg18 : memref<!tpu.dma_semaphore, #tpu.memory_space<semaphore_mem>>)
    %add3A_39 = arith.constant 80 : i32
    %add3A_40 = arith.addi %add3A_6, %add3A_39 : i32
    %dma_start3A_41 = tpu.memref_slice %arg4[%add3A_40] : memref<320000xi32, #tpu.memory_space<hbm>> -> memref<80xi32, #tpu.memory_space<hbm>>
    %dma_start3A_42 = tpu.memref_slice %arg4[%add3A_40] : memref<320000xi32, #tpu.memory_space<hbm>> -> memref<80xi32, #tpu.memory_space<hbm>>
    tpu.enqueue_dma source(%dma_start3A_42 : memref<80xi32, #tpu.memory_space<hbm>>) target(%arg8 : memref<80xi32, #tpu.memory_space<vmem>>) target_semaphore(%arg21 : memref<!tpu.dma_semaphore, #tpu.memory_space<semaphore_mem>>)
    %scan3A_43 = arith.constant 0 : i32
    %scan3A_44 = arith.constant 0 : i32
    %scan3A_45 = arith.constant 20 : i32
    %scan3A_46 = arith.addi %scan3A_44, %scan3A_45 : i32
    %scan3A_47 = arith.constant 1 : i32
    %scan3A_48 = scf.for %scan3A_58 = %scan3A_44 to %scan3A_46 step %scan3A_47 iter_args(%scan3A_59 = %scan3A_43) -> (i32)  : i32 {
      %mul3A_60 = arith.constant 2 : i32
      %mul3A_61 = arith.muli %mul3A_60, %scan3A_58 : i32
      %add3A_62 = arith.constant 0 : i32
      %add3A_63 = arith.addi %mul3A_61, %add3A_62 : i32
      %gt3A = arith.constant 0 : i32
      %gt3A_64 = arith.cmpi sgt, %scan3A_58, %gt3A : i32
      %or3A = arith.constant false
      %or3A_65 = arith.ori %gt3A_64, %or3A : i1
      %convert_element_type3A = arith.extui %or3A_65 : i1 to i32
      %cond3A = arith.constant 0 : i32
      %cond3A_66 = arith.cmpi ne, %convert_element_type3A, %cond3A : i32
      scf.if %cond3A_66 {
        %dma_wait3A_152 = arith.constant 0 : i32
        %dma_wait3A_153 = arith.constant 0 : i32
        %dma_wait3A_154 = tpu.memref_slice %arg15[%dma_wait3A_152, %dma_wait3A_153] : memref<10240x128xf32, #tpu.memory_space<vmem_shared>> -> memref<10240x128xf32, #tpu.memory_space<vmem_shared>>
        tpu.wait_indirect_dma semaphore(%arg25 : memref<!tpu.dma_semaphore, #tpu.memory_space<semaphore_mem>>) src(%arg12 : memref<80x128xf32, #tpu.memory_space<vmem>>) dst(%dma_wait3A_154 : memref<10240x128xf32, #tpu.memory_space<vmem_shared>>)
      } else {
      }
      %add3A_67 = arith.constant 1 : i32
      %add3A_68 = arith.addi %add3A_63, %add3A_67 : i32
      %lt3A = arith.constant 40 : i32
      %lt3A_69 = arith.cmpi slt, %add3A_68, %lt3A : i32
      %convert_element_type3A_70 = arith.extui %lt3A_69 : i1 to i32
      %cond3A_71 = arith.constant 0 : i32
      %cond3A_72 = arith.cmpi ne, %convert_element_type3A_70, %cond3A_71 : i32
      scf.if %cond3A_72 {
        %add3A_152 = arith.constant 1 : i32
        %add3A_153 = arith.addi %add3A_63, %add3A_152 : i32
        %mul3A_154 = arith.constant 80 : i32
        %mul3A_155 = arith.muli %add3A_153, %mul3A_154 : i32
        %add3A_156 = arith.addi %add3A_6, %mul3A_155 : i32
        %dma_start3A_157 = tpu.memref_slice %arg5[%add3A_156] : memref<320000xi32, #tpu.memory_space<hbm>> -> memref<80xi32, #tpu.memory_space<hbm>>
        %dma_start3A_158 = tpu.memref_slice %arg5[%add3A_156] : memref<320000xi32, #tpu.memory_space<hbm>> -> memref<80xi32, #tpu.memory_space<hbm>>
        tpu.enqueue_dma source(%dma_start3A_158 : memref<80xi32, #tpu.memory_space<hbm>>) target(%arg10 : memref<80xi32, #tpu.memory_space<vmem>>) target_semaphore(%arg23 : memref<!tpu.dma_semaphore, #tpu.memory_space<semaphore_mem>>)
        %dma_wait3A_159 = arith.constant 0 : i32
        %dma_wait3A_160 = tpu.memref_slice %arg4[%dma_wait3A_159] : memref<320000xi32, #tpu.memory_space<hbm>> -> memref<80xi32, #tpu.memory_space<hbm>>
        %dma_wait3A_161 = arith.constant 0 : i32
        %dma_wait3A_162 = tpu.memref_slice %arg4[%dma_wait3A_161] : memref<320000xi32, #tpu.memory_space<hbm>> -> memref<80xi32, #tpu.memory_space<hbm>>
        tpu.wait_dma2 semaphore(%arg21 : memref<!tpu.dma_semaphore, #tpu.memory_space<semaphore_mem>>) src(%dma_wait3A_162 : memref<80xi32, #tpu.memory_space<hbm>>) dst(%arg8 : memref<80xi32, #tpu.memory_space<vmem>>)
        %add3A_163 = arith.constant 1 : i32
        %add3A_164 = arith.addi %add3A_63, %add3A_163 : i32
        %dma_start3A_165 = arith.constant 0 : i32
        %dma_start3A_166 = arith.constant 0 : i32
        %dma_start3A_167 = tpu.memref_slice %arg2[%dma_start3A_165, %dma_start3A_166] : memref<10000x128xf32, #tpu.memory_space<hbm>> -> memref<10000x128xf32, #tpu.memory_space<hbm>>
        tpu.enqueue_indirect_dma source(%dma_start3A_167 : memref<10000x128xf32, #tpu.memory_space<hbm>>) target(%arg12 : memref<80x128xf32, #tpu.memory_space<vmem>>) offsets(%arg8 : memref<80xi32, #tpu.memory_space<vmem>>) semaphore(%arg17 : memref<!tpu.dma_semaphore, #tpu.memory_space<semaphore_mem>>)
        %mul3A_168 = arith.constant 80 : i32
        %mul3A_169 = arith.muli %add3A_164, %mul3A_168 : i32
        %add3A_170 = arith.addi %mul3A_4, %mul3A_169 : i32
        %dma_start3A_171 = arith.constant 0 : i32
        %dma_start3A_172 = tpu.memref_slice %arg3[%add3A_170, %dma_start3A_171] : memref<102400x128xf32, #tpu.memory_space<hbm>> -> memref<80x128xf32, #tpu.memory_space<hbm>>
        %dma_start3A_173 = arith.constant 0 : i32
        %dma_start3A_174 = tpu.memref_slice %arg3[%add3A_170, %dma_start3A_173] : memref<102400x128xf32, #tpu.memory_space<hbm>> -> memref<80x128xf32, #tpu.memory_space<hbm>>
        tpu.enqueue_dma source(%dma_start3A_174 : memref<80x128xf32, #tpu.memory_space<hbm>>) target(%arg14 : memref<80x128xf32, #tpu.memory_space<vmem>>) target_semaphore(%arg19 : memref<!tpu.dma_semaphore, #tpu.memory_space<semaphore_mem>>)
      } else {
      }
      %dma_wait3A_73 = arith.constant 0 : i32
      %dma_wait3A_74 = arith.constant 0 : i32
      %dma_wait3A_75 = tpu.memref_slice %arg2[%dma_wait3A_73, %dma_wait3A_74] : memref<10000x128xf32, #tpu.memory_space<hbm>> -> memref<10000x128xf32, #tpu.memory_space<hbm>>
      tpu.wait_indirect_dma semaphore(%arg16 : memref<!tpu.dma_semaphore, #tpu.memory_space<semaphore_mem>>) src(%dma_wait3A_75 : memref<10000x128xf32, #tpu.memory_space<hbm>>) dst(%arg11 : memref<80x128xf32, #tpu.memory_space<vmem>>)
      %dma_wait3A_76 = arith.constant 0 : i32
      %dma_wait3A_77 = arith.constant 0 : i32
      %dma_wait3A_78 = tpu.memref_slice %arg3[%dma_wait3A_76, %dma_wait3A_77] : memref<102400x128xf32, #tpu.memory_space<hbm>> -> memref<80x128xf32, #tpu.memory_space<hbm>>
      %dma_wait3A_79 = arith.constant 0 : i32
      %dma_wait3A_80 = arith.constant 0 : i32
      %dma_wait3A_81 = tpu.memref_slice %arg3[%dma_wait3A_79, %dma_wait3A_80] : memref<102400x128xf32, #tpu.memory_space<hbm>> -> memref<80x128xf32, #tpu.memory_space<hbm>>
      tpu.wait_dma2 semaphore(%arg18 : memref<!tpu.dma_semaphore, #tpu.memory_space<semaphore_mem>>) src(%dma_wait3A_81 : memref<80x128xf32, #tpu.memory_space<hbm>>) dst(%arg13 : memref<80x128xf32, #tpu.memory_space<vmem>>)
      %add3A_82 = arith.constant 2 : i32
      %add3A_83 = arith.addi %add3A_63, %add3A_82 : i32
      %lt3A_84 = arith.constant 40 : i32
      %lt3A_85 = arith.cmpi slt, %add3A_83, %lt3A_84 : i32
      %convert_element_type3A_86 = arith.extui %lt3A_85 : i1 to i32
      %cond3A_87 = arith.constant 0 : i32
      %cond3A_88 = arith.cmpi ne, %convert_element_type3A_86, %cond3A_87 : i32
      scf.if %cond3A_88 {
        %add3A_152 = arith.constant 2 : i32
        %add3A_153 = arith.addi %add3A_63, %add3A_152 : i32
        %mul3A_154 = arith.constant 80 : i32
        %mul3A_155 = arith.muli %add3A_153, %mul3A_154 : i32
        %add3A_156 = arith.addi %add3A_6, %mul3A_155 : i32
        %dma_start3A_157 = tpu.memref_slice %arg4[%add3A_156] : memref<320000xi32, #tpu.memory_space<hbm>> -> memref<80xi32, #tpu.memory_space<hbm>>
        %dma_start3A_158 = tpu.memref_slice %arg4[%add3A_156] : memref<320000xi32, #tpu.memory_space<hbm>> -> memref<80xi32, #tpu.memory_space<hbm>>
        tpu.enqueue_dma source(%dma_start3A_158 : memref<80xi32, #tpu.memory_space<hbm>>) target(%arg7 : memref<80xi32, #tpu.memory_space<vmem>>) target_semaphore(%arg20 : memref<!tpu.dma_semaphore, #tpu.memory_space<semaphore_mem>>)
      } else {
      }
      %scan3A_89 = arith.constant 0 : i32
      %scan3A_90 = arith.constant 0 : i32
      %scan3A_91 = arith.constant 80 : i32
      %scan3A_92 = arith.addi %scan3A_90, %scan3A_91 : i32
      %scan3A_93 = arith.constant 1 : i32
      %scan3A_94 = scf.for %scan3A_152 = %scan3A_90 to %scan3A_92 step %scan3A_93 iter_args(%scan3A_153 = %scan3A_89) -> (i32)  : i32 {
        %get3A = arith.index_cast %scan3A_152 : i32 to index
        %get3A_154 = arith.constant 0 : index
        %get3A_155 = tpu.vector_load %arg11[%get3A, %get3A_154] {strides = array<i32>} : memref<80x128xf32, #tpu.memory_space<vmem>>, vector<1x16xf32>,
        %get3A_156 = vector.shape_cast %get3A_155 : vector<1x16xf32> to vector<16xf32>
        %get3A_157 = arith.index_cast %scan3A_152 : i32 to index
        %get3A_158 = arith.constant 0 : index
        %get3A_159 = tpu.vector_load %arg13[%get3A_157, %get3A_158] {strides = array<i32>} : memref<80x128xf32, #tpu.memory_space<vmem>>, vector<1x16xf32>,
        %get3A_160 = vector.shape_cast %get3A_159 : vector<1x16xf32> to vector<16xf32>
        %mul3A_161 = arith.mulf %get3A_156, %get3A_160 : vector<16xf32>
        %swap3A = arith.index_cast %scan3A_152 : i32 to index
        %swap3A_162 = arith.constant 0 : index
        %swap3A_163 = tpu.vector_load %arg11[%swap3A, %swap3A_162] {strides = array<i32>} : memref<80x128xf32, #tpu.memory_space<vmem>>, vector<1x16xf32>,
        %swap3A_164 = vector.shape_cast %swap3A_163 : vector<1x16xf32> to vector<16xf32>
        %swap3A_165 = vector.shape_cast %mul3A_161 : vector<16xf32> to vector<1x16xf32>
        tpu.vector_store %arg11[%swap3A, %swap3A_162], %swap3A_165 {strides = array<i32>} : memref<80x128xf32, #tpu.memory_space<vmem>>, vector<1x16xf32>,
        %get3A_166 = arith.index_cast %scan3A_152 : i32 to index
        %get3A_167 = arith.constant 16 : index
        %get3A_168 = tpu.vector_load %arg11[%get3A_166, %get3A_167] {strides = array<i32>} : memref<80x128xf32, #tpu.memory_space<vmem>>, vector<1x16xf32>,
        %get3A_169 = vector.shape_cast %get3A_168 : vector<1x16xf32> to vector<16xf32>
        %get3A_170 = arith.index_cast %scan3A_152 : i32 to index
        %get3A_171 = arith.constant 16 : index
        %get3A_172 = tpu.vector_load %arg13[%get3A_170, %get3A_171] {strides = array<i32>} : memref<80x128xf32, #tpu.memory_space<vmem>>, vector<1x16xf32>,
        %get3A_173 = vector.shape_cast %get3A_172 : vector<1x16xf32> to vector<16xf32>
        %mul3A_174 = arith.mulf %get3A_169, %get3A_173 : vector<16xf32>
        %swap3A_175 = arith.index_cast %scan3A_152 : i32 to index
        %swap3A_176 = arith.constant 16 : index
        %swap3A_177 = tpu.vector_load %arg11[%swap3A_175, %swap3A_176] {strides = array<i32>} : memref<80x128xf32, #tpu.memory_space<vmem>>, vector<1x16xf32>,
        %swap3A_178 = vector.shape_cast %swap3A_177 : vector<1x16xf32> to vector<16xf32>
        %swap3A_179 = vector.shape_cast %mul3A_174 : vector<16xf32> to vector<1x16xf32>
        tpu.vector_store %arg11[%swap3A_175, %swap3A_176], %swap3A_179 {strides = array<i32>} : memref<80x128xf32, #tpu.memory_space<vmem>>, vector<1x16xf32>,
        %get3A_180 = arith.index_cast %scan3A_152 : i32 to index
        %get3A_181 = arith.constant 32 : index
        %get3A_182 = tpu.vector_load %arg11[%get3A_180, %get3A_181] {strides = array<i32>} : memref<80x128xf32, #tpu.memory_space<vmem>>, vector<1x16xf32>,
        %get3A_183 = vector.shape_cast %get3A_182 : vector<1x16xf32> to vector<16xf32>
        %get3A_184 = arith.index_cast %scan3A_152 : i32 to index
        %get3A_185 = arith.constant 32 : index
        %get3A_186 = tpu.vector_load %arg13[%get3A_184, %get3A_185] {strides = array<i32>} : memref<80x128xf32, #tpu.memory_space<vmem>>, vector<1x16xf32>,
        %get3A_187 = vector.shape_cast %get3A_186 : vector<1x16xf32> to vector<16xf32>
        %mul3A_188 = arith.mulf %get3A_183, %get3A_187 : vector<16xf32>
        %swap3A_189 = arith.index_cast %scan3A_152 : i32 to index
        %swap3A_190 = arith.constant 32 : index
        %swap3A_191 = tpu.vector_load %arg11[%swap3A_189, %swap3A_190] {strides = array<i32>} : memref<80x128xf32, #tpu.memory_space<vmem>>, vector<1x16xf32>,
        %swap3A_192 = vector.shape_cast %swap3A_191 : vector<1x16xf32> to vector<16xf32>
        %swap3A_193 = vector.shape_cast %mul3A_188 : vector<16xf32> to vector<1x16xf32>
        tpu.vector_store %arg11[%swap3A_189, %swap3A_190], %swap3A_193 {strides = array<i32>} : memref<80x128xf32, #tpu.memory_space<vmem>>, vector<1x16xf32>,
        %get3A_194 = arith.index_cast %scan3A_152 : i32 to index
        %get3A_195 = arith.constant 48 : index
        %get3A_196 = tpu.vector_load %arg11[%get3A_194, %get3A_195] {strides = array<i32>} : memref<80x128xf32, #tpu.memory_space<vmem>>, vector<1x16xf32>,
        %get3A_197 = vector.shape_cast %get3A_196 : vector<1x16xf32> to vector<16xf32>
        %get3A_198 = arith.index_cast %scan3A_152 : i32 to index
        %get3A_199 = arith.constant 48 : index
        %get3A_200 = tpu.vector_load %arg13[%get3A_198, %get3A_199] {strides = array<i32>} : memref<80x128xf32, #tpu.memory_space<vmem>>, vector<1x16xf32>,
        %get3A_201 = vector.shape_cast %get3A_200 : vector<1x16xf32> to vector<16xf32>
        %mul3A_202 = arith.mulf %get3A_197, %get3A_201 : vector<16xf32>
        %swap3A_203 = arith.index_cast %scan3A_152 : i32 to index
        %swap3A_204 = arith.constant 48 : index
        %swap3A_205 = tpu.vector_load %arg11[%swap3A_203, %swap3A_204] {strides = array<i32>} : memref<80x128xf32, #tpu.memory_space<vmem>>, vector<1x16xf32>,
        %swap3A_206 = vector.shape_cast %swap3A_205 : vector<1x16xf32> to vector<16xf32>
        %swap3A_207 = vector.shape_cast %mul3A_202 : vector<16xf32> to vector<1x16xf32>
        tpu.vector_store %arg11[%swap3A_203, %swap3A_204], %swap3A_207 {strides = array<i32>} : memref<80x128xf32, #tpu.memory_space<vmem>>, vector<1x16xf32>,
        %get3A_208 = arith.index_cast %scan3A_152 : i32 to index
        %get3A_209 = arith.constant 64 : index
        %get3A_210 = tpu.vector_load %arg11[%get3A_208, %get3A_209] {strides = array<i32>} : memref<80x128xf32, #tpu.memory_space<vmem>>, vector<1x16xf32>,
        %get3A_211 = vector.shape_cast %get3A_210 : vector<1x16xf32> to vector<16xf32>
        %get3A_212 = arith.index_cast %scan3A_152 : i32 to index
        %get3A_213 = arith.constant 64 : index
        %get3A_214 = tpu.vector_load %arg13[%get3A_212, %get3A_213] {strides = array<i32>} : memref<80x128xf32, #tpu.memory_space<vmem>>, vector<1x16xf32>,
        %get3A_215 = vector.shape_cast %get3A_214 : vector<1x16xf32> to vector<16xf32>
        %mul3A_216 = arith.mulf %get3A_211, %get3A_215 : vector<16xf32>
        %swap3A_217 = arith.index_cast %scan3A_152 : i32 to index
        %swap3A_218 = arith.constant 64 : index
        %swap3A_219 = tpu.vector_load %arg11[%swap3A_217, %swap3A_218] {strides = array<i32>} : memref<80x128xf32, #tpu.memory_space<vmem>>, vector<1x16xf32>,
        %swap3A_220 = vector.shape_cast %swap3A_219 : vector<1x16xf32> to vector<16xf32>
        %swap3A_221 = vector.shape_cast %mul3A_216 : vector<16xf32> to vector<1x16xf32>
        tpu.vector_store %arg11[%swap3A_217, %swap3A_218], %swap3A_221 {strides = array<i32>} : memref<80x128xf32, #tpu.memory_space<vmem>>, vector<1x16xf32>,
        %get3A_222 = arith.index_cast %scan3A_152 : i32 to index
        %get3A_223 = arith.constant 80 : index
        %get3A_224 = tpu.vector_load %arg11[%get3A_222, %get3A_223] {strides = array<i32>} : memref<80x128xf32, #tpu.memory_space<vmem>>, vector<1x16xf32>,
        %get3A_225 = vector.shape_cast %get3A_224 : vector<1x16xf32> to vector<16xf32>
        %get3A_226 = arith.index_cast %scan3A_152 : i32 to index
        %get3A_227 = arith.constant 80 : index
        %get3A_228 = tpu.vector_load %arg13[%get3A_226, %get3A_227] {strides = array<i32>} : memref<80x128xf32, #tpu.memory_space<vmem>>, vector<1x16xf32>,
        %get3A_229 = vector.shape_cast %get3A_228 : vector<1x16xf32> to vector<16xf32>
        %mul3A_230 = arith.mulf %get3A_225, %get3A_229 : vector<16xf32>
        %swap3A_231 = arith.index_cast %scan3A_152 : i32 to index
        %swap3A_232 = arith.constant 80 : index
        %swap3A_233 = tpu.vector_load %arg11[%swap3A_231, %swap3A_232] {strides = array<i32>} : memref<80x128xf32, #tpu.memory_space<vmem>>, vector<1x16xf32>,
        %swap3A_234 = vector.shape_cast %swap3A_233 : vector<1x16xf32> to vector<16xf32>
        %swap3A_235 = vector.shape_cast %mul3A_230 : vector<16xf32> to vector<1x16xf32>
        tpu.vector_store %arg11[%swap3A_231, %swap3A_232], %swap3A_235 {strides = array<i32>} : memref<80x128xf32, #tpu.memory_space<vmem>>, vector<1x16xf32>,
        %get3A_236 = arith.index_cast %scan3A_152 : i32 to index
        %get3A_237 = arith.constant 96 : index
        %get3A_238 = tpu.vector_load %arg11[%get3A_236, %get3A_237] {strides = array<i32>} : memref<80x128xf32, #tpu.memory_space<vmem>>, vector<1x16xf32>,
        %get3A_239 = vector.shape_cast %get3A_238 : vector<1x16xf32> to vector<16xf32>
        %get3A_240 = arith.index_cast %scan3A_152 : i32 to index
        %get3A_241 = arith.constant 96 : index
        %get3A_242 = tpu.vector_load %arg13[%get3A_240, %get3A_241] {strides = array<i32>} : memref<80x128xf32, #tpu.memory_space<vmem>>, vector<1x16xf32>,
        %get3A_243 = vector.shape_cast %get3A_242 : vector<1x16xf32> to vector<16xf32>
        %mul3A_244 = arith.mulf %get3A_239, %get3A_243 : vector<16xf32>
        %swap3A_245 = arith.index_cast %scan3A_152 : i32 to index
        %swap3A_246 = arith.constant 96 : index
        %swap3A_247 = tpu.vector_load %arg11[%swap3A_245, %swap3A_246] {strides = array<i32>} : memref<80x128xf32, #tpu.memory_space<vmem>>, vector<1x16xf32>,
        %swap3A_248 = vector.shape_cast %swap3A_247 : vector<1x16xf32> to vector<16xf32>
        %swap3A_249 = vector.shape_cast %mul3A_244 : vector<16xf32> to vector<1x16xf32>
        tpu.vector_store %arg11[%swap3A_245, %swap3A_246], %swap3A_249 {strides = array<i32>} : memref<80x128xf32, #tpu.memory_space<vmem>>, vector<1x16xf32>,
        %get3A_250 = arith.index_cast %scan3A_152 : i32 to index
        %get3A_251 = arith.constant 112 : index
        %get3A_252 = tpu.vector_load %arg11[%get3A_250, %get3A_251] {strides = array<i32>} : memref<80x128xf32, #tpu.memory_space<vmem>>, vector<1x16xf32>,
        %get3A_253 = vector.shape_cast %get3A_252 : vector<1x16xf32> to vector<16xf32>
        %get3A_254 = arith.index_cast %scan3A_152 : i32 to index
        %get3A_255 = arith.constant 112 : index
        %get3A_256 = tpu.vector_load %arg13[%get3A_254, %get3A_255] {strides = array<i32>} : memref<80x128xf32, #tpu.memory_space<vmem>>, vector<1x16xf32>,
        %get3A_257 = vector.shape_cast %get3A_256 : vector<1x16xf32> to vector<16xf32>
        %mul3A_258 = arith.mulf %get3A_253, %get3A_257 : vector<16xf32>
        %swap3A_259 = arith.index_cast %scan3A_152 : i32 to index
        %swap3A_260 = arith.constant 112 : index
        %swap3A_261 = tpu.vector_load %arg11[%swap3A_259, %swap3A_260] {strides = array<i32>} : memref<80x128xf32, #tpu.memory_space<vmem>>, vector<1x16xf32>,
        %swap3A_262 = vector.shape_cast %swap3A_261 : vector<1x16xf32> to vector<16xf32>
        %swap3A_263 = vector.shape_cast %mul3A_258 : vector<16xf32> to vector<1x16xf32>
        tpu.vector_store %arg11[%swap3A_259, %swap3A_260], %swap3A_263 {strides = array<i32>} : memref<80x128xf32, #tpu.memory_space<vmem>>, vector<1x16xf32>,
        %scan3A_264 = arith.constant 0 : i32
        scf.yield %scan3A_264 : i32
      }
      %scan3A_95 = arith.constant 80 : i32
      %dma_wait3A_96 = arith.constant 0 : i32
      %dma_wait3A_97 = tpu.memref_slice %arg5[%dma_wait3A_96] : memref<320000xi32, #tpu.memory_space<hbm>> -> memref<80xi32, #tpu.memory_space<hbm>>
      %dma_wait3A_98 = arith.constant 0 : i32
      %dma_wait3A_99 = tpu.memref_slice %arg5[%dma_wait3A_98] : memref<320000xi32, #tpu.memory_space<hbm>> -> memref<80xi32, #tpu.memory_space<hbm>>
      tpu.wait_dma2 semaphore(%arg22 : memref<!tpu.dma_semaphore, #tpu.memory_space<semaphore_mem>>) src(%dma_wait3A_99 : memref<80xi32, #tpu.memory_space<hbm>>) dst(%arg9 : memref<80xi32, #tpu.memory_space<vmem>>)
      %dma_start3A_100 = arith.constant 0 : i32
      %dma_start3A_101 = arith.constant 0 : i32
      %dma_start3A_102 = tpu.memref_slice %arg15[%dma_start3A_100, %dma_start3A_101] : memref<10240x128xf32, #tpu.memory_space<vmem_shared>> -> memref<10240x128xf32, #tpu.memory_space<vmem_shared>>
      tpu.enqueue_indirect_dma source(%arg11 : memref<80x128xf32, #tpu.memory_space<vmem>>) target(%dma_start3A_102 : memref<10240x128xf32, #tpu.memory_space<vmem_shared>>) offsets(%arg9 : memref<80xi32, #tpu.memory_space<vmem>>) semaphore(%arg24 : memref<!tpu.dma_semaphore, #tpu.memory_space<semaphore_mem>>) {add = true}
      %mul3A_103 = arith.constant 2 : i32
      %mul3A_104 = arith.muli %mul3A_103, %scan3A_58 : i32
      %add3A_105 = arith.constant 1 : i32
      %add3A_106 = arith.addi %mul3A_104, %add3A_105 : i32
      %gt3A_107 = arith.constant 0 : i32
      %gt3A_108 = arith.cmpi sgt, %scan3A_58, %gt3A_107 : i32
      %or3A_109 = arith.constant true
      %or3A_110 = arith.ori %gt3A_108, %or3A_109 : i1
      %convert_element_type3A_111 = arith.extui %or3A_110 : i1 to i32
      %cond3A_112 = arith.constant 0 : i32
      %cond3A_113 = arith.cmpi ne, %convert_element_type3A_111, %cond3A_112 : i32
      scf.if %cond3A_113 {
        %dma_wait3A_152 = arith.constant 0 : i32
        %dma_wait3A_153 = arith.constant 0 : i32
        %dma_wait3A_154 = tpu.memref_slice %arg15[%dma_wait3A_152, %dma_wait3A_153] : memref<10240x128xf32, #tpu.memory_space<vmem_shared>> -> memref<10240x128xf32, #tpu.memory_space<vmem_shared>>
        tpu.wait_indirect_dma semaphore(%arg24 : memref<!tpu.dma_semaphore, #tpu.memory_space<semaphore_mem>>) src(%arg11 : memref<80x128xf32, #tpu.memory_space<vmem>>) dst(%dma_wait3A_154 : memref<10240x128xf32, #tpu.memory_space<vmem_shared>>)
      } else {
      }
      %add3A_114 = arith.constant 1 : i32
      %add3A_115 = arith.addi %add3A_106, %add3A_114 : i32
      %lt3A_116 = arith.constant 40 : i32
      %lt3A_117 = arith.cmpi slt, %add3A_115, %lt3A_116 : i32
      %convert_element_type3A_118 = arith.extui %lt3A_117 : i1 to i32
      %cond3A_119 = arith.constant 0 : i32
      %cond3A_120 = arith.cmpi ne, %convert_element_type3A_118, %cond3A_119 : i32
      scf.if %cond3A_120 {
        %add3A_152 = arith.constant 1 : i32
        %add3A_153 = arith.addi %add3A_106, %add3A_152 : i32
        %mul3A_154 = arith.constant 80 : i32
        %mul3A_155 = arith.muli %add3A_153, %mul3A_154 : i32
        %add3A_156 = arith.addi %add3A_6, %mul3A_155 : i32
        %dma_start3A_157 = tpu.memref_slice %arg5[%add3A_156] : memref<320000xi32, #tpu.memory_space<hbm>> -> memref<80xi32, #tpu.memory_space<hbm>>
        %dma_start3A_158 = tpu.memref_slice %arg5[%add3A_156] : memref<320000xi32, #tpu.memory_space<hbm>> -> memref<80xi32, #tpu.memory_space<hbm>>
        tpu.enqueue_dma source(%dma_start3A_158 : memref<80xi32, #tpu.memory_space<hbm>>) target(%arg9 : memref<80xi32, #tpu.memory_space<vmem>>) target_semaphore(%arg22 : memref<!tpu.dma_semaphore, #tpu.memory_space<semaphore_mem>>)
        %dma_wait3A_159 = arith.constant 0 : i32
        %dma_wait3A_160 = tpu.memref_slice %arg4[%dma_wait3A_159] : memref<320000xi32, #tpu.memory_space<hbm>> -> memref<80xi32, #tpu.memory_space<hbm>>
        %dma_wait3A_161 = arith.constant 0 : i32
        %dma_wait3A_162 = tpu.memref_slice %arg4[%dma_wait3A_161] : memref<320000xi32, #tpu.memory_space<hbm>> -> memref<80xi32, #tpu.memory_space<hbm>>
        tpu.wait_dma2 semaphore(%arg20 : memref<!tpu.dma_semaphore, #tpu.memory_space<semaphore_mem>>) src(%dma_wait3A_162 : memref<80xi32, #tpu.memory_space<hbm>>) dst(%arg7 : memref<80xi32, #tpu.memory_space<vmem>>)
        %add3A_163 = arith.constant 1 : i32
        %add3A_164 = arith.addi %add3A_106, %add3A_163 : i32
        %dma_start3A_165 = arith.constant 0 : i32
        %dma_start3A_166 = arith.constant 0 : i32
        %dma_start3A_167 = tpu.memref_slice %arg2[%dma_start3A_165, %dma_start3A_166] : memref<10000x128xf32, #tpu.memory_space<hbm>> -> memref<10000x128xf32, #tpu.memory_space<hbm>>
        tpu.enqueue_indirect_dma source(%dma_start3A_167 : memref<10000x128xf32, #tpu.memory_space<hbm>>) target(%arg11 : memref<80x128xf32, #tpu.memory_space<vmem>>) offsets(%arg7 : memref<80xi32, #tpu.memory_space<vmem>>) semaphore(%arg16 : memref<!tpu.dma_semaphore, #tpu.memory_space<semaphore_mem>>)
        %mul3A_168 = arith.constant 80 : i32
        %mul3A_169 = arith.muli %add3A_164, %mul3A_168 : i32
        %add3A_170 = arith.addi %mul3A_4, %mul3A_169 : i32
        %dma_start3A_171 = arith.constant 0 : i32
        %dma_start3A_172 = tpu.memref_slice %arg3[%add3A_170, %dma_start3A_171] : memref<102400x128xf32, #tpu.memory_space<hbm>> -> memref<80x128xf32, #tpu.memory_space<hbm>>
        %dma_start3A_173 = arith.constant 0 : i32
        %dma_start3A_174 = tpu.memref_slice %arg3[%add3A_170, %dma_start3A_173] : memref<102400x128xf32, #tpu.memory_space<hbm>> -> memref<80x128xf32, #tpu.memory_space<hbm>>
        tpu.enqueue_dma source(%dma_start3A_174 : memref<80x128xf32, #tpu.memory_space<hbm>>) target(%arg13 : memref<80x128xf32, #tpu.memory_space<vmem>>) target_semaphore(%arg18 : memref<!tpu.dma_semaphore, #tpu.memory_space<semaphore_mem>>)
      } else {
      }
      %dma_wait3A_121 = arith.constant 0 : i32
      %dma_wait3A_122 = arith.constant 0 : i32
      %dma_wait3A_123 = tpu.memref_slice %arg2[%dma_wait3A_121, %dma_wait3A_122] : memref<10000x128xf32, #tpu.memory_space<hbm>> -> memref<10000x128xf32, #tpu.memory_space<hbm>>
      tpu.wait_indirect_dma semaphore(%arg17 : memref<!tpu.dma_semaphore, #tpu.memory_space<semaphore_mem>>) src(%dma_wait3A_123 : memref<10000x128xf32, #tpu.memory_space<hbm>>) dst(%arg12 : memref<80x128xf32, #tpu.memory_space<vmem>>)
      %dma_wait3A_124 = arith.constant 0 : i32
      %dma_wait3A_125 = arith.constant 0 : i32
      %dma_wait3A_126 = tpu.memref_slice %arg3[%dma_wait3A_124, %dma_wait3A_125] : memref<102400x128xf32, #tpu.memory_space<hbm>> -> memref<80x128xf32, #tpu.memory_space<hbm>>
      %dma_wait3A_127 = arith.constant 0 : i32
      %dma_wait3A_128 = arith.constant 0 : i32
      %dma_wait3A_129 = tpu.memref_slice %arg3[%dma_wait3A_127, %dma_wait3A_128] : memref<102400x128xf32, #tpu.memory_space<hbm>> -> memref<80x128xf32, #tpu.memory_space<hbm>>
      tpu.wait_dma2 semaphore(%arg19 : memref<!tpu.dma_semaphore, #tpu.memory_space<semaphore_mem>>) src(%dma_wait3A_129 : memref<80x128xf32, #tpu.memory_space<hbm>>) dst(%arg14 : memref<80x128xf32, #tpu.memory_space<vmem>>)
      %add3A_130 = arith.constant 2 : i32
      %add3A_131 = arith.addi %add3A_106, %add3A_130 : i32
      %lt3A_132 = arith.constant 40 : i32
      %lt3A_133 = arith.cmpi slt, %add3A_131, %lt3A_132 : i32
      %convert_element_type3A_134 = arith.extui %lt3A_133 : i1 to i32
      %cond3A_135 = arith.constant 0 : i32
      %cond3A_136 = arith.cmpi ne, %convert_element_type3A_134, %cond3A_135 : i32
      scf.if %cond3A_136 {
        %add3A_152 = arith.constant 2 : i32
        %add3A_153 = arith.addi %add3A_106, %add3A_152 : i32
        %mul3A_154 = arith.constant 80 : i32
        %mul3A_155 = arith.muli %add3A_153, %mul3A_154 : i32
        %add3A_156 = arith.addi %add3A_6, %mul3A_155 : i32
        %dma_start3A_157 = tpu.memref_slice %arg4[%add3A_156] : memref<320000xi32, #tpu.memory_space<hbm>> -> memref<80xi32, #tpu.memory_space<hbm>>
        %dma_start3A_158 = tpu.memref_slice %arg4[%add3A_156] : memref<320000xi32, #tpu.memory_space<hbm>> -> memref<80xi32, #tpu.memory_space<hbm>>
        tpu.enqueue_dma source(%dma_start3A_158 : memref<80xi32, #tpu.memory_space<hbm>>) target(%arg8 : memref<80xi32, #tpu.memory_space<vmem>>) target_semaphore(%arg21 : memref<!tpu.dma_semaphore, #tpu.memory_space<semaphore_mem>>)
      } else {
      }
      %scan3A_137 = arith.constant 0 : i32
      %scan3A_138 = arith.constant 0 : i32
      %scan3A_139 = arith.constant 80 : i32
      %scan3A_140 = arith.addi %scan3A_138, %scan3A_139 : i32
      %scan3A_141 = arith.constant 1 : i32
      %scan3A_142 = scf.for %scan3A_152 = %scan3A_138 to %scan3A_140 step %scan3A_141 iter_args(%scan3A_153 = %scan3A_137) -> (i32)  : i32 {
        %get3A = arith.index_cast %scan3A_152 : i32 to index
        %get3A_154 = arith.constant 0 : index
        %get3A_155 = tpu.vector_load %arg12[%get3A, %get3A_154] {strides = array<i32>} : memref<80x128xf32, #tpu.memory_space<vmem>>, vector<1x16xf32>,
        %get3A_156 = vector.shape_cast %get3A_155 : vector<1x16xf32> to vector<16xf32>
        %get3A_157 = arith.index_cast %scan3A_152 : i32 to index
        %get3A_158 = arith.constant 0 : index
        %get3A_159 = tpu.vector_load %arg14[%get3A_157, %get3A_158] {strides = array<i32>} : memref<80x128xf32, #tpu.memory_space<vmem>>, vector<1x16xf32>,
        %get3A_160 = vector.shape_cast %get3A_159 : vector<1x16xf32> to vector<16xf32>
        %mul3A_161 = arith.mulf %get3A_156, %get3A_160 : vector<16xf32>
        %swap3A = arith.index_cast %scan3A_152 : i32 to index
        %swap3A_162 = arith.constant 0 : index
        %swap3A_163 = tpu.vector_load %arg12[%swap3A, %swap3A_162] {strides = array<i32>} : memref<80x128xf32, #tpu.memory_space<vmem>>, vector<1x16xf32>,
        %swap3A_164 = vector.shape_cast %swap3A_163 : vector<1x16xf32> to vector<16xf32>
        %swap3A_165 = vector.shape_cast %mul3A_161 : vector<16xf32> to vector<1x16xf32>
        tpu.vector_store %arg12[%swap3A, %swap3A_162], %swap3A_165 {strides = array<i32>} : memref<80x128xf32, #tpu.memory_space<vmem>>, vector<1x16xf32>,
        %get3A_166 = arith.index_cast %scan3A_152 : i32 to index
        %get3A_167 = arith.constant 16 : index
        %get3A_168 = tpu.vector_load %arg12[%get3A_166, %get3A_167] {strides = array<i32>} : memref<80x128xf32, #tpu.memory_space<vmem>>, vector<1x16xf32>,
        %get3A_169 = vector.shape_cast %get3A_168 : vector<1x16xf32> to vector<16xf32>
        %get3A_170 = arith.index_cast %scan3A_152 : i32 to index
        %get3A_171 = arith.constant 16 : index
        %get3A_172 = tpu.vector_load %arg14[%get3A_170, %get3A_171] {strides = array<i32>} : memref<80x128xf32, #tpu.memory_space<vmem>>, vector<1x16xf32>,
        %get3A_173 = vector.shape_cast %get3A_172 : vector<1x16xf32> to vector<16xf32>
        %mul3A_174 = arith.mulf %get3A_169, %get3A_173 : vector<16xf32>
        %swap3A_175 = arith.index_cast %scan3A_152 : i32 to index
        %swap3A_176 = arith.constant 16 : index
        %swap3A_177 = tpu.vector_load %arg12[%swap3A_175, %swap3A_176] {strides = array<i32>} : memref<80x128xf32, #tpu.memory_space<vmem>>, vector<1x16xf32>,
        %swap3A_178 = vector.shape_cast %swap3A_177 : vector<1x16xf32> to vector<16xf32>
        %swap3A_179 = vector.shape_cast %mul3A_174 : vector<16xf32> to vector<1x16xf32>
        tpu.vector_store %arg12[%swap3A_175, %swap3A_176], %swap3A_179 {strides = array<i32>} : memref<80x128xf32, #tpu.memory_space<vmem>>, vector<1x16xf32>,
        %get3A_180 = arith.index_cast %scan3A_152 : i32 to index
        %get3A_181 = arith.constant 32 : index
        %get3A_182 = tpu.vector_load %arg12[%get3A_180, %get3A_181] {strides = array<i32>} : memref<80x128xf32, #tpu.memory_space<vmem>>, vector<1x16xf32>,
        %get3A_183 = vector.shape_cast %get3A_182 : vector<1x16xf32> to vector<16xf32>
        %get3A_184 = arith.index_cast %scan3A_152 : i32 to index
        %get3A_185 = arith.constant 32 : index
        %get3A_186 = tpu.vector_load %arg14[%get3A_184, %get3A_185] {strides = array<i32>} : memref<80x128xf32, #tpu.memory_space<vmem>>, vector<1x16xf32>,
        %get3A_187 = vector.shape_cast %get3A_186 : vector<1x16xf32> to vector<16xf32>
        %mul3A_188 = arith.mulf %get3A_183, %get3A_187 : vector<16xf32>
        %swap3A_189 = arith.index_cast %scan3A_152 : i32 to index
        %swap3A_190 = arith.constant 32 : index
        %swap3A_191 = tpu.vector_load %arg12[%swap3A_189, %swap3A_190] {strides = array<i32>} : memref<80x128xf32, #tpu.memory_space<vmem>>, vector<1x16xf32>,
        %swap3A_192 = vector.shape_cast %swap3A_191 : vector<1x16xf32> to vector<16xf32>
        %swap3A_193 = vector.shape_cast %mul3A_188 : vector<16xf32> to vector<1x16xf32>
        tpu.vector_store %arg12[%swap3A_189, %swap3A_190], %swap3A_193 {strides = array<i32>} : memref<80x128xf32, #tpu.memory_space<vmem>>, vector<1x16xf32>,
        %get3A_194 = arith.index_cast %scan3A_152 : i32 to index
        %get3A_195 = arith.constant 48 : index
        %get3A_196 = tpu.vector_load %arg12[%get3A_194, %get3A_195] {strides = array<i32>} : memref<80x128xf32, #tpu.memory_space<vmem>>, vector<1x16xf32>,
        %get3A_197 = vector.shape_cast %get3A_196 : vector<1x16xf32> to vector<16xf32>
        %get3A_198 = arith.index_cast %scan3A_152 : i32 to index
        %get3A_199 = arith.constant 48 : index
        %get3A_200 = tpu.vector_load %arg14[%get3A_198, %get3A_199] {strides = array<i32>} : memref<80x128xf32, #tpu.memory_space<vmem>>, vector<1x16xf32>,
        %get3A_201 = vector.shape_cast %get3A_200 : vector<1x16xf32> to vector<16xf32>
        %mul3A_202 = arith.mulf %get3A_197, %get3A_201 : vector<16xf32>
        %swap3A_203 = arith.index_cast %scan3A_152 : i32 to index
        %swap3A_204 = arith.constant 48 : index
        %swap3A_205 = tpu.vector_load %arg12[%swap3A_203, %swap3A_204] {strides = array<i32>} : memref<80x128xf32, #tpu.memory_space<vmem>>, vector<1x16xf32>,
        %swap3A_206 = vector.shape_cast %swap3A_205 : vector<1x16xf32> to vector<16xf32>
        %swap3A_207 = vector.shape_cast %mul3A_202 : vector<16xf32> to vector<1x16xf32>
        tpu.vector_store %arg12[%swap3A_203, %swap3A_204], %swap3A_207 {strides = array<i32>} : memref<80x128xf32, #tpu.memory_space<vmem>>, vector<1x16xf32>,
        %get3A_208 = arith.index_cast %scan3A_152 : i32 to index
        %get3A_209 = arith.constant 64 : index
        %get3A_210 = tpu.vector_load %arg12[%get3A_208, %get3A_209] {strides = array<i32>} : memref<80x128xf32, #tpu.memory_space<vmem>>, vector<1x16xf32>,
        %get3A_211 = vector.shape_cast %get3A_210 : vector<1x16xf32> to vector<16xf32>
        %get3A_212 = arith.index_cast %scan3A_152 : i32 to index
        %get3A_213 = arith.constant 64 : index
        %get3A_214 = tpu.vector_load %arg14[%get3A_212, %get3A_213] {strides = array<i32>} : memref<80x128xf32, #tpu.memory_space<vmem>>, vector<1x16xf32>,
        %get3A_215 = vector.shape_cast %get3A_214 : vector<1x16xf32> to vector<16xf32>
        %mul3A_216 = arith.mulf %get3A_211, %get3A_215 : vector<16xf32>
        %swap3A_217 = arith.index_cast %scan3A_152 : i32 to index
        %swap3A_218 = arith.constant 64 : index
        %swap3A_219 = tpu.vector_load %arg12[%swap3A_217, %swap3A_218] {strides = array<i32>} : memref<80x128xf32, #tpu.memory_space<vmem>>, vector<1x16xf32>,
        %swap3A_220 = vector.shape_cast %swap3A_219 : vector<1x16xf32> to vector<16xf32>
        %swap3A_221 = vector.shape_cast %mul3A_216 : vector<16xf32> to vector<1x16xf32>
        tpu.vector_store %arg12[%swap3A_217, %swap3A_218], %swap3A_221 {strides = array<i32>} : memref<80x128xf32, #tpu.memory_space<vmem>>, vector<1x16xf32>,
        %get3A_222 = arith.index_cast %scan3A_152 : i32 to index
        %get3A_223 = arith.constant 80 : index
        %get3A_224 = tpu.vector_load %arg12[%get3A_222, %get3A_223] {strides = array<i32>} : memref<80x128xf32, #tpu.memory_space<vmem>>, vector<1x16xf32>,
        %get3A_225 = vector.shape_cast %get3A_224 : vector<1x16xf32> to vector<16xf32>
        %get3A_226 = arith.index_cast %scan3A_152 : i32 to index
        %get3A_227 = arith.constant 80 : index
        %get3A_228 = tpu.vector_load %arg14[%get3A_226, %get3A_227] {strides = array<i32>} : memref<80x128xf32, #tpu.memory_space<vmem>>, vector<1x16xf32>,
        %get3A_229 = vector.shape_cast %get3A_228 : vector<1x16xf32> to vector<16xf32>
        %mul3A_230 = arith.mulf %get3A_225, %get3A_229 : vector<16xf32>
        %swap3A_231 = arith.index_cast %scan3A_152 : i32 to index
        %swap3A_232 = arith.constant 80 : index
        %swap3A_233 = tpu.vector_load %arg12[%swap3A_231, %swap3A_232] {strides = array<i32>} : memref<80x128xf32, #tpu.memory_space<vmem>>, vector<1x16xf32>,
        %swap3A_234 = vector.shape_cast %swap3A_233 : vector<1x16xf32> to vector<16xf32>
        %swap3A_235 = vector.shape_cast %mul3A_230 : vector<16xf32> to vector<1x16xf32>
        tpu.vector_store %arg12[%swap3A_231, %swap3A_232], %swap3A_235 {strides = array<i32>} : memref<80x128xf32, #tpu.memory_space<vmem>>, vector<1x16xf32>,
        %get3A_236 = arith.index_cast %scan3A_152 : i32 to index
        %get3A_237 = arith.constant 96 : index
        %get3A_238 = tpu.vector_load %arg12[%get3A_236, %get3A_237] {strides = array<i32>} : memref<80x128xf32, #tpu.memory_space<vmem>>, vector<1x16xf32>,
        %get3A_239 = vector.shape_cast %get3A_238 : vector<1x16xf32> to vector<16xf32>
        %get3A_240 = arith.index_cast %scan3A_152 : i32 to index
        %get3A_241 = arith.constant 96 : index
        %get3A_242 = tpu.vector_load %arg14[%get3A_240, %get3A_241] {strides = array<i32>} : memref<80x128xf32, #tpu.memory_space<vmem>>, vector<1x16xf32>,
        %get3A_243 = vector.shape_cast %get3A_242 : vector<1x16xf32> to vector<16xf32>
        %mul3A_244 = arith.mulf %get3A_239, %get3A_243 : vector<16xf32>
        %swap3A_245 = arith.index_cast %scan3A_152 : i32 to index
        %swap3A_246 = arith.constant 96 : index
        %swap3A_247 = tpu.vector_load %arg12[%swap3A_245, %swap3A_246] {strides = array<i32>} : memref<80x128xf32, #tpu.memory_space<vmem>>, vector<1x16xf32>,
        %swap3A_248 = vector.shape_cast %swap3A_247 : vector<1x16xf32> to vector<16xf32>
        %swap3A_249 = vector.shape_cast %mul3A_244 : vector<16xf32> to vector<1x16xf32>
        tpu.vector_store %arg12[%swap3A_245, %swap3A_246], %swap3A_249 {strides = array<i32>} : memref<80x128xf32, #tpu.memory_space<vmem>>, vector<1x16xf32>,
        %get3A_250 = arith.index_cast %scan3A_152 : i32 to index
        %get3A_251 = arith.constant 112 : index
        %get3A_252 = tpu.vector_load %arg12[%get3A_250, %get3A_251] {strides = array<i32>} : memref<80x128xf32, #tpu.memory_space<vmem>>, vector<1x16xf32>,
        %get3A_253 = vector.shape_cast %get3A_252 : vector<1x16xf32> to vector<16xf32>
        %get3A_254 = arith.index_cast %scan3A_152 : i32 to index
        %get3A_255 = arith.constant 112 : index
        %get3A_256 = tpu.vector_load %arg14[%get3A_254, %get3A_255] {strides = array<i32>} : memref<80x128xf32, #tpu.memory_space<vmem>>, vector<1x16xf32>,
        %get3A_257 = vector.shape_cast %get3A_256 : vector<1x16xf32> to vector<16xf32>
        %mul3A_258 = arith.mulf %get3A_253, %get3A_257 : vector<16xf32>
        %swap3A_259 = arith.index_cast %scan3A_152 : i32 to index
        %swap3A_260 = arith.constant 112 : index
        %swap3A_261 = tpu.vector_load %arg12[%swap3A_259, %swap3A_260] {strides = array<i32>} : memref<80x128xf32, #tpu.memory_space<vmem>>, vector<1x16xf32>,
        %swap3A_262 = vector.shape_cast %swap3A_261 : vector<1x16xf32> to vector<16xf32>
        %swap3A_263 = vector.shape_cast %mul3A_258 : vector<16xf32> to vector<1x16xf32>
        tpu.vector_store %arg12[%swap3A_259, %swap3A_260], %swap3A_263 {strides = array<i32>} : memref<80x128xf32, #tpu.memory_space<vmem>>, vector<1x16xf32>,
        %scan3A_264 = arith.constant 0 : i32
        scf.yield %scan3A_264 : i32
      }
      %scan3A_143 = arith.constant 80 : i32
      %dma_wait3A_144 = arith.constant 0 : i32
      %dma_wait3A_145 = tpu.memref_slice %arg5[%dma_wait3A_144] : memref<320000xi32, #tpu.memory_space<hbm>> -> memref<80xi32, #tpu.memory_space<hbm>>
      %dma_wait3A_146 = arith.constant 0 : i32
      %dma_wait3A_147 = tpu.memref_slice %arg5[%dma_wait3A_146] : memref<320000xi32, #tpu.memory_space<hbm>> -> memref<80xi32, #tpu.memory_space<hbm>>
      tpu.wait_dma2 semaphore(%arg23 : memref<!tpu.dma_semaphore, #tpu.memory_space<semaphore_mem>>) src(%dma_wait3A_147 : memref<80xi32, #tpu.memory_space<hbm>>) dst(%arg10 : memref<80xi32, #tpu.memory_space<vmem>>)
      %dma_start3A_148 = arith.constant 0 : i32
      %dma_start3A_149 = arith.constant 0 : i32
      %dma_start3A_150 = tpu.memref_slice %arg15[%dma_start3A_148, %dma_start3A_149] : memref<10240x128xf32, #tpu.memory_space<vmem_shared>> -> memref<10240x128xf32, #tpu.memory_space<vmem_shared>>
      tpu.enqueue_indirect_dma source(%arg12 : memref<80x128xf32, #tpu.memory_space<vmem>>) target(%dma_start3A_150 : memref<10240x128xf32, #tpu.memory_space<vmem_shared>>) offsets(%arg10 : memref<80xi32, #tpu.memory_space<vmem>>) semaphore(%arg25 : memref<!tpu.dma_semaphore, #tpu.memory_space<semaphore_mem>>) {add = true}
      %scan3A_151 = arith.constant 0 : i32
      scf.yield %scan3A_151 : i32
    }
    %scan3A_49 = arith.constant 20 : i32
    %dma_wait3A_50 = arith.constant 0 : i32
    %dma_wait3A_51 = arith.constant 0 : i32
    %dma_wait3A_52 = tpu.memref_slice %arg15[%dma_wait3A_50, %dma_wait3A_51] : memref<10240x128xf32, #tpu.memory_space<vmem_shared>> -> memref<10240x128xf32, #tpu.memory_space<vmem_shared>>
    tpu.wait_indirect_dma semaphore(%arg25 : memref<!tpu.dma_semaphore, #tpu.memory_space<semaphore_mem>>) src(%arg12 : memref<80x128xf32, #tpu.memory_space<vmem>>) dst(%dma_wait3A_52 : memref<10240x128xf32, #tpu.memory_space<vmem_shared>>)
    %barrier3A_53 = arith.constant 0 : index
    tpu.barrier barrier_id(%barrier3A_53)
    %mul3A_54 = arith.constant 640 : i32
    %mul3A_55 = arith.muli %arg1, %mul3A_54 : i32
    %mul3A_56 = arith.constant 640 : i32
    %mul3A_57 = arith.muli %arg1, %mul3A_56 : i32
    "tpu.region"() ({
      %run_scoped3A = tpu.sem_alloc : memref<!tpu.dma_semaphore, #tpu.memory_space<semaphore_mem>>
      %dma_start3A_58 = arith.constant 0 : i32
      %dma_start3A_59 = tpu.memref_slice %arg6[%arg0, %mul3A_57, %dma_start3A_58] : memref<2x10240x128xf32, #tpu.memory_space<hbm>> -> memref<1x640x128xf32, #tpu.memory_space<hbm>>
      %dma_start3A_60 = tpu.memref_squeeze %dma_start3A_59 : memref<1x640x128xf32, #tpu.memory_space<hbm>> -> memref<640x128xf32, #tpu.memory_space<hbm>>
      %dma_start3A_61 = arith.constant 0 : i32
      %dma_start3A_62 = tpu.memref_slice %arg15[%mul3A_55, %dma_start3A_61] : memref<10240x128xf32, #tpu.memory_space<vmem_shared>> -> memref<640x128xf32, #tpu.memory_space<vmem_shared>>
      tpu.enqueue_dma source(%dma_start3A_62 : memref<640x128xf32, #tpu.memory_space<vmem_shared>>) target(%dma_start3A_60 : memref<640x128xf32, #tpu.memory_space<hbm>>) target_semaphore(%run_scoped3A : memref<!tpu.dma_semaphore, #tpu.memory_space<semaphore_mem>>)
      %dma_wait3A_63 = arith.constant 0 : i32
      %dma_wait3A_64 = tpu.memref_slice %arg6[%arg0, %mul3A_57, %dma_wait3A_63] : memref<2x10240x128xf32, #tpu.memory_space<hbm>> -> memref<1x640x128xf32, #tpu.memory_space<hbm>>
      %dma_wait3A_65 = tpu.memref_squeeze %dma_wait3A_64 : memref<1x640x128xf32, #tpu.memory_space<hbm>> -> memref<640x128xf32, #tpu.memory_space<hbm>>
      %dma_wait3A_66 = arith.constant 0 : i32
      %dma_wait3A_67 = tpu.memref_slice %arg15[%mul3A_55, %dma_wait3A_66] : memref<10240x128xf32, #tpu.memory_space<vmem_shared>> -> memref<640x128xf32, #tpu.memory_space<vmem_shared>>
      tpu.wait_dma2 semaphore(%run_scoped3A : memref<!tpu.dma_semaphore, #tpu.memory_space<semaphore_mem>>) src(%dma_wait3A_67 : memref<640x128xf32, #tpu.memory_space<vmem_shared>>) dst(%dma_wait3A_65 : memref<640x128xf32, #tpu.memory_space<hbm>>)
      tpu.yield
    }) : () -> ()
    return
  }
}

#map = affine_map<(d0, d1) -> (0, 0)>
#map1 = affine_map<(d0, d1) -> (0)>
#map2 = affine_map<(d0, d1) -> (0, 0, 0)>
module attributes {stable_mosaic.version = 14 : i64} {
  func.func @_msg_body(%arg0: i32, %arg1: i32, %arg2: memref<10000x128xf32, #tpu.memory_space<hbm>>, %arg3: memref<115200x128xf32, #tpu.memory_space<hbm>>, %arg4: memref<320000xi32, #tpu.memory_space<hbm>>, %arg5: memref<320000xi32, #tpu.memory_space<hbm>>, %arg6: memref<2x10240x128xf32, #tpu.memory_space<hbm>>, %arg7: memref<80xi32, #tpu.memory_space<vmem>>, %arg8: memref<80xi32, #tpu.memory_space<vmem>>, %arg9: memref<80xi32, #tpu.memory_space<vmem>>, %arg10: memref<80xi32, #tpu.memory_space<vmem>>, %arg11: memref<80x128xf32, #tpu.memory_space<vmem>>, %arg12: memref<80x128xf32, #tpu.memory_space<vmem>>, %arg13: memref<80x128xf32, #tpu.memory_space<vmem>>, %arg14: memref<80x128xf32, #tpu.memory_space<vmem>>, %arg15: memref<10240x128xf32, #tpu.memory_space<vmem_shared>>, %arg16: memref<!tpu.dma_semaphore, #tpu.memory_space<semaphore_mem>>, %arg17: memref<!tpu.dma_semaphore, #tpu.memory_space<semaphore_mem>>, %arg18: memref<!tpu.dma_semaphore, #tpu.memory_space<semaphore_mem>>, %arg19: memref<!tpu.dma_semaphore, #tpu.memory_space<semaphore_mem>>, %arg20: memref<!tpu.dma_semaphore, #tpu.memory_space<semaphore_mem>>, %arg21: memref<!tpu.dma_semaphore, #tpu.memory_space<semaphore_mem>>, %arg22: memref<!tpu.dma_semaphore, #tpu.memory_space<semaphore_mem>>, %arg23: memref<!tpu.dma_semaphore, #tpu.memory_space<semaphore_mem>>, %arg24: memref<!tpu.dma_semaphore, #tpu.memory_space<semaphore_mem>>, %arg25: memref<!tpu.dma_semaphore, #tpu.memory_space<semaphore_mem>>) attributes {dimension_semantics = [#tpu.dimension_semantics<core_parallel>, #tpu.dimension_semantics<subcore_parallel>], iteration_bounds = array<i64: 2, 16>, scalar_prefetch = 0 : i64, scratch_operands = 19 : i64, tpu.core_type = #tpu.core_type<sc_vector_subcore>, window_params = [{transform_indices = #map}, {transform_indices = #map}, {transform_indices = #map1}, {transform_indices = #map1}, {transform_indices = #map2}]} {
    %mul3A = arith.constant 16 : i32
    %mul3A_0 = arith.muli %arg0, %mul3A : i32
    %add3A = arith.addi %mul3A_0, %arg1 : i32
    %mul3A_1 = arith.constant 45 : i32
    %mul3A_2 = arith.muli %add3A, %mul3A_1 : i32
    %mul3A_3 = arith.constant 80 : i32
    %mul3A_4 = arith.muli %mul3A_2, %mul3A_3 : i32
    %add3A_5 = arith.constant 204800 : i32
    %add3A_6 = arith.addi %add3A_5, %mul3A_4 : i32
    %scan3A = arith.constant 0 : i32
    %scan3A_7 = arith.constant 0 : i32
    %scan3A_8 = arith.constant 80 : i32
    %scan3A_9 = arith.addi %scan3A_7, %scan3A_8 : i32
    %scan3A_10 = arith.constant 1 : i32
    %scan3A_11 = scf.for %scan3A_84 = %scan3A_7 to %scan3A_9 step %scan3A_10 iter_args(%scan3A_85 = %scan3A) -> (i32)  : i32 {
      %broadcast_in_dim3A = arith.constant 0.000000e+00 : f32
      %broadcast_in_dim3A_86 = vector.broadcast %broadcast_in_dim3A : f32 to vector<16xf32>
      %swap3A = arith.index_cast %scan3A_84 : i32 to index
      %swap3A_87 = arith.constant 0 : index
      %swap3A_88 = tpu.vector_load %arg11[%swap3A, %swap3A_87] {strides = array<i32>} : memref<80x128xf32, #tpu.memory_space<vmem>>, vector<1x16xf32>,
      %swap3A_89 = vector.shape_cast %swap3A_88 : vector<1x16xf32> to vector<16xf32>
      %swap3A_90 = vector.shape_cast %broadcast_in_dim3A_86 : vector<16xf32> to vector<1x16xf32>
      tpu.vector_store %arg11[%swap3A, %swap3A_87], %swap3A_90 {strides = array<i32>} : memref<80x128xf32, #tpu.memory_space<vmem>>, vector<1x16xf32>,
      %broadcast_in_dim3A_91 = arith.constant 0.000000e+00 : f32
      %broadcast_in_dim3A_92 = vector.broadcast %broadcast_in_dim3A_91 : f32 to vector<16xf32>
      %swap3A_93 = arith.index_cast %scan3A_84 : i32 to index
      %swap3A_94 = arith.constant 16 : index
      %swap3A_95 = tpu.vector_load %arg11[%swap3A_93, %swap3A_94] {strides = array<i32>} : memref<80x128xf32, #tpu.memory_space<vmem>>, vector<1x16xf32>,
      %swap3A_96 = vector.shape_cast %swap3A_95 : vector<1x16xf32> to vector<16xf32>
      %swap3A_97 = vector.shape_cast %broadcast_in_dim3A_92 : vector<16xf32> to vector<1x16xf32>
      tpu.vector_store %arg11[%swap3A_93, %swap3A_94], %swap3A_97 {strides = array<i32>} : memref<80x128xf32, #tpu.memory_space<vmem>>, vector<1x16xf32>,
      %broadcast_in_dim3A_98 = arith.constant 0.000000e+00 : f32
      %broadcast_in_dim3A_99 = vector.broadcast %broadcast_in_dim3A_98 : f32 to vector<16xf32>
      %swap3A_100 = arith.index_cast %scan3A_84 : i32 to index
      %swap3A_101 = arith.constant 32 : index
      %swap3A_102 = tpu.vector_load %arg11[%swap3A_100, %swap3A_101] {strides = array<i32>} : memref<80x128xf32, #tpu.memory_space<vmem>>, vector<1x16xf32>,
      %swap3A_103 = vector.shape_cast %swap3A_102 : vector<1x16xf32> to vector<16xf32>
      %swap3A_104 = vector.shape_cast %broadcast_in_dim3A_99 : vector<16xf32> to vector<1x16xf32>
      tpu.vector_store %arg11[%swap3A_100, %swap3A_101], %swap3A_104 {strides = array<i32>} : memref<80x128xf32, #tpu.memory_space<vmem>>, vector<1x16xf32>,
      %broadcast_in_dim3A_105 = arith.constant 0.000000e+00 : f32
      %broadcast_in_dim3A_106 = vector.broadcast %broadcast_in_dim3A_105 : f32 to vector<16xf32>
      %swap3A_107 = arith.index_cast %scan3A_84 : i32 to index
      %swap3A_108 = arith.constant 48 : index
      %swap3A_109 = tpu.vector_load %arg11[%swap3A_107, %swap3A_108] {strides = array<i32>} : memref<80x128xf32, #tpu.memory_space<vmem>>, vector<1x16xf32>,
      %swap3A_110 = vector.shape_cast %swap3A_109 : vector<1x16xf32> to vector<16xf32>
      %swap3A_111 = vector.shape_cast %broadcast_in_dim3A_106 : vector<16xf32> to vector<1x16xf32>
      tpu.vector_store %arg11[%swap3A_107, %swap3A_108], %swap3A_111 {strides = array<i32>} : memref<80x128xf32, #tpu.memory_space<vmem>>, vector<1x16xf32>,
      %broadcast_in_dim3A_112 = arith.constant 0.000000e+00 : f32
      %broadcast_in_dim3A_113 = vector.broadcast %broadcast_in_dim3A_112 : f32 to vector<16xf32>
      %swap3A_114 = arith.index_cast %scan3A_84 : i32 to index
      %swap3A_115 = arith.constant 64 : index
      %swap3A_116 = tpu.vector_load %arg11[%swap3A_114, %swap3A_115] {strides = array<i32>} : memref<80x128xf32, #tpu.memory_space<vmem>>, vector<1x16xf32>,
      %swap3A_117 = vector.shape_cast %swap3A_116 : vector<1x16xf32> to vector<16xf32>
      %swap3A_118 = vector.shape_cast %broadcast_in_dim3A_113 : vector<16xf32> to vector<1x16xf32>
      tpu.vector_store %arg11[%swap3A_114, %swap3A_115], %swap3A_118 {strides = array<i32>} : memref<80x128xf32, #tpu.memory_space<vmem>>, vector<1x16xf32>,
      %broadcast_in_dim3A_119 = arith.constant 0.000000e+00 : f32
      %broadcast_in_dim3A_120 = vector.broadcast %broadcast_in_dim3A_119 : f32 to vector<16xf32>
      %swap3A_121 = arith.index_cast %scan3A_84 : i32 to index
      %swap3A_122 = arith.constant 80 : index
      %swap3A_123 = tpu.vector_load %arg11[%swap3A_121, %swap3A_122] {strides = array<i32>} : memref<80x128xf32, #tpu.memory_space<vmem>>, vector<1x16xf32>,
      %swap3A_124 = vector.shape_cast %swap3A_123 : vector<1x16xf32> to vector<16xf32>
      %swap3A_125 = vector.shape_cast %broadcast_in_dim3A_120 : vector<16xf32> to vector<1x16xf32>
      tpu.vector_store %arg11[%swap3A_121, %swap3A_122], %swap3A_125 {strides = array<i32>} : memref<80x128xf32, #tpu.memory_space<vmem>>, vector<1x16xf32>,
      %broadcast_in_dim3A_126 = arith.constant 0.000000e+00 : f32
      %broadcast_in_dim3A_127 = vector.broadcast %broadcast_in_dim3A_126 : f32 to vector<16xf32>
      %swap3A_128 = arith.index_cast %scan3A_84 : i32 to index
      %swap3A_129 = arith.constant 96 : index
      %swap3A_130 = tpu.vector_load %arg11[%swap3A_128, %swap3A_129] {strides = array<i32>} : memref<80x128xf32, #tpu.memory_space<vmem>>, vector<1x16xf32>,
      %swap3A_131 = vector.shape_cast %swap3A_130 : vector<1x16xf32> to vector<16xf32>
      %swap3A_132 = vector.shape_cast %broadcast_in_dim3A_127 : vector<16xf32> to vector<1x16xf32>
      tpu.vector_store %arg11[%swap3A_128, %swap3A_129], %swap3A_132 {strides = array<i32>} : memref<80x128xf32, #tpu.memory_space<vmem>>, vector<1x16xf32>,
      %broadcast_in_dim3A_133 = arith.constant 0.000000e+00 : f32
      %broadcast_in_dim3A_134 = vector.broadcast %broadcast_in_dim3A_133 : f32 to vector<16xf32>
      %swap3A_135 = arith.index_cast %scan3A_84 : i32 to index
      %swap3A_136 = arith.constant 112 : index
      %swap3A_137 = tpu.vector_load %arg11[%swap3A_135, %swap3A_136] {strides = array<i32>} : memref<80x128xf32, #tpu.memory_space<vmem>>, vector<1x16xf32>,
      %swap3A_138 = vector.shape_cast %swap3A_137 : vector<1x16xf32> to vector<16xf32>
      %swap3A_139 = vector.shape_cast %broadcast_in_dim3A_134 : vector<16xf32> to vector<1x16xf32>
      tpu.vector_store %arg11[%swap3A_135, %swap3A_136], %swap3A_139 {strides = array<i32>} : memref<80x128xf32, #tpu.memory_space<vmem>>, vector<1x16xf32>,
      %scan3A_140 = arith.constant 0 : i32
      scf.yield %scan3A_140 : i32
    }
    %scan3A_12 = arith.constant 80 : i32
    %scan3A_13 = arith.constant 0 : i32
    %scan3A_14 = arith.constant 0 : i32
    %scan3A_15 = arith.constant 8 : i32
    %scan3A_16 = arith.addi %scan3A_14, %scan3A_15 : i32
    %scan3A_17 = arith.constant 1 : i32
    %scan3A_18 = scf.for %scan3A_84 = %scan3A_14 to %scan3A_16 step %scan3A_17 iter_args(%scan3A_85 = %scan3A_13) -> (i32)  : i32 {
      %mul3A_86 = arith.constant 640 : i32
      %mul3A_87 = arith.muli %arg1, %mul3A_86 : i32
      %mul3A_88 = arith.constant 80 : i32
      %mul3A_89 = arith.muli %scan3A_84, %mul3A_88 : i32
      %add3A_90 = arith.addi %mul3A_87, %mul3A_89 : i32
      "tpu.region"() ({
        %run_scoped3A = tpu.sem_alloc : memref<!tpu.dma_semaphore, #tpu.memory_space<semaphore_mem>>
        %dma_start3A_92 = arith.constant 0 : i32
        %dma_start3A_93 = tpu.memref_slice %arg15[%add3A_90, %dma_start3A_92] : memref<10240x128xf32, #tpu.memory_space<vmem_shared>> -> memref<80x128xf32, #tpu.memory_space<vmem_shared>>
        %dma_start3A_94 = arith.constant 0 : i32
        %dma_start3A_95 = tpu.memref_slice %arg15[%add3A_90, %dma_start3A_94] : memref<10240x128xf32, #tpu.memory_space<vmem_shared>> -> memref<80x128xf32, #tpu.memory_space<vmem_shared>>
        tpu.enqueue_dma source(%arg11 : memref<80x128xf32, #tpu.memory_space<vmem>>) target(%dma_start3A_95 : memref<80x128xf32, #tpu.memory_space<vmem_shared>>) target_semaphore(%run_scoped3A : memref<!tpu.dma_semaphore, #tpu.memory_space<semaphore_mem>>)
        %dma_wait3A_96 = arith.constant 0 : i32
        %dma_wait3A_97 = tpu.memref_slice %arg15[%add3A_90, %dma_wait3A_96] : memref<10240x128xf32, #tpu.memory_space<vmem_shared>> -> memref<80x128xf32, #tpu.memory_space<vmem_shared>>
        %dma_wait3A_98 = arith.constant 0 : i32
        %dma_wait3A_99 = tpu.memref_slice %arg15[%add3A_90, %dma_wait3A_98] : memref<10240x128xf32, #tpu.memory_space<vmem_shared>> -> memref<80x128xf32, #tpu.memory_space<vmem_shared>>
        tpu.wait_dma2 semaphore(%run_scoped3A : memref<!tpu.dma_semaphore, #tpu.memory_space<semaphore_mem>>) src(%arg11 : memref<80x128xf32, #tpu.memory_space<vmem>>) dst(%dma_wait3A_99 : memref<80x128xf32, #tpu.memory_space<vmem_shared>>)
        tpu.yield
      }) : () -> ()
      %scan3A_91 = arith.constant 0 : i32
      scf.yield %scan3A_91 : i32
    }
    %scan3A_19 = arith.constant 8 : i32
    %barrier3A = arith.constant 0 : index
    tpu.barrier barrier_id(%barrier3A)
    %add3A_20 = arith.constant 0 : i32
    %add3A_21 = arith.addi %add3A_6, %add3A_20 : i32
    %dma_start3A = tpu.memref_slice %arg4[%add3A_21] : memref<320000xi32, #tpu.memory_space<hbm>> -> memref<80xi32, #tpu.memory_space<hbm>>
    %dma_start3A_22 = tpu.memref_slice %arg4[%add3A_21] : memref<320000xi32, #tpu.memory_space<hbm>> -> memref<80xi32, #tpu.memory_space<hbm>>
    tpu.enqueue_dma source(%dma_start3A_22 : memref<80xi32, #tpu.memory_space<hbm>>) target(%arg7 : memref<80xi32, #tpu.memory_space<vmem>>) target_semaphore(%arg20 : memref<!tpu.dma_semaphore, #tpu.memory_space<semaphore_mem>>)
    %add3A_23 = arith.constant 0 : i32
    %add3A_24 = arith.addi %add3A_6, %add3A_23 : i32
    %dma_start3A_25 = tpu.memref_slice %arg5[%add3A_24] : memref<320000xi32, #tpu.memory_space<hbm>> -> memref<80xi32, #tpu.memory_space<hbm>>
    %dma_start3A_26 = tpu.memref_slice %arg5[%add3A_24] : memref<320000xi32, #tpu.memory_space<hbm>> -> memref<80xi32, #tpu.memory_space<hbm>>
    tpu.enqueue_dma source(%dma_start3A_26 : memref<80xi32, #tpu.memory_space<hbm>>) target(%arg9 : memref<80xi32, #tpu.memory_space<vmem>>) target_semaphore(%arg22 : memref<!tpu.dma_semaphore, #tpu.memory_space<semaphore_mem>>)
    %dma_wait3A = arith.constant 0 : i32
    %dma_wait3A_27 = tpu.memref_slice %arg4[%dma_wait3A] : memref<320000xi32, #tpu.memory_space<hbm>> -> memref<80xi32, #tpu.memory_space<hbm>>
    %dma_wait3A_28 = arith.constant 0 : i32
    %dma_wait3A_29 = tpu.memref_slice %arg4[%dma_wait3A_28] : memref<320000xi32, #tpu.memory_space<hbm>> -> memref<80xi32, #tpu.memory_space<hbm>>
    tpu.wait_dma2 semaphore(%arg20 : memref<!tpu.dma_semaphore, #tpu.memory_space<semaphore_mem>>) src(%dma_wait3A_29 : memref<80xi32, #tpu.memory_space<hbm>>) dst(%arg7 : memref<80xi32, #tpu.memory_space<vmem>>)
    %dma_start3A_30 = arith.constant 0 : i32
    %dma_start3A_31 = arith.constant 0 : i32
    %dma_start3A_32 = tpu.memref_slice %arg2[%dma_start3A_30, %dma_start3A_31] : memref<10000x128xf32, #tpu.memory_space<hbm>> -> memref<10000x128xf32, #tpu.memory_space<hbm>>
    tpu.enqueue_indirect_dma source(%dma_start3A_32 : memref<10000x128xf32, #tpu.memory_space<hbm>>) target(%arg11 : memref<80x128xf32, #tpu.memory_space<vmem>>) offsets(%arg7 : memref<80xi32, #tpu.memory_space<vmem>>) semaphore(%arg16 : memref<!tpu.dma_semaphore, #tpu.memory_space<semaphore_mem>>)
    %add3A_33 = arith.constant 0 : i32
    %add3A_34 = arith.addi %mul3A_4, %add3A_33 : i32
    %dma_start3A_35 = arith.constant 0 : i32
    %dma_start3A_36 = tpu.memref_slice %arg3[%add3A_34, %dma_start3A_35] : memref<115200x128xf32, #tpu.memory_space<hbm>> -> memref<80x128xf32, #tpu.memory_space<hbm>>
    %dma_start3A_37 = arith.constant 0 : i32
    %dma_start3A_38 = tpu.memref_slice %arg3[%add3A_34, %dma_start3A_37] : memref<115200x128xf32, #tpu.memory_space<hbm>> -> memref<80x128xf32, #tpu.memory_space<hbm>>
    tpu.enqueue_dma source(%dma_start3A_38 : memref<80x128xf32, #tpu.memory_space<hbm>>) target(%arg13 : memref<80x128xf32, #tpu.memory_space<vmem>>) target_semaphore(%arg18 : memref<!tpu.dma_semaphore, #tpu.memory_space<semaphore_mem>>)
    %add3A_39 = arith.constant 80 : i32
    %add3A_40 = arith.addi %add3A_6, %add3A_39 : i32
    %dma_start3A_41 = tpu.memref_slice %arg4[%add3A_40] : memref<320000xi32, #tpu.memory_space<hbm>> -> memref<80xi32, #tpu.memory_space<hbm>>
    %dma_start3A_42 = tpu.memref_slice %arg4[%add3A_40] : memref<320000xi32, #tpu.memory_space<hbm>> -> memref<80xi32, #tpu.memory_space<hbm>>
    tpu.enqueue_dma source(%dma_start3A_42 : memref<80xi32, #tpu.memory_space<hbm>>) target(%arg8 : memref<80xi32, #tpu.memory_space<vmem>>) target_semaphore(%arg21 : memref<!tpu.dma_semaphore, #tpu.memory_space<semaphore_mem>>)
    %scan3A_43 = arith.constant 0 : i32
    %scan3A_44 = arith.constant 0 : i32
    %scan3A_45 = arith.constant 22 : i32
    %scan3A_46 = arith.addi %scan3A_44, %scan3A_45 : i32
    %scan3A_47 = arith.constant 1 : i32
    %scan3A_48 = scf.for %scan3A_84 = %scan3A_44 to %scan3A_46 step %scan3A_47 iter_args(%scan3A_85 = %scan3A_43) -> (i32)  : i32 {
      %mul3A_86 = arith.constant 2 : i32
      %mul3A_87 = arith.muli %mul3A_86, %scan3A_84 : i32
      %add3A_88 = arith.constant 0 : i32
      %add3A_89 = arith.addi %mul3A_87, %add3A_88 : i32
      %gt3A = arith.constant 0 : i32
      %gt3A_90 = arith.cmpi sgt, %scan3A_84, %gt3A : i32
      %or3A = arith.constant false
      %or3A_91 = arith.ori %gt3A_90, %or3A : i1
      %convert_element_type3A = arith.extui %or3A_91 : i1 to i32
      %cond3A = arith.constant 0 : i32
      %cond3A_92 = arith.cmpi ne, %convert_element_type3A, %cond3A : i32
      scf.if %cond3A_92 {
        %dma_wait3A_178 = arith.constant 0 : i32
        %dma_wait3A_179 = arith.constant 0 : i32
        %dma_wait3A_180 = tpu.memref_slice %arg15[%dma_wait3A_178, %dma_wait3A_179] : memref<10240x128xf32, #tpu.memory_space<vmem_shared>> -> memref<10240x128xf32, #tpu.memory_space<vmem_shared>>
        tpu.wait_indirect_dma semaphore(%arg25 : memref<!tpu.dma_semaphore, #tpu.memory_space<semaphore_mem>>) src(%arg12 : memref<80x128xf32, #tpu.memory_space<vmem>>) dst(%dma_wait3A_180 : memref<10240x128xf32, #tpu.memory_space<vmem_shared>>)
      } else {
      }
      %add3A_93 = arith.constant 1 : i32
      %add3A_94 = arith.addi %add3A_89, %add3A_93 : i32
      %lt3A = arith.constant 45 : i32
      %lt3A_95 = arith.cmpi slt, %add3A_94, %lt3A : i32
      %convert_element_type3A_96 = arith.extui %lt3A_95 : i1 to i32
      %cond3A_97 = arith.constant 0 : i32
      %cond3A_98 = arith.cmpi ne, %convert_element_type3A_96, %cond3A_97 : i32
      scf.if %cond3A_98 {
        %add3A_178 = arith.constant 1 : i32
        %add3A_179 = arith.addi %add3A_89, %add3A_178 : i32
        %mul3A_180 = arith.constant 80 : i32
        %mul3A_181 = arith.muli %add3A_179, %mul3A_180 : i32
        %add3A_182 = arith.addi %add3A_6, %mul3A_181 : i32
        %dma_start3A_183 = tpu.memref_slice %arg5[%add3A_182] : memref<320000xi32, #tpu.memory_space<hbm>> -> memref<80xi32, #tpu.memory_space<hbm>>
        %dma_start3A_184 = tpu.memref_slice %arg5[%add3A_182] : memref<320000xi32, #tpu.memory_space<hbm>> -> memref<80xi32, #tpu.memory_space<hbm>>
        tpu.enqueue_dma source(%dma_start3A_184 : memref<80xi32, #tpu.memory_space<hbm>>) target(%arg10 : memref<80xi32, #tpu.memory_space<vmem>>) target_semaphore(%arg23 : memref<!tpu.dma_semaphore, #tpu.memory_space<semaphore_mem>>)
        %dma_wait3A_185 = arith.constant 0 : i32
        %dma_wait3A_186 = tpu.memref_slice %arg4[%dma_wait3A_185] : memref<320000xi32, #tpu.memory_space<hbm>> -> memref<80xi32, #tpu.memory_space<hbm>>
        %dma_wait3A_187 = arith.constant 0 : i32
        %dma_wait3A_188 = tpu.memref_slice %arg4[%dma_wait3A_187] : memref<320000xi32, #tpu.memory_space<hbm>> -> memref<80xi32, #tpu.memory_space<hbm>>
        tpu.wait_dma2 semaphore(%arg21 : memref<!tpu.dma_semaphore, #tpu.memory_space<semaphore_mem>>) src(%dma_wait3A_188 : memref<80xi32, #tpu.memory_space<hbm>>) dst(%arg8 : memref<80xi32, #tpu.memory_space<vmem>>)
        %add3A_189 = arith.constant 1 : i32
        %add3A_190 = arith.addi %add3A_89, %add3A_189 : i32
        %dma_start3A_191 = arith.constant 0 : i32
        %dma_start3A_192 = arith.constant 0 : i32
        %dma_start3A_193 = tpu.memref_slice %arg2[%dma_start3A_191, %dma_start3A_192] : memref<10000x128xf32, #tpu.memory_space<hbm>> -> memref<10000x128xf32, #tpu.memory_space<hbm>>
        tpu.enqueue_indirect_dma source(%dma_start3A_193 : memref<10000x128xf32, #tpu.memory_space<hbm>>) target(%arg12 : memref<80x128xf32, #tpu.memory_space<vmem>>) offsets(%arg8 : memref<80xi32, #tpu.memory_space<vmem>>) semaphore(%arg17 : memref<!tpu.dma_semaphore, #tpu.memory_space<semaphore_mem>>)
        %mul3A_194 = arith.constant 80 : i32
        %mul3A_195 = arith.muli %add3A_190, %mul3A_194 : i32
        %add3A_196 = arith.addi %mul3A_4, %mul3A_195 : i32
        %dma_start3A_197 = arith.constant 0 : i32
        %dma_start3A_198 = tpu.memref_slice %arg3[%add3A_196, %dma_start3A_197] : memref<115200x128xf32, #tpu.memory_space<hbm>> -> memref<80x128xf32, #tpu.memory_space<hbm>>
        %dma_start3A_199 = arith.constant 0 : i32
        %dma_start3A_200 = tpu.memref_slice %arg3[%add3A_196, %dma_start3A_199] : memref<115200x128xf32, #tpu.memory_space<hbm>> -> memref<80x128xf32, #tpu.memory_space<hbm>>
        tpu.enqueue_dma source(%dma_start3A_200 : memref<80x128xf32, #tpu.memory_space<hbm>>) target(%arg14 : memref<80x128xf32, #tpu.memory_space<vmem>>) target_semaphore(%arg19 : memref<!tpu.dma_semaphore, #tpu.memory_space<semaphore_mem>>)
      } else {
      }
      %dma_wait3A_99 = arith.constant 0 : i32
      %dma_wait3A_100 = arith.constant 0 : i32
      %dma_wait3A_101 = tpu.memref_slice %arg2[%dma_wait3A_99, %dma_wait3A_100] : memref<10000x128xf32, #tpu.memory_space<hbm>> -> memref<10000x128xf32, #tpu.memory_space<hbm>>
      tpu.wait_indirect_dma semaphore(%arg16 : memref<!tpu.dma_semaphore, #tpu.memory_space<semaphore_mem>>) src(%dma_wait3A_101 : memref<10000x128xf32, #tpu.memory_space<hbm>>) dst(%arg11 : memref<80x128xf32, #tpu.memory_space<vmem>>)
      %dma_wait3A_102 = arith.constant 0 : i32
      %dma_wait3A_103 = arith.constant 0 : i32
      %dma_wait3A_104 = tpu.memref_slice %arg3[%dma_wait3A_102, %dma_wait3A_103] : memref<115200x128xf32, #tpu.memory_space<hbm>> -> memref<80x128xf32, #tpu.memory_space<hbm>>
      %dma_wait3A_105 = arith.constant 0 : i32
      %dma_wait3A_106 = arith.constant 0 : i32
      %dma_wait3A_107 = tpu.memref_slice %arg3[%dma_wait3A_105, %dma_wait3A_106] : memref<115200x128xf32, #tpu.memory_space<hbm>> -> memref<80x128xf32, #tpu.memory_space<hbm>>
      tpu.wait_dma2 semaphore(%arg18 : memref<!tpu.dma_semaphore, #tpu.memory_space<semaphore_mem>>) src(%dma_wait3A_107 : memref<80x128xf32, #tpu.memory_space<hbm>>) dst(%arg13 : memref<80x128xf32, #tpu.memory_space<vmem>>)
      %add3A_108 = arith.constant 2 : i32
      %add3A_109 = arith.addi %add3A_89, %add3A_108 : i32
      %lt3A_110 = arith.constant 45 : i32
      %lt3A_111 = arith.cmpi slt, %add3A_109, %lt3A_110 : i32
      %convert_element_type3A_112 = arith.extui %lt3A_111 : i1 to i32
      %cond3A_113 = arith.constant 0 : i32
      %cond3A_114 = arith.cmpi ne, %convert_element_type3A_112, %cond3A_113 : i32
      scf.if %cond3A_114 {
        %add3A_178 = arith.constant 2 : i32
        %add3A_179 = arith.addi %add3A_89, %add3A_178 : i32
        %mul3A_180 = arith.constant 80 : i32
        %mul3A_181 = arith.muli %add3A_179, %mul3A_180 : i32
        %add3A_182 = arith.addi %add3A_6, %mul3A_181 : i32
        %dma_start3A_183 = tpu.memref_slice %arg4[%add3A_182] : memref<320000xi32, #tpu.memory_space<hbm>> -> memref<80xi32, #tpu.memory_space<hbm>>
        %dma_start3A_184 = tpu.memref_slice %arg4[%add3A_182] : memref<320000xi32, #tpu.memory_space<hbm>> -> memref<80xi32, #tpu.memory_space<hbm>>
        tpu.enqueue_dma source(%dma_start3A_184 : memref<80xi32, #tpu.memory_space<hbm>>) target(%arg7 : memref<80xi32, #tpu.memory_space<vmem>>) target_semaphore(%arg20 : memref<!tpu.dma_semaphore, #tpu.memory_space<semaphore_mem>>)
      } else {
      }
      %scan3A_115 = arith.constant 0 : i32
      %scan3A_116 = arith.constant 0 : i32
      %scan3A_117 = arith.constant 80 : i32
      %scan3A_118 = arith.addi %scan3A_116, %scan3A_117 : i32
      %scan3A_119 = arith.constant 1 : i32
      %scan3A_120 = scf.for %scan3A_178 = %scan3A_116 to %scan3A_118 step %scan3A_119 iter_args(%scan3A_179 = %scan3A_115) -> (i32)  : i32 {
        %get3A = arith.index_cast %scan3A_178 : i32 to index
        %get3A_180 = arith.constant 0 : index
        %get3A_181 = tpu.vector_load %arg11[%get3A, %get3A_180] {strides = array<i32>} : memref<80x128xf32, #tpu.memory_space<vmem>>, vector<1x16xf32>,
        %get3A_182 = vector.shape_cast %get3A_181 : vector<1x16xf32> to vector<16xf32>
        %get3A_183 = arith.index_cast %scan3A_178 : i32 to index
        %get3A_184 = arith.constant 0 : index
        %get3A_185 = tpu.vector_load %arg13[%get3A_183, %get3A_184] {strides = array<i32>} : memref<80x128xf32, #tpu.memory_space<vmem>>, vector<1x16xf32>,
        %get3A_186 = vector.shape_cast %get3A_185 : vector<1x16xf32> to vector<16xf32>
        %mul3A_187 = arith.mulf %get3A_182, %get3A_186 : vector<16xf32>
        %swap3A = arith.index_cast %scan3A_178 : i32 to index
        %swap3A_188 = arith.constant 0 : index
        %swap3A_189 = tpu.vector_load %arg11[%swap3A, %swap3A_188] {strides = array<i32>} : memref<80x128xf32, #tpu.memory_space<vmem>>, vector<1x16xf32>,
        %swap3A_190 = vector.shape_cast %swap3A_189 : vector<1x16xf32> to vector<16xf32>
        %swap3A_191 = vector.shape_cast %mul3A_187 : vector<16xf32> to vector<1x16xf32>
        tpu.vector_store %arg11[%swap3A, %swap3A_188], %swap3A_191 {strides = array<i32>} : memref<80x128xf32, #tpu.memory_space<vmem>>, vector<1x16xf32>,
        %get3A_192 = arith.index_cast %scan3A_178 : i32 to index
        %get3A_193 = arith.constant 16 : index
        %get3A_194 = tpu.vector_load %arg11[%get3A_192, %get3A_193] {strides = array<i32>} : memref<80x128xf32, #tpu.memory_space<vmem>>, vector<1x16xf32>,
        %get3A_195 = vector.shape_cast %get3A_194 : vector<1x16xf32> to vector<16xf32>
        %get3A_196 = arith.index_cast %scan3A_178 : i32 to index
        %get3A_197 = arith.constant 16 : index
        %get3A_198 = tpu.vector_load %arg13[%get3A_196, %get3A_197] {strides = array<i32>} : memref<80x128xf32, #tpu.memory_space<vmem>>, vector<1x16xf32>,
        %get3A_199 = vector.shape_cast %get3A_198 : vector<1x16xf32> to vector<16xf32>
        %mul3A_200 = arith.mulf %get3A_195, %get3A_199 : vector<16xf32>
        %swap3A_201 = arith.index_cast %scan3A_178 : i32 to index
        %swap3A_202 = arith.constant 16 : index
        %swap3A_203 = tpu.vector_load %arg11[%swap3A_201, %swap3A_202] {strides = array<i32>} : memref<80x128xf32, #tpu.memory_space<vmem>>, vector<1x16xf32>,
        %swap3A_204 = vector.shape_cast %swap3A_203 : vector<1x16xf32> to vector<16xf32>
        %swap3A_205 = vector.shape_cast %mul3A_200 : vector<16xf32> to vector<1x16xf32>
        tpu.vector_store %arg11[%swap3A_201, %swap3A_202], %swap3A_205 {strides = array<i32>} : memref<80x128xf32, #tpu.memory_space<vmem>>, vector<1x16xf32>,
        %get3A_206 = arith.index_cast %scan3A_178 : i32 to index
        %get3A_207 = arith.constant 32 : index
        %get3A_208 = tpu.vector_load %arg11[%get3A_206, %get3A_207] {strides = array<i32>} : memref<80x128xf32, #tpu.memory_space<vmem>>, vector<1x16xf32>,
        %get3A_209 = vector.shape_cast %get3A_208 : vector<1x16xf32> to vector<16xf32>
        %get3A_210 = arith.index_cast %scan3A_178 : i32 to index
        %get3A_211 = arith.constant 32 : index
        %get3A_212 = tpu.vector_load %arg13[%get3A_210, %get3A_211] {strides = array<i32>} : memref<80x128xf32, #tpu.memory_space<vmem>>, vector<1x16xf32>,
        %get3A_213 = vector.shape_cast %get3A_212 : vector<1x16xf32> to vector<16xf32>
        %mul3A_214 = arith.mulf %get3A_209, %get3A_213 : vector<16xf32>
        %swap3A_215 = arith.index_cast %scan3A_178 : i32 to index
        %swap3A_216 = arith.constant 32 : index
        %swap3A_217 = tpu.vector_load %arg11[%swap3A_215, %swap3A_216] {strides = array<i32>} : memref<80x128xf32, #tpu.memory_space<vmem>>, vector<1x16xf32>,
        %swap3A_218 = vector.shape_cast %swap3A_217 : vector<1x16xf32> to vector<16xf32>
        %swap3A_219 = vector.shape_cast %mul3A_214 : vector<16xf32> to vector<1x16xf32>
        tpu.vector_store %arg11[%swap3A_215, %swap3A_216], %swap3A_219 {strides = array<i32>} : memref<80x128xf32, #tpu.memory_space<vmem>>, vector<1x16xf32>,
        %get3A_220 = arith.index_cast %scan3A_178 : i32 to index
        %get3A_221 = arith.constant 48 : index
        %get3A_222 = tpu.vector_load %arg11[%get3A_220, %get3A_221] {strides = array<i32>} : memref<80x128xf32, #tpu.memory_space<vmem>>, vector<1x16xf32>,
        %get3A_223 = vector.shape_cast %get3A_222 : vector<1x16xf32> to vector<16xf32>
        %get3A_224 = arith.index_cast %scan3A_178 : i32 to index
        %get3A_225 = arith.constant 48 : index
        %get3A_226 = tpu.vector_load %arg13[%get3A_224, %get3A_225] {strides = array<i32>} : memref<80x128xf32, #tpu.memory_space<vmem>>, vector<1x16xf32>,
        %get3A_227 = vector.shape_cast %get3A_226 : vector<1x16xf32> to vector<16xf32>
        %mul3A_228 = arith.mulf %get3A_223, %get3A_227 : vector<16xf32>
        %swap3A_229 = arith.index_cast %scan3A_178 : i32 to index
        %swap3A_230 = arith.constant 48 : index
        %swap3A_231 = tpu.vector_load %arg11[%swap3A_229, %swap3A_230] {strides = array<i32>} : memref<80x128xf32, #tpu.memory_space<vmem>>, vector<1x16xf32>,
        %swap3A_232 = vector.shape_cast %swap3A_231 : vector<1x16xf32> to vector<16xf32>
        %swap3A_233 = vector.shape_cast %mul3A_228 : vector<16xf32> to vector<1x16xf32>
        tpu.vector_store %arg11[%swap3A_229, %swap3A_230], %swap3A_233 {strides = array<i32>} : memref<80x128xf32, #tpu.memory_space<vmem>>, vector<1x16xf32>,
        %get3A_234 = arith.index_cast %scan3A_178 : i32 to index
        %get3A_235 = arith.constant 64 : index
        %get3A_236 = tpu.vector_load %arg11[%get3A_234, %get3A_235] {strides = array<i32>} : memref<80x128xf32, #tpu.memory_space<vmem>>, vector<1x16xf32>,
        %get3A_237 = vector.shape_cast %get3A_236 : vector<1x16xf32> to vector<16xf32>
        %get3A_238 = arith.index_cast %scan3A_178 : i32 to index
        %get3A_239 = arith.constant 64 : index
        %get3A_240 = tpu.vector_load %arg13[%get3A_238, %get3A_239] {strides = array<i32>} : memref<80x128xf32, #tpu.memory_space<vmem>>, vector<1x16xf32>,
        %get3A_241 = vector.shape_cast %get3A_240 : vector<1x16xf32> to vector<16xf32>
        %mul3A_242 = arith.mulf %get3A_237, %get3A_241 : vector<16xf32>
        %swap3A_243 = arith.index_cast %scan3A_178 : i32 to index
        %swap3A_244 = arith.constant 64 : index
        %swap3A_245 = tpu.vector_load %arg11[%swap3A_243, %swap3A_244] {strides = array<i32>} : memref<80x128xf32, #tpu.memory_space<vmem>>, vector<1x16xf32>,
        %swap3A_246 = vector.shape_cast %swap3A_245 : vector<1x16xf32> to vector<16xf32>
        %swap3A_247 = vector.shape_cast %mul3A_242 : vector<16xf32> to vector<1x16xf32>
        tpu.vector_store %arg11[%swap3A_243, %swap3A_244], %swap3A_247 {strides = array<i32>} : memref<80x128xf32, #tpu.memory_space<vmem>>, vector<1x16xf32>,
        %get3A_248 = arith.index_cast %scan3A_178 : i32 to index
        %get3A_249 = arith.constant 80 : index
        %get3A_250 = tpu.vector_load %arg11[%get3A_248, %get3A_249] {strides = array<i32>} : memref<80x128xf32, #tpu.memory_space<vmem>>, vector<1x16xf32>,
        %get3A_251 = vector.shape_cast %get3A_250 : vector<1x16xf32> to vector<16xf32>
        %get3A_252 = arith.index_cast %scan3A_178 : i32 to index
        %get3A_253 = arith.constant 80 : index
        %get3A_254 = tpu.vector_load %arg13[%get3A_252, %get3A_253] {strides = array<i32>} : memref<80x128xf32, #tpu.memory_space<vmem>>, vector<1x16xf32>,
        %get3A_255 = vector.shape_cast %get3A_254 : vector<1x16xf32> to vector<16xf32>
        %mul3A_256 = arith.mulf %get3A_251, %get3A_255 : vector<16xf32>
        %swap3A_257 = arith.index_cast %scan3A_178 : i32 to index
        %swap3A_258 = arith.constant 80 : index
        %swap3A_259 = tpu.vector_load %arg11[%swap3A_257, %swap3A_258] {strides = array<i32>} : memref<80x128xf32, #tpu.memory_space<vmem>>, vector<1x16xf32>,
        %swap3A_260 = vector.shape_cast %swap3A_259 : vector<1x16xf32> to vector<16xf32>
        %swap3A_261 = vector.shape_cast %mul3A_256 : vector<16xf32> to vector<1x16xf32>
        tpu.vector_store %arg11[%swap3A_257, %swap3A_258], %swap3A_261 {strides = array<i32>} : memref<80x128xf32, #tpu.memory_space<vmem>>, vector<1x16xf32>,
        %get3A_262 = arith.index_cast %scan3A_178 : i32 to index
        %get3A_263 = arith.constant 96 : index
        %get3A_264 = tpu.vector_load %arg11[%get3A_262, %get3A_263] {strides = array<i32>} : memref<80x128xf32, #tpu.memory_space<vmem>>, vector<1x16xf32>,
        %get3A_265 = vector.shape_cast %get3A_264 : vector<1x16xf32> to vector<16xf32>
        %get3A_266 = arith.index_cast %scan3A_178 : i32 to index
        %get3A_267 = arith.constant 96 : index
        %get3A_268 = tpu.vector_load %arg13[%get3A_266, %get3A_267] {strides = array<i32>} : memref<80x128xf32, #tpu.memory_space<vmem>>, vector<1x16xf32>,
        %get3A_269 = vector.shape_cast %get3A_268 : vector<1x16xf32> to vector<16xf32>
        %mul3A_270 = arith.mulf %get3A_265, %get3A_269 : vector<16xf32>
        %swap3A_271 = arith.index_cast %scan3A_178 : i32 to index
        %swap3A_272 = arith.constant 96 : index
        %swap3A_273 = tpu.vector_load %arg11[%swap3A_271, %swap3A_272] {strides = array<i32>} : memref<80x128xf32, #tpu.memory_space<vmem>>, vector<1x16xf32>,
        %swap3A_274 = vector.shape_cast %swap3A_273 : vector<1x16xf32> to vector<16xf32>
        %swap3A_275 = vector.shape_cast %mul3A_270 : vector<16xf32> to vector<1x16xf32>
        tpu.vector_store %arg11[%swap3A_271, %swap3A_272], %swap3A_275 {strides = array<i32>} : memref<80x128xf32, #tpu.memory_space<vmem>>, vector<1x16xf32>,
        %get3A_276 = arith.index_cast %scan3A_178 : i32 to index
        %get3A_277 = arith.constant 112 : index
        %get3A_278 = tpu.vector_load %arg11[%get3A_276, %get3A_277] {strides = array<i32>} : memref<80x128xf32, #tpu.memory_space<vmem>>, vector<1x16xf32>,
        %get3A_279 = vector.shape_cast %get3A_278 : vector<1x16xf32> to vector<16xf32>
        %get3A_280 = arith.index_cast %scan3A_178 : i32 to index
        %get3A_281 = arith.constant 112 : index
        %get3A_282 = tpu.vector_load %arg13[%get3A_280, %get3A_281] {strides = array<i32>} : memref<80x128xf32, #tpu.memory_space<vmem>>, vector<1x16xf32>,
        %get3A_283 = vector.shape_cast %get3A_282 : vector<1x16xf32> to vector<16xf32>
        %mul3A_284 = arith.mulf %get3A_279, %get3A_283 : vector<16xf32>
        %swap3A_285 = arith.index_cast %scan3A_178 : i32 to index
        %swap3A_286 = arith.constant 112 : index
        %swap3A_287 = tpu.vector_load %arg11[%swap3A_285, %swap3A_286] {strides = array<i32>} : memref<80x128xf32, #tpu.memory_space<vmem>>, vector<1x16xf32>,
        %swap3A_288 = vector.shape_cast %swap3A_287 : vector<1x16xf32> to vector<16xf32>
        %swap3A_289 = vector.shape_cast %mul3A_284 : vector<16xf32> to vector<1x16xf32>
        tpu.vector_store %arg11[%swap3A_285, %swap3A_286], %swap3A_289 {strides = array<i32>} : memref<80x128xf32, #tpu.memory_space<vmem>>, vector<1x16xf32>,
        %scan3A_290 = arith.constant 0 : i32
        scf.yield %scan3A_290 : i32
      }
      %scan3A_121 = arith.constant 80 : i32
      %dma_wait3A_122 = arith.constant 0 : i32
      %dma_wait3A_123 = tpu.memref_slice %arg5[%dma_wait3A_122] : memref<320000xi32, #tpu.memory_space<hbm>> -> memref<80xi32, #tpu.memory_space<hbm>>
      %dma_wait3A_124 = arith.constant 0 : i32
      %dma_wait3A_125 = tpu.memref_slice %arg5[%dma_wait3A_124] : memref<320000xi32, #tpu.memory_space<hbm>> -> memref<80xi32, #tpu.memory_space<hbm>>
      tpu.wait_dma2 semaphore(%arg22 : memref<!tpu.dma_semaphore, #tpu.memory_space<semaphore_mem>>) src(%dma_wait3A_125 : memref<80xi32, #tpu.memory_space<hbm>>) dst(%arg9 : memref<80xi32, #tpu.memory_space<vmem>>)
      %dma_start3A_126 = arith.constant 0 : i32
      %dma_start3A_127 = arith.constant 0 : i32
      %dma_start3A_128 = tpu.memref_slice %arg15[%dma_start3A_126, %dma_start3A_127] : memref<10240x128xf32, #tpu.memory_space<vmem_shared>> -> memref<10240x128xf32, #tpu.memory_space<vmem_shared>>
      tpu.enqueue_indirect_dma source(%arg11 : memref<80x128xf32, #tpu.memory_space<vmem>>) target(%dma_start3A_128 : memref<10240x128xf32, #tpu.memory_space<vmem_shared>>) offsets(%arg9 : memref<80xi32, #tpu.memory_space<vmem>>) semaphore(%arg24 : memref<!tpu.dma_semaphore, #tpu.memory_space<semaphore_mem>>) {add = true}
      %mul3A_129 = arith.constant 2 : i32
      %mul3A_130 = arith.muli %mul3A_129, %scan3A_84 : i32
      %add3A_131 = arith.constant 1 : i32
      %add3A_132 = arith.addi %mul3A_130, %add3A_131 : i32
      %gt3A_133 = arith.constant 0 : i32
      %gt3A_134 = arith.cmpi sgt, %scan3A_84, %gt3A_133 : i32
      %or3A_135 = arith.constant true
      %or3A_136 = arith.ori %gt3A_134, %or3A_135 : i1
      %convert_element_type3A_137 = arith.extui %or3A_136 : i1 to i32
      %cond3A_138 = arith.constant 0 : i32
      %cond3A_139 = arith.cmpi ne, %convert_element_type3A_137, %cond3A_138 : i32
      scf.if %cond3A_139 {
        %dma_wait3A_178 = arith.constant 0 : i32
        %dma_wait3A_179 = arith.constant 0 : i32
        %dma_wait3A_180 = tpu.memref_slice %arg15[%dma_wait3A_178, %dma_wait3A_179] : memref<10240x128xf32, #tpu.memory_space<vmem_shared>> -> memref<10240x128xf32, #tpu.memory_space<vmem_shared>>
        tpu.wait_indirect_dma semaphore(%arg24 : memref<!tpu.dma_semaphore, #tpu.memory_space<semaphore_mem>>) src(%arg11 : memref<80x128xf32, #tpu.memory_space<vmem>>) dst(%dma_wait3A_180 : memref<10240x128xf32, #tpu.memory_space<vmem_shared>>)
      } else {
      }
      %add3A_140 = arith.constant 1 : i32
      %add3A_141 = arith.addi %add3A_132, %add3A_140 : i32
      %lt3A_142 = arith.constant 45 : i32
      %lt3A_143 = arith.cmpi slt, %add3A_141, %lt3A_142 : i32
      %convert_element_type3A_144 = arith.extui %lt3A_143 : i1 to i32
      %cond3A_145 = arith.constant 0 : i32
      %cond3A_146 = arith.cmpi ne, %convert_element_type3A_144, %cond3A_145 : i32
      scf.if %cond3A_146 {
        %add3A_178 = arith.constant 1 : i32
        %add3A_179 = arith.addi %add3A_132, %add3A_178 : i32
        %mul3A_180 = arith.constant 80 : i32
        %mul3A_181 = arith.muli %add3A_179, %mul3A_180 : i32
        %add3A_182 = arith.addi %add3A_6, %mul3A_181 : i32
        %dma_start3A_183 = tpu.memref_slice %arg5[%add3A_182] : memref<320000xi32, #tpu.memory_space<hbm>> -> memref<80xi32, #tpu.memory_space<hbm>>
        %dma_start3A_184 = tpu.memref_slice %arg5[%add3A_182] : memref<320000xi32, #tpu.memory_space<hbm>> -> memref<80xi32, #tpu.memory_space<hbm>>
        tpu.enqueue_dma source(%dma_start3A_184 : memref<80xi32, #tpu.memory_space<hbm>>) target(%arg9 : memref<80xi32, #tpu.memory_space<vmem>>) target_semaphore(%arg22 : memref<!tpu.dma_semaphore, #tpu.memory_space<semaphore_mem>>)
        %dma_wait3A_185 = arith.constant 0 : i32
        %dma_wait3A_186 = tpu.memref_slice %arg4[%dma_wait3A_185] : memref<320000xi32, #tpu.memory_space<hbm>> -> memref<80xi32, #tpu.memory_space<hbm>>
        %dma_wait3A_187 = arith.constant 0 : i32
        %dma_wait3A_188 = tpu.memref_slice %arg4[%dma_wait3A_187] : memref<320000xi32, #tpu.memory_space<hbm>> -> memref<80xi32, #tpu.memory_space<hbm>>
        tpu.wait_dma2 semaphore(%arg20 : memref<!tpu.dma_semaphore, #tpu.memory_space<semaphore_mem>>) src(%dma_wait3A_188 : memref<80xi32, #tpu.memory_space<hbm>>) dst(%arg7 : memref<80xi32, #tpu.memory_space<vmem>>)
        %add3A_189 = arith.constant 1 : i32
        %add3A_190 = arith.addi %add3A_132, %add3A_189 : i32
        %dma_start3A_191 = arith.constant 0 : i32
        %dma_start3A_192 = arith.constant 0 : i32
        %dma_start3A_193 = tpu.memref_slice %arg2[%dma_start3A_191, %dma_start3A_192] : memref<10000x128xf32, #tpu.memory_space<hbm>> -> memref<10000x128xf32, #tpu.memory_space<hbm>>
        tpu.enqueue_indirect_dma source(%dma_start3A_193 : memref<10000x128xf32, #tpu.memory_space<hbm>>) target(%arg11 : memref<80x128xf32, #tpu.memory_space<vmem>>) offsets(%arg7 : memref<80xi32, #tpu.memory_space<vmem>>) semaphore(%arg16 : memref<!tpu.dma_semaphore, #tpu.memory_space<semaphore_mem>>)
        %mul3A_194 = arith.constant 80 : i32
        %mul3A_195 = arith.muli %add3A_190, %mul3A_194 : i32
        %add3A_196 = arith.addi %mul3A_4, %mul3A_195 : i32
        %dma_start3A_197 = arith.constant 0 : i32
        %dma_start3A_198 = tpu.memref_slice %arg3[%add3A_196, %dma_start3A_197] : memref<115200x128xf32, #tpu.memory_space<hbm>> -> memref<80x128xf32, #tpu.memory_space<hbm>>
        %dma_start3A_199 = arith.constant 0 : i32
        %dma_start3A_200 = tpu.memref_slice %arg3[%add3A_196, %dma_start3A_199] : memref<115200x128xf32, #tpu.memory_space<hbm>> -> memref<80x128xf32, #tpu.memory_space<hbm>>
        tpu.enqueue_dma source(%dma_start3A_200 : memref<80x128xf32, #tpu.memory_space<hbm>>) target(%arg13 : memref<80x128xf32, #tpu.memory_space<vmem>>) target_semaphore(%arg18 : memref<!tpu.dma_semaphore, #tpu.memory_space<semaphore_mem>>)
      } else {
      }
      %dma_wait3A_147 = arith.constant 0 : i32
      %dma_wait3A_148 = arith.constant 0 : i32
      %dma_wait3A_149 = tpu.memref_slice %arg2[%dma_wait3A_147, %dma_wait3A_148] : memref<10000x128xf32, #tpu.memory_space<hbm>> -> memref<10000x128xf32, #tpu.memory_space<hbm>>
      tpu.wait_indirect_dma semaphore(%arg17 : memref<!tpu.dma_semaphore, #tpu.memory_space<semaphore_mem>>) src(%dma_wait3A_149 : memref<10000x128xf32, #tpu.memory_space<hbm>>) dst(%arg12 : memref<80x128xf32, #tpu.memory_space<vmem>>)
      %dma_wait3A_150 = arith.constant 0 : i32
      %dma_wait3A_151 = arith.constant 0 : i32
      %dma_wait3A_152 = tpu.memref_slice %arg3[%dma_wait3A_150, %dma_wait3A_151] : memref<115200x128xf32, #tpu.memory_space<hbm>> -> memref<80x128xf32, #tpu.memory_space<hbm>>
      %dma_wait3A_153 = arith.constant 0 : i32
      %dma_wait3A_154 = arith.constant 0 : i32
      %dma_wait3A_155 = tpu.memref_slice %arg3[%dma_wait3A_153, %dma_wait3A_154] : memref<115200x128xf32, #tpu.memory_space<hbm>> -> memref<80x128xf32, #tpu.memory_space<hbm>>
      tpu.wait_dma2 semaphore(%arg19 : memref<!tpu.dma_semaphore, #tpu.memory_space<semaphore_mem>>) src(%dma_wait3A_155 : memref<80x128xf32, #tpu.memory_space<hbm>>) dst(%arg14 : memref<80x128xf32, #tpu.memory_space<vmem>>)
      %add3A_156 = arith.constant 2 : i32
      %add3A_157 = arith.addi %add3A_132, %add3A_156 : i32
      %lt3A_158 = arith.constant 45 : i32
      %lt3A_159 = arith.cmpi slt, %add3A_157, %lt3A_158 : i32
      %convert_element_type3A_160 = arith.extui %lt3A_159 : i1 to i32
      %cond3A_161 = arith.constant 0 : i32
      %cond3A_162 = arith.cmpi ne, %convert_element_type3A_160, %cond3A_161 : i32
      scf.if %cond3A_162 {
        %add3A_178 = arith.constant 2 : i32
        %add3A_179 = arith.addi %add3A_132, %add3A_178 : i32
        %mul3A_180 = arith.constant 80 : i32
        %mul3A_181 = arith.muli %add3A_179, %mul3A_180 : i32
        %add3A_182 = arith.addi %add3A_6, %mul3A_181 : i32
        %dma_start3A_183 = tpu.memref_slice %arg4[%add3A_182] : memref<320000xi32, #tpu.memory_space<hbm>> -> memref<80xi32, #tpu.memory_space<hbm>>
        %dma_start3A_184 = tpu.memref_slice %arg4[%add3A_182] : memref<320000xi32, #tpu.memory_space<hbm>> -> memref<80xi32, #tpu.memory_space<hbm>>
        tpu.enqueue_dma source(%dma_start3A_184 : memref<80xi32, #tpu.memory_space<hbm>>) target(%arg8 : memref<80xi32, #tpu.memory_space<vmem>>) target_semaphore(%arg21 : memref<!tpu.dma_semaphore, #tpu.memory_space<semaphore_mem>>)
      } else {
      }
      %scan3A_163 = arith.constant 0 : i32
      %scan3A_164 = arith.constant 0 : i32
      %scan3A_165 = arith.constant 80 : i32
      %scan3A_166 = arith.addi %scan3A_164, %scan3A_165 : i32
      %scan3A_167 = arith.constant 1 : i32
      %scan3A_168 = scf.for %scan3A_178 = %scan3A_164 to %scan3A_166 step %scan3A_167 iter_args(%scan3A_179 = %scan3A_163) -> (i32)  : i32 {
        %get3A = arith.index_cast %scan3A_178 : i32 to index
        %get3A_180 = arith.constant 0 : index
        %get3A_181 = tpu.vector_load %arg12[%get3A, %get3A_180] {strides = array<i32>} : memref<80x128xf32, #tpu.memory_space<vmem>>, vector<1x16xf32>,
        %get3A_182 = vector.shape_cast %get3A_181 : vector<1x16xf32> to vector<16xf32>
        %get3A_183 = arith.index_cast %scan3A_178 : i32 to index
        %get3A_184 = arith.constant 0 : index
        %get3A_185 = tpu.vector_load %arg14[%get3A_183, %get3A_184] {strides = array<i32>} : memref<80x128xf32, #tpu.memory_space<vmem>>, vector<1x16xf32>,
        %get3A_186 = vector.shape_cast %get3A_185 : vector<1x16xf32> to vector<16xf32>
        %mul3A_187 = arith.mulf %get3A_182, %get3A_186 : vector<16xf32>
        %swap3A = arith.index_cast %scan3A_178 : i32 to index
        %swap3A_188 = arith.constant 0 : index
        %swap3A_189 = tpu.vector_load %arg12[%swap3A, %swap3A_188] {strides = array<i32>} : memref<80x128xf32, #tpu.memory_space<vmem>>, vector<1x16xf32>,
        %swap3A_190 = vector.shape_cast %swap3A_189 : vector<1x16xf32> to vector<16xf32>
        %swap3A_191 = vector.shape_cast %mul3A_187 : vector<16xf32> to vector<1x16xf32>
        tpu.vector_store %arg12[%swap3A, %swap3A_188], %swap3A_191 {strides = array<i32>} : memref<80x128xf32, #tpu.memory_space<vmem>>, vector<1x16xf32>,
        %get3A_192 = arith.index_cast %scan3A_178 : i32 to index
        %get3A_193 = arith.constant 16 : index
        %get3A_194 = tpu.vector_load %arg12[%get3A_192, %get3A_193] {strides = array<i32>} : memref<80x128xf32, #tpu.memory_space<vmem>>, vector<1x16xf32>,
        %get3A_195 = vector.shape_cast %get3A_194 : vector<1x16xf32> to vector<16xf32>
        %get3A_196 = arith.index_cast %scan3A_178 : i32 to index
        %get3A_197 = arith.constant 16 : index
        %get3A_198 = tpu.vector_load %arg14[%get3A_196, %get3A_197] {strides = array<i32>} : memref<80x128xf32, #tpu.memory_space<vmem>>, vector<1x16xf32>,
        %get3A_199 = vector.shape_cast %get3A_198 : vector<1x16xf32> to vector<16xf32>
        %mul3A_200 = arith.mulf %get3A_195, %get3A_199 : vector<16xf32>
        %swap3A_201 = arith.index_cast %scan3A_178 : i32 to index
        %swap3A_202 = arith.constant 16 : index
        %swap3A_203 = tpu.vector_load %arg12[%swap3A_201, %swap3A_202] {strides = array<i32>} : memref<80x128xf32, #tpu.memory_space<vmem>>, vector<1x16xf32>,
        %swap3A_204 = vector.shape_cast %swap3A_203 : vector<1x16xf32> to vector<16xf32>
        %swap3A_205 = vector.shape_cast %mul3A_200 : vector<16xf32> to vector<1x16xf32>
        tpu.vector_store %arg12[%swap3A_201, %swap3A_202], %swap3A_205 {strides = array<i32>} : memref<80x128xf32, #tpu.memory_space<vmem>>, vector<1x16xf32>,
        %get3A_206 = arith.index_cast %scan3A_178 : i32 to index
        %get3A_207 = arith.constant 32 : index
        %get3A_208 = tpu.vector_load %arg12[%get3A_206, %get3A_207] {strides = array<i32>} : memref<80x128xf32, #tpu.memory_space<vmem>>, vector<1x16xf32>,
        %get3A_209 = vector.shape_cast %get3A_208 : vector<1x16xf32> to vector<16xf32>
        %get3A_210 = arith.index_cast %scan3A_178 : i32 to index
        %get3A_211 = arith.constant 32 : index
        %get3A_212 = tpu.vector_load %arg14[%get3A_210, %get3A_211] {strides = array<i32>} : memref<80x128xf32, #tpu.memory_space<vmem>>, vector<1x16xf32>,
        %get3A_213 = vector.shape_cast %get3A_212 : vector<1x16xf32> to vector<16xf32>
        %mul3A_214 = arith.mulf %get3A_209, %get3A_213 : vector<16xf32>
        %swap3A_215 = arith.index_cast %scan3A_178 : i32 to index
        %swap3A_216 = arith.constant 32 : index
        %swap3A_217 = tpu.vector_load %arg12[%swap3A_215, %swap3A_216] {strides = array<i32>} : memref<80x128xf32, #tpu.memory_space<vmem>>, vector<1x16xf32>,
        %swap3A_218 = vector.shape_cast %swap3A_217 : vector<1x16xf32> to vector<16xf32>
        %swap3A_219 = vector.shape_cast %mul3A_214 : vector<16xf32> to vector<1x16xf32>
        tpu.vector_store %arg12[%swap3A_215, %swap3A_216], %swap3A_219 {strides = array<i32>} : memref<80x128xf32, #tpu.memory_space<vmem>>, vector<1x16xf32>,
        %get3A_220 = arith.index_cast %scan3A_178 : i32 to index
        %get3A_221 = arith.constant 48 : index
        %get3A_222 = tpu.vector_load %arg12[%get3A_220, %get3A_221] {strides = array<i32>} : memref<80x128xf32, #tpu.memory_space<vmem>>, vector<1x16xf32>,
        %get3A_223 = vector.shape_cast %get3A_222 : vector<1x16xf32> to vector<16xf32>
        %get3A_224 = arith.index_cast %scan3A_178 : i32 to index
        %get3A_225 = arith.constant 48 : index
        %get3A_226 = tpu.vector_load %arg14[%get3A_224, %get3A_225] {strides = array<i32>} : memref<80x128xf32, #tpu.memory_space<vmem>>, vector<1x16xf32>,
        %get3A_227 = vector.shape_cast %get3A_226 : vector<1x16xf32> to vector<16xf32>
        %mul3A_228 = arith.mulf %get3A_223, %get3A_227 : vector<16xf32>
        %swap3A_229 = arith.index_cast %scan3A_178 : i32 to index
        %swap3A_230 = arith.constant 48 : index
        %swap3A_231 = tpu.vector_load %arg12[%swap3A_229, %swap3A_230] {strides = array<i32>} : memref<80x128xf32, #tpu.memory_space<vmem>>, vector<1x16xf32>,
        %swap3A_232 = vector.shape_cast %swap3A_231 : vector<1x16xf32> to vector<16xf32>
        %swap3A_233 = vector.shape_cast %mul3A_228 : vector<16xf32> to vector<1x16xf32>
        tpu.vector_store %arg12[%swap3A_229, %swap3A_230], %swap3A_233 {strides = array<i32>} : memref<80x128xf32, #tpu.memory_space<vmem>>, vector<1x16xf32>,
        %get3A_234 = arith.index_cast %scan3A_178 : i32 to index
        %get3A_235 = arith.constant 64 : index
        %get3A_236 = tpu.vector_load %arg12[%get3A_234, %get3A_235] {strides = array<i32>} : memref<80x128xf32, #tpu.memory_space<vmem>>, vector<1x16xf32>,
        %get3A_237 = vector.shape_cast %get3A_236 : vector<1x16xf32> to vector<16xf32>
        %get3A_238 = arith.index_cast %scan3A_178 : i32 to index
        %get3A_239 = arith.constant 64 : index
        %get3A_240 = tpu.vector_load %arg14[%get3A_238, %get3A_239] {strides = array<i32>} : memref<80x128xf32, #tpu.memory_space<vmem>>, vector<1x16xf32>,
        %get3A_241 = vector.shape_cast %get3A_240 : vector<1x16xf32> to vector<16xf32>
        %mul3A_242 = arith.mulf %get3A_237, %get3A_241 : vector<16xf32>
        %swap3A_243 = arith.index_cast %scan3A_178 : i32 to index
        %swap3A_244 = arith.constant 64 : index
        %swap3A_245 = tpu.vector_load %arg12[%swap3A_243, %swap3A_244] {strides = array<i32>} : memref<80x128xf32, #tpu.memory_space<vmem>>, vector<1x16xf32>,
        %swap3A_246 = vector.shape_cast %swap3A_245 : vector<1x16xf32> to vector<16xf32>
        %swap3A_247 = vector.shape_cast %mul3A_242 : vector<16xf32> to vector<1x16xf32>
        tpu.vector_store %arg12[%swap3A_243, %swap3A_244], %swap3A_247 {strides = array<i32>} : memref<80x128xf32, #tpu.memory_space<vmem>>, vector<1x16xf32>,
        %get3A_248 = arith.index_cast %scan3A_178 : i32 to index
        %get3A_249 = arith.constant 80 : index
        %get3A_250 = tpu.vector_load %arg12[%get3A_248, %get3A_249] {strides = array<i32>} : memref<80x128xf32, #tpu.memory_space<vmem>>, vector<1x16xf32>,
        %get3A_251 = vector.shape_cast %get3A_250 : vector<1x16xf32> to vector<16xf32>
        %get3A_252 = arith.index_cast %scan3A_178 : i32 to index
        %get3A_253 = arith.constant 80 : index
        %get3A_254 = tpu.vector_load %arg14[%get3A_252, %get3A_253] {strides = array<i32>} : memref<80x128xf32, #tpu.memory_space<vmem>>, vector<1x16xf32>,
        %get3A_255 = vector.shape_cast %get3A_254 : vector<1x16xf32> to vector<16xf32>
        %mul3A_256 = arith.mulf %get3A_251, %get3A_255 : vector<16xf32>
        %swap3A_257 = arith.index_cast %scan3A_178 : i32 to index
        %swap3A_258 = arith.constant 80 : index
        %swap3A_259 = tpu.vector_load %arg12[%swap3A_257, %swap3A_258] {strides = array<i32>} : memref<80x128xf32, #tpu.memory_space<vmem>>, vector<1x16xf32>,
        %swap3A_260 = vector.shape_cast %swap3A_259 : vector<1x16xf32> to vector<16xf32>
        %swap3A_261 = vector.shape_cast %mul3A_256 : vector<16xf32> to vector<1x16xf32>
        tpu.vector_store %arg12[%swap3A_257, %swap3A_258], %swap3A_261 {strides = array<i32>} : memref<80x128xf32, #tpu.memory_space<vmem>>, vector<1x16xf32>,
        %get3A_262 = arith.index_cast %scan3A_178 : i32 to index
        %get3A_263 = arith.constant 96 : index
        %get3A_264 = tpu.vector_load %arg12[%get3A_262, %get3A_263] {strides = array<i32>} : memref<80x128xf32, #tpu.memory_space<vmem>>, vector<1x16xf32>,
        %get3A_265 = vector.shape_cast %get3A_264 : vector<1x16xf32> to vector<16xf32>
        %get3A_266 = arith.index_cast %scan3A_178 : i32 to index
        %get3A_267 = arith.constant 96 : index
        %get3A_268 = tpu.vector_load %arg14[%get3A_266, %get3A_267] {strides = array<i32>} : memref<80x128xf32, #tpu.memory_space<vmem>>, vector<1x16xf32>,
        %get3A_269 = vector.shape_cast %get3A_268 : vector<1x16xf32> to vector<16xf32>
        %mul3A_270 = arith.mulf %get3A_265, %get3A_269 : vector<16xf32>
        %swap3A_271 = arith.index_cast %scan3A_178 : i32 to index
        %swap3A_272 = arith.constant 96 : index
        %swap3A_273 = tpu.vector_load %arg12[%swap3A_271, %swap3A_272] {strides = array<i32>} : memref<80x128xf32, #tpu.memory_space<vmem>>, vector<1x16xf32>,
        %swap3A_274 = vector.shape_cast %swap3A_273 : vector<1x16xf32> to vector<16xf32>
        %swap3A_275 = vector.shape_cast %mul3A_270 : vector<16xf32> to vector<1x16xf32>
        tpu.vector_store %arg12[%swap3A_271, %swap3A_272], %swap3A_275 {strides = array<i32>} : memref<80x128xf32, #tpu.memory_space<vmem>>, vector<1x16xf32>,
        %get3A_276 = arith.index_cast %scan3A_178 : i32 to index
        %get3A_277 = arith.constant 112 : index
        %get3A_278 = tpu.vector_load %arg12[%get3A_276, %get3A_277] {strides = array<i32>} : memref<80x128xf32, #tpu.memory_space<vmem>>, vector<1x16xf32>,
        %get3A_279 = vector.shape_cast %get3A_278 : vector<1x16xf32> to vector<16xf32>
        %get3A_280 = arith.index_cast %scan3A_178 : i32 to index
        %get3A_281 = arith.constant 112 : index
        %get3A_282 = tpu.vector_load %arg14[%get3A_280, %get3A_281] {strides = array<i32>} : memref<80x128xf32, #tpu.memory_space<vmem>>, vector<1x16xf32>,
        %get3A_283 = vector.shape_cast %get3A_282 : vector<1x16xf32> to vector<16xf32>
        %mul3A_284 = arith.mulf %get3A_279, %get3A_283 : vector<16xf32>
        %swap3A_285 = arith.index_cast %scan3A_178 : i32 to index
        %swap3A_286 = arith.constant 112 : index
        %swap3A_287 = tpu.vector_load %arg12[%swap3A_285, %swap3A_286] {strides = array<i32>} : memref<80x128xf32, #tpu.memory_space<vmem>>, vector<1x16xf32>,
        %swap3A_288 = vector.shape_cast %swap3A_287 : vector<1x16xf32> to vector<16xf32>
        %swap3A_289 = vector.shape_cast %mul3A_284 : vector<16xf32> to vector<1x16xf32>
        tpu.vector_store %arg12[%swap3A_285, %swap3A_286], %swap3A_289 {strides = array<i32>} : memref<80x128xf32, #tpu.memory_space<vmem>>, vector<1x16xf32>,
        %scan3A_290 = arith.constant 0 : i32
        scf.yield %scan3A_290 : i32
      }
      %scan3A_169 = arith.constant 80 : i32
      %dma_wait3A_170 = arith.constant 0 : i32
      %dma_wait3A_171 = tpu.memref_slice %arg5[%dma_wait3A_170] : memref<320000xi32, #tpu.memory_space<hbm>> -> memref<80xi32, #tpu.memory_space<hbm>>
      %dma_wait3A_172 = arith.constant 0 : i32
      %dma_wait3A_173 = tpu.memref_slice %arg5[%dma_wait3A_172] : memref<320000xi32, #tpu.memory_space<hbm>> -> memref<80xi32, #tpu.memory_space<hbm>>
      tpu.wait_dma2 semaphore(%arg23 : memref<!tpu.dma_semaphore, #tpu.memory_space<semaphore_mem>>) src(%dma_wait3A_173 : memref<80xi32, #tpu.memory_space<hbm>>) dst(%arg10 : memref<80xi32, #tpu.memory_space<vmem>>)
      %dma_start3A_174 = arith.constant 0 : i32
      %dma_start3A_175 = arith.constant 0 : i32
      %dma_start3A_176 = tpu.memref_slice %arg15[%dma_start3A_174, %dma_start3A_175] : memref<10240x128xf32, #tpu.memory_space<vmem_shared>> -> memref<10240x128xf32, #tpu.memory_space<vmem_shared>>
      tpu.enqueue_indirect_dma source(%arg12 : memref<80x128xf32, #tpu.memory_space<vmem>>) target(%dma_start3A_176 : memref<10240x128xf32, #tpu.memory_space<vmem_shared>>) offsets(%arg10 : memref<80xi32, #tpu.memory_space<vmem>>) semaphore(%arg25 : memref<!tpu.dma_semaphore, #tpu.memory_space<semaphore_mem>>) {add = true}
      %scan3A_177 = arith.constant 0 : i32
      scf.yield %scan3A_177 : i32
    }
    %scan3A_49 = arith.constant 22 : i32
    %dma_wait3A_50 = arith.constant 0 : i32
    %dma_wait3A_51 = arith.constant 0 : i32
    %dma_wait3A_52 = tpu.memref_slice %arg2[%dma_wait3A_50, %dma_wait3A_51] : memref<10000x128xf32, #tpu.memory_space<hbm>> -> memref<10000x128xf32, #tpu.memory_space<hbm>>
    tpu.wait_indirect_dma semaphore(%arg16 : memref<!tpu.dma_semaphore, #tpu.memory_space<semaphore_mem>>) src(%dma_wait3A_52 : memref<10000x128xf32, #tpu.memory_space<hbm>>) dst(%arg11 : memref<80x128xf32, #tpu.memory_space<vmem>>)
    %dma_wait3A_53 = arith.constant 0 : i32
    %dma_wait3A_54 = arith.constant 0 : i32
    %dma_wait3A_55 = tpu.memref_slice %arg3[%dma_wait3A_53, %dma_wait3A_54] : memref<115200x128xf32, #tpu.memory_space<hbm>> -> memref<80x128xf32, #tpu.memory_space<hbm>>
    %dma_wait3A_56 = arith.constant 0 : i32
    %dma_wait3A_57 = arith.constant 0 : i32
    %dma_wait3A_58 = tpu.memref_slice %arg3[%dma_wait3A_56, %dma_wait3A_57] : memref<115200x128xf32, #tpu.memory_space<hbm>> -> memref<80x128xf32, #tpu.memory_space<hbm>>
    tpu.wait_dma2 semaphore(%arg18 : memref<!tpu.dma_semaphore, #tpu.memory_space<semaphore_mem>>) src(%dma_wait3A_58 : memref<80x128xf32, #tpu.memory_space<hbm>>) dst(%arg13 : memref<80x128xf32, #tpu.memory_space<vmem>>)
    %scan3A_59 = arith.constant 0 : i32
    %scan3A_60 = arith.constant 0 : i32
    %scan3A_61 = arith.constant 80 : i32
    %scan3A_62 = arith.addi %scan3A_60, %scan3A_61 : i32
    %scan3A_63 = arith.constant 1 : i32
    %scan3A_64 = scf.for %scan3A_84 = %scan3A_60 to %scan3A_62 step %scan3A_63 iter_args(%scan3A_85 = %scan3A_59) -> (i32)  : i32 {
      %get3A = arith.index_cast %scan3A_84 : i32 to index
      %get3A_86 = arith.constant 0 : index
      %get3A_87 = tpu.vector_load %arg11[%get3A, %get3A_86] {strides = array<i32>} : memref<80x128xf32, #tpu.memory_space<vmem>>, vector<1x16xf32>,
      %get3A_88 = vector.shape_cast %get3A_87 : vector<1x16xf32> to vector<16xf32>
      %get3A_89 = arith.index_cast %scan3A_84 : i32 to index
      %get3A_90 = arith.constant 0 : index
      %get3A_91 = tpu.vector_load %arg13[%get3A_89, %get3A_90] {strides = array<i32>} : memref<80x128xf32, #tpu.memory_space<vmem>>, vector<1x16xf32>,
      %get3A_92 = vector.shape_cast %get3A_91 : vector<1x16xf32> to vector<16xf32>
      %mul3A_93 = arith.mulf %get3A_88, %get3A_92 : vector<16xf32>
      %swap3A = arith.index_cast %scan3A_84 : i32 to index
      %swap3A_94 = arith.constant 0 : index
      %swap3A_95 = tpu.vector_load %arg11[%swap3A, %swap3A_94] {strides = array<i32>} : memref<80x128xf32, #tpu.memory_space<vmem>>, vector<1x16xf32>,
      %swap3A_96 = vector.shape_cast %swap3A_95 : vector<1x16xf32> to vector<16xf32>
      %swap3A_97 = vector.shape_cast %mul3A_93 : vector<16xf32> to vector<1x16xf32>
      tpu.vector_store %arg11[%swap3A, %swap3A_94], %swap3A_97 {strides = array<i32>} : memref<80x128xf32, #tpu.memory_space<vmem>>, vector<1x16xf32>,
      %get3A_98 = arith.index_cast %scan3A_84 : i32 to index
      %get3A_99 = arith.constant 16 : index
      %get3A_100 = tpu.vector_load %arg11[%get3A_98, %get3A_99] {strides = array<i32>} : memref<80x128xf32, #tpu.memory_space<vmem>>, vector<1x16xf32>,
      %get3A_101 = vector.shape_cast %get3A_100 : vector<1x16xf32> to vector<16xf32>
      %get3A_102 = arith.index_cast %scan3A_84 : i32 to index
      %get3A_103 = arith.constant 16 : index
      %get3A_104 = tpu.vector_load %arg13[%get3A_102, %get3A_103] {strides = array<i32>} : memref<80x128xf32, #tpu.memory_space<vmem>>, vector<1x16xf32>,
      %get3A_105 = vector.shape_cast %get3A_104 : vector<1x16xf32> to vector<16xf32>
      %mul3A_106 = arith.mulf %get3A_101, %get3A_105 : vector<16xf32>
      %swap3A_107 = arith.index_cast %scan3A_84 : i32 to index
      %swap3A_108 = arith.constant 16 : index
      %swap3A_109 = tpu.vector_load %arg11[%swap3A_107, %swap3A_108] {strides = array<i32>} : memref<80x128xf32, #tpu.memory_space<vmem>>, vector<1x16xf32>,
      %swap3A_110 = vector.shape_cast %swap3A_109 : vector<1x16xf32> to vector<16xf32>
      %swap3A_111 = vector.shape_cast %mul3A_106 : vector<16xf32> to vector<1x16xf32>
      tpu.vector_store %arg11[%swap3A_107, %swap3A_108], %swap3A_111 {strides = array<i32>} : memref<80x128xf32, #tpu.memory_space<vmem>>, vector<1x16xf32>,
      %get3A_112 = arith.index_cast %scan3A_84 : i32 to index
      %get3A_113 = arith.constant 32 : index
      %get3A_114 = tpu.vector_load %arg11[%get3A_112, %get3A_113] {strides = array<i32>} : memref<80x128xf32, #tpu.memory_space<vmem>>, vector<1x16xf32>,
      %get3A_115 = vector.shape_cast %get3A_114 : vector<1x16xf32> to vector<16xf32>
      %get3A_116 = arith.index_cast %scan3A_84 : i32 to index
      %get3A_117 = arith.constant 32 : index
      %get3A_118 = tpu.vector_load %arg13[%get3A_116, %get3A_117] {strides = array<i32>} : memref<80x128xf32, #tpu.memory_space<vmem>>, vector<1x16xf32>,
      %get3A_119 = vector.shape_cast %get3A_118 : vector<1x16xf32> to vector<16xf32>
      %mul3A_120 = arith.mulf %get3A_115, %get3A_119 : vector<16xf32>
      %swap3A_121 = arith.index_cast %scan3A_84 : i32 to index
      %swap3A_122 = arith.constant 32 : index
      %swap3A_123 = tpu.vector_load %arg11[%swap3A_121, %swap3A_122] {strides = array<i32>} : memref<80x128xf32, #tpu.memory_space<vmem>>, vector<1x16xf32>,
      %swap3A_124 = vector.shape_cast %swap3A_123 : vector<1x16xf32> to vector<16xf32>
      %swap3A_125 = vector.shape_cast %mul3A_120 : vector<16xf32> to vector<1x16xf32>
      tpu.vector_store %arg11[%swap3A_121, %swap3A_122], %swap3A_125 {strides = array<i32>} : memref<80x128xf32, #tpu.memory_space<vmem>>, vector<1x16xf32>,
      %get3A_126 = arith.index_cast %scan3A_84 : i32 to index
      %get3A_127 = arith.constant 48 : index
      %get3A_128 = tpu.vector_load %arg11[%get3A_126, %get3A_127] {strides = array<i32>} : memref<80x128xf32, #tpu.memory_space<vmem>>, vector<1x16xf32>,
      %get3A_129 = vector.shape_cast %get3A_128 : vector<1x16xf32> to vector<16xf32>
      %get3A_130 = arith.index_cast %scan3A_84 : i32 to index
      %get3A_131 = arith.constant 48 : index
      %get3A_132 = tpu.vector_load %arg13[%get3A_130, %get3A_131] {strides = array<i32>} : memref<80x128xf32, #tpu.memory_space<vmem>>, vector<1x16xf32>,
      %get3A_133 = vector.shape_cast %get3A_132 : vector<1x16xf32> to vector<16xf32>
      %mul3A_134 = arith.mulf %get3A_129, %get3A_133 : vector<16xf32>
      %swap3A_135 = arith.index_cast %scan3A_84 : i32 to index
      %swap3A_136 = arith.constant 48 : index
      %swap3A_137 = tpu.vector_load %arg11[%swap3A_135, %swap3A_136] {strides = array<i32>} : memref<80x128xf32, #tpu.memory_space<vmem>>, vector<1x16xf32>,
      %swap3A_138 = vector.shape_cast %swap3A_137 : vector<1x16xf32> to vector<16xf32>
      %swap3A_139 = vector.shape_cast %mul3A_134 : vector<16xf32> to vector<1x16xf32>
      tpu.vector_store %arg11[%swap3A_135, %swap3A_136], %swap3A_139 {strides = array<i32>} : memref<80x128xf32, #tpu.memory_space<vmem>>, vector<1x16xf32>,
      %get3A_140 = arith.index_cast %scan3A_84 : i32 to index
      %get3A_141 = arith.constant 64 : index
      %get3A_142 = tpu.vector_load %arg11[%get3A_140, %get3A_141] {strides = array<i32>} : memref<80x128xf32, #tpu.memory_space<vmem>>, vector<1x16xf32>,
      %get3A_143 = vector.shape_cast %get3A_142 : vector<1x16xf32> to vector<16xf32>
      %get3A_144 = arith.index_cast %scan3A_84 : i32 to index
      %get3A_145 = arith.constant 64 : index
      %get3A_146 = tpu.vector_load %arg13[%get3A_144, %get3A_145] {strides = array<i32>} : memref<80x128xf32, #tpu.memory_space<vmem>>, vector<1x16xf32>,
      %get3A_147 = vector.shape_cast %get3A_146 : vector<1x16xf32> to vector<16xf32>
      %mul3A_148 = arith.mulf %get3A_143, %get3A_147 : vector<16xf32>
      %swap3A_149 = arith.index_cast %scan3A_84 : i32 to index
      %swap3A_150 = arith.constant 64 : index
      %swap3A_151 = tpu.vector_load %arg11[%swap3A_149, %swap3A_150] {strides = array<i32>} : memref<80x128xf32, #tpu.memory_space<vmem>>, vector<1x16xf32>,
      %swap3A_152 = vector.shape_cast %swap3A_151 : vector<1x16xf32> to vector<16xf32>
      %swap3A_153 = vector.shape_cast %mul3A_148 : vector<16xf32> to vector<1x16xf32>
      tpu.vector_store %arg11[%swap3A_149, %swap3A_150], %swap3A_153 {strides = array<i32>} : memref<80x128xf32, #tpu.memory_space<vmem>>, vector<1x16xf32>,
      %get3A_154 = arith.index_cast %scan3A_84 : i32 to index
      %get3A_155 = arith.constant 80 : index
      %get3A_156 = tpu.vector_load %arg11[%get3A_154, %get3A_155] {strides = array<i32>} : memref<80x128xf32, #tpu.memory_space<vmem>>, vector<1x16xf32>,
      %get3A_157 = vector.shape_cast %get3A_156 : vector<1x16xf32> to vector<16xf32>
      %get3A_158 = arith.index_cast %scan3A_84 : i32 to index
      %get3A_159 = arith.constant 80 : index
      %get3A_160 = tpu.vector_load %arg13[%get3A_158, %get3A_159] {strides = array<i32>} : memref<80x128xf32, #tpu.memory_space<vmem>>, vector<1x16xf32>,
      %get3A_161 = vector.shape_cast %get3A_160 : vector<1x16xf32> to vector<16xf32>
      %mul3A_162 = arith.mulf %get3A_157, %get3A_161 : vector<16xf32>
      %swap3A_163 = arith.index_cast %scan3A_84 : i32 to index
      %swap3A_164 = arith.constant 80 : index
      %swap3A_165 = tpu.vector_load %arg11[%swap3A_163, %swap3A_164] {strides = array<i32>} : memref<80x128xf32, #tpu.memory_space<vmem>>, vector<1x16xf32>,
      %swap3A_166 = vector.shape_cast %swap3A_165 : vector<1x16xf32> to vector<16xf32>
      %swap3A_167 = vector.shape_cast %mul3A_162 : vector<16xf32> to vector<1x16xf32>
      tpu.vector_store %arg11[%swap3A_163, %swap3A_164], %swap3A_167 {strides = array<i32>} : memref<80x128xf32, #tpu.memory_space<vmem>>, vector<1x16xf32>,
      %get3A_168 = arith.index_cast %scan3A_84 : i32 to index
      %get3A_169 = arith.constant 96 : index
      %get3A_170 = tpu.vector_load %arg11[%get3A_168, %get3A_169] {strides = array<i32>} : memref<80x128xf32, #tpu.memory_space<vmem>>, vector<1x16xf32>,
      %get3A_171 = vector.shape_cast %get3A_170 : vector<1x16xf32> to vector<16xf32>
      %get3A_172 = arith.index_cast %scan3A_84 : i32 to index
      %get3A_173 = arith.constant 96 : index
      %get3A_174 = tpu.vector_load %arg13[%get3A_172, %get3A_173] {strides = array<i32>} : memref<80x128xf32, #tpu.memory_space<vmem>>, vector<1x16xf32>,
      %get3A_175 = vector.shape_cast %get3A_174 : vector<1x16xf32> to vector<16xf32>
      %mul3A_176 = arith.mulf %get3A_171, %get3A_175 : vector<16xf32>
      %swap3A_177 = arith.index_cast %scan3A_84 : i32 to index
      %swap3A_178 = arith.constant 96 : index
      %swap3A_179 = tpu.vector_load %arg11[%swap3A_177, %swap3A_178] {strides = array<i32>} : memref<80x128xf32, #tpu.memory_space<vmem>>, vector<1x16xf32>,
      %swap3A_180 = vector.shape_cast %swap3A_179 : vector<1x16xf32> to vector<16xf32>
      %swap3A_181 = vector.shape_cast %mul3A_176 : vector<16xf32> to vector<1x16xf32>
      tpu.vector_store %arg11[%swap3A_177, %swap3A_178], %swap3A_181 {strides = array<i32>} : memref<80x128xf32, #tpu.memory_space<vmem>>, vector<1x16xf32>,
      %get3A_182 = arith.index_cast %scan3A_84 : i32 to index
      %get3A_183 = arith.constant 112 : index
      %get3A_184 = tpu.vector_load %arg11[%get3A_182, %get3A_183] {strides = array<i32>} : memref<80x128xf32, #tpu.memory_space<vmem>>, vector<1x16xf32>,
      %get3A_185 = vector.shape_cast %get3A_184 : vector<1x16xf32> to vector<16xf32>
      %get3A_186 = arith.index_cast %scan3A_84 : i32 to index
      %get3A_187 = arith.constant 112 : index
      %get3A_188 = tpu.vector_load %arg13[%get3A_186, %get3A_187] {strides = array<i32>} : memref<80x128xf32, #tpu.memory_space<vmem>>, vector<1x16xf32>,
      %get3A_189 = vector.shape_cast %get3A_188 : vector<1x16xf32> to vector<16xf32>
      %mul3A_190 = arith.mulf %get3A_185, %get3A_189 : vector<16xf32>
      %swap3A_191 = arith.index_cast %scan3A_84 : i32 to index
      %swap3A_192 = arith.constant 112 : index
      %swap3A_193 = tpu.vector_load %arg11[%swap3A_191, %swap3A_192] {strides = array<i32>} : memref<80x128xf32, #tpu.memory_space<vmem>>, vector<1x16xf32>,
      %swap3A_194 = vector.shape_cast %swap3A_193 : vector<1x16xf32> to vector<16xf32>
      %swap3A_195 = vector.shape_cast %mul3A_190 : vector<16xf32> to vector<1x16xf32>
      tpu.vector_store %arg11[%swap3A_191, %swap3A_192], %swap3A_195 {strides = array<i32>} : memref<80x128xf32, #tpu.memory_space<vmem>>, vector<1x16xf32>,
      %scan3A_196 = arith.constant 0 : i32
      scf.yield %scan3A_196 : i32
    }
    %scan3A_65 = arith.constant 80 : i32
    %dma_wait3A_66 = arith.constant 0 : i32
    %dma_wait3A_67 = arith.constant 0 : i32
    %dma_wait3A_68 = tpu.memref_slice %arg15[%dma_wait3A_66, %dma_wait3A_67] : memref<10240x128xf32, #tpu.memory_space<vmem_shared>> -> memref<10240x128xf32, #tpu.memory_space<vmem_shared>>
    tpu.wait_indirect_dma semaphore(%arg25 : memref<!tpu.dma_semaphore, #tpu.memory_space<semaphore_mem>>) src(%arg12 : memref<80x128xf32, #tpu.memory_space<vmem>>) dst(%dma_wait3A_68 : memref<10240x128xf32, #tpu.memory_space<vmem_shared>>)
    %dma_wait3A_69 = arith.constant 0 : i32
    %dma_wait3A_70 = tpu.memref_slice %arg5[%dma_wait3A_69] : memref<320000xi32, #tpu.memory_space<hbm>> -> memref<80xi32, #tpu.memory_space<hbm>>
    %dma_wait3A_71 = arith.constant 0 : i32
    %dma_wait3A_72 = tpu.memref_slice %arg5[%dma_wait3A_71] : memref<320000xi32, #tpu.memory_space<hbm>> -> memref<80xi32, #tpu.memory_space<hbm>>
    tpu.wait_dma2 semaphore(%arg22 : memref<!tpu.dma_semaphore, #tpu.memory_space<semaphore_mem>>) src(%dma_wait3A_72 : memref<80xi32, #tpu.memory_space<hbm>>) dst(%arg9 : memref<80xi32, #tpu.memory_space<vmem>>)
    %dma_start3A_73 = arith.constant 0 : i32
    %dma_start3A_74 = arith.constant 0 : i32
    %dma_start3A_75 = tpu.memref_slice %arg15[%dma_start3A_73, %dma_start3A_74] : memref<10240x128xf32, #tpu.memory_space<vmem_shared>> -> memref<10240x128xf32, #tpu.memory_space<vmem_shared>>
    tpu.enqueue_indirect_dma source(%arg11 : memref<80x128xf32, #tpu.memory_space<vmem>>) target(%dma_start3A_75 : memref<10240x128xf32, #tpu.memory_space<vmem_shared>>) offsets(%arg9 : memref<80xi32, #tpu.memory_space<vmem>>) semaphore(%arg24 : memref<!tpu.dma_semaphore, #tpu.memory_space<semaphore_mem>>) {add = true}
    %dma_wait3A_76 = arith.constant 0 : i32
    %dma_wait3A_77 = arith.constant 0 : i32
    %dma_wait3A_78 = tpu.memref_slice %arg15[%dma_wait3A_76, %dma_wait3A_77] : memref<10240x128xf32, #tpu.memory_space<vmem_shared>> -> memref<10240x128xf32, #tpu.memory_space<vmem_shared>>
    tpu.wait_indirect_dma semaphore(%arg24 : memref<!tpu.dma_semaphore, #tpu.memory_space<semaphore_mem>>) src(%arg11 : memref<80x128xf32, #tpu.memory_space<vmem>>) dst(%dma_wait3A_78 : memref<10240x128xf32, #tpu.memory_space<vmem_shared>>)
    %barrier3A_79 = arith.constant 0 : index
    tpu.barrier barrier_id(%barrier3A_79)
    %mul3A_80 = arith.constant 640 : i32
    %mul3A_81 = arith.muli %arg1, %mul3A_80 : i32
    %mul3A_82 = arith.constant 640 : i32
    %mul3A_83 = arith.muli %arg1, %mul3A_82 : i32
    "tpu.region"() ({
      %run_scoped3A = tpu.sem_alloc : memref<!tpu.dma_semaphore, #tpu.memory_space<semaphore_mem>>
      %dma_start3A_84 = arith.constant 0 : i32
      %dma_start3A_85 = tpu.memref_slice %arg6[%arg0, %mul3A_83, %dma_start3A_84] : memref<2x10240x128xf32, #tpu.memory_space<hbm>> -> memref<1x640x128xf32, #tpu.memory_space<hbm>>
      %dma_start3A_86 = tpu.memref_squeeze %dma_start3A_85 : memref<1x640x128xf32, #tpu.memory_space<hbm>> -> memref<640x128xf32, #tpu.memory_space<hbm>>
      %dma_start3A_87 = arith.constant 0 : i32
      %dma_start3A_88 = tpu.memref_slice %arg15[%mul3A_81, %dma_start3A_87] : memref<10240x128xf32, #tpu.memory_space<vmem_shared>> -> memref<640x128xf32, #tpu.memory_space<vmem_shared>>
      tpu.enqueue_dma source(%dma_start3A_88 : memref<640x128xf32, #tpu.memory_space<vmem_shared>>) target(%dma_start3A_86 : memref<640x128xf32, #tpu.memory_space<hbm>>) target_semaphore(%run_scoped3A : memref<!tpu.dma_semaphore, #tpu.memory_space<semaphore_mem>>)
      %dma_wait3A_89 = arith.constant 0 : i32
      %dma_wait3A_90 = tpu.memref_slice %arg6[%arg0, %mul3A_83, %dma_wait3A_89] : memref<2x10240x128xf32, #tpu.memory_space<hbm>> -> memref<1x640x128xf32, #tpu.memory_space<hbm>>
      %dma_wait3A_91 = tpu.memref_squeeze %dma_wait3A_90 : memref<1x640x128xf32, #tpu.memory_space<hbm>> -> memref<640x128xf32, #tpu.memory_space<hbm>>
      %dma_wait3A_92 = arith.constant 0 : i32
      %dma_wait3A_93 = tpu.memref_slice %arg15[%mul3A_81, %dma_wait3A_92] : memref<10240x128xf32, #tpu.memory_space<vmem_shared>> -> memref<640x128xf32, #tpu.memory_space<vmem_shared>>
      tpu.wait_dma2 semaphore(%run_scoped3A : memref<!tpu.dma_semaphore, #tpu.memory_space<semaphore_mem>>) src(%dma_wait3A_93 : memref<640x128xf32, #tpu.memory_space<vmem_shared>>) dst(%dma_wait3A_91 : memref<640x128xf32, #tpu.memory_space<hbm>>)
      tpu.yield
    }) : () -> ()
    return
  }
}

module attributes {stable_mosaic.version = 14 : i64} {
  func.func @_filter_body(%arg0: i32, %arg1: memref<50x3200xf32, #tpu.memory_space<vmem>>, %arg2: memref<1x3200xf32, #tpu.memory_space<vmem>>, %arg3: memref<50x128xf32, #tpu.memory_space<vmem>>, %arg4: memref<1x128xf32, #tpu.memory_space<vmem>>, %arg5: memref<128x128xf32, #tpu.memory_space<vmem>>, %arg6: memref<1x128xf32, #tpu.memory_space<vmem>>, %arg7: memref<3200x128xf32, #tpu.memory_space<vmem>>) attributes {dimension_semantics = [#tpu.dimension_semantics<arbitrary>], iteration_bounds = array<i64: 36>, scalar_prefetch = 0 : i64, scratch_operands = 0 : i64, tpu.core_type = #tpu.core_type<tc>, window_params = [{transform_indices = @transform_0, window_bounds = array<i64: 50, 3200>}, {transform_indices = @transform_1, window_bounds = array<i64: 1, 3200>}, {pipeline_mode = #tpu.pipeline_mode<synchronous>, transform_indices = @transform_2, window_bounds = array<i64: 50, 128>}, {pipeline_mode = #tpu.pipeline_mode<synchronous>, transform_indices = @transform_3, window_bounds = array<i64: 1, 128>}, {pipeline_mode = #tpu.pipeline_mode<synchronous>, transform_indices = @transform_4, window_bounds = array<i64: 128, 128>}, {pipeline_mode = #tpu.pipeline_mode<synchronous>, transform_indices = @transform_5, window_bounds = array<i64: 1, 128>}, {transform_indices = @transform_6, window_bounds = array<i64: 3200, 128>}]} {
    %get3A = arith.constant 0 : index
    %get3A_0 = arith.constant 0 : index
    %get3A_1 = vector.load %arg1[%get3A, %get3A_0] : memref<50x3200xf32, #tpu.memory_space<vmem>>, vector<50x3200xf32>
    %get3A_2 = arith.constant 0 : index
    %get3A_3 = arith.constant 0 : index
    %get3A_4 = vector.load %arg3[%get3A_2, %get3A_3] : memref<50x128xf32, #tpu.memory_space<vmem>>, vector<50x128xf32>
    %dot_general3A = arith.constant dense<0.000000e+00> : vector<3200x128xf32>
    %dot_general3A_5 = tpu.matmul %get3A_1, %get3A_4, %dot_general3A {dimension_numbers = #tpu.dot_dimension_numbers<[0], [0], [1], [1], [0, 1, 1, 1], [], []>, transpose_lhs_hint = false} : vector<50x3200xf32>, vector<50x128xf32>, vector<3200x128xf32> -> vector<3200x128xf32>
    %get3A_6 = arith.constant 0 : index
    %get3A_7 = arith.constant 0 : index
    %get3A_8 = vector.load %arg4[%get3A_6, %get3A_7] : memref<1x128xf32, #tpu.memory_space<vmem>>, vector<1x128xf32>
    %add3A = vector.broadcast %get3A_8 : vector<1x128xf32> to vector<3200x128xf32>
    %add3A_9 = arith.addf %dot_general3A_5, %add3A : vector<3200x128xf32>
    %custom_jvp_call3A = arith.constant 0.000000e+00 : f32
    %max3A = vector.broadcast %custom_jvp_call3A : f32 to vector<3200x128xf32>
    %max3A_10 = arith.maximumf %add3A_9, %max3A : vector<3200x128xf32>
    %sub3A = vector.broadcast %custom_jvp_call3A : f32 to vector<3200x128xf32>
    %sub3A_11 = arith.subf %add3A_9, %sub3A : vector<3200x128xf32>
    %ne3A = arith.cmpf one, %sub3A_11, %sub3A_11 : vector<3200x128xf32>
    %add3A_12 = vector.broadcast %custom_jvp_call3A : f32 to vector<3200x128xf32>
    %add3A_13 = arith.addf %add3A_9, %add3A_12 : vector<3200x128xf32>
    %abs3A = math.absf %sub3A_11 : vector<3200x128xf32>
    %neg3A = arith.constant 0.000000e+00 : f32
    %neg3A_14 = vector.broadcast %neg3A : f32 to vector<3200x128xf32>
    %neg3A_15 = arith.subf %neg3A_14, %abs3A : vector<3200x128xf32>
    %exp3A = math.exp %neg3A_15 : vector<3200x128xf32>
    %log1p3A = math.log1p %exp3A : vector<3200x128xf32>
    %add3A_16 = arith.addf %max3A_10, %log1p3A : vector<3200x128xf32>
    %select_n3A = arith.select %ne3A, %add3A_13, %add3A_16 : vector<3200x128xi1>, vector<3200x128xf32>
    %sub3A_17 = arith.constant 0.693147182 : f32
    %sub3A_18 = vector.broadcast %sub3A_17 : f32 to vector<3200x128xf32>
    %sub3A_19 = arith.subf %select_n3A, %sub3A_18 : vector<3200x128xf32>
    %get3A_20 = arith.constant 0 : index
    %get3A_21 = arith.constant 0 : index
    %get3A_22 = vector.load %arg5[%get3A_20, %get3A_21] : memref<128x128xf32, #tpu.memory_space<vmem>>, vector<128x128xf32>
    %dot_general3A_23 = arith.constant dense<0.000000e+00> : vector<3200x128xf32>
    %dot_general3A_24 = tpu.matmul %sub3A_19, %get3A_22, %dot_general3A_23 {dimension_numbers = #tpu.dot_dimension_numbers<[1], [0], [0], [1], [0, 0, 1, 1], [], []>, transpose_lhs_hint = false} : vector<3200x128xf32>, vector<128x128xf32>, vector<3200x128xf32> -> vector<3200x128xf32>
    %get3A_25 = arith.constant 0 : index
    %get3A_26 = arith.constant 0 : index
    %get3A_27 = vector.load %arg6[%get3A_25, %get3A_26] : memref<1x128xf32, #tpu.memory_space<vmem>>, vector<1x128xf32>
    %add3A_28 = vector.broadcast %get3A_27 : vector<1x128xf32> to vector<3200x128xf32>
    %add3A_29 = arith.addf %dot_general3A_24, %add3A_28 : vector<3200x128xf32>
    %get3A_30 = arith.constant 0 : index
    %get3A_31 = arith.constant 0 : index
    %get3A_32 = vector.load %arg2[%get3A_30, %get3A_31] : memref<1x3200xf32, #tpu.memory_space<vmem>>, vector<1x3200xf32>
    %mul3A = arith.constant 0.314159274 : f32
    %mul3A_33 = vector.broadcast %mul3A : f32 to vector<1x3200xf32>
    %mul3A_34 = arith.mulf %get3A_32, %mul3A_33 : vector<1x3200xf32>
    %cos3A = math.cos %mul3A_34 : vector<1x3200xf32>
    %add3A_35 = arith.constant 1.000000e+00 : f32
    %add3A_36 = vector.broadcast %add3A_35 : f32 to vector<1x3200xf32>
    %add3A_37 = arith.addf %cos3A, %add3A_36 : vector<1x3200xf32>
    %mul3A_38 = arith.constant 5.000000e-01 : f32
    %mul3A_39 = vector.broadcast %mul3A_38 : f32 to vector<1x3200xf32>
    %mul3A_40 = arith.mulf %mul3A_39, %add3A_37 : vector<1x3200xf32>
    %le3A = arith.constant 1.000000e+01 : f32
    %le3A_41 = vector.broadcast %le3A : f32 to vector<1x3200xf32>
    %le3A_42 = arith.cmpf ole, %get3A_32, %le3A_41 : vector<1x3200xf32>
    %convert_element_type3A = arith.extui %le3A_42 : vector<1x3200xi1> to vector<1x3200xi32>
    %convert_element_type3A_43 = arith.sitofp %convert_element_type3A : vector<1x3200xi32> to vector<1x3200xf32>
    %mul3A_44 = arith.mulf %mul3A_40, %convert_element_type3A_43 : vector<1x3200xf32>
    %ge3A = arith.constant 0.000000e+00 : f32
    %ge3A_45 = vector.broadcast %ge3A : f32 to vector<1x3200xf32>
    %ge3A_46 = arith.cmpf oge, %get3A_32, %ge3A_45 : vector<1x3200xf32>
    %convert_element_type3A_47 = arith.extui %ge3A_46 : vector<1x3200xi1> to vector<1x3200xi32>
    %convert_element_type3A_48 = arith.sitofp %convert_element_type3A_47 : vector<1x3200xi32> to vector<1x3200xf32>
    %mul3A_49 = arith.mulf %mul3A_44, %convert_element_type3A_48 : vector<1x3200xf32>
    %reshape3A = vector.shape_cast %mul3A_49 : vector<1x3200xf32> to vector<3200x1xf32>
    %mul3A_50 = vector.broadcast %reshape3A : vector<3200x1xf32> to vector<3200x128xf32>
    %mul3A_51 = arith.mulf %add3A_29, %mul3A_50 : vector<3200x128xf32>
    %swap3A = arith.constant 0 : index
    %swap3A_52 = arith.constant 0 : index
    %swap3A_53 = vector.load %arg7[%swap3A, %swap3A_52] : memref<3200x128xf32, #tpu.memory_space<vmem>>, vector<3200x128xf32>
    tpu.vector_store %arg7[%swap3A, %swap3A_52], %mul3A_51 {strides = array<i32>} : memref<3200x128xf32, #tpu.memory_space<vmem>>, vector<3200x128xf32>,
    return
  }
  func.func @transform_0(%arg0: i32) -> (i32, i32) {
    %add3A = arith.constant 64 : i32
    %add3A_0 = arith.addi %arg0, %add3A : i32
    %c0_i32 = arith.constant 0 : i32
    %c0_i32_1 = arith.constant 0 : i32
    return %c0_i32, %add3A_0 : i32, i32
  }
  func.func @transform_1(%arg0: i32) -> (i32, i32) {
    %add3A = arith.constant 64 : i32
    %add3A_0 = arith.addi %arg0, %add3A : i32
    %c0_i32 = arith.constant 0 : i32
    %c0_i32_1 = arith.constant 0 : i32
    return %c0_i32, %add3A_0 : i32, i32
  }
  func.func @transform_2(%arg0: i32) -> (i32, i32) {
    %c0_i32 = arith.constant 0 : i32
    %c0_i32_0 = arith.constant 0 : i32
    %c0_i32_1 = arith.constant 0 : i32
    return %c0_i32, %c0_i32_0 : i32, i32
  }
  func.func @transform_3(%arg0: i32) -> (i32, i32) {
    %c0_i32 = arith.constant 0 : i32
    %c0_i32_0 = arith.constant 0 : i32
    %c0_i32_1 = arith.constant 0 : i32
    return %c0_i32, %c0_i32_0 : i32, i32
  }
  func.func @transform_4(%arg0: i32) -> (i32, i32) {
    %c0_i32 = arith.constant 0 : i32
    %c0_i32_0 = arith.constant 0 : i32
    %c0_i32_1 = arith.constant 0 : i32
    return %c0_i32, %c0_i32_0 : i32, i32
  }
  func.func @transform_5(%arg0: i32) -> (i32, i32) {
    %c0_i32 = arith.constant 0 : i32
    %c0_i32_0 = arith.constant 0 : i32
    %c0_i32_1 = arith.constant 0 : i32
    return %c0_i32, %c0_i32_0 : i32, i32
  }
  func.func @transform_6(%arg0: i32) -> (i32, i32) {
    %c0_i32 = arith.constant 0 : i32
    %c0_i32_0 = arith.constant 0 : i32
    return %arg0, %c0_i32 : i32, i32
  }
}

module attributes {stable_mosaic.version = 14 : i64} {
  func.func @_lin1_body(%arg0: i32, %arg1: memref<1000x128xf32, #tpu.memory_space<vmem>>, %arg2: memref<128x128xf32, #tpu.memory_space<vmem>>, %arg3: memref<1000x128xf32, #tpu.memory_space<vmem>>) attributes {dimension_semantics = [#tpu.dimension_semantics<arbitrary>], iteration_bounds = array<i64: 10>, scalar_prefetch = 0 : i64, scratch_operands = 0 : i64, tpu.core_type = #tpu.core_type<tc>, window_params = [{transform_indices = @transform_0, window_bounds = array<i64: 1000, 128>}, {pipeline_mode = #tpu.pipeline_mode<synchronous>, transform_indices = @transform_1, window_bounds = array<i64: 128, 128>}, {transform_indices = @transform_2, window_bounds = array<i64: 1000, 128>}]} {
    %get3A = arith.constant 0 : index
    %get3A_0 = arith.constant 0 : index
    %get3A_1 = vector.load %arg1[%get3A, %get3A_0] : memref<1000x128xf32, #tpu.memory_space<vmem>>, vector<1000x128xf32>
    %get3A_2 = arith.constant 0 : index
    %get3A_3 = arith.constant 0 : index
    %get3A_4 = vector.load %arg2[%get3A_2, %get3A_3] : memref<128x128xf32, #tpu.memory_space<vmem>>, vector<128x128xf32>
    %dot_general3A = arith.constant dense<0.000000e+00> : vector<1000x128xf32>
    %dot_general3A_5 = tpu.matmul %get3A_1, %get3A_4, %dot_general3A {dimension_numbers = #tpu.dot_dimension_numbers<[1], [0], [0], [1], [0, 0, 1, 1], [], []>, transpose_lhs_hint = false} : vector<1000x128xf32>, vector<128x128xf32>, vector<1000x128xf32> -> vector<1000x128xf32>
    %swap3A = arith.constant 0 : index
    %swap3A_6 = arith.constant 0 : index
    %swap3A_7 = vector.load %arg3[%swap3A, %swap3A_6] : memref<1000x128xf32, #tpu.memory_space<vmem>>, vector<1000x128xf32>
    tpu.vector_store %arg3[%swap3A, %swap3A_6], %dot_general3A_5 {strides = array<i32>} : memref<1000x128xf32, #tpu.memory_space<vmem>>, vector<1000x128xf32>,
    return
  }
  func.func @transform_0(%arg0: i32) -> (i32, i32) {
    %c0_i32 = arith.constant 0 : i32
    %c0_i32_0 = arith.constant 0 : i32
    return %arg0, %c0_i32 : i32, i32
  }
  func.func @transform_1(%arg0: i32) -> (i32, i32) {
    %c0_i32 = arith.constant 0 : i32
    %c0_i32_0 = arith.constant 0 : i32
    %c0_i32_1 = arith.constant 0 : i32
    return %c0_i32, %c0_i32_0 : i32, i32
  }
  func.func @transform_2(%arg0: i32) -> (i32, i32) {
    %c0_i32 = arith.constant 0 : i32
    %c0_i32_0 = arith.constant 0 : i32
    return %arg0, %c0_i32 : i32, i32
  }
}

module attributes {stable_mosaic.version = 14 : i64} {
  func.func @_filter_body(%arg0: i32, %arg1: memref<50x3200xf32, #tpu.memory_space<vmem>>, %arg2: memref<1x3200xf32, #tpu.memory_space<vmem>>, %arg3: memref<50x128xf32, #tpu.memory_space<vmem>>, %arg4: memref<1x128xf32, #tpu.memory_space<vmem>>, %arg5: memref<128x128xf32, #tpu.memory_space<vmem>>, %arg6: memref<1x128xf32, #tpu.memory_space<vmem>>, %arg7: memref<3200x128xf32, #tpu.memory_space<vmem>>) attributes {dimension_semantics = [#tpu.dimension_semantics<arbitrary>], iteration_bounds = array<i64: 32>, scalar_prefetch = 0 : i64, scratch_operands = 0 : i64, tpu.core_type = #tpu.core_type<tc>, window_params = [{transform_indices = @transform_0, window_bounds = array<i64: 50, 3200>}, {transform_indices = @transform_1, window_bounds = array<i64: 1, 3200>}, {pipeline_mode = #tpu.pipeline_mode<synchronous>, transform_indices = @transform_2, window_bounds = array<i64: 50, 128>}, {pipeline_mode = #tpu.pipeline_mode<synchronous>, transform_indices = @transform_3, window_bounds = array<i64: 1, 128>}, {pipeline_mode = #tpu.pipeline_mode<synchronous>, transform_indices = @transform_4, window_bounds = array<i64: 128, 128>}, {pipeline_mode = #tpu.pipeline_mode<synchronous>, transform_indices = @transform_5, window_bounds = array<i64: 1, 128>}, {transform_indices = @transform_6, window_bounds = array<i64: 3200, 128>}]} {
    %get3A = arith.constant 0 : index
    %get3A_0 = arith.constant 0 : index
    %get3A_1 = vector.load %arg1[%get3A, %get3A_0] : memref<50x3200xf32, #tpu.memory_space<vmem>>, vector<50x3200xf32>
    %get3A_2 = arith.constant 0 : index
    %get3A_3 = arith.constant 0 : index
    %get3A_4 = vector.load %arg3[%get3A_2, %get3A_3] : memref<50x128xf32, #tpu.memory_space<vmem>>, vector<50x128xf32>
    %dot_general3A = arith.constant dense<0.000000e+00> : vector<3200x128xf32>
    %dot_general3A_5 = tpu.matmul %get3A_1, %get3A_4, %dot_general3A {dimension_numbers = #tpu.dot_dimension_numbers<[0], [0], [1], [1], [0, 1, 1, 1], [], []>, transpose_lhs_hint = false} : vector<50x3200xf32>, vector<50x128xf32>, vector<3200x128xf32> -> vector<3200x128xf32>
    %get3A_6 = arith.constant 0 : index
    %get3A_7 = arith.constant 0 : index
    %get3A_8 = vector.load %arg4[%get3A_6, %get3A_7] : memref<1x128xf32, #tpu.memory_space<vmem>>, vector<1x128xf32>
    %add3A = vector.broadcast %get3A_8 : vector<1x128xf32> to vector<3200x128xf32>
    %add3A_9 = arith.addf %dot_general3A_5, %add3A : vector<3200x128xf32>
    %custom_jvp_call3A = arith.constant 0.000000e+00 : f32
    %max3A = vector.broadcast %custom_jvp_call3A : f32 to vector<3200x128xf32>
    %max3A_10 = arith.maximumf %add3A_9, %max3A : vector<3200x128xf32>
    %sub3A = vector.broadcast %custom_jvp_call3A : f32 to vector<3200x128xf32>
    %sub3A_11 = arith.subf %add3A_9, %sub3A : vector<3200x128xf32>
    %ne3A = arith.cmpf one, %sub3A_11, %sub3A_11 : vector<3200x128xf32>
    %add3A_12 = vector.broadcast %custom_jvp_call3A : f32 to vector<3200x128xf32>
    %add3A_13 = arith.addf %add3A_9, %add3A_12 : vector<3200x128xf32>
    %abs3A = math.absf %sub3A_11 : vector<3200x128xf32>
    %neg3A = arith.constant 0.000000e+00 : f32
    %neg3A_14 = vector.broadcast %neg3A : f32 to vector<3200x128xf32>
    %neg3A_15 = arith.subf %neg3A_14, %abs3A : vector<3200x128xf32>
    %exp3A = math.exp %neg3A_15 : vector<3200x128xf32>
    %log1p3A = math.log1p %exp3A : vector<3200x128xf32>
    %add3A_16 = arith.addf %max3A_10, %log1p3A : vector<3200x128xf32>
    %select_n3A = arith.select %ne3A, %add3A_13, %add3A_16 : vector<3200x128xi1>, vector<3200x128xf32>
    %sub3A_17 = arith.constant 0.693147182 : f32
    %sub3A_18 = vector.broadcast %sub3A_17 : f32 to vector<3200x128xf32>
    %sub3A_19 = arith.subf %select_n3A, %sub3A_18 : vector<3200x128xf32>
    %get3A_20 = arith.constant 0 : index
    %get3A_21 = arith.constant 0 : index
    %get3A_22 = vector.load %arg5[%get3A_20, %get3A_21] : memref<128x128xf32, #tpu.memory_space<vmem>>, vector<128x128xf32>
    %dot_general3A_23 = arith.constant dense<0.000000e+00> : vector<3200x128xf32>
    %dot_general3A_24 = tpu.matmul %sub3A_19, %get3A_22, %dot_general3A_23 {dimension_numbers = #tpu.dot_dimension_numbers<[1], [0], [0], [1], [0, 0, 1, 1], [], []>, transpose_lhs_hint = false} : vector<3200x128xf32>, vector<128x128xf32>, vector<3200x128xf32> -> vector<3200x128xf32>
    %get3A_25 = arith.constant 0 : index
    %get3A_26 = arith.constant 0 : index
    %get3A_27 = vector.load %arg6[%get3A_25, %get3A_26] : memref<1x128xf32, #tpu.memory_space<vmem>>, vector<1x128xf32>
    %add3A_28 = vector.broadcast %get3A_27 : vector<1x128xf32> to vector<3200x128xf32>
    %add3A_29 = arith.addf %dot_general3A_24, %add3A_28 : vector<3200x128xf32>
    %get3A_30 = arith.constant 0 : index
    %get3A_31 = arith.constant 0 : index
    %get3A_32 = vector.load %arg2[%get3A_30, %get3A_31] : memref<1x3200xf32, #tpu.memory_space<vmem>>, vector<1x3200xf32>
    %mul3A = arith.constant 0.314159274 : f32
    %mul3A_33 = vector.broadcast %mul3A : f32 to vector<1x3200xf32>
    %mul3A_34 = arith.mulf %get3A_32, %mul3A_33 : vector<1x3200xf32>
    %cos3A = math.cos %mul3A_34 : vector<1x3200xf32>
    %add3A_35 = arith.constant 1.000000e+00 : f32
    %add3A_36 = vector.broadcast %add3A_35 : f32 to vector<1x3200xf32>
    %add3A_37 = arith.addf %cos3A, %add3A_36 : vector<1x3200xf32>
    %mul3A_38 = arith.constant 5.000000e-01 : f32
    %mul3A_39 = vector.broadcast %mul3A_38 : f32 to vector<1x3200xf32>
    %mul3A_40 = arith.mulf %mul3A_39, %add3A_37 : vector<1x3200xf32>
    %le3A = arith.constant 1.000000e+01 : f32
    %le3A_41 = vector.broadcast %le3A : f32 to vector<1x3200xf32>
    %le3A_42 = arith.cmpf ole, %get3A_32, %le3A_41 : vector<1x3200xf32>
    %convert_element_type3A = arith.extui %le3A_42 : vector<1x3200xi1> to vector<1x3200xi32>
    %convert_element_type3A_43 = arith.sitofp %convert_element_type3A : vector<1x3200xi32> to vector<1x3200xf32>
    %mul3A_44 = arith.mulf %mul3A_40, %convert_element_type3A_43 : vector<1x3200xf32>
    %ge3A = arith.constant 0.000000e+00 : f32
    %ge3A_45 = vector.broadcast %ge3A : f32 to vector<1x3200xf32>
    %ge3A_46 = arith.cmpf oge, %get3A_32, %ge3A_45 : vector<1x3200xf32>
    %convert_element_type3A_47 = arith.extui %ge3A_46 : vector<1x3200xi1> to vector<1x3200xi32>
    %convert_element_type3A_48 = arith.sitofp %convert_element_type3A_47 : vector<1x3200xi32> to vector<1x3200xf32>
    %mul3A_49 = arith.mulf %mul3A_44, %convert_element_type3A_48 : vector<1x3200xf32>
    %reshape3A = vector.shape_cast %mul3A_49 : vector<1x3200xf32> to vector<3200x1xf32>
    %mul3A_50 = vector.broadcast %reshape3A : vector<3200x1xf32> to vector<3200x128xf32>
    %mul3A_51 = arith.mulf %add3A_29, %mul3A_50 : vector<3200x128xf32>
    %swap3A = arith.constant 0 : index
    %swap3A_52 = arith.constant 0 : index
    %swap3A_53 = vector.load %arg7[%swap3A, %swap3A_52] : memref<3200x128xf32, #tpu.memory_space<vmem>>, vector<3200x128xf32>
    tpu.vector_store %arg7[%swap3A, %swap3A_52], %mul3A_51 {strides = array<i32>} : memref<3200x128xf32, #tpu.memory_space<vmem>>, vector<3200x128xf32>,
    return
  }
  func.func @transform_0(%arg0: i32) -> (i32, i32) {
    %add3A = arith.constant 32 : i32
    %add3A_0 = arith.addi %arg0, %add3A : i32
    %c0_i32 = arith.constant 0 : i32
    %c0_i32_1 = arith.constant 0 : i32
    return %c0_i32, %add3A_0 : i32, i32
  }
  func.func @transform_1(%arg0: i32) -> (i32, i32) {
    %add3A = arith.constant 32 : i32
    %add3A_0 = arith.addi %arg0, %add3A : i32
    %c0_i32 = arith.constant 0 : i32
    %c0_i32_1 = arith.constant 0 : i32
    return %c0_i32, %add3A_0 : i32, i32
  }
  func.func @transform_2(%arg0: i32) -> (i32, i32) {
    %c0_i32 = arith.constant 0 : i32
    %c0_i32_0 = arith.constant 0 : i32
    %c0_i32_1 = arith.constant 0 : i32
    return %c0_i32, %c0_i32_0 : i32, i32
  }
  func.func @transform_3(%arg0: i32) -> (i32, i32) {
    %c0_i32 = arith.constant 0 : i32
    %c0_i32_0 = arith.constant 0 : i32
    %c0_i32_1 = arith.constant 0 : i32
    return %c0_i32, %c0_i32_0 : i32, i32
  }
  func.func @transform_4(%arg0: i32) -> (i32, i32) {
    %c0_i32 = arith.constant 0 : i32
    %c0_i32_0 = arith.constant 0 : i32
    %c0_i32_1 = arith.constant 0 : i32
    return %c0_i32, %c0_i32_0 : i32, i32
  }
  func.func @transform_5(%arg0: i32) -> (i32, i32) {
    %c0_i32 = arith.constant 0 : i32
    %c0_i32_0 = arith.constant 0 : i32
    %c0_i32_1 = arith.constant 0 : i32
    return %c0_i32, %c0_i32_0 : i32, i32
  }
  func.func @transform_6(%arg0: i32) -> (i32, i32) {
    %c0_i32 = arith.constant 0 : i32
    %c0_i32_0 = arith.constant 0 : i32
    return %arg0, %c0_i32 : i32, i32
  }
}

module attributes {stable_mosaic.version = 14 : i64} {
  func.func @_filter_body(%arg0: i32, %arg1: memref<50x3200xf32, #tpu.memory_space<vmem>>, %arg2: memref<1x3200xf32, #tpu.memory_space<vmem>>, %arg3: memref<50x128xf32, #tpu.memory_space<vmem>>, %arg4: memref<1x128xf32, #tpu.memory_space<vmem>>, %arg5: memref<128x128xf32, #tpu.memory_space<vmem>>, %arg6: memref<1x128xf32, #tpu.memory_space<vmem>>, %arg7: memref<3200x128xf32, #tpu.memory_space<vmem>>) attributes {dimension_semantics = [#tpu.dimension_semantics<arbitrary>], iteration_bounds = array<i64: 32>, scalar_prefetch = 0 : i64, scratch_operands = 0 : i64, tpu.core_type = #tpu.core_type<tc>, window_params = [{transform_indices = @transform_0, window_bounds = array<i64: 50, 3200>}, {transform_indices = @transform_1, window_bounds = array<i64: 1, 3200>}, {pipeline_mode = #tpu.pipeline_mode<synchronous>, transform_indices = @transform_2, window_bounds = array<i64: 50, 128>}, {pipeline_mode = #tpu.pipeline_mode<synchronous>, transform_indices = @transform_3, window_bounds = array<i64: 1, 128>}, {pipeline_mode = #tpu.pipeline_mode<synchronous>, transform_indices = @transform_4, window_bounds = array<i64: 128, 128>}, {pipeline_mode = #tpu.pipeline_mode<synchronous>, transform_indices = @transform_5, window_bounds = array<i64: 1, 128>}, {transform_indices = @transform_6, window_bounds = array<i64: 3200, 128>}]} {
    %get3A = arith.constant 0 : index
    %get3A_0 = arith.constant 0 : index
    %get3A_1 = vector.load %arg1[%get3A, %get3A_0] : memref<50x3200xf32, #tpu.memory_space<vmem>>, vector<50x3200xf32>
    %get3A_2 = arith.constant 0 : index
    %get3A_3 = arith.constant 0 : index
    %get3A_4 = vector.load %arg3[%get3A_2, %get3A_3] : memref<50x128xf32, #tpu.memory_space<vmem>>, vector<50x128xf32>
    %dot_general3A = arith.constant dense<0.000000e+00> : vector<3200x128xf32>
    %dot_general3A_5 = tpu.matmul %get3A_1, %get3A_4, %dot_general3A {dimension_numbers = #tpu.dot_dimension_numbers<[0], [0], [1], [1], [0, 1, 1, 1], [], []>, transpose_lhs_hint = false} : vector<50x3200xf32>, vector<50x128xf32>, vector<3200x128xf32> -> vector<3200x128xf32>
    %get3A_6 = arith.constant 0 : index
    %get3A_7 = arith.constant 0 : index
    %get3A_8 = vector.load %arg4[%get3A_6, %get3A_7] : memref<1x128xf32, #tpu.memory_space<vmem>>, vector<1x128xf32>
    %add3A = vector.broadcast %get3A_8 : vector<1x128xf32> to vector<3200x128xf32>
    %add3A_9 = arith.addf %dot_general3A_5, %add3A : vector<3200x128xf32>
    %custom_jvp_call3A = arith.constant 0.000000e+00 : f32
    %max3A = vector.broadcast %custom_jvp_call3A : f32 to vector<3200x128xf32>
    %max3A_10 = arith.maximumf %add3A_9, %max3A : vector<3200x128xf32>
    %sub3A = vector.broadcast %custom_jvp_call3A : f32 to vector<3200x128xf32>
    %sub3A_11 = arith.subf %add3A_9, %sub3A : vector<3200x128xf32>
    %ne3A = arith.cmpf one, %sub3A_11, %sub3A_11 : vector<3200x128xf32>
    %add3A_12 = vector.broadcast %custom_jvp_call3A : f32 to vector<3200x128xf32>
    %add3A_13 = arith.addf %add3A_9, %add3A_12 : vector<3200x128xf32>
    %abs3A = math.absf %sub3A_11 : vector<3200x128xf32>
    %neg3A = arith.constant 0.000000e+00 : f32
    %neg3A_14 = vector.broadcast %neg3A : f32 to vector<3200x128xf32>
    %neg3A_15 = arith.subf %neg3A_14, %abs3A : vector<3200x128xf32>
    %exp3A = math.exp %neg3A_15 : vector<3200x128xf32>
    %log1p3A = math.log1p %exp3A : vector<3200x128xf32>
    %add3A_16 = arith.addf %max3A_10, %log1p3A : vector<3200x128xf32>
    %select_n3A = arith.select %ne3A, %add3A_13, %add3A_16 : vector<3200x128xi1>, vector<3200x128xf32>
    %sub3A_17 = arith.constant 0.693147182 : f32
    %sub3A_18 = vector.broadcast %sub3A_17 : f32 to vector<3200x128xf32>
    %sub3A_19 = arith.subf %select_n3A, %sub3A_18 : vector<3200x128xf32>
    %get3A_20 = arith.constant 0 : index
    %get3A_21 = arith.constant 0 : index
    %get3A_22 = vector.load %arg5[%get3A_20, %get3A_21] : memref<128x128xf32, #tpu.memory_space<vmem>>, vector<128x128xf32>
    %dot_general3A_23 = arith.constant dense<0.000000e+00> : vector<3200x128xf32>
    %dot_general3A_24 = tpu.matmul %sub3A_19, %get3A_22, %dot_general3A_23 {dimension_numbers = #tpu.dot_dimension_numbers<[1], [0], [0], [1], [0, 0, 1, 1], [], []>, transpose_lhs_hint = false} : vector<3200x128xf32>, vector<128x128xf32>, vector<3200x128xf32> -> vector<3200x128xf32>
    %get3A_25 = arith.constant 0 : index
    %get3A_26 = arith.constant 0 : index
    %get3A_27 = vector.load %arg6[%get3A_25, %get3A_26] : memref<1x128xf32, #tpu.memory_space<vmem>>, vector<1x128xf32>
    %add3A_28 = vector.broadcast %get3A_27 : vector<1x128xf32> to vector<3200x128xf32>
    %add3A_29 = arith.addf %dot_general3A_24, %add3A_28 : vector<3200x128xf32>
    %get3A_30 = arith.constant 0 : index
    %get3A_31 = arith.constant 0 : index
    %get3A_32 = vector.load %arg2[%get3A_30, %get3A_31] : memref<1x3200xf32, #tpu.memory_space<vmem>>, vector<1x3200xf32>
    %mul3A = arith.constant 0.314159274 : f32
    %mul3A_33 = vector.broadcast %mul3A : f32 to vector<1x3200xf32>
    %mul3A_34 = arith.mulf %get3A_32, %mul3A_33 : vector<1x3200xf32>
    %cos3A = math.cos %mul3A_34 : vector<1x3200xf32>
    %add3A_35 = arith.constant 1.000000e+00 : f32
    %add3A_36 = vector.broadcast %add3A_35 : f32 to vector<1x3200xf32>
    %add3A_37 = arith.addf %cos3A, %add3A_36 : vector<1x3200xf32>
    %mul3A_38 = arith.constant 5.000000e-01 : f32
    %mul3A_39 = vector.broadcast %mul3A_38 : f32 to vector<1x3200xf32>
    %mul3A_40 = arith.mulf %mul3A_39, %add3A_37 : vector<1x3200xf32>
    %le3A = arith.constant 1.000000e+01 : f32
    %le3A_41 = vector.broadcast %le3A : f32 to vector<1x3200xf32>
    %le3A_42 = arith.cmpf ole, %get3A_32, %le3A_41 : vector<1x3200xf32>
    %convert_element_type3A = arith.extui %le3A_42 : vector<1x3200xi1> to vector<1x3200xi32>
    %convert_element_type3A_43 = arith.sitofp %convert_element_type3A : vector<1x3200xi32> to vector<1x3200xf32>
    %mul3A_44 = arith.mulf %mul3A_40, %convert_element_type3A_43 : vector<1x3200xf32>
    %ge3A = arith.constant 0.000000e+00 : f32
    %ge3A_45 = vector.broadcast %ge3A : f32 to vector<1x3200xf32>
    %ge3A_46 = arith.cmpf oge, %get3A_32, %ge3A_45 : vector<1x3200xf32>
    %convert_element_type3A_47 = arith.extui %ge3A_46 : vector<1x3200xi1> to vector<1x3200xi32>
    %convert_element_type3A_48 = arith.sitofp %convert_element_type3A_47 : vector<1x3200xi32> to vector<1x3200xf32>
    %mul3A_49 = arith.mulf %mul3A_44, %convert_element_type3A_48 : vector<1x3200xf32>
    %reshape3A = vector.shape_cast %mul3A_49 : vector<1x3200xf32> to vector<3200x1xf32>
    %mul3A_50 = vector.broadcast %reshape3A : vector<3200x1xf32> to vector<3200x128xf32>
    %mul3A_51 = arith.mulf %add3A_29, %mul3A_50 : vector<3200x128xf32>
    %swap3A = arith.constant 0 : index
    %swap3A_52 = arith.constant 0 : index
    %swap3A_53 = vector.load %arg7[%swap3A, %swap3A_52] : memref<3200x128xf32, #tpu.memory_space<vmem>>, vector<3200x128xf32>
    tpu.vector_store %arg7[%swap3A, %swap3A_52], %mul3A_51 {strides = array<i32>} : memref<3200x128xf32, #tpu.memory_space<vmem>>, vector<3200x128xf32>,
    return
  }
  func.func @transform_0(%arg0: i32) -> (i32, i32) {
    %add3A = arith.constant 0 : i32
    %add3A_0 = arith.addi %arg0, %add3A : i32
    %c0_i32 = arith.constant 0 : i32
    %c0_i32_1 = arith.constant 0 : i32
    return %c0_i32, %add3A_0 : i32, i32
  }
  func.func @transform_1(%arg0: i32) -> (i32, i32) {
    %add3A = arith.constant 0 : i32
    %add3A_0 = arith.addi %arg0, %add3A : i32
    %c0_i32 = arith.constant 0 : i32
    %c0_i32_1 = arith.constant 0 : i32
    return %c0_i32, %add3A_0 : i32, i32
  }
  func.func @transform_2(%arg0: i32) -> (i32, i32) {
    %c0_i32 = arith.constant 0 : i32
    %c0_i32_0 = arith.constant 0 : i32
    %c0_i32_1 = arith.constant 0 : i32
    return %c0_i32, %c0_i32_0 : i32, i32
  }
  func.func @transform_3(%arg0: i32) -> (i32, i32) {
    %c0_i32 = arith.constant 0 : i32
    %c0_i32_0 = arith.constant 0 : i32
    %c0_i32_1 = arith.constant 0 : i32
    return %c0_i32, %c0_i32_0 : i32, i32
  }
  func.func @transform_4(%arg0: i32) -> (i32, i32) {
    %c0_i32 = arith.constant 0 : i32
    %c0_i32_0 = arith.constant 0 : i32
    %c0_i32_1 = arith.constant 0 : i32
    return %c0_i32, %c0_i32_0 : i32, i32
  }
  func.func @transform_5(%arg0: i32) -> (i32, i32) {
    %c0_i32 = arith.constant 0 : i32
    %c0_i32_0 = arith.constant 0 : i32
    %c0_i32_1 = arith.constant 0 : i32
    return %c0_i32, %c0_i32_0 : i32, i32
  }
  func.func @transform_6(%arg0: i32) -> (i32, i32) {
    %c0_i32 = arith.constant 0 : i32
    %c0_i32_0 = arith.constant 0 : i32
    return %arg0, %c0_i32 : i32, i32
  }
}

module attributes {stable_mosaic.version = 14 : i64} {
  func.func @_final_body(%arg0: i32, %arg1: memref<2x1000x128xf32, #tpu.memory_space<vmem>>, %arg2: memref<2x1000x128xf32, #tpu.memory_space<vmem>>, %arg3: memref<2x1000x128xf32, #tpu.memory_space<vmem>>, %arg4: memref<128x128xf32, #tpu.memory_space<vmem>>, %arg5: memref<1x128xf32, #tpu.memory_space<vmem>>, %arg6: memref<128x128xf32, #tpu.memory_space<vmem>>, %arg7: memref<1x128xf32, #tpu.memory_space<vmem>>, %arg8: memref<1000x128xf32, #tpu.memory_space<vmem>>) attributes {dimension_semantics = [#tpu.dimension_semantics<arbitrary>], iteration_bounds = array<i64: 10>, scalar_prefetch = 0 : i64, scratch_operands = 0 : i64, tpu.core_type = #tpu.core_type<tc>, window_params = [{transform_indices = @transform_0, window_bounds = array<i64: 2, 1000, 128>}, {transform_indices = @transform_1, window_bounds = array<i64: 2, 1000, 128>}, {transform_indices = @transform_2, window_bounds = array<i64: 2, 1000, 128>}, {pipeline_mode = #tpu.pipeline_mode<synchronous>, transform_indices = @transform_3, window_bounds = array<i64: 128, 128>}, {pipeline_mode = #tpu.pipeline_mode<synchronous>, transform_indices = @transform_4, window_bounds = array<i64: 1, 128>}, {pipeline_mode = #tpu.pipeline_mode<synchronous>, transform_indices = @transform_5, window_bounds = array<i64: 128, 128>}, {pipeline_mode = #tpu.pipeline_mode<synchronous>, transform_indices = @transform_6, window_bounds = array<i64: 1, 128>}, {transform_indices = @transform_7, window_bounds = array<i64: 1000, 128>}]} {
    %get3A = arith.constant 0 : index
    %get3A_0 = arith.constant 0 : index
    %get3A_1 = arith.constant 0 : index
    %get3A_2 = vector.load %arg1[%get3A, %get3A_0, %get3A_1] : memref<2x1000x128xf32, #tpu.memory_space<vmem>>, vector<1x1000x128xf32>
    %get3A_3 = vector.shape_cast %get3A_2 : vector<1x1000x128xf32> to vector<1000x128xf32>
    %get3A_4 = arith.constant 1 : index
    %get3A_5 = arith.constant 0 : index
    %get3A_6 = arith.constant 0 : index
    %get3A_7 = vector.load %arg1[%get3A_4, %get3A_5, %get3A_6] : memref<2x1000x128xf32, #tpu.memory_space<vmem>>, vector<1x1000x128xf32>
    %get3A_8 = vector.shape_cast %get3A_7 : vector<1x1000x128xf32> to vector<1000x128xf32>
    %add3A = arith.addf %get3A_3, %get3A_8 : vector<1000x128xf32>
    %add3A_9 = arith.constant 0.000000e+00 : f32
    %add3A_10 = vector.broadcast %add3A_9 : f32 to vector<1000x128xf32>
    %add3A_11 = arith.addf %add3A_10, %add3A : vector<1000x128xf32>
    %get3A_12 = arith.constant 0 : index
    %get3A_13 = arith.constant 0 : index
    %get3A_14 = arith.constant 0 : index
    %get3A_15 = vector.load %arg2[%get3A_12, %get3A_13, %get3A_14] : memref<2x1000x128xf32, #tpu.memory_space<vmem>>, vector<1x1000x128xf32>
    %get3A_16 = vector.shape_cast %get3A_15 : vector<1x1000x128xf32> to vector<1000x128xf32>
    %get3A_17 = arith.constant 1 : index
    %get3A_18 = arith.constant 0 : index
    %get3A_19 = arith.constant 0 : index
    %get3A_20 = vector.load %arg2[%get3A_17, %get3A_18, %get3A_19] : memref<2x1000x128xf32, #tpu.memory_space<vmem>>, vector<1x1000x128xf32>
    %get3A_21 = vector.shape_cast %get3A_20 : vector<1x1000x128xf32> to vector<1000x128xf32>
    %add3A_22 = arith.addf %get3A_16, %get3A_21 : vector<1000x128xf32>
    %add3A_23 = arith.addf %add3A_11, %add3A_22 : vector<1000x128xf32>
    %get3A_24 = arith.constant 0 : index
    %get3A_25 = arith.constant 0 : index
    %get3A_26 = arith.constant 0 : index
    %get3A_27 = vector.load %arg3[%get3A_24, %get3A_25, %get3A_26] : memref<2x1000x128xf32, #tpu.memory_space<vmem>>, vector<1x1000x128xf32>
    %get3A_28 = vector.shape_cast %get3A_27 : vector<1x1000x128xf32> to vector<1000x128xf32>
    %get3A_29 = arith.constant 1 : index
    %get3A_30 = arith.constant 0 : index
    %get3A_31 = arith.constant 0 : index
    %get3A_32 = vector.load %arg3[%get3A_29, %get3A_30, %get3A_31] : memref<2x1000x128xf32, #tpu.memory_space<vmem>>, vector<1x1000x128xf32>
    %get3A_33 = vector.shape_cast %get3A_32 : vector<1x1000x128xf32> to vector<1000x128xf32>
    %add3A_34 = arith.addf %get3A_28, %get3A_33 : vector<1000x128xf32>
    %add3A_35 = arith.addf %add3A_23, %add3A_34 : vector<1000x128xf32>
    %get3A_36 = arith.constant 0 : index
    %get3A_37 = arith.constant 0 : index
    %get3A_38 = vector.load %arg4[%get3A_36, %get3A_37] : memref<128x128xf32, #tpu.memory_space<vmem>>, vector<128x128xf32>
    %dot_general3A = arith.constant dense<0.000000e+00> : vector<1000x128xf32>
    %dot_general3A_39 = tpu.matmul %add3A_35, %get3A_38, %dot_general3A {dimension_numbers = #tpu.dot_dimension_numbers<[1], [0], [0], [1], [0, 0, 1, 1], [], []>, transpose_lhs_hint = false} : vector<1000x128xf32>, vector<128x128xf32>, vector<1000x128xf32> -> vector<1000x128xf32>
    %get3A_40 = arith.constant 0 : index
    %get3A_41 = arith.constant 0 : index
    %get3A_42 = vector.load %arg5[%get3A_40, %get3A_41] : memref<1x128xf32, #tpu.memory_space<vmem>>, vector<1x128xf32>
    %add3A_43 = vector.broadcast %get3A_42 : vector<1x128xf32> to vector<1000x128xf32>
    %add3A_44 = arith.addf %dot_general3A_39, %add3A_43 : vector<1000x128xf32>
    %custom_jvp_call3A = arith.constant 0.000000e+00 : f32
    %max3A = vector.broadcast %custom_jvp_call3A : f32 to vector<1000x128xf32>
    %max3A_45 = arith.maximumf %add3A_44, %max3A : vector<1000x128xf32>
    %sub3A = vector.broadcast %custom_jvp_call3A : f32 to vector<1000x128xf32>
    %sub3A_46 = arith.subf %add3A_44, %sub3A : vector<1000x128xf32>
    %ne3A = arith.cmpf one, %sub3A_46, %sub3A_46 : vector<1000x128xf32>
    %add3A_47 = vector.broadcast %custom_jvp_call3A : f32 to vector<1000x128xf32>
    %add3A_48 = arith.addf %add3A_44, %add3A_47 : vector<1000x128xf32>
    %abs3A = math.absf %sub3A_46 : vector<1000x128xf32>
    %neg3A = arith.constant 0.000000e+00 : f32
    %neg3A_49 = vector.broadcast %neg3A : f32 to vector<1000x128xf32>
    %neg3A_50 = arith.subf %neg3A_49, %abs3A : vector<1000x128xf32>
    %exp3A = math.exp %neg3A_50 : vector<1000x128xf32>
    %log1p3A = math.log1p %exp3A : vector<1000x128xf32>
    %add3A_51 = arith.addf %max3A_45, %log1p3A : vector<1000x128xf32>
    %select_n3A = arith.select %ne3A, %add3A_48, %add3A_51 : vector<1000x128xi1>, vector<1000x128xf32>
    %sub3A_52 = arith.constant 0.693147182 : f32
    %sub3A_53 = vector.broadcast %sub3A_52 : f32 to vector<1000x128xf32>
    %sub3A_54 = arith.subf %select_n3A, %sub3A_53 : vector<1000x128xf32>
    %get3A_55 = arith.constant 0 : index
    %get3A_56 = arith.constant 0 : index
    %get3A_57 = vector.load %arg6[%get3A_55, %get3A_56] : memref<128x128xf32, #tpu.memory_space<vmem>>, vector<128x128xf32>
    %dot_general3A_58 = arith.constant dense<0.000000e+00> : vector<1000x128xf32>
    %dot_general3A_59 = tpu.matmul %sub3A_54, %get3A_57, %dot_general3A_58 {dimension_numbers = #tpu.dot_dimension_numbers<[1], [0], [0], [1], [0, 0, 1, 1], [], []>, transpose_lhs_hint = false} : vector<1000x128xf32>, vector<128x128xf32>, vector<1000x128xf32> -> vector<1000x128xf32>
    %get3A_60 = arith.constant 0 : index
    %get3A_61 = arith.constant 0 : index
    %get3A_62 = vector.load %arg7[%get3A_60, %get3A_61] : memref<1x128xf32, #tpu.memory_space<vmem>>, vector<1x128xf32>
    %add3A_63 = vector.broadcast %get3A_62 : vector<1x128xf32> to vector<1000x128xf32>
    %add3A_64 = arith.addf %dot_general3A_59, %add3A_63 : vector<1000x128xf32>
    %swap3A = arith.constant 0 : index
    %swap3A_65 = arith.constant 0 : index
    %swap3A_66 = vector.load %arg8[%swap3A, %swap3A_65] : memref<1000x128xf32, #tpu.memory_space<vmem>>, vector<1000x128xf32>
    tpu.vector_store %arg8[%swap3A, %swap3A_65], %add3A_64 {strides = array<i32>} : memref<1000x128xf32, #tpu.memory_space<vmem>>, vector<1000x128xf32>,
    return
  }
  func.func @transform_0(%arg0: i32) -> (i32, i32, i32) {
    %c0_i32 = arith.constant 0 : i32
    %c0_i32_0 = arith.constant 0 : i32
    %c0_i32_1 = arith.constant 0 : i32
    return %c0_i32, %arg0, %c0_i32_0 : i32, i32, i32
  }
  func.func @transform_1(%arg0: i32) -> (i32, i32, i32) {
    %c0_i32 = arith.constant 0 : i32
    %c0_i32_0 = arith.constant 0 : i32
    %c0_i32_1 = arith.constant 0 : i32
    return %c0_i32, %arg0, %c0_i32_0 : i32, i32, i32
  }
  func.func @transform_2(%arg0: i32) -> (i32, i32, i32) {
    %c0_i32 = arith.constant 0 : i32
    %c0_i32_0 = arith.constant 0 : i32
    %c0_i32_1 = arith.constant 0 : i32
    return %c0_i32, %arg0, %c0_i32_0 : i32, i32, i32
  }
  func.func @transform_3(%arg0: i32) -> (i32, i32) {
    %c0_i32 = arith.constant 0 : i32
    %c0_i32_0 = arith.constant 0 : i32
    %c0_i32_1 = arith.constant 0 : i32
    return %c0_i32, %c0_i32_0 : i32, i32
  }
  func.func @transform_4(%arg0: i32) -> (i32, i32) {
    %c0_i32 = arith.constant 0 : i32
    %c0_i32_0 = arith.constant 0 : i32
    %c0_i32_1 = arith.constant 0 : i32
    return %c0_i32, %c0_i32_0 : i32, i32
  }
  func.func @transform_5(%arg0: i32) -> (i32, i32) {
    %c0_i32 = arith.constant 0 : i32
    %c0_i32_0 = arith.constant 0 : i32
    %c0_i32_1 = arith.constant 0 : i32
    return %c0_i32, %c0_i32_0 : i32, i32
  }
  func.func @transform_6(%arg0: i32) -> (i32, i32) {
    %c0_i32 = arith.constant 0 : i32
    %c0_i32_0 = arith.constant 0 : i32
    %c0_i32_1 = arith.constant 0 : i32
    return %c0_i32, %c0_i32_0 : i32, i32
  }
  func.func @transform_7(%arg0: i32) -> (i32, i32) {
    %c0_i32 = arith.constant 0 : i32
    %c0_i32_0 = arith.constant 0 : i32
    return %arg0, %c0_i32 : i32, i32
  }
}

</mosaic_0001>

<sc_bundles>
// kernel: kernel.10.cloned.1.call-start
scs
__scs_entry_jumppad:
0x0: {  	(pc) =	sbr.rel $0x88, $3  }
0x1: {  	(tag) =	ssettag $0x0;
	lr =	simm.s32 $0x1  }
0x2: {  	[smem:$0x3F94] =	sst lr;
	_ =	strace $0xD0000000  }
0x3: {  	_ = 	snop  }
0x4: {  	_ = 	snop  }
0x5: {  	_ = 	snop  }
0x6: {  	_ = 	snop  }
0x7: {  	_ = 	snop  }
__scs_overlays_trampoline_lowered:
0x8: {  	[smem:$0x3FA3] =	sst s0  }
0x9: {  	[smem:$0x3FA4] =	sst s1  }
0xa: {  	[smem:$0x3FA5] =	sst s2  }
0xb: {  	[smem:$0x3FA6] =	sst s3  }
0xc: {  	[smem:$0x3FA7] =	sst s4  }
0xd: {  	[smem:$0x3FA8] =	sst s5  }
0xe: {  	[smem:$0x3FA9] =	sst s6  }
0xf: {  	[smem:$0x3FAA] =	sst s7  }
0x10: {  	[smem:$0x3FAB] =	sst s8  }
0x11: {  	[smem:$0x3FAC] =	sst s9;
	s0 =	simm.s32 @!p0 $0x0  }
0x12: {  	s1 =	sld [smem:$0x3F92];
	s0 =	simm.s32 @p0 $0x1  }
0x13: {  	[smem:$0x3FAD] =	sst s0;
	s0 =	simm.s32 @!p1 $0x0  }
0x14: {  	s2 =	sld [smem:$0x3F91];
	s0 =	simm.s32 @p1 $0x1  }
0x15: {  	[smem:$0x3FAE] =	sst s0;
	s0 =	simm.s32 @!p2 $0x0  }
0x16: {  	s3 =	sld [smem:$0x3FDB];
	s0 =	simm.s32 @p2 $0x1  }
0x17: {  	s4 =	simm.s32 $0x1BF5;
	[smem:$0x3FB0] =	sst s0  }
0x18: {  	s0 =	sld [smem:$0x3F93];
	_ =	swait.ge [sflag:s4], $0x0  }
0x19: {  	s7 =	sld [smem:$0x3F94]  }
0x1a: {  	s8 =	sadd.s32 $0xFFFFE003, lr  }
0x1b: {  	s9 =	sadd.s32 $0xFFFFFEF7, lr;
	s5 =	simm.s32 $0xFFFFFFFF;
	p2 =	slt.u32 s8, $0xFFFFF086  }
0x1c: {  	p1 =	slt.u32 s9, $0xF7A;
	s5 =	simm.s32 @!p2 $0x0  }
0x1d: {  	s5 =	simm.s32 @p1 $0x1;
	p0 =	seq.s32 s7, s2  }
0x1e: {  	s7 =	smul.u32 @!p0 $0xF7A, s2;
	p2 =	seq.s32 @!p0 s5, $0x0  }
0x1f: {  	s9 =	smul.u32 $0xF7A, s1;
	s8 =	simm.s32 @!p0 $0x1BF5;
	p2 =	por !p2, p0  }
0x20: {  	[sflag:s8] =	ssyncset.s32 @!p0 $0xFFFFF086;
	s6 =	sadd.s32 @!p0 s3, s7;
	s7 =	simm.s32 @!p0 $0x108  }
0x21: {  	s3 =	sadd.s32 s3, s9;
	s6 =	sadd.s32 @!p0 $0x88, s6;
	s7 =	simm.s32 @p2 $0x1082  }
0x22: {  	[simem:s7], [sflag:s8] =	dma.local @!p0 [hbm:s6], $0xF7A  }
0x23: {  	s9 =	sor.u32 $0xD0000000, s2;
	s6 =	simm.s32 $0x108;
	_ =	swait.ge @!p0 [sflag:s8], $0x0  }
0x24: {  	s3 =	sadd.s32 $0x88, s3;
	s6 =	simm.s32 @!p1 $0x1082;
	[sflag:s4] =	ssyncset.s32 $0xFFFFF086  }
0x25: {  	[simem:s6], [sflag:s4] =	dma.local [hbm:s3], $0xF7A  }
0x26: {  	[smem:$0x3F94] =	sst s1;
	(tag) =	ssettag s2;
	_ =	strace s9  }
0x27: {  	s1 =	sld [smem:$0x3FA4]  }
0x28: {  	s2 =	sld [smem:$0x3FA5]  }
0x29: {  	s4 =	sld [smem:$0x3FA7]  }
0x2a: {  	p0 =	seq.s32 s5, $0x0;
	s5 =	sld [smem:$0x3FA8]  }
0x2b: {  	s6 =	sld [smem:$0x3FA9]  }
0x2c: {  	s7 =	sld [smem:$0x3FAA]  }
0x2d: {  	s3 =	simm.s32 $0x108;
	s8 =	sld [smem:$0x3FAB]  }
0x2e: {  	s3 =	simm.s32 @!p0 $0x1082;
	s9 =	sld [smem:$0x3FAC]  }
0x2f: {  	lr =	sadd.s32 s0, s3;
	s0 =	sld [smem:$0x3FA3]  }
0x30: {  	s3 =	sld [smem:$0x3FA6]  }
0x31: {  	[smem:$0x3FAF] =	sst s10  }
0x32: {  	s10 =	sld [smem:$0x3FAD];
	_ =	sdelay $0x3  }
0x33: {  	p0 =	seq.s32 s10, $0x1;
	s10 =	sld [smem:$0x3FAF];
	_ =	sdelay $0x3  }
0x34: {  	[smem:$0x3FAF] =	sst s10  }
0x35: {  	s10 =	sld [smem:$0x3FAE];
	_ =	sdelay $0x3  }
0x36: {  	p1 =	seq.s32 s10, $0x1;
	s10 =	sld [smem:$0x3FAF];
	_ =	sdelay $0x3  }
0x37: {  	[smem:$0x3FAF] =	sst s10  }
0x38: {  	s10 =	sld [smem:$0x3FB0]  }
0x39: {  	_ = 	snop;
	(pc) =	sbr.ind lr, $3  }
0x3a: {  	_ = 	snop  }
0x3b: {  	_ = 	snop  }
0x3c: {  	p2 =	seq.s32 s10, $0x1;
	s10 =	sld [smem:$0x3FAF]  }
0x3d: {  	_ =	shalt  }
0x3e: {  	_ =	shalt  }
0x3f: {  	_ =	shalt  }
0x40: {  	_ =	shalt  }
0x41: {  	_ =	shalt  }
0x42: {  	_ =	shalt  }
0x43: {  	_ =	shalt  }
0x44: {  	_ =	shalt  }
0x45: {  	_ =	shalt  }
0x46: {  	_ =	shalt  }
0x47: {  	_ =	shalt  }
0x48: {  	_ =	shalt  }
0x49: {  	_ =	shalt  }
0x4a: {  	_ =	shalt  }
0x4b: {  	_ =	shalt  }
0x4c: {  	_ =	shalt  }
0x4d: {  	_ =	shalt  }
0x4e: {  	_ =	shalt  }
0x4f: {  	_ =	shalt  }
0x50: {  	_ =	shalt  }
0x51: {  	_ =	shalt  }
0x52: {  	_ =	shalt  }
0x53: {  	_ =	shalt  }
0x54: {  	_ =	shalt  }
0x55: {  	_ =	shalt  }
0x56: {  	_ =	shalt  }
0x57: {  	_ =	shalt  }
0x58: {  	_ =	shalt  }
0x59: {  	_ =	shalt  }
0x5a: {  	_ =	shalt  }
0x5b: {  	_ =	shalt  }
0x5c: {  	_ =	shalt  }
0x5d: {  	_ =	shalt  }
0x5e: {  	_ =	shalt  }
0x5f: {  	_ =	shalt  }
0x60: {  	_ =	shalt  }
0x61: {  	_ =	shalt  }
0x62: {  	_ =	shalt  }
0x63: {  	_ =	shalt  }
0x64: {  	_ =	shalt  }
0x65: {  	_ =	shalt  }
0x66: {  	_ =	shalt  }
0x67: {  	_ =	shalt  }
0x68: {  	_ =	shalt  }
0x69: {  	_ =	shalt  }
0x6a: {  	_ =	shalt  }
0x6b: {  	_ =	shalt  }
0x6c: {  	_ =	shalt  }
0x6d: {  	_ =	shalt  }
0x6e: {  	_ =	shalt  }
0x6f: {  	_ =	shalt  }
0x70: {  	_ =	shalt  }
0x71: {  	_ =	shalt  }
0x72: {  	_ =	shalt  }
0x73: {  	_ =	shalt  }
0x74: {  	_ =	shalt  }
0x75: {  	_ =	shalt  }
0x76: {  	_ =	shalt  }
0x77: {  	_ =	shalt  }
0x78: {  	_ =	shalt  }
0x79: {  	_ =	shalt  }
0x7a: {  	_ =	shalt  }
0x7b: {  	_ =	shalt  }
0x7c: {  	_ =	shalt  }
0x7d: {  	_ =	shalt  }
0x7e: {  	_ =	shalt  }
0x7f: {  	_ =	shalt  }
0x80: {  	_ =	shalt  }
0x81: {  	_ =	shalt  }
0x82: {  	_ =	shalt  }
0x83: {  	_ =	shalt  }
0x84: {  	_ =	shalt  }
0x85: {  	_ =	shalt  }
0x86: {  	_ =	shalt  }
0x87: {  	_ =	shalt  }
.Lfunc_end0:
.L_simem_size_0:
called_computation_lowered:
.L_overlay_start_0:
0x88: {  	s2 =	sld [smem:$0x3FD9]  }
0x89: {  	s3 =	sld [smem:$0x3FFE];
	_ =	sdelay $0x1  }
0x8a: {  	s1 =	srdreg.scid  }
0x8b: {  	s0 =	sand.u32 $0x1, s1  }
0x8c: {  	s17 =	sshll.u32 s0, $0xA;
	s2 =	sadd.s32 s3, s2  }
0x8d: {  	s2 =	sadd.s32 s2, s17  }
0x8e: {  	[smem:$0x3FBB] =	sst s2  }
0x8f: {  	_ = 	snop  }
0x90: {  	s18 =	sld [smem:$0x3FD0];
	(tm) =	ssettm $0x1  }
0x91: {  	s19 =	sld [smem:$0x3FFB];
	_ =	sdelay $0x3  }
0x92: {  	_ =	strace s19  }
0x93: {  	s2 =	sld [smem:$0x3FFC];
	_ =	sdelay $0x3  }
0x94: {  	_ =	strace s2  }
0x95: {  	s2 =	sld [smem:$0x3FFD];
	_ =	sdelay $0x3  }
0x96: {  	_ =	strace s2  }
0x97: {  	_ =	strace $0x8FFFFFFF  }
0x98: {  	s20 =	sld [smem:$0x3FDB];
	_ =	sdelay $0x1  }
0x99: {  	s4 =	simm.s32 $_scs_section_size  }
0x9a: {  	s5 =	simm.s32 $_size__tile_overlayer_lowered;
	s6 =	simm.s32 $_tile_overlayer_lowered  }
0x9b: {  	s7 =	simm.s32 $0x1BFF;
	s21 =	sshll.u32 s6, $0x1;
	s4 =	sadd.s32 s4, s20  }
0x9c: {  	s22 =	simm.s32 $0x0;
	s5 =	sshll.u32 s5, $0x1;
	s6 =	sadd.s32 s21, s4  }
0x9d: {  	[timem:s22], [sflag:s7] =	dma.local [hbm:s6], s5  }
0x9e: {  	_ =	swait.ge [sflag:s7], s5  }
0x9f: {  	s5 =	ssub.s32 $0x0, s5;
	[sflag:s7] =	ssyncset.done $0x0  }
0xa0: {  	[sflag:s7] =	ssyncadd.s32 s5;
	_ =	sdelay $0x1  }
0xa1: {  	s23 =	simm.s32 $0x1B8B  }
0xa2: {  	_ =	swait.ge [sflag:s23], $0x1  }
0xa3: {  	[sflag:s23] =	ssyncset.done $0x0  }
0xa4: {  	[sflag:s23] =	ssyncadd.s32 $0xFFFFFFFF  }
0xa5: {  	s5 =	sld [smem:$0x0]  }
0xa6: {  	s6 =	sand.u32 $0xFFFFFFFE, s1  }
0xa7: {  	p0 =	sne.s32 s1, s6  }
0xa8: {  	s6 =	sshll.u32 @p0 s6, $0xE  }
0xa9: {  	s6 =	sadd.s32 @p0 $0x11B8D, s6;
	s7 =	sshll.u32 @p0 s5, $0x11  }
0xaa: {  	s6 =	sor.u32 @p0 s7, s6  }
0xab: {  	[sflag:s6] =	ssyncadd.remote.s32 @p0 $0x1;
	_ =	sdelay $0x1  }
0xac: {  	s6 =	simm.s32 @p0 $0x1B8D  }
0xad: {  	_ =	swait.eq @p0 [sflag:s6], $0x1  }
0xae: {  	[sflag:s6] =	ssyncadd.s32 @p0 $0xFFFFFFFF  }
0xaf: {  	s7 =	sshll.u32 @!p0 s1, $0xE  }
0xb0: {  	s7 =	sor.u32 @!p0 $0x4000, s7;
	s6 =	simm.s32 @!p0 $0x1B8D  }
0xb1: {  	s5 =	sshll.u32 @!p0 s5, $0x11;
	s7 =	sadd.s32 @!p0 $0x11B8D, s7;
	_ =	swait.eq @!p0 [sflag:s6], $0x1  }
0xb2: {  	s5 =	sor.u32 @!p0 s5, s7;
	[sflag:s6] =	ssyncadd.s32 @!p0 $0xFFFFFFFF  }
0xb3: {  	s25 =	simm.s32 $0x1B8E;
	s24 =	sld [smem:$0x3FFE];
	[sflag:s5] =	ssyncadd.remote.s32 @!p0 $0x1  }
0xb4: {  	s26 =	simm.s32 $execute0_lowered;
	[smem:$0x3FD2] =	sst s25  }
0xb5: {  	s6 =	sshll.u32 s26, $0x1;
	_ =	strace $0x8000004C;
	[dreg:$0x1] =	wrdreg $0xFFFFFFFF  }
0xb6: {  	s28 =	simm.s32 $_size_execute0_lowered;
	s4 =	sadd.s32 s4, s6;
	[dreg:$0x0] =	wrdreg $0x0  }
0xb7: {  	s6 =	sshll.u32 s28, $0x1;
	[dreg:$0x2] =	wrdreg s4  }
0xb8: {  	[dreg:$0x3] =	wrdreg s6  }
0xb9: {  	[dreg:$0x4] =	wrdreg $0xC0  }
0xba: {  	_ =	task [dreg:s22], $0x5FFFF  }
0xbb: {  	[dreg:$0x1] =	wrdreg $0xFFFFFFFF  }
0xbc: {  	[dreg:$0x0] =	wrdreg $0x60  }
0xbd: {  	[dreg:$0x2] =	wrdreg s18  }
0xbe: {  	[dreg:$0x3] =	wrdreg s24  }
0xbf: {  	[dreg:$0x4] =	wrdreg $0xA2000  }
0xc0: {  	[dreg:$0x5] =	wrdreg $0x9  }
0xc1: {  	_ =	task.clear_ibuf [dreg:s22], $0x6FFFF;
	_ =	strace $0x9000004C  }
0xc2: {  	s29 =	simm.s32 $0x9;
	_ =	strace $0x8000004E  }
0xc3: {  	_ =	swait.ge [sflag:s29], $0x1  }
0xc4: {  	[sflag:s29] =	ssyncadd.s32 $0xFFFFFFFF  }
0xc5: {  	_ =	strace $0x9000004E  }
0xc6: {  	_ =	sfence  }
0xc7: {  	s30 =	sld [smem:$0x0];
	_ =	sdelay $0x2  }
0xc8: {  	s31 =	sshll.u32 s1, $0xD;
	s1 =	sshrl.u32 s1, $0x2  }
0xc9: {  	s4 =	sand.u32 $0x4000, s31;
	s1 =	sadd.s32 s1, s30  }
0xca: {  	s0 =	sor.u32 s4, s0;
	s1 =	sshll.u32 s1, $0x11  }
0xcb: {  	s0 =	sor.u32 s1, s0  }
0xcc: {  	s0 =	sadd.s32 $0x8F2B, s0  }
0xcd: {  	[sflag:s0] =	ssyncadd.remote.s32 $0x1  }
0xce: {  	_ =	sfence.sel $0xFFFF  }
0xcf: {  	[dreg:$0x0] =	wrdreg $0xFFFFFFFF;
	(pc) =	sbr.abs _section_cstart, $3  }
0xd0: {  	[dreg:$0x1] =	wrdreg $0xFFFFFFFF  }
0xd1: {  	_ =	task.clear_ibuf [dreg:s22], $0x2FFFF;
	_ =	strace $0x9FFFFFFF  }
0xd2: {  	(tm) =	ssettm $0x7FFFFFFF  }
0xd3: {  	_ =	shalt  }
tec
execute0_lowered:
.L_overlay_start_1:
0x0: {  	(tag) =	ssettag $0x1  }
0x1: {  	s1 =	rddreg [dreg:$0x0]  }
0x2: {  	s0 =	rddreg [dreg:$0x1]  }
0x3: {  	s2 =	rddreg [dreg:$0x2]  }
0x4: {  	s3 =	srdreg.scid;
	s4 =	simm.s32 $0x0;
	s12 =	stileid.u32  }
0x5: {  	s28 =	simm.s32 $0x100;
	s30 =	simm.s32 $0x50;
	s31 =	simm.s32 $0x180  }
0x6: {  	s3 =	sand.u32 $0x1, s3;
	[smem:$0x7FF] =	sst s4;
	s8 =	smul.u32 $0x14000, s12  }
0x7: {  	s5 =	sadd.s32 $0x407800, s0;
	s6 =	sadd.s32 $0xBA00, s0;
	s7 =	smul.u32 $0x140000, s3  }
0x8: {  	_ =	strace $0x8000004D;
	s9 =	sshll.u32 s3, $0x4;
	s3 =	ssub.s32 $0x2, s3  }
0x9: {  	s9 =	sor.u32 s12, s9;
	s12 =	smul.u32 $0x50000, s12;
	s8 =	sadd.s32 s8, s7  }
0xa: {  	s15 =	sshrl.u32 s3, $0x1;
	s10 =	sshrl.u32 s8, $0x3;
	s8 =	smul.u32 $0xC80, s9  }
0xb: {  	s7 =	sadd.s32 $0x1C00, s0;
	s3 =	ssub.s32 s3, s15;
	s9 =	smul.u32 $0xC800, s9  }
0xc: {  	s18 =	sshrl.u32 s12, $0x2;
	s19 =	smax.u32 s3, $0x1;
	s3 =	simm.s32 $0x6  }
0xd: {  	s12 =	simm.s32 $0x1;
	s22 =	sadd.s32 s18, s2;
	[dreg:$0xa] =	wrdreg s19  }
0xe: {  	s0 =	sadd.s32 s10, s0;
	s9 =	sadd.s32 s5, s9;
	[dreg:$0x8] =	wrdreg s22  }
0xf: {  	s10 =	simm.s32 $0x2A00;
	s0 =	sadd.s32 $0x597800, s0;
	[dreg:$0x6] =	wrdreg s9  }
0x10: {  	s18 =	simm.s32 $0x9;
	s20 =	sadd.s32 $0x2800, s22;
	[dreg:$0x9] =	wrdreg s0  }
0x11: {  	s19 =	simm.s32 $0x8;
	s21 =	sadd.s32 $0x5000, s22;
	[dreg:$0xb] =	wrdreg s20  }
0x12: {  	s11 =	sshrl.u32 s8, $0x3;
	s23 =	sadd.s32 $0x7800, s22;
	[dreg:$0xc] =	wrdreg s21  }
0x13: {  	s13 =	sor.u32 $0x50, s8;
	s24 =	sadd.s32 $0xA000, s22;
	[dreg:$0xd] =	wrdreg s23  }
0x14: {  	s14 =	sadd.s32 $0xF0, s8;
	s25 =	sadd.s32 $0xC800, s22;
	[dreg:$0xe] =	wrdreg s24  }
0x15: {  	s26 =	sadd.s32 $0xF000, s22;
	s29 =	sadd.s32 $0x11800, s22;
	[dreg:$0xf] =	wrdreg s25  }
0x16: {  	s16 =	sadd.s32 s6, s11;
	s11 =	sadd.s32 s7, s11;
	[dreg:$0x10] =	wrdreg s26  }
0x17: {  	[dreg:$0x11] =	wrdreg s29;
	s25 =	simm.s32 $0x200;
	s26 =	simm.s32 $0xB  }
0x18: {  	s0 =	simm.s32 $0x80;
	s9 =	simm.s32 $0x0;
	[dreg:$0x5] =	wrdreg s11  }
0x19: {  	[dreg:$0x4] =	wrdreg s16;
	s17 =	sadd.s32 $0xA, s16;
	s11 =	simm.s32 $0x7A00  }
0x1a: {  	v0 =	vimm.f32 $0.0e+00;
	s16 =	simm.s32 $0x3;
	[dreg:$0x7] =	wrdreg s17;
	s17 =	simm.s32 $0x7  }
.LBB2_1:
0x1b: {  	s20 =	simm.s32 $0x0;
	s21 =	simm.s32 $0x200  }
.LBB2_2:
0x1c: {  	p0 =	sne.s32 s21, $0x9E00;
	[tilespmem:s20+$0x270] =	vst v0  }
0x1d: {  	[tilespmem:s20+$0x200] =	vst v0  }
0x1e: {  	[tilespmem:s20+$0x210] =	vst v0  }
.Ltmp0:
0x1f: {  	[tilespmem:s20+$0x220] =	vst v0;
	(pc) =	sbr.rel @p0 .LBB2_2-.Ltmp0, $4  }
0x20: {  	[tilespmem:s20+$0x230] =	vst v0  }
0x21: {  	[tilespmem:s20+$0x240] =	vst v0  }
0x22: {  	[tilespmem:s20+$0x250] =	vst v0  }
0x23: {  	[tilespmem:s20+$0x260] =	vst v0;
	s20 =	sshra.s32 s21, $0x2;
	s21 =	sadd.s32 $0x200, s21  }
0x24: {  	[tilespmem:s20+$0x270] =	vst v0  }
0x25: {  	[tilespmem:s20+$0x200] =	vst v0  }
0x26: {  	[tilespmem:s20+$0x210] =	vst v0  }
0x27: {  	[tilespmem:s20+$0x220] =	vst v0  }
0x28: {  	[tilespmem:s20+$0x230] =	vst v0  }
0x29: {  	[tilespmem:s20+$0x240] =	vst v0  }
0x2a: {  	[tilespmem:s20+$0x250] =	vst v0  }
0x2b: {  	[tilespmem:s20+$0x260] =	vst v0  }
0x2c: {  	[spmem:s22] =	stream.linear.scatter [tilespmem:s25], [sflag:$0xB], $0x2800, $0x38;
	[tilespmem:$0x1E200] =	vst v63  }
0x2d: {  	_ =	swait.ge [sflag:s26], $0x2800  }
0x2e: {  	[sflag:s26] =	ssyncset.done $0x0  }
0x2f: {  	s15 =	rddreg [dreg:$0xb];
	[sflag:s26] =	ssyncadd.s32 $0xFFFFD800  }
0x30: {  	[spmem:s15] =	stream.linear.scatter [tilespmem:s25], [sflag:$0xB], $0x2800, $0x38;
	[tilespmem:$0x1E200] =	vst v63  }
0x31: {  	_ =	swait.ge [sflag:s26], $0x2800  }
0x32: {  	[sflag:s26] =	ssyncset.done $0x0  }
0x33: {  	s29 =	rddreg [dreg:$0xc];
	[sflag:s26] =	ssyncadd.s32 $0xFFFFD800  }
0x34: {  	[spmem:s29] =	stream.linear.scatter [tilespmem:s25], [sflag:$0xB], $0x2800, $0x38;
	[tilespmem:$0x1E200] =	vst v63  }
0x35: {  	_ =	swait.ge [sflag:s26], $0x2800  }
0x36: {  	[sflag:s26] =	ssyncset.done $0x0  }
0x37: {  	s20 =	rddreg [dreg:$0xd];
	[sflag:s26] =	ssyncadd.s32 $0xFFFFD800  }
0x38: {  	[spmem:s20] =	stream.linear.scatter [tilespmem:s25], [sflag:$0xB], $0x2800, $0x38;
	[tilespmem:$0x1E200] =	vst v63  }
0x39: {  	_ =	swait.ge [sflag:s26], $0x2800  }
0x3a: {  	[sflag:s26] =	ssyncset.done $0x0  }
0x3b: {  	s21 =	rddreg [dreg:$0xe];
	[sflag:s26] =	ssyncadd.s32 $0xFFFFD800  }
0x3c: {  	[spmem:s21] =	stream.linear.scatter [tilespmem:s25], [sflag:$0xB], $0x2800, $0x38;
	[tilespmem:$0x1E200] =	vst v63  }
0x3d: {  	_ =	swait.ge [sflag:s26], $0x2800  }
0x3e: {  	[sflag:s26] =	ssyncset.done $0x0  }
0x3f: {  	s22 =	rddreg [dreg:$0xf];
	[sflag:s26] =	ssyncadd.s32 $0xFFFFD800  }
0x40: {  	[spmem:s22] =	stream.linear.scatter [tilespmem:s25], [sflag:$0xB], $0x2800, $0x38;
	[tilespmem:$0x1E200] =	vst v63  }
0x41: {  	_ =	swait.ge [sflag:s26], $0x2800  }
0x42: {  	[sflag:s26] =	ssyncset.done $0x0  }
0x43: {  	s23 =	rddreg [dreg:$0x10];
	[sflag:s26] =	ssyncadd.s32 $0xFFFFD800  }
0x44: {  	[spmem:s23] =	stream.linear.scatter [tilespmem:s25], [sflag:$0xB], $0x2800, $0x38;
	[tilespmem:$0x1E200] =	vst v63  }
0x45: {  	_ =	swait.ge [sflag:s26], $0x2800  }
0x46: {  	[sflag:s26] =	ssyncset.done $0x0  }
0x47: {  	s24 =	rddreg [dreg:$0x11];
	[sflag:s26] =	ssyncadd.s32 $0xFFFFD800  }
0x48: {  	[spmem:s24] =	stream.linear.scatter [tilespmem:s25], [sflag:$0xB], $0x2800, $0x38;
	[tilespmem:$0x1E200] =	vst v63  }
0x49: {  	_ =	swait.ge [sflag:s26], $0x2800  }
0x4a: {  	[sflag:s26] =	ssyncset.done $0x0  }
0x4b: {  	[sflag:s26] =	ssyncadd.s32 $0xFFFFD800  }
0x4c: {  	[bflag:$0x0] =	sbarrier.arrive $0xFFFF  }
0x4d: {  	s21 =	simm.s32 $0x0;
	s29 =	rddreg [dreg:$0x4]  }
0x4e: {  	[tilespmem:s21], [sflag:$0x5] =	stream.linear.gather [hbm4b:s29+s21], $0x50, $0x38;
	[tilespmem:$0x1E200] =	vst v63  }
0x4f: {  	s22 =	simm.s32 $0x5;
	s20 =	rddreg [dreg:$0x5]  }
0x50: {  	[tilespmem:s28], [sflag:$0x7] =	stream.linear.gather [hbm4b:s20+s21], $0x50, $0x38;
	[tilespmem:$0x1E200] =	vst v63  }
0x51: {  	_ =	swait.ge [sflag:s22], $0x50  }
0x52: {  	[sflag:s22] =	ssyncset.done $0x0  }
0x53: {  	[sflag:s22] =	ssyncadd.s32 $0xFFFFFFB0  }
0x54: {  	[tilespmem:s25], [sflag:$0x1] =	stream.indirect.gather [hbm4b:s1+s30], $0x80, s21, s30, $0xb8;
	[tilespmem:$0x1E200] =	vst v63  }
0x55: {  	s24 =	simm.s32 $0x5200;
	s23 =	rddreg [dreg:$0x6]  }
0x56: {  	[tilespmem:s24], [sflag:$0x3] =	stream.linear.gather [hbm4b:s23+s21], $0x2800, $0x38;
	[tilespmem:$0x1E200] =	vst v63  }
0x57: {  	s29 =	rddreg [dreg:$0x7]  }
0x58: {  	[tilespmem:s0], [sflag:$0x6] =	stream.linear.gather [hbm4b:s29+s21], $0x50, $0x38;
	[tilespmem:$0x1E200] =	vst v63  }
.LBB2_4:
0x59: {  	p0 =	seq.s32 s21, $0x0;
	s22 =	smul.u32 $0xA0, s21  }
0x5a: {  	s20 =	simm.s32 @!p0 $0xA  }
0x5b: {  	_ =	swait.ge @!p0 [sflag:s20], $0x2800;
	s23 =	sadd.s32 s22, s13  }
0x5c: {  	[sflag:s20] =	ssyncset.done @!p0 $0x0;
	s24 =	sshrl.u32 s23, $0x3  }
0x5d: {  	[sflag:s20] =	ssyncadd.s32 @!p0 $0xFFFFD800;
	s15 =	sadd.s32 s7, s24  }
0x5e: {  	[tilespmem:s31], [sflag:$0x8] =	stream.linear.gather [hbm4b:s15+s4], $0x50, $0x38;
	[tilespmem:$0x1E200] =	vst v63  }
0x5f: {  	_ =	swait.ge [sflag:s3], $0x50  }
0x60: {  	[sflag:s3] =	ssyncset.done $0x0  }
0x61: {  	s23 =	sshll.u32 s23, $0x4;
	[sflag:s3] =	ssyncadd.s32 $0xFFFFFFB0  }
0x62: {  	[tilespmem:s10], [sflag:$0x2] =	stream.indirect.gather [hbm4b:s1+s30], $0x80, s0, s30, $0xb8;
	[tilespmem:$0x1E200] =	vst v63  }
0x63: {  	s24 =	sshll.u32 s21, $0x1;
	s20 =	sadd.s32 s5, s23  }
0x64: {  	[tilespmem:s11], [sflag:$0x4] =	stream.linear.gather [hbm4b:s20+s4], $0x2800, $0x38;
	[tilespmem:$0x1E200] =	vst v63  }
0x65: {  	p0 =	seq.s32 s21, $0x13;
	s20 =	sadd.s32 $0x2, s24;
	_ =	swait.ge [sflag:s12], $0x2800  }
0x66: {  	s20 =	smul.u32 @!p0 $0x50, s20;
	[sflag:s12] =	ssyncset.done $0x0  }
0x67: {  	[sflag:s12] =	ssyncadd.s32 $0xFFFFD800  }
0x68: {  	s23 =	sadd.s32 @!p0 s8, s20;
	_ =	swait.ge [sflag:s16], $0x2800  }
0x69: {  	s24 =	sshrl.u32 @!p0 s23, $0x3;
	[sflag:s16] =	ssyncset.done $0x0  }
0x6a: {  	s29 =	simm.s32 @!p0 $0x0;
	s20 =	sadd.s32 @!p0 s6, s24;
	[sflag:s16] =	ssyncadd.s32 $0xFFFFD800  }
0x6b: {  	[tilespmem:s29], [sflag:$0x5] =	stream.linear.gather @!p0 [hbm4b:s20+s29], $0x50, $0x38;
	[tilespmem:$0x1E200] =	vst v63  }
0x6c: {  	s29 =	simm.s32 $0x0  }
0x6d: {  	v8 =	vld [tilespmem:s29+$0x5200]  }
0x6e: {  	v12 =	vld [tilespmem:s29+$0x5210]  }
0x6f: {  	v6 =	vld [tilespmem:s29+$0x5220]  }
0x70: {  	v5 =	vld [tilespmem:s29+$0x5230]  }
0x71: {  	v4 =	vld [tilespmem:s29+$0x5240]  }
0x72: {  	v3 =	vld [tilespmem:s29+$0x5250]  }
0x73: {  	v2 =	vld [tilespmem:s29+$0x5260]  }
0x74: {  	v1 =	vld [tilespmem:s29+$0x5270]  }
0x75: {  	v13 =	vld [tilespmem:s29+$0x200]  }
0x76: {  	v14 =	vld [tilespmem:s29+$0x210]  }
0x77: {  	v11 =	vld [tilespmem:s29+$0x220]  }
0x78: {  	v10 =	vld [tilespmem:s29+$0x230]  }
0x79: {  	v9 =	vld [tilespmem:s29+$0x240]  }
0x7a: {  	v7 =	vld [tilespmem:s29+$0x250];
	v13 =	vmul.f32 v8, v13  }
0x7b: {  	s20 =	simm.s32 $0x200;
	v12 =	vmul.f32 v12, v14;
	v8 =	vld [tilespmem:s29+$0x260]  }
.LBB2_5:
0x7c: {  	s15 =	sshra.s32 s20, $0x2;
	p1 =	sne.s32 s20, $0x9E00;
	[tilespmem:s29+$0x200] =	vst v13;
	v6 =	vmul.f32 v6, v11;
	v11 =	vld [tilespmem:s29+$0x270]  }
0x7d: {  	v13 =	vld [tilespmem:s15+$0x5200];
	[tilespmem:s29+$0x210] =	vst v12;
	v5 =	vmul.f32 v5, v10  }
0x7e: {  	v12 =	vld [tilespmem:s15+$0x5210];
	[tilespmem:s29+$0x220] =	vst v6;
	v4 =	vmul.f32 v4, v9  }
0x7f: {  	v6 =	vld [tilespmem:s15+$0x5220];
	[tilespmem:s29+$0x230] =	vst v5;
	v3 =	vmul.f32 v3, v7  }
0x80: {  	v5 =	vld [tilespmem:s15+$0x5230];
	[tilespmem:s29+$0x240] =	vst v4;
	v2 =	vmul.f32 v2, v8  }
0x81: {  	v4 =	vld [tilespmem:s15+$0x5240];
	[tilespmem:s29+$0x250] =	vst v3;
	v1 =	vmul.f32 v1, v11  }
0x82: {  	v3 =	vld [tilespmem:s15+$0x5250];
	[tilespmem:s29+$0x260] =	vst v2  }
0x83: {  	v2 =	vld [tilespmem:s15+$0x5260];
	[tilespmem:s29+$0x270] =	vst v1;
	s29 =	smov.u32 s15  }
0x84: {  	v1 =	vld [tilespmem:s29+$0x5270]  }
0x85: {  	v7 =	vld [tilespmem:s29+$0x200]  }
0x86: {  	v8 =	vld [tilespmem:s29+$0x210]  }
.Ltmp1:
0x87: {  	v11 =	vld [tilespmem:s29+$0x220];
	(pc) =	sbr.rel @p1 .LBB2_5-.Ltmp1, $4  }
0x88: {  	v10 =	vld [tilespmem:s29+$0x230]  }
0x89: {  	v9 =	vld [tilespmem:s29+$0x240]  }
0x8a: {  	v13 =	vmul.f32 v13, v7;
	v7 =	vld [tilespmem:s29+$0x250]  }
0x8b: {  	s20 =	sadd.s32 $0x200, s20;
	v12 =	vmul.f32 v12, v8;
	v8 =	vld [tilespmem:s29+$0x260]  }
0x8c: {  	[tilespmem:s29+$0x200] =	vst v13;
	v6 =	vmul.f32 v6, v11;
	v11 =	vld [tilespmem:s29+$0x270]  }
0x8d: {  	[tilespmem:s29+$0x210] =	vst v12;
	v5 =	vmul.f32 v5, v10  }
0x8e: {  	[tilespmem:s29+$0x220] =	vst v6;
	v4 =	vmul.f32 v4, v9  }
0x8f: {  	[tilespmem:s29+$0x230] =	vst v5;
	v3 =	vmul.f32 v3, v7  }
0x90: {  	[tilespmem:s29+$0x240] =	vst v4;
	v2 =	vmul.f32 v2, v8  }
0x91: {  	[tilespmem:s29+$0x250] =	vst v3;
	v1 =	vmul.f32 v1, v11  }
0x92: {  	[tilespmem:s29+$0x260] =	vst v2  }
0x93: {  	[tilespmem:s29+$0x270] =	vst v1  }
0x94: {  	_ =	swait.ge [sflag:s17], $0x50  }
0x95: {  	[sflag:s17] =	ssyncset.done $0x0  }
0x96: {  	[sflag:s17] =	ssyncadd.s32 $0xFFFFFFB0  }
0x97: {  	[spmem:s2] =	stream.indirect.scatter.add.f32 [tilespmem:s25], [sflag:$0x9], $0x80, s28, s30, $0xb8;
	[tilespmem:$0x1E200] =	vst v63  }
0x98: {  	_ =	swait.ge [sflag:s18], $0x2800  }
0x99: {  	[sflag:s18] =	ssyncset.done $0x0  }
0x9a: {  	s15 =	simm.s32 @p0 $0x2;
	[sflag:s18] =	ssyncadd.s32 $0xFFFFD800  }
0x9b: {  	_ =	swait.ge @p0 [sflag:s15], $0x2800  }
0x9c: {  	[sflag:s15] =	ssyncset.done @p0 $0x0  }
0x9d: {  	[sflag:s15] =	ssyncadd.s32 @p0 $0xFFFFD800;
	s15 =	simm.s32 @p0 $0x4  }
0x9e: {  	_ =	swait.ge @p0 [sflag:s15], $0x2800  }
0x9f: {  	s20 =	simm.s32 @!p0 $0x0;
	[sflag:s15] =	ssyncset.done @p0 $0x0  }
0xa0: {  	[sflag:s15] =	ssyncadd.s32 @p0 $0xFFFFD800;
	s15 =	sadd.s32 @!p0 s7, s24;
	s24 =	simm.s32 @!p0 $0x100  }
0xa1: {  	[tilespmem:s24], [sflag:$0x7] =	stream.linear.gather @!p0 [hbm4b:s15+s20], $0x50, $0x38;
	[tilespmem:$0x1E200] =	vst v63  }
0xa2: {  	s15 =	simm.s32 @!p0 $0x5  }
0xa3: {  	_ =	swait.ge @!p0 [sflag:s15], $0x50  }
0xa4: {  	[sflag:s15] =	ssyncset.done @!p0 $0x0  }
0xa5: {  	s24 =	simm.s32 @!p0 $0x200;
	[sflag:s15] =	ssyncadd.s32 @!p0 $0xFFFFFFB0;
	s15 =	simm.s32 @!p0 $0x50  }
0xa6: {  	[tilespmem:s24], [sflag:$0x1] =	stream.indirect.gather @!p0 [hbm4b:s1+s15], $0x80, s20, s15, $0xb8;
	[tilespmem:$0x1E200] =	vst v63  }
0xa7: {  	s15 =	sshll.u32 @!p0 s23, $0x4  }
0xa8: {  	s23 =	simm.s32 @!p0 $0x5200;
	s15 =	sadd.s32 @!p0 s5, s15  }
0xa9: {  	[tilespmem:s23], [sflag:$0x3] =	stream.linear.gather @!p0 [hbm4b:s15+s20], $0x2800, $0x38;
	[tilespmem:$0x1E200] =	vst v63  }
0xaa: {  	s15 =	simm.s32 @!p0 $0x2  }
0xab: {  	_ =	swait.ge @!p0 [sflag:s15], $0x2800  }
0xac: {  	[sflag:s15] =	ssyncset.done @!p0 $0x0  }
0xad: {  	[sflag:s15] =	ssyncadd.s32 @!p0 $0xFFFFD800;
	s15 =	simm.s32 @!p0 $0x4  }
0xae: {  	s22 =	sadd.s32 @!p0 s22, s14;
	_ =	swait.ge @!p0 [sflag:s15], $0x2800  }
0xaf: {  	s22 =	sshrl.u32 @!p0 s22, $0x3;
	[sflag:s15] =	ssyncset.done @!p0 $0x0  }
0xb0: {  	[sflag:s15] =	ssyncadd.s32 @!p0 $0xFFFFD800;
	s15 =	sadd.s32 @!p0 s6, s22;
	s22 =	simm.s32 @!p0 $0x80  }
0xb1: {  	[tilespmem:s22], [sflag:$0x6] =	stream.linear.gather @!p0 [hbm4b:s15+s20], $0x50, $0x38;
	[tilespmem:$0x1E200] =	vst v63  }
0xb2: {  	s22 =	simm.s32 $0x0  }
0xb3: {  	v8 =	vld [tilespmem:s22+$0x7A00]  }
0xb4: {  	v12 =	vld [tilespmem:s22+$0x7A10]  }
0xb5: {  	v6 =	vld [tilespmem:s22+$0x7A20]  }
0xb6: {  	v5 =	vld [tilespmem:s22+$0x7A30]  }
0xb7: {  	v4 =	vld [tilespmem:s22+$0x7A40]  }
0xb8: {  	v3 =	vld [tilespmem:s22+$0x7A50]  }
0xb9: {  	v2 =	vld [tilespmem:s22+$0x7A60]  }
0xba: {  	v1 =	vld [tilespmem:s22+$0x7A70]  }
0xbb: {  	v13 =	vld [tilespmem:s22+$0x2A00]  }
0xbc: {  	v14 =	vld [tilespmem:s22+$0x2A10]  }
0xbd: {  	v11 =	vld [tilespmem:s22+$0x2A20]  }
0xbe: {  	v10 =	vld [tilespmem:s22+$0x2A30]  }
0xbf: {  	v9 =	vld [tilespmem:s22+$0x2A40]  }
0xc0: {  	v7 =	vld [tilespmem:s22+$0x2A50];
	v13 =	vmul.f32 v8, v13  }
0xc1: {  	s20 =	simm.s32 $0x200;
	v12 =	vmul.f32 v12, v14;
	v8 =	vld [tilespmem:s22+$0x2A60]  }
.LBB2_7:
0xc2: {  	s15 =	sshra.s32 s20, $0x2;
	p0 =	sne.s32 s20, $0x9E00;
	[tilespmem:s22+$0x2A00] =	vst v13;
	v6 =	vmul.f32 v6, v11;
	v11 =	vld [tilespmem:s22+$0x2A70]  }
0xc3: {  	v13 =	vld [tilespmem:s15+$0x7A00];
	[tilespmem:s22+$0x2A10] =	vst v12;
	v5 =	vmul.f32 v5, v10  }
0xc4: {  	v12 =	vld [tilespmem:s15+$0x7A10];
	[tilespmem:s22+$0x2A20] =	vst v6;
	v4 =	vmul.f32 v4, v9  }
0xc5: {  	v6 =	vld [tilespmem:s15+$0x7A20];
	[tilespmem:s22+$0x2A30] =	vst v5;
	v3 =	vmul.f32 v3, v7  }
0xc6: {  	v5 =	vld [tilespmem:s15+$0x7A30];
	[tilespmem:s22+$0x2A40] =	vst v4;
	v2 =	vmul.f32 v2, v8  }
0xc7: {  	v4 =	vld [tilespmem:s15+$0x7A40];
	[tilespmem:s22+$0x2A50] =	vst v3;
	v1 =	vmul.f32 v1, v11  }
0xc8: {  	v3 =	vld [tilespmem:s15+$0x7A50];
	[tilespmem:s22+$0x2A60] =	vst v2  }
0xc9: {  	v2 =	vld [tilespmem:s15+$0x7A60];
	[tilespmem:s22+$0x2A70] =	vst v1;
	s22 =	smov.u32 s15  }
0xca: {  	v1 =	vld [tilespmem:s22+$0x7A70]  }
0xcb: {  	v7 =	vld [tilespmem:s22+$0x2A00]  }
0xcc: {  	v8 =	vld [tilespmem:s22+$0x2A10]  }
.Ltmp2:
0xcd: {  	v11 =	vld [tilespmem:s22+$0x2A20];
	(pc) =	sbr.rel @p0 .LBB2_7-.Ltmp2, $4  }
0xce: {  	v10 =	vld [tilespmem:s22+$0x2A30]  }
0xcf: {  	v9 =	vld [tilespmem:s22+$0x2A40]  }
0xd0: {  	v13 =	vmul.f32 v13, v7;
	v7 =	vld [tilespmem:s22+$0x2A50]  }
0xd1: {  	s20 =	sadd.s32 $0x200, s20;
	v12 =	vmul.f32 v12, v8;
	v8 =	vld [tilespmem:s22+$0x2A60]  }
0xd2: {  	[tilespmem:s22+$0x2A00] =	vst v13;
	v6 =	vmul.f32 v6, v11;
	v63 =	vld [tilespmem:s22+$0x2A70]  }
0xd3: {  	[tilespmem:s22+$0x2A10] =	vst v12;
	v5 =	vmul.f32 v5, v10  }
0xd4: {  	[tilespmem:s22+$0x2A20] =	vst v6;
	v4 =	vmul.f32 v4, v9  }
0xd5: {  	[tilespmem:s22+$0x2A30] =	vst v5;
	v3 =	vmul.f32 v3, v7  }
0xd6: {  	[tilespmem:s22+$0x2A40] =	vst v4;
	v2 =	vmul.f32 v2, v8  }
0xd7: {  	s21 =	sadd.s32 $0x1, s21;
	[tilespmem:s22+$0x2A50] =	vst v3;
	v1 =	vmul.f32 v1, v63  }
0xd8: {  	p0 =	sne.s32 s21, $0x14;
	[tilespmem:s22+$0x2A60] =	vst v2  }
.Ltmp3:
0xd9: {  	[tilespmem:s22+$0x2A70] =	vst v1;
	(pc) =	sbr.rel @p0 .LBB2_4-.Ltmp3, $4  }
0xda: {  	_ =	swait.ge [sflag:s19], $0x50  }
0xdb: {  	[sflag:s19] =	ssyncset.done $0x0  }
0xdc: {  	[sflag:s19] =	ssyncadd.s32 $0xFFFFFFB0  }
0xdd: {  	[spmem:s2] =	stream.indirect.scatter.add.f32 [tilespmem:s10], [sflag:$0xA], $0x80, s31, s30, $0xb8;
	[tilespmem:$0x1E200] =	vst v63  }
0xde: {  	s15 =	simm.s32 $0xA  }
0xdf: {  	_ =	swait.ge [sflag:s15], $0x2800  }
0xe0: {  	[sflag:s15] =	ssyncset.done $0x0  }
0xe1: {  	[sflag:s15] =	ssyncadd.s32 $0xFFFFD800  }
0xe2: {  	s24 =	stileid.u32;
	[bflag:$0x0] =	sbarrier.arrive $0xFFFF  }
0xe3: {  	s15 =	sshll.u32 s24, $0x6;
	s22 =	rddreg [dreg:$0x8]  }
0xe4: {  	s15 =	sor.u32 $0x1C0B, s15;
	s21 =	rddreg [dreg:$0x9];
	s20 =	sshrl.u32 s22, $0x3  }
0xe5: {  	[hbm:s21], [sflag:s15] =	dma.local [spmem:s20], $0x2800  }
0xe6: {  	_ =	swait.ge [sflag:s26], $0x2800  }
0xe7: {  	s9 =	sadd.s32 $0x1, s9;
	s29 =	rddreg [dreg:$0xa]  }
0xe8: {  	p0 =	sne.s32 s9, s29  }
.Ltmp4:
0xe9: {  	_ = 	snop;
	(pc) =	sbr.rel @p0 .LBB2_1-.Ltmp4, $3  }
0xea: {  	_ =	sdelay $0x1  }
0xeb: {  	[sflag:s26] =	ssyncset.done $0x0  }
0xec: {  	[sflag:s26] =	ssyncadd.s32 $0xFFFFD800  }
0xed: {  	_ =	sfence.sel $0x180000  }
0xee: {  	[bflag:$0x0] =	sbarrier.arrive $0xFFFF  }
0xef: {  	_ =	strace $0x9000004D  }
0xf0: {  	s0 =	stileid.u32;
	[bflag:$0x2] =	sbarrier.arrive $0xFFFF  }
0xf1: {  	p0 =	sne.s32 s0, $0x0;
	s0 =	rddreg [dreg:$0x3]  }
0xf2: {  	s0 =	sadd.s32 @!p0 $0x100000, s0  }
0xf3: {  	[sflag:s0] =	ssyncadd.tile.s32 @!p0 $0x1;
	_ =	shalt  }
.Lfunc_end2:
_tile_overlayer_lowered:
.L_overlay_start_2:
0xf4: {  	(tag) =	ssettag $0x2  }
0xf5: {  	s0 =	rddreg [dreg:$0x0];
	s2 =	stileid.u32  }
0xf6: {  	s1 =	rddreg [dreg:$0x1];
	p0 =	sne.s32 s2, $0x0  }
0xf7: {  	s3 =	rddreg [dreg:$0x2];
	[bflag:$0x3] =	sbarrier.arrive $0xFFFF;
	s2 =	simm.s32 @!p0 $0x1C0B  }
0xf8: {  	[timem:s3], [sflag:s2] =	dma.local @!p0 [hbm:s0], s1  }
0xf9: {  	s0 =	simm.s32 @!p0 $0xB  }
0xfa: {  	_ =	swait.ge @!p0 [sflag:s0], s1  }
0xfb: {  	s1 =	ssub.s32 @!p0 $0x0, s1;
	[sflag:s0] =	ssyncset.done @!p0 $0x0  }
0xfc: {  	[sflag:s0] =	ssyncadd.s32 @!p0 s1  }
0xfd: {  	[bflag:$0x3] =	sbarrier.arrive $0xFFFF  }
0xfe: {  	_ =	shalt  }

// kernel: kernel.13.cloned.1.call-start
scs
__scs_entry_jumppad:
0x0: {  	(pc) =	sbr.rel $0x88, $3  }
0x1: {  	(tag) =	ssettag $0x0;
	lr =	simm.s32 $0x1  }
0x2: {  	[smem:$0x3F94] =	sst lr;
	_ =	strace $0xD0000000  }
0x3: {  	_ = 	snop  }
0x4: {  	_ = 	snop  }
0x5: {  	_ = 	snop  }
0x6: {  	_ = 	snop  }
0x7: {  	_ = 	snop  }
__scs_overlays_trampoline_lowered:
0x8: {  	[smem:$0x3FA3] =	sst s0  }
0x9: {  	[smem:$0x3FA4] =	sst s1  }
0xa: {  	[smem:$0x3FA5] =	sst s2  }
0xb: {  	[smem:$0x3FA6] =	sst s3  }
0xc: {  	[smem:$0x3FA7] =	sst s4  }
0xd: {  	[smem:$0x3FA8] =	sst s5  }
0xe: {  	[smem:$0x3FA9] =	sst s6  }
0xf: {  	[smem:$0x3FAA] =	sst s7  }
0x10: {  	[smem:$0x3FAB] =	sst s8  }
0x11: {  	[smem:$0x3FAC] =	sst s9;
	s0 =	simm.s32 @!p0 $0x0  }
0x12: {  	s1 =	sld [smem:$0x3F92];
	s0 =	simm.s32 @p0 $0x1  }
0x13: {  	[smem:$0x3FAD] =	sst s0;
	s0 =	simm.s32 @!p1 $0x0  }
0x14: {  	s2 =	sld [smem:$0x3F91];
	s0 =	simm.s32 @p1 $0x1  }
0x15: {  	[smem:$0x3FAE] =	sst s0;
	s0 =	simm.s32 @!p2 $0x0  }
0x16: {  	s3 =	sld [smem:$0x3FDB];
	s0 =	simm.s32 @p2 $0x1  }
0x17: {  	s4 =	simm.s32 $0x1BF5;
	[smem:$0x3FB0] =	sst s0  }
0x18: {  	s0 =	sld [smem:$0x3F93];
	_ =	swait.ge [sflag:s4], $0x0  }
0x19: {  	s7 =	sld [smem:$0x3F94]  }
0x1a: {  	s8 =	sadd.s32 $0xFFFFE003, lr  }
0x1b: {  	s9 =	sadd.s32 $0xFFFFFEF7, lr;
	s5 =	simm.s32 $0xFFFFFFFF;
	p2 =	slt.u32 s8, $0xFFFFF086  }
0x1c: {  	p1 =	slt.u32 s9, $0xF7A;
	s5 =	simm.s32 @!p2 $0x0  }
0x1d: {  	s5 =	simm.s32 @p1 $0x1;
	p0 =	seq.s32 s7, s2  }
0x1e: {  	s7 =	smul.u32 @!p0 $0xF7A, s2;
	p2 =	seq.s32 @!p0 s5, $0x0  }
0x1f: {  	s9 =	smul.u32 $0xF7A, s1;
	s8 =	simm.s32 @!p0 $0x1BF5;
	p2 =	por !p2, p0  }
0x20: {  	[sflag:s8] =	ssyncset.s32 @!p0 $0xFFFFF086;
	s6 =	sadd.s32 @!p0 s3, s7;
	s7 =	simm.s32 @!p0 $0x108  }
0x21: {  	s3 =	sadd.s32 s3, s9;
	s6 =	sadd.s32 @!p0 $0x88, s6;
	s7 =	simm.s32 @p2 $0x1082  }
0x22: {  	[simem:s7], [sflag:s8] =	dma.local @!p0 [hbm:s6], $0xF7A  }
0x23: {  	s9 =	sor.u32 $0xD0000000, s2;
	s6 =	simm.s32 $0x108;
	_ =	swait.ge @!p0 [sflag:s8], $0x0  }
0x24: {  	s3 =	sadd.s32 $0x88, s3;
	s6 =	simm.s32 @!p1 $0x1082;
	[sflag:s4] =	ssyncset.s32 $0xFFFFF086  }
0x25: {  	[simem:s6], [sflag:s4] =	dma.local [hbm:s3], $0xF7A  }
0x26: {  	[smem:$0x3F94] =	sst s1;
	(tag) =	ssettag s2;
	_ =	strace s9  }
0x27: {  	s1 =	sld [smem:$0x3FA4]  }
0x28: {  	s2 =	sld [smem:$0x3FA5]  }
0x29: {  	s4 =	sld [smem:$0x3FA7]  }
0x2a: {  	p0 =	seq.s32 s5, $0x0;
	s5 =	sld [smem:$0x3FA8]  }
0x2b: {  	s6 =	sld [smem:$0x3FA9]  }
0x2c: {  	s7 =	sld [smem:$0x3FAA]  }
0x2d: {  	s3 =	simm.s32 $0x108;
	s8 =	sld [smem:$0x3FAB]  }
0x2e: {  	s3 =	simm.s32 @!p0 $0x1082;
	s9 =	sld [smem:$0x3FAC]  }
0x2f: {  	lr =	sadd.s32 s0, s3;
	s0 =	sld [smem:$0x3FA3]  }
0x30: {  	s3 =	sld [smem:$0x3FA6]  }
0x31: {  	[smem:$0x3FAF] =	sst s10  }
0x32: {  	s10 =	sld [smem:$0x3FAD];
	_ =	sdelay $0x3  }
0x33: {  	p0 =	seq.s32 s10, $0x1;
	s10 =	sld [smem:$0x3FAF];
	_ =	sdelay $0x3  }
0x34: {  	[smem:$0x3FAF] =	sst s10  }
0x35: {  	s10 =	sld [smem:$0x3FAE];
	_ =	sdelay $0x3  }
0x36: {  	p1 =	seq.s32 s10, $0x1;
	s10 =	sld [smem:$0x3FAF];
	_ =	sdelay $0x3  }
0x37: {  	[smem:$0x3FAF] =	sst s10  }
0x38: {  	s10 =	sld [smem:$0x3FB0]  }
0x39: {  	_ = 	snop;
	(pc) =	sbr.ind lr, $3  }
0x3a: {  	_ = 	snop  }
0x3b: {  	_ = 	snop  }
0x3c: {  	p2 =	seq.s32 s10, $0x1;
	s10 =	sld [smem:$0x3FAF]  }
0x3d: {  	_ =	shalt  }
0x3e: {  	_ =	shalt  }
0x3f: {  	_ =	shalt  }
0x40: {  	_ =	shalt  }
0x41: {  	_ =	shalt  }
0x42: {  	_ =	shalt  }
0x43: {  	_ =	shalt  }
0x44: {  	_ =	shalt  }
0x45: {  	_ =	shalt  }
0x46: {  	_ =	shalt  }
0x47: {  	_ =	shalt  }
0x48: {  	_ =	shalt  }
0x49: {  	_ =	shalt  }
0x4a: {  	_ =	shalt  }
0x4b: {  	_ =	shalt  }
0x4c: {  	_ =	shalt  }
0x4d: {  	_ =	shalt  }
0x4e: {  	_ =	shalt  }
0x4f: {  	_ =	shalt  }
0x50: {  	_ =	shalt  }
0x51: {  	_ =	shalt  }
0x52: {  	_ =	shalt  }
0x53: {  	_ =	shalt  }
0x54: {  	_ =	shalt  }
0x55: {  	_ =	shalt  }
0x56: {  	_ =	shalt  }
0x57: {  	_ =	shalt  }
0x58: {  	_ =	shalt  }
0x59: {  	_ =	shalt  }
0x5a: {  	_ =	shalt  }
0x5b: {  	_ =	shalt  }
0x5c: {  	_ =	shalt  }
0x5d: {  	_ =	shalt  }
0x5e: {  	_ =	shalt  }
0x5f: {  	_ =	shalt  }
0x60: {  	_ =	shalt  }
0x61: {  	_ =	shalt  }
0x62: {  	_ =	shalt  }
0x63: {  	_ =	shalt  }
0x64: {  	_ =	shalt  }
0x65: {  	_ =	shalt  }
0x66: {  	_ =	shalt  }
0x67: {  	_ =	shalt  }
0x68: {  	_ =	shalt  }
0x69: {  	_ =	shalt  }
0x6a: {  	_ =	shalt  }
0x6b: {  	_ =	shalt  }
0x6c: {  	_ =	shalt  }
0x6d: {  	_ =	shalt  }
0x6e: {  	_ =	shalt  }
0x6f: {  	_ =	shalt  }
0x70: {  	_ =	shalt  }
0x71: {  	_ =	shalt  }
0x72: {  	_ =	shalt  }
0x73: {  	_ =	shalt  }
0x74: {  	_ =	shalt  }
0x75: {  	_ =	shalt  }
0x76: {  	_ =	shalt  }
0x77: {  	_ =	shalt  }
0x78: {  	_ =	shalt  }
0x79: {  	_ =	shalt  }
0x7a: {  	_ =	shalt  }
0x7b: {  	_ =	shalt  }
0x7c: {  	_ =	shalt  }
0x7d: {  	_ =	shalt  }
0x7e: {  	_ =	shalt  }
0x7f: {  	_ =	shalt  }
0x80: {  	_ =	shalt  }
0x81: {  	_ =	shalt  }
0x82: {  	_ =	shalt  }
0x83: {  	_ =	shalt  }
0x84: {  	_ =	shalt  }
0x85: {  	_ =	shalt  }
0x86: {  	_ =	shalt  }
0x87: {  	_ =	shalt  }
.Lfunc_end0:
.L_simem_size_0:
called_computation.1_lowered:
.L_overlay_start_0:
0x88: {  	s2 =	sld [smem:$0x3FD9]  }
0x89: {  	s3 =	sld [smem:$0x3FFE];
	_ =	sdelay $0x1  }
0x8a: {  	s1 =	srdreg.scid  }
0x8b: {  	s0 =	sand.u32 $0x1, s1  }
0x8c: {  	s17 =	sshll.u32 s0, $0xA;
	s2 =	sadd.s32 s3, s2  }
0x8d: {  	s2 =	sadd.s32 s2, s17  }
0x8e: {  	[smem:$0x3FBB] =	sst s2  }
0x8f: {  	_ = 	snop  }
0x90: {  	s18 =	sld [smem:$0x3FD0];
	(tm) =	ssettm $0x1  }
0x91: {  	s19 =	sld [smem:$0x3FFB];
	_ =	sdelay $0x3  }
0x92: {  	_ =	strace s19  }
0x93: {  	s2 =	sld [smem:$0x3FFC];
	_ =	sdelay $0x3  }
0x94: {  	_ =	strace s2  }
0x95: {  	s2 =	sld [smem:$0x3FFD];
	_ =	sdelay $0x3  }
0x96: {  	_ =	strace s2  }
0x97: {  	_ =	strace $0x8FFFFFFF  }
0x98: {  	s20 =	sld [smem:$0x3FDB];
	_ =	sdelay $0x1  }
0x99: {  	s4 =	simm.s32 $_scs_section_size  }
0x9a: {  	s5 =	simm.s32 $_size__tile_overlayer_lowered;
	s6 =	simm.s32 $_tile_overlayer_lowered  }
0x9b: {  	s7 =	simm.s32 $0x1BFF;
	s21 =	sshll.u32 s6, $0x1;
	s4 =	sadd.s32 s4, s20  }
0x9c: {  	s22 =	simm.s32 $0x0;
	s5 =	sshll.u32 s5, $0x1;
	s6 =	sadd.s32 s21, s4  }
0x9d: {  	[timem:s22], [sflag:s7] =	dma.local [hbm:s6], s5  }
0x9e: {  	_ =	swait.ge [sflag:s7], s5  }
0x9f: {  	s5 =	ssub.s32 $0x0, s5;
	[sflag:s7] =	ssyncset.done $0x0  }
0xa0: {  	[sflag:s7] =	ssyncadd.s32 s5;
	_ =	sdelay $0x1  }
0xa1: {  	s23 =	simm.s32 $0x1B8B  }
0xa2: {  	_ =	swait.ge [sflag:s23], $0x1  }
0xa3: {  	[sflag:s23] =	ssyncset.done $0x0  }
0xa4: {  	[sflag:s23] =	ssyncadd.s32 $0xFFFFFFFF  }
0xa5: {  	s5 =	sld [smem:$0x0]  }
0xa6: {  	s6 =	sand.u32 $0xFFFFFFFE, s1  }
0xa7: {  	p0 =	sne.s32 s1, s6  }
0xa8: {  	s6 =	sshll.u32 @p0 s6, $0xE  }
0xa9: {  	s6 =	sadd.s32 @p0 $0x11B8D, s6;
	s7 =	sshll.u32 @p0 s5, $0x11  }
0xaa: {  	s6 =	sor.u32 @p0 s7, s6  }
0xab: {  	[sflag:s6] =	ssyncadd.remote.s32 @p0 $0x1;
	_ =	sdelay $0x1  }
0xac: {  	s6 =	simm.s32 @p0 $0x1B8D  }
0xad: {  	_ =	swait.eq @p0 [sflag:s6], $0x1  }
0xae: {  	[sflag:s6] =	ssyncadd.s32 @p0 $0xFFFFFFFF  }
0xaf: {  	s7 =	sshll.u32 @!p0 s1, $0xE  }
0xb0: {  	s7 =	sor.u32 @!p0 $0x4000, s7;
	s6 =	simm.s32 @!p0 $0x1B8D  }
0xb1: {  	s5 =	sshll.u32 @!p0 s5, $0x11;
	s7 =	sadd.s32 @!p0 $0x11B8D, s7;
	_ =	swait.eq @!p0 [sflag:s6], $0x1  }
0xb2: {  	s5 =	sor.u32 @!p0 s5, s7;
	[sflag:s6] =	ssyncadd.s32 @!p0 $0xFFFFFFFF  }
0xb3: {  	s25 =	simm.s32 $0x1B8E;
	s24 =	sld [smem:$0x3FFE];
	[sflag:s5] =	ssyncadd.remote.s32 @!p0 $0x1  }
0xb4: {  	s26 =	simm.s32 $execute0_lowered;
	[smem:$0x3FD2] =	sst s25  }
0xb5: {  	s6 =	sshll.u32 s26, $0x1;
	_ =	strace $0x80000049;
	[dreg:$0x1] =	wrdreg $0xFFFFFFFF  }
0xb6: {  	s28 =	simm.s32 $_size_execute0_lowered;
	s4 =	sadd.s32 s4, s6;
	[dreg:$0x0] =	wrdreg $0x0  }
0xb7: {  	s6 =	sshll.u32 s28, $0x1;
	[dreg:$0x2] =	wrdreg s4  }
0xb8: {  	[dreg:$0x3] =	wrdreg s6  }
0xb9: {  	[dreg:$0x4] =	wrdreg $0xC0  }
0xba: {  	_ =	task [dreg:s22], $0x5FFFF  }
0xbb: {  	[dreg:$0x1] =	wrdreg $0xFFFFFFFF  }
0xbc: {  	[dreg:$0x0] =	wrdreg $0x60  }
0xbd: {  	[dreg:$0x2] =	wrdreg s18  }
0xbe: {  	[dreg:$0x3] =	wrdreg s24  }
0xbf: {  	[dreg:$0x4] =	wrdreg $0xA2000  }
0xc0: {  	[dreg:$0x5] =	wrdreg $0xA  }
0xc1: {  	_ =	task.clear_ibuf [dreg:s22], $0x6FFFF;
	_ =	strace $0x90000049  }
0xc2: {  	s29 =	simm.s32 $0xA;
	_ =	strace $0x8000004B  }
0xc3: {  	_ =	swait.ge [sflag:s29], $0x1  }
0xc4: {  	[sflag:s29] =	ssyncadd.s32 $0xFFFFFFFF  }
0xc5: {  	_ =	strace $0x9000004B  }
0xc6: {  	_ =	sfence  }
0xc7: {  	s30 =	sld [smem:$0x0];
	_ =	sdelay $0x2  }
0xc8: {  	s31 =	sshll.u32 s1, $0xD;
	s1 =	sshrl.u32 s1, $0x2  }
0xc9: {  	s4 =	sand.u32 $0x4000, s31;
	s1 =	sadd.s32 s1, s30  }
0xca: {  	s0 =	sor.u32 s4, s0;
	s1 =	sshll.u32 s1, $0x11  }
0xcb: {  	s0 =	sor.u32 s1, s0  }
0xcc: {  	s0 =	sadd.s32 $0x8F2B, s0  }
0xcd: {  	[sflag:s0] =	ssyncadd.remote.s32 $0x1  }
0xce: {  	_ =	sfence.sel $0xFFFF  }
0xcf: {  	[dreg:$0x0] =	wrdreg $0xFFFFFFFF;
	(pc) =	sbr.abs _section_cstart, $3  }
0xd0: {  	[dreg:$0x1] =	wrdreg $0xFFFFFFFF  }
0xd1: {  	_ =	task.clear_ibuf [dreg:s22], $0x2FFFF;
	_ =	strace $0x9FFFFFFF  }
0xd2: {  	(tm) =	ssettm $0x7FFFFFFF  }
0xd3: {  	_ =	shalt  }
tec
execute0_lowered:
.L_overlay_start_1:
0x0: {  	(tag) =	ssettag $0x1  }
0x1: {  	s1 =	rddreg [dreg:$0x0]  }
0x2: {  	s0 =	rddreg [dreg:$0x1]  }
0x3: {  	s2 =	rddreg [dreg:$0x2];
	s3 =	srdreg.scid;
	s4 =	simm.s32 $0x0  }
0x4: {  	s12 =	stileid.u32;
	s28 =	simm.s32 $0x100;
	s3 =	sand.u32 $0x1, s3  }
0x5: {  	[smem:$0x7FF] =	sst s4;
	s7 =	smul.u32 $0x14000, s12;
	s5 =	sadd.s32 $0x227800, s0  }
0x6: {  	s6 =	smul.u32 $0x140000, s3;
	_ =	strace $0x8000004A;
	s8 =	sshll.u32 s3, $0x4  }
0x7: {  	s3 =	ssub.s32 $0x2, s3;
	s10 =	sor.u32 s12, s8;
	s8 =	sadd.s32 $0x1C00, s0  }
0x8: {  	s11 =	sshrl.u32 s3, $0x1;
	s12 =	smul.u32 $0x50000, s12;
	s7 =	sadd.s32 s7, s6  }
0x9: {  	s3 =	ssub.s32 s3, s11;
	s9 =	sshrl.u32 s7, $0x3;
	s7 =	smul.u32 $0xC80, s10  }
0xa: {  	s10 =	smul.u32 $0xC800, s10;
	s18 =	sshrl.u32 s12, $0x2;
	s19 =	smax.u32 s3, $0x1  }
0xb: {  	s6 =	sadd.s32 $0xBA00, s0;
	s22 =	sadd.s32 s18, s2;
	[dreg:$0xa] =	wrdreg s19  }
0xc: {  	s0 =	sadd.s32 s9, s0;
	s10 =	sadd.s32 s5, s10;
	[dreg:$0x8] =	wrdreg s22  }
0xd: {  	s30 =	simm.s32 $0x50;
	s0 =	sadd.s32 $0x3B7800, s0;
	[dreg:$0x6] =	wrdreg s10  }
0xe: {  	s31 =	simm.s32 $0x180;
	s20 =	sadd.s32 $0x2800, s22;
	[dreg:$0x9] =	wrdreg s0  }
0xf: {  	s3 =	simm.s32 $0x6;
	s21 =	sadd.s32 $0x5000, s22;
	[dreg:$0xb] =	wrdreg s20  }
0x10: {  	s12 =	simm.s32 $0x1;
	s23 =	sadd.s32 $0x7800, s22;
	[dreg:$0xc] =	wrdreg s21  }
0x11: {  	s18 =	simm.s32 $0x8;
	s24 =	sadd.s32 $0xA000, s22;
	[dreg:$0xd] =	wrdreg s23  }
0x12: {  	s9 =	sadd.s32 $0x19000, s7;
	s25 =	sadd.s32 $0xC800, s22;
	[dreg:$0xe] =	wrdreg s24  }
0x13: {  	s16 =	sshrl.u32 s7, $0x3;
	s26 =	sadd.s32 $0xF000, s22;
	[dreg:$0xf] =	wrdreg s25  }
0x14: {  	s14 =	sadd.s32 $0x190F0, s7;
	s29 =	sadd.s32 $0x11800, s22;
	[dreg:$0x10] =	wrdreg s26  }
0x15: {  	s15 =	sshrl.u32 s9, $0x3;
	s17 =	sadd.s32 s6, s16;
	[dreg:$0x11] =	wrdreg s29  }
0x16: {  	s25 =	simm.s32 $0x200;
	s26 =	simm.s32 $0xB;
	s13 =	sadd.s32 s6, s15  }
0x17: {  	s0 =	simm.s32 $0x80;
	s11 =	sadd.s32 s8, s15;
	[dreg:$0x4] =	wrdreg s13  }
0x18: {  	s16 =	simm.s32 $0x7;
	s10 =	sadd.s32 $0x320A, s17;
	[dreg:$0x5] =	wrdreg s11  }
0x19: {  	s20 =	simm.s32 $0x0;
	s17 =	simm.s32 $0x9;
	[dreg:$0x7] =	wrdreg s10  }
0x1a: {  	v0 =	vimm.f32 $0.0e+00;
	s10 =	simm.s32 $0x2A00;
	s11 =	simm.s32 $0x7A00;
	s13 =	simm.s32 $0x3  }
.LBB2_1:
0x1b: {  	s19 =	simm.s32 $0x0;
	s21 =	simm.s32 $0x200  }
.LBB2_2:
0x1c: {  	p0 =	sne.s32 s21, $0x9E00;
	[tilespmem:s19+$0x270] =	vst v0  }
0x1d: {  	[tilespmem:s19+$0x200] =	vst v0  }
0x1e: {  	[tilespmem:s19+$0x210] =	vst v0  }
.Ltmp0:
0x1f: {  	[tilespmem:s19+$0x220] =	vst v0;
	(pc) =	sbr.rel @p0 .LBB2_2-.Ltmp0, $4  }
0x20: {  	[tilespmem:s19+$0x230] =	vst v0  }
0x21: {  	[tilespmem:s19+$0x240] =	vst v0  }
0x22: {  	[tilespmem:s19+$0x250] =	vst v0  }
0x23: {  	[tilespmem:s19+$0x260] =	vst v0;
	s19 =	sshra.s32 s21, $0x2;
	s21 =	sadd.s32 $0x200, s21  }
0x24: {  	[tilespmem:s19+$0x270] =	vst v0  }
0x25: {  	[tilespmem:s19+$0x200] =	vst v0  }
0x26: {  	[tilespmem:s19+$0x210] =	vst v0  }
0x27: {  	[tilespmem:s19+$0x220] =	vst v0  }
0x28: {  	[tilespmem:s19+$0x230] =	vst v0  }
0x29: {  	[tilespmem:s19+$0x240] =	vst v0  }
0x2a: {  	[tilespmem:s19+$0x250] =	vst v0  }
0x2b: {  	[tilespmem:s19+$0x260] =	vst v0  }
0x2c: {  	[spmem:s22] =	stream.linear.scatter [tilespmem:s25], [sflag:$0xB], $0x2800, $0x38;
	[tilespmem:$0x1E200] =	vst v63  }
0x2d: {  	_ =	swait.ge [sflag:s26], $0x2800  }
0x2e: {  	[sflag:s26] =	ssyncset.done $0x0  }
0x2f: {  	s15 =	rddreg [dreg:$0xb];
	[sflag:s26] =	ssyncadd.s32 $0xFFFFD800  }
0x30: {  	[spmem:s15] =	stream.linear.scatter [tilespmem:s25], [sflag:$0xB], $0x2800, $0x38;
	[tilespmem:$0x1E200] =	vst v63  }
0x31: {  	_ =	swait.ge [sflag:s26], $0x2800  }
0x32: {  	[sflag:s26] =	ssyncset.done $0x0  }
0x33: {  	s29 =	rddreg [dreg:$0xc];
	[sflag:s26] =	ssyncadd.s32 $0xFFFFD800  }
0x34: {  	[spmem:s29] =	stream.linear.scatter [tilespmem:s25], [sflag:$0xB], $0x2800, $0x38;
	[tilespmem:$0x1E200] =	vst v63  }
0x35: {  	_ =	swait.ge [sflag:s26], $0x2800  }
0x36: {  	[sflag:s26] =	ssyncset.done $0x0  }
0x37: {  	s19 =	rddreg [dreg:$0xd];
	[sflag:s26] =	ssyncadd.s32 $0xFFFFD800  }
0x38: {  	[spmem:s19] =	stream.linear.scatter [tilespmem:s25], [sflag:$0xB], $0x2800, $0x38;
	[tilespmem:$0x1E200] =	vst v63  }
0x39: {  	_ =	swait.ge [sflag:s26], $0x2800  }
0x3a: {  	[sflag:s26] =	ssyncset.done $0x0  }
0x3b: {  	s21 =	rddreg [dreg:$0xe];
	[sflag:s26] =	ssyncadd.s32 $0xFFFFD800  }
0x3c: {  	[spmem:s21] =	stream.linear.scatter [tilespmem:s25], [sflag:$0xB], $0x2800, $0x38;
	[tilespmem:$0x1E200] =	vst v63  }
0x3d: {  	_ =	swait.ge [sflag:s26], $0x2800  }
0x3e: {  	[sflag:s26] =	ssyncset.done $0x0  }
0x3f: {  	s22 =	rddreg [dreg:$0xf];
	[sflag:s26] =	ssyncadd.s32 $0xFFFFD800  }
0x40: {  	[spmem:s22] =	stream.linear.scatter [tilespmem:s25], [sflag:$0xB], $0x2800, $0x38;
	[tilespmem:$0x1E200] =	vst v63  }
0x41: {  	_ =	swait.ge [sflag:s26], $0x2800  }
0x42: {  	[sflag:s26] =	ssyncset.done $0x0  }
0x43: {  	s23 =	rddreg [dreg:$0x10];
	[sflag:s26] =	ssyncadd.s32 $0xFFFFD800  }
0x44: {  	[spmem:s23] =	stream.linear.scatter [tilespmem:s25], [sflag:$0xB], $0x2800, $0x38;
	[tilespmem:$0x1E200] =	vst v63  }
0x45: {  	_ =	swait.ge [sflag:s26], $0x2800  }
0x46: {  	[sflag:s26] =	ssyncset.done $0x0  }
0x47: {  	s24 =	rddreg [dreg:$0x11];
	[sflag:s26] =	ssyncadd.s32 $0xFFFFD800  }
0x48: {  	[spmem:s24] =	stream.linear.scatter [tilespmem:s25], [sflag:$0xB], $0x2800, $0x38;
	[tilespmem:$0x1E200] =	vst v63  }
0x49: {  	_ =	swait.ge [sflag:s26], $0x2800  }
0x4a: {  	[sflag:s26] =	ssyncset.done $0x0  }
0x4b: {  	[sflag:s26] =	ssyncadd.s32 $0xFFFFD800  }
0x4c: {  	[bflag:$0x0] =	sbarrier.arrive $0xFFFF  }
0x4d: {  	s21 =	simm.s32 $0x0;
	s29 =	rddreg [dreg:$0x4]  }
0x4e: {  	[tilespmem:s21], [sflag:$0x5] =	stream.linear.gather [hbm4b:s29+s21], $0x50, $0x38;
	[tilespmem:$0x1E200] =	vst v63  }
0x4f: {  	s22 =	simm.s32 $0x5;
	s19 =	rddreg [dreg:$0x5]  }
0x50: {  	[tilespmem:s28], [sflag:$0x7] =	stream.linear.gather [hbm4b:s19+s21], $0x50, $0x38;
	[tilespmem:$0x1E200] =	vst v63  }
0x51: {  	_ =	swait.ge [sflag:s22], $0x50  }
0x52: {  	[sflag:s22] =	ssyncset.done $0x0  }
0x53: {  	[sflag:s22] =	ssyncadd.s32 $0xFFFFFFB0  }
0x54: {  	[tilespmem:s25], [sflag:$0x1] =	stream.indirect.gather [hbm4b:s1+s30], $0x80, s21, s30, $0xb8;
	[tilespmem:$0x1E200] =	vst v63  }
0x55: {  	s24 =	simm.s32 $0x5200;
	s23 =	rddreg [dreg:$0x6]  }
0x56: {  	[tilespmem:s24], [sflag:$0x3] =	stream.linear.gather [hbm4b:s23+s21], $0x2800, $0x38;
	[tilespmem:$0x1E200] =	vst v63  }
0x57: {  	s29 =	rddreg [dreg:$0x7]  }
0x58: {  	[tilespmem:s0], [sflag:$0x6] =	stream.linear.gather [hbm4b:s29+s21], $0x50, $0x38;
	[tilespmem:$0x1E200] =	vst v63  }
.LBB2_4:
0x59: {  	s22 =	smul.u32 $0xA0, s21  }
0x5a: {  	p0 =	seq.s32 s21, $0x0  }
0x5b: {  	s19 =	simm.s32 @!p0 $0xA;
	s23 =	sadd.s32 $0x50, s22  }
0x5c: {  	_ =	swait.ge @!p0 [sflag:s19], $0x2800;
	s24 =	sadd.s32 s9, s23  }
0x5d: {  	[sflag:s19] =	ssyncset.done @!p0 $0x0;
	s24 =	sshrl.u32 s24, $0x3  }
0x5e: {  	[sflag:s19] =	ssyncadd.s32 @!p0 $0xFFFFD800;
	s15 =	sadd.s32 s8, s24  }
0x5f: {  	[tilespmem:s31], [sflag:$0x8] =	stream.linear.gather [hbm4b:s15+s4], $0x50, $0x38;
	[tilespmem:$0x1E200] =	vst v63  }
0x60: {  	_ =	swait.ge [sflag:s3], $0x50  }
0x61: {  	s23 =	sadd.s32 s7, s23;
	[sflag:s3] =	ssyncset.done $0x0  }
0x62: {  	s19 =	sshll.u32 s23, $0x4;
	[sflag:s3] =	ssyncadd.s32 $0xFFFFFFB0  }
0x63: {  	[tilespmem:s10], [sflag:$0x2] =	stream.indirect.gather [hbm4b:s1+s30], $0x80, s0, s30, $0xb8;
	[tilespmem:$0x1E200] =	vst v63  }
0x64: {  	s24 =	sshll.u32 s21, $0x1;
	s19 =	sadd.s32 s5, s19  }
0x65: {  	[tilespmem:s11], [sflag:$0x4] =	stream.linear.gather [hbm4b:s19+s4], $0x2800, $0x38;
	[tilespmem:$0x1E200] =	vst v63  }
0x66: {  	p0 =	seq.s32 s21, $0x13;
	s19 =	sadd.s32 $0x2, s24;
	_ =	swait.ge [sflag:s12], $0x2800  }
0x67: {  	s23 =	smul.u32 @!p0 $0x50, s19;
	[sflag:s12] =	ssyncset.done $0x0  }
0x68: {  	[sflag:s12] =	ssyncadd.s32 $0xFFFFD800  }
0x69: {  	s19 =	sadd.s32 @!p0 s9, s23;
	_ =	swait.ge [sflag:s13], $0x2800  }
0x6a: {  	s24 =	sshrl.u32 @!p0 s19, $0x3;
	[sflag:s13] =	ssyncset.done $0x0  }
0x6b: {  	s29 =	simm.s32 @!p0 $0x0;
	s19 =	sadd.s32 @!p0 s6, s24;
	[sflag:s13] =	ssyncadd.s32 $0xFFFFD800  }
0x6c: {  	[tilespmem:s29], [sflag:$0x5] =	stream.linear.gather @!p0 [hbm4b:s19+s29], $0x50, $0x38;
	[tilespmem:$0x1E200] =	vst v63  }
0x6d: {  	s29 =	simm.s32 $0x0  }
0x6e: {  	v8 =	vld [tilespmem:s29+$0x5200]  }
0x6f: {  	v12 =	vld [tilespmem:s29+$0x5210]  }
0x70: {  	v6 =	vld [tilespmem:s29+$0x5220]  }
0x71: {  	v5 =	vld [tilespmem:s29+$0x5230]  }
0x72: {  	v4 =	vld [tilespmem:s29+$0x5240]  }
0x73: {  	v3 =	vld [tilespmem:s29+$0x5250]  }
0x74: {  	v2 =	vld [tilespmem:s29+$0x5260]  }
0x75: {  	v1 =	vld [tilespmem:s29+$0x5270]  }
0x76: {  	v13 =	vld [tilespmem:s29+$0x200]  }
0x77: {  	v14 =	vld [tilespmem:s29+$0x210]  }
0x78: {  	v11 =	vld [tilespmem:s29+$0x220]  }
0x79: {  	v10 =	vld [tilespmem:s29+$0x230]  }
0x7a: {  	v9 =	vld [tilespmem:s29+$0x240]  }
0x7b: {  	v7 =	vld [tilespmem:s29+$0x250];
	v13 =	vmul.f32 v8, v13  }
0x7c: {  	s19 =	simm.s32 $0x200;
	v12 =	vmul.f32 v12, v14;
	v8 =	vld [tilespmem:s29+$0x260]  }
.LBB2_5:
0x7d: {  	s15 =	sshra.s32 s19, $0x2;
	p1 =	sne.s32 s19, $0x9E00;
	[tilespmem:s29+$0x200] =	vst v13;
	v6 =	vmul.f32 v6, v11;
	v11 =	vld [tilespmem:s29+$0x270]  }
0x7e: {  	v13 =	vld [tilespmem:s15+$0x5200];
	[tilespmem:s29+$0x210] =	vst v12;
	v5 =	vmul.f32 v5, v10  }
0x7f: {  	v12 =	vld [tilespmem:s15+$0x5210];
	[tilespmem:s29+$0x220] =	vst v6;
	v4 =	vmul.f32 v4, v9  }
0x80: {  	v6 =	vld [tilespmem:s15+$0x5220];
	[tilespmem:s29+$0x230] =	vst v5;
	v3 =	vmul.f32 v3, v7  }
0x81: {  	v5 =	vld [tilespmem:s15+$0x5230];
	[tilespmem:s29+$0x240] =	vst v4;
	v2 =	vmul.f32 v2, v8  }
0x82: {  	v4 =	vld [tilespmem:s15+$0x5240];
	[tilespmem:s29+$0x250] =	vst v3;
	v1 =	vmul.f32 v1, v11  }
0x83: {  	v3 =	vld [tilespmem:s15+$0x5250];
	[tilespmem:s29+$0x260] =	vst v2  }
0x84: {  	v2 =	vld [tilespmem:s15+$0x5260];
	[tilespmem:s29+$0x270] =	vst v1;
	s29 =	smov.u32 s15  }
0x85: {  	v1 =	vld [tilespmem:s29+$0x5270]  }
0x86: {  	v7 =	vld [tilespmem:s29+$0x200]  }
0x87: {  	v8 =	vld [tilespmem:s29+$0x210]  }
.Ltmp1:
0x88: {  	v11 =	vld [tilespmem:s29+$0x220];
	(pc) =	sbr.rel @p1 .LBB2_5-.Ltmp1, $4  }
0x89: {  	v10 =	vld [tilespmem:s29+$0x230]  }
0x8a: {  	v9 =	vld [tilespmem:s29+$0x240]  }
0x8b: {  	v13 =	vmul.f32 v13, v7;
	v7 =	vld [tilespmem:s29+$0x250]  }
0x8c: {  	s19 =	sadd.s32 $0x200, s19;
	v12 =	vmul.f32 v12, v8;
	v8 =	vld [tilespmem:s29+$0x260]  }
0x8d: {  	[tilespmem:s29+$0x200] =	vst v13;
	v6 =	vmul.f32 v6, v11;
	v11 =	vld [tilespmem:s29+$0x270]  }
0x8e: {  	[tilespmem:s29+$0x210] =	vst v12;
	v5 =	vmul.f32 v5, v10  }
0x8f: {  	[tilespmem:s29+$0x220] =	vst v6;
	v4 =	vmul.f32 v4, v9  }
0x90: {  	[tilespmem:s29+$0x230] =	vst v5;
	v3 =	vmul.f32 v3, v7  }
0x91: {  	[tilespmem:s29+$0x240] =	vst v4;
	v2 =	vmul.f32 v2, v8  }
0x92: {  	[tilespmem:s29+$0x250] =	vst v3;
	v1 =	vmul.f32 v1, v11  }
0x93: {  	[tilespmem:s29+$0x260] =	vst v2  }
0x94: {  	[tilespmem:s29+$0x270] =	vst v1  }
0x95: {  	_ =	swait.ge [sflag:s16], $0x50  }
0x96: {  	[sflag:s16] =	ssyncset.done $0x0  }
0x97: {  	[sflag:s16] =	ssyncadd.s32 $0xFFFFFFB0  }
0x98: {  	[spmem:s2] =	stream.indirect.scatter.add.f32 [tilespmem:s25], [sflag:$0x9], $0x80, s28, s30, $0xb8;
	[tilespmem:$0x1E200] =	vst v63  }
0x99: {  	_ =	swait.ge [sflag:s17], $0x2800  }
0x9a: {  	[sflag:s17] =	ssyncset.done $0x0  }
0x9b: {  	s15 =	simm.s32 @p0 $0x2;
	[sflag:s17] =	ssyncadd.s32 $0xFFFFD800  }
0x9c: {  	_ =	swait.ge @p0 [sflag:s15], $0x2800  }
0x9d: {  	[sflag:s15] =	ssyncset.done @p0 $0x0  }
0x9e: {  	[sflag:s15] =	ssyncadd.s32 @p0 $0xFFFFD800;
	s15 =	simm.s32 @p0 $0x4  }
0x9f: {  	_ =	swait.ge @p0 [sflag:s15], $0x2800  }
0xa0: {  	s19 =	simm.s32 @!p0 $0x0;
	[sflag:s15] =	ssyncset.done @p0 $0x0  }
0xa1: {  	[sflag:s15] =	ssyncadd.s32 @p0 $0xFFFFD800;
	s15 =	sadd.s32 @!p0 s8, s24;
	s24 =	simm.s32 @!p0 $0x100  }
0xa2: {  	[tilespmem:s24], [sflag:$0x7] =	stream.linear.gather @!p0 [hbm4b:s15+s19], $0x50, $0x38;
	[tilespmem:$0x1E200] =	vst v63  }
0xa3: {  	s15 =	simm.s32 @!p0 $0x5  }
0xa4: {  	_ =	swait.ge @!p0 [sflag:s15], $0x50  }
0xa5: {  	[sflag:s15] =	ssyncset.done @!p0 $0x0  }
0xa6: {  	s24 =	simm.s32 @!p0 $0x200;
	[sflag:s15] =	ssyncadd.s32 @!p0 $0xFFFFFFB0;
	s15 =	simm.s32 @!p0 $0x50  }
0xa7: {  	[tilespmem:s24], [sflag:$0x1] =	stream.indirect.gather @!p0 [hbm4b:s1+s15], $0x80, s19, s15, $0xb8;
	[tilespmem:$0x1E200] =	vst v63  }
0xa8: {  	s15 =	sadd.s32 @!p0 s7, s23  }
0xa9: {  	s15 =	sshll.u32 @!p0 s15, $0x4  }
0xaa: {  	s23 =	simm.s32 @!p0 $0x5200;
	s15 =	sadd.s32 @!p0 s5, s15  }
0xab: {  	[tilespmem:s23], [sflag:$0x3] =	stream.linear.gather @!p0 [hbm4b:s15+s19], $0x2800, $0x38;
	[tilespmem:$0x1E200] =	vst v63  }
0xac: {  	s15 =	simm.s32 @!p0 $0x2  }
0xad: {  	_ =	swait.ge @!p0 [sflag:s15], $0x2800  }
0xae: {  	[sflag:s15] =	ssyncset.done @!p0 $0x0  }
0xaf: {  	[sflag:s15] =	ssyncadd.s32 @!p0 $0xFFFFD800;
	s15 =	simm.s32 @!p0 $0x4  }
0xb0: {  	s22 =	sadd.s32 @!p0 s22, s14;
	_ =	swait.ge @!p0 [sflag:s15], $0x2800  }
0xb1: {  	s22 =	sshrl.u32 @!p0 s22, $0x3;
	[sflag:s15] =	ssyncset.done @!p0 $0x0  }
0xb2: {  	[sflag:s15] =	ssyncadd.s32 @!p0 $0xFFFFD800;
	s15 =	sadd.s32 @!p0 s6, s22;
	s22 =	simm.s32 @!p0 $0x80  }
0xb3: {  	[tilespmem:s22], [sflag:$0x6] =	stream.linear.gather @!p0 [hbm4b:s15+s19], $0x50, $0x38;
	[tilespmem:$0x1E200] =	vst v63  }
0xb4: {  	s22 =	simm.s32 $0x0  }
0xb5: {  	v8 =	vld [tilespmem:s22+$0x7A00]  }
0xb6: {  	v12 =	vld [tilespmem:s22+$0x7A10]  }
0xb7: {  	v6 =	vld [tilespmem:s22+$0x7A20]  }
0xb8: {  	v5 =	vld [tilespmem:s22+$0x7A30]  }
0xb9: {  	v4 =	vld [tilespmem:s22+$0x7A40]  }
0xba: {  	v3 =	vld [tilespmem:s22+$0x7A50]  }
0xbb: {  	v2 =	vld [tilespmem:s22+$0x7A60]  }
0xbc: {  	v1 =	vld [tilespmem:s22+$0x7A70]  }
0xbd: {  	v13 =	vld [tilespmem:s22+$0x2A00]  }
0xbe: {  	v14 =	vld [tilespmem:s22+$0x2A10]  }
0xbf: {  	v11 =	vld [tilespmem:s22+$0x2A20]  }
0xc0: {  	v10 =	vld [tilespmem:s22+$0x2A30]  }
0xc1: {  	v9 =	vld [tilespmem:s22+$0x2A40]  }
0xc2: {  	v7 =	vld [tilespmem:s22+$0x2A50];
	v13 =	vmul.f32 v8, v13  }
0xc3: {  	s19 =	simm.s32 $0x200;
	v12 =	vmul.f32 v12, v14;
	v8 =	vld [tilespmem:s22+$0x2A60]  }
.LBB2_7:
0xc4: {  	s15 =	sshra.s32 s19, $0x2;
	p0 =	sne.s32 s19, $0x9E00;
	[tilespmem:s22+$0x2A00] =	vst v13;
	v6 =	vmul.f32 v6, v11;
	v11 =	vld [tilespmem:s22+$0x2A70]  }
0xc5: {  	v13 =	vld [tilespmem:s15+$0x7A00];
	[tilespmem:s22+$0x2A10] =	vst v12;
	v5 =	vmul.f32 v5, v10  }
0xc6: {  	v12 =	vld [tilespmem:s15+$0x7A10];
	[tilespmem:s22+$0x2A20] =	vst v6;
	v4 =	vmul.f32 v4, v9  }
0xc7: {  	v6 =	vld [tilespmem:s15+$0x7A20];
	[tilespmem:s22+$0x2A30] =	vst v5;
	v3 =	vmul.f32 v3, v7  }
0xc8: {  	v5 =	vld [tilespmem:s15+$0x7A30];
	[tilespmem:s22+$0x2A40] =	vst v4;
	v2 =	vmul.f32 v2, v8  }
0xc9: {  	v4 =	vld [tilespmem:s15+$0x7A40];
	[tilespmem:s22+$0x2A50] =	vst v3;
	v1 =	vmul.f32 v1, v11  }
0xca: {  	v3 =	vld [tilespmem:s15+$0x7A50];
	[tilespmem:s22+$0x2A60] =	vst v2  }
0xcb: {  	v2 =	vld [tilespmem:s15+$0x7A60];
	[tilespmem:s22+$0x2A70] =	vst v1;
	s22 =	smov.u32 s15  }
0xcc: {  	v1 =	vld [tilespmem:s22+$0x7A70]  }
0xcd: {  	v7 =	vld [tilespmem:s22+$0x2A00]  }
0xce: {  	v8 =	vld [tilespmem:s22+$0x2A10]  }
.Ltmp2:
0xcf: {  	v11 =	vld [tilespmem:s22+$0x2A20];
	(pc) =	sbr.rel @p0 .LBB2_7-.Ltmp2, $4  }
0xd0: {  	v10 =	vld [tilespmem:s22+$0x2A30]  }
0xd1: {  	v9 =	vld [tilespmem:s22+$0x2A40]  }
0xd2: {  	v13 =	vmul.f32 v13, v7;
	v7 =	vld [tilespmem:s22+$0x2A50]  }
0xd3: {  	s19 =	sadd.s32 $0x200, s19;
	v12 =	vmul.f32 v12, v8;
	v8 =	vld [tilespmem:s22+$0x2A60]  }
0xd4: {  	[tilespmem:s22+$0x2A00] =	vst v13;
	v6 =	vmul.f32 v6, v11;
	v63 =	vld [tilespmem:s22+$0x2A70]  }
0xd5: {  	[tilespmem:s22+$0x2A10] =	vst v12;
	v5 =	vmul.f32 v5, v10  }
0xd6: {  	[tilespmem:s22+$0x2A20] =	vst v6;
	v4 =	vmul.f32 v4, v9  }
0xd7: {  	[tilespmem:s22+$0x2A30] =	vst v5;
	v3 =	vmul.f32 v3, v7  }
0xd8: {  	[tilespmem:s22+$0x2A40] =	vst v4;
	v2 =	vmul.f32 v2, v8  }
0xd9: {  	s21 =	sadd.s32 $0x1, s21;
	[tilespmem:s22+$0x2A50] =	vst v3;
	v1 =	vmul.f32 v1, v63  }
0xda: {  	p0 =	sne.s32 s21, $0x14;
	[tilespmem:s22+$0x2A60] =	vst v2  }
.Ltmp3:
0xdb: {  	[tilespmem:s22+$0x2A70] =	vst v1;
	(pc) =	sbr.rel @p0 .LBB2_4-.Ltmp3, $4  }
0xdc: {  	_ =	swait.ge [sflag:s18], $0x50  }
0xdd: {  	[sflag:s18] =	ssyncset.done $0x0  }
0xde: {  	[sflag:s18] =	ssyncadd.s32 $0xFFFFFFB0  }
0xdf: {  	[spmem:s2] =	stream.indirect.scatter.add.f32 [tilespmem:s10], [sflag:$0xA], $0x80, s31, s30, $0xb8;
	[tilespmem:$0x1E200] =	vst v63  }
0xe0: {  	s15 =	simm.s32 $0xA  }
0xe1: {  	_ =	swait.ge [sflag:s15], $0x2800  }
0xe2: {  	[sflag:s15] =	ssyncset.done $0x0  }
0xe3: {  	[sflag:s15] =	ssyncadd.s32 $0xFFFFD800  }
0xe4: {  	s24 =	stileid.u32;
	[bflag:$0x0] =	sbarrier.arrive $0xFFFF  }
0xe5: {  	s15 =	sshll.u32 s24, $0x6;
	s22 =	rddreg [dreg:$0x8]  }
0xe6: {  	s15 =	sor.u32 $0x1C0B, s15;
	s21 =	rddreg [dreg:$0x9];
	s19 =	sshrl.u32 s22, $0x3  }
0xe7: {  	[hbm:s21], [sflag:s15] =	dma.local [spmem:s19], $0x2800  }
0xe8: {  	_ =	swait.ge [sflag:s26], $0x2800  }
0xe9: {  	s20 =	sadd.s32 $0x1, s20;
	s29 =	rddreg [dreg:$0xa]  }
0xea: {  	p0 =	sne.s32 s20, s29  }
.Ltmp4:
0xeb: {  	_ = 	snop;
	(pc) =	sbr.rel @p0 .LBB2_1-.Ltmp4, $3  }
0xec: {  	_ =	sdelay $0x1  }
0xed: {  	[sflag:s26] =	ssyncset.done $0x0  }
0xee: {  	[sflag:s26] =	ssyncadd.s32 $0xFFFFD800  }
0xef: {  	_ =	sfence.sel $0x180000  }
0xf0: {  	[bflag:$0x0] =	sbarrier.arrive $0xFFFF  }
0xf1: {  	_ =	strace $0x9000004A  }
0xf2: {  	s0 =	stileid.u32;
	[bflag:$0x2] =	sbarrier.arrive $0xFFFF  }
0xf3: {  	p0 =	sne.s32 s0, $0x0;
	s0 =	rddreg [dreg:$0x3]  }
0xf4: {  	s0 =	sadd.s32 @!p0 $0x100000, s0  }
0xf5: {  	[sflag:s0] =	ssyncadd.tile.s32 @!p0 $0x1;
	_ =	shalt  }
.Lfunc_end2:
_tile_overlayer_lowered:
.L_overlay_start_2:
0xf6: {  	(tag) =	ssettag $0x2  }
0xf7: {  	s0 =	rddreg [dreg:$0x0];
	s2 =	stileid.u32  }
0xf8: {  	s1 =	rddreg [dreg:$0x1];
	p0 =	sne.s32 s2, $0x0  }
0xf9: {  	s3 =	rddreg [dreg:$0x2];
	[bflag:$0x3] =	sbarrier.arrive $0xFFFF;
	s2 =	simm.s32 @!p0 $0x1C0B  }
0xfa: {  	[timem:s3], [sflag:s2] =	dma.local @!p0 [hbm:s0], s1  }
0xfb: {  	s0 =	simm.s32 @!p0 $0xB  }
0xfc: {  	_ =	swait.ge @!p0 [sflag:s0], s1  }
0xfd: {  	s1 =	ssub.s32 @!p0 $0x0, s1;
	[sflag:s0] =	ssyncset.done @!p0 $0x0  }
0xfe: {  	[sflag:s0] =	ssyncadd.s32 @!p0 s1  }
0xff: {  	[bflag:$0x3] =	sbarrier.arrive $0xFFFF  }
0x100: {  	_ =	shalt  }

// kernel: kernel.16.cloned.1.call-start
scs
__scs_entry_jumppad:
0x0: {  	(pc) =	sbr.rel $0x88, $3  }
0x1: {  	(tag) =	ssettag $0x0;
	lr =	simm.s32 $0x1  }
0x2: {  	[smem:$0x3F94] =	sst lr;
	_ =	strace $0xD0000000  }
0x3: {  	_ = 	snop  }
0x4: {  	_ = 	snop  }
0x5: {  	_ = 	snop  }
0x6: {  	_ = 	snop  }
0x7: {  	_ = 	snop  }
__scs_overlays_trampoline_lowered:
0x8: {  	[smem:$0x3FA3] =	sst s0  }
0x9: {  	[smem:$0x3FA4] =	sst s1  }
0xa: {  	[smem:$0x3FA5] =	sst s2  }
0xb: {  	[smem:$0x3FA6] =	sst s3  }
0xc: {  	[smem:$0x3FA7] =	sst s4  }
0xd: {  	[smem:$0x3FA8] =	sst s5  }
0xe: {  	[smem:$0x3FA9] =	sst s6  }
0xf: {  	[smem:$0x3FAA] =	sst s7  }
0x10: {  	[smem:$0x3FAB] =	sst s8  }
0x11: {  	[smem:$0x3FAC] =	sst s9;
	s0 =	simm.s32 @!p0 $0x0  }
0x12: {  	s1 =	sld [smem:$0x3F92];
	s0 =	simm.s32 @p0 $0x1  }
0x13: {  	[smem:$0x3FAD] =	sst s0;
	s0 =	simm.s32 @!p1 $0x0  }
0x14: {  	s2 =	sld [smem:$0x3F91];
	s0 =	simm.s32 @p1 $0x1  }
0x15: {  	[smem:$0x3FAE] =	sst s0;
	s0 =	simm.s32 @!p2 $0x0  }
0x16: {  	s3 =	sld [smem:$0x3FDB];
	s0 =	simm.s32 @p2 $0x1  }
0x17: {  	s4 =	simm.s32 $0x1BF5;
	[smem:$0x3FB0] =	sst s0  }
0x18: {  	s0 =	sld [smem:$0x3F93];
	_ =	swait.ge [sflag:s4], $0x0  }
0x19: {  	s7 =	sld [smem:$0x3F94]  }
0x1a: {  	s8 =	sadd.s32 $0xFFFFE003, lr  }
0x1b: {  	s9 =	sadd.s32 $0xFFFFFEF7, lr;
	s5 =	simm.s32 $0xFFFFFFFF;
	p2 =	slt.u32 s8, $0xFFFFF086  }
0x1c: {  	p1 =	slt.u32 s9, $0xF7A;
	s5 =	simm.s32 @!p2 $0x0  }
0x1d: {  	s5 =	simm.s32 @p1 $0x1;
	p0 =	seq.s32 s7, s2  }
0x1e: {  	s7 =	smul.u32 @!p0 $0xF7A, s2;
	p2 =	seq.s32 @!p0 s5, $0x0  }
0x1f: {  	s9 =	smul.u32 $0xF7A, s1;
	s8 =	simm.s32 @!p0 $0x1BF5;
	p2 =	por !p2, p0  }
0x20: {  	[sflag:s8] =	ssyncset.s32 @!p0 $0xFFFFF086;
	s6 =	sadd.s32 @!p0 s3, s7;
	s7 =	simm.s32 @!p0 $0x108  }
0x21: {  	s3 =	sadd.s32 s3, s9;
	s6 =	sadd.s32 @!p0 $0x88, s6;
	s7 =	simm.s32 @p2 $0x1082  }
0x22: {  	[simem:s7], [sflag:s8] =	dma.local @!p0 [hbm:s6], $0xF7A  }
0x23: {  	s9 =	sor.u32 $0xD0000000, s2;
	s6 =	simm.s32 $0x108;
	_ =	swait.ge @!p0 [sflag:s8], $0x0  }
0x24: {  	s3 =	sadd.s32 $0x88, s3;
	s6 =	simm.s32 @!p1 $0x1082;
	[sflag:s4] =	ssyncset.s32 $0xFFFFF086  }
0x25: {  	[simem:s6], [sflag:s4] =	dma.local [hbm:s3], $0xF7A  }
0x26: {  	[smem:$0x3F94] =	sst s1;
	(tag) =	ssettag s2;
	_ =	strace s9  }
0x27: {  	s1 =	sld [smem:$0x3FA4]  }
0x28: {  	s2 =	sld [smem:$0x3FA5]  }
0x29: {  	s4 =	sld [smem:$0x3FA7]  }
0x2a: {  	p0 =	seq.s32 s5, $0x0;
	s5 =	sld [smem:$0x3FA8]  }
0x2b: {  	s6 =	sld [smem:$0x3FA9]  }
0x2c: {  	s7 =	sld [smem:$0x3FAA]  }
0x2d: {  	s3 =	simm.s32 $0x108;
	s8 =	sld [smem:$0x3FAB]  }
0x2e: {  	s3 =	simm.s32 @!p0 $0x1082;
	s9 =	sld [smem:$0x3FAC]  }
0x2f: {  	lr =	sadd.s32 s0, s3;
	s0 =	sld [smem:$0x3FA3]  }
0x30: {  	s3 =	sld [smem:$0x3FA6]  }
0x31: {  	[smem:$0x3FAF] =	sst s10  }
0x32: {  	s10 =	sld [smem:$0x3FAD];
	_ =	sdelay $0x3  }
0x33: {  	p0 =	seq.s32 s10, $0x1;
	s10 =	sld [smem:$0x3FAF];
	_ =	sdelay $0x3  }
0x34: {  	[smem:$0x3FAF] =	sst s10  }
0x35: {  	s10 =	sld [smem:$0x3FAE];
	_ =	sdelay $0x3  }
0x36: {  	p1 =	seq.s32 s10, $0x1;
	s10 =	sld [smem:$0x3FAF];
	_ =	sdelay $0x3  }
0x37: {  	[smem:$0x3FAF] =	sst s10  }
0x38: {  	s10 =	sld [smem:$0x3FB0]  }
0x39: {  	_ = 	snop;
	(pc) =	sbr.ind lr, $3  }
0x3a: {  	_ = 	snop  }
0x3b: {  	_ = 	snop  }
0x3c: {  	p2 =	seq.s32 s10, $0x1;
	s10 =	sld [smem:$0x3FAF]  }
0x3d: {  	_ =	shalt  }
0x3e: {  	_ =	shalt  }
0x3f: {  	_ =	shalt  }
0x40: {  	_ =	shalt  }
0x41: {  	_ =	shalt  }
0x42: {  	_ =	shalt  }
0x43: {  	_ =	shalt  }
0x44: {  	_ =	shalt  }
0x45: {  	_ =	shalt  }
0x46: {  	_ =	shalt  }
0x47: {  	_ =	shalt  }
0x48: {  	_ =	shalt  }
0x49: {  	_ =	shalt  }
0x4a: {  	_ =	shalt  }
0x4b: {  	_ =	shalt  }
0x4c: {  	_ =	shalt  }
0x4d: {  	_ =	shalt  }
0x4e: {  	_ =	shalt  }
0x4f: {  	_ =	shalt  }
0x50: {  	_ =	shalt  }
0x51: {  	_ =	shalt  }
0x52: {  	_ =	shalt  }
0x53: {  	_ =	shalt  }
0x54: {  	_ =	shalt  }
0x55: {  	_ =	shalt  }
0x56: {  	_ =	shalt  }
0x57: {  	_ =	shalt  }
0x58: {  	_ =	shalt  }
0x59: {  	_ =	shalt  }
0x5a: {  	_ =	shalt  }
0x5b: {  	_ =	shalt  }
0x5c: {  	_ =	shalt  }
0x5d: {  	_ =	shalt  }
0x5e: {  	_ =	shalt  }
0x5f: {  	_ =	shalt  }
0x60: {  	_ =	shalt  }
0x61: {  	_ =	shalt  }
0x62: {  	_ =	shalt  }
0x63: {  	_ =	shalt  }
0x64: {  	_ =	shalt  }
0x65: {  	_ =	shalt  }
0x66: {  	_ =	shalt  }
0x67: {  	_ =	shalt  }
0x68: {  	_ =	shalt  }
0x69: {  	_ =	shalt  }
0x6a: {  	_ =	shalt  }
0x6b: {  	_ =	shalt  }
0x6c: {  	_ =	shalt  }
0x6d: {  	_ =	shalt  }
0x6e: {  	_ =	shalt  }
0x6f: {  	_ =	shalt  }
0x70: {  	_ =	shalt  }
0x71: {  	_ =	shalt  }
0x72: {  	_ =	shalt  }
0x73: {  	_ =	shalt  }
0x74: {  	_ =	shalt  }
0x75: {  	_ =	shalt  }
0x76: {  	_ =	shalt  }
0x77: {  	_ =	shalt  }
0x78: {  	_ =	shalt  }
0x79: {  	_ =	shalt  }
0x7a: {  	_ =	shalt  }
0x7b: {  	_ =	shalt  }
0x7c: {  	_ =	shalt  }
0x7d: {  	_ =	shalt  }
0x7e: {  	_ =	shalt  }
0x7f: {  	_ =	shalt  }
0x80: {  	_ =	shalt  }
0x81: {  	_ =	shalt  }
0x82: {  	_ =	shalt  }
0x83: {  	_ =	shalt  }
0x84: {  	_ =	shalt  }
0x85: {  	_ =	shalt  }
0x86: {  	_ =	shalt  }
0x87: {  	_ =	shalt  }
.Lfunc_end0:
.L_simem_size_0:
called_computation.2_lowered:
.L_overlay_start_0:
0x88: {  	s2 =	sld [smem:$0x3FD9]  }
0x89: {  	s3 =	sld [smem:$0x3FFE];
	_ =	sdelay $0x1  }
0x8a: {  	s1 =	srdreg.scid  }
0x8b: {  	s0 =	sand.u32 $0x1, s1  }
0x8c: {  	s17 =	sshll.u32 s0, $0xA;
	s2 =	sadd.s32 s3, s2  }
0x8d: {  	s2 =	sadd.s32 s2, s17  }
0x8e: {  	[smem:$0x3FBB] =	sst s2  }
0x8f: {  	_ = 	snop  }
0x90: {  	s2 =	sld [smem:$0x3FD0];
	(tm) =	ssettm $0x1  }
0x91: {  	s18 =	sld [smem:$0x3FFB];
	_ =	sdelay $0x3  }
0x92: {  	_ =	strace s18  }
0x93: {  	s3 =	sld [smem:$0x3FFC];
	_ =	sdelay $0x3  }
0x94: {  	_ =	strace s3  }
0x95: {  	s3 =	sld [smem:$0x3FFD];
	_ =	sdelay $0x3  }
0x96: {  	_ =	strace s3  }
0x97: {  	_ =	strace $0x8FFFFFFF  }
0x98: {  	s19 =	sld [smem:$0x3FDB];
	_ =	sdelay $0x1  }
0x99: {  	s4 =	simm.s32 $_scs_section_size  }
0x9a: {  	s5 =	simm.s32 $_size__tile_overlayer_lowered;
	s6 =	simm.s32 $_tile_overlayer_lowered  }
0x9b: {  	s22 =	simm.s32 $0x1BFF;
	s21 =	sshll.u32 s6, $0x1;
	s3 =	sadd.s32 s4, s19  }
0x9c: {  	s7 =	simm.s32 $0x0;
	s20 =	sshll.u32 s5, $0x1;
	s5 =	sadd.s32 s21, s3  }
0x9d: {  	[timem:s7], [sflag:s22] =	dma.local [hbm:s5], s20  }
0x9e: {  	_ =	swait.ge [sflag:s22], s20  }
0x9f: {  	s4 =	ssub.s32 $0x0, s20;
	[sflag:s22] =	ssyncset.done $0x0  }
0xa0: {  	[sflag:s22] =	ssyncadd.s32 s4;
	_ =	sdelay $0x1  }
0xa1: {  	s23 =	simm.s32 $0x1B8B  }
0xa2: {  	_ =	swait.ge [sflag:s23], $0x1  }
0xa3: {  	[sflag:s23] =	ssyncset.done $0x0  }
0xa4: {  	s25 =	simm.s32 $0x1B8E;
	s24 =	sld [smem:$0x3FFE];
	[sflag:s23] =	ssyncadd.s32 $0xFFFFFFFF  }
0xa5: {  	s26 =	simm.s32 $execute0_lowered;
	[smem:$0x3FD2] =	sst s25  }
0xa6: {  	s5 =	sshll.u32 s26, $0x1;
	_ =	strace $0x80000046;
	[dreg:$0x1] =	wrdreg $0xFFFFFFFF  }
0xa7: {  	s28 =	simm.s32 $_size_execute0_lowered;
	s3 =	sadd.s32 s3, s5;
	[dreg:$0x0] =	wrdreg $0x0  }
0xa8: {  	s5 =	sshll.u32 s28, $0x1;
	[dreg:$0x2] =	wrdreg s3  }
0xa9: {  	[dreg:$0x3] =	wrdreg s5  }
0xaa: {  	[dreg:$0x4] =	wrdreg $0xC0  }
0xab: {  	_ =	task [dreg:s7], $0x5FFFF  }
0xac: {  	[dreg:$0x1] =	wrdreg $0xFFFFFFFF  }
0xad: {  	[dreg:$0x0] =	wrdreg $0x60  }
0xae: {  	[dreg:$0x2] =	wrdreg s2  }
0xaf: {  	[dreg:$0x3] =	wrdreg s24  }
0xb0: {  	[dreg:$0x4] =	wrdreg $0xA2000  }
0xb1: {  	[dreg:$0x5] =	wrdreg $0xB  }
0xb2: {  	_ =	task.clear_ibuf [dreg:s7], $0x6FFFF;
	_ =	strace $0x90000046  }
0xb3: {  	s29 =	simm.s32 $0xB;
	_ =	strace $0x80000048  }
0xb4: {  	_ =	swait.ge [sflag:s29], $0x1  }
0xb5: {  	[sflag:s29] =	ssyncadd.s32 $0xFFFFFFFF  }
0xb6: {  	_ =	strace $0x90000048  }
0xb7: {  	_ =	sfence  }
0xb8: {  	s30 =	sld [smem:$0x0];
	_ =	sdelay $0x2  }
0xb9: {  	s31 =	sshll.u32 s1, $0xD;
	s1 =	sshrl.u32 s1, $0x2  }
0xba: {  	s3 =	sand.u32 $0x4000, s31;
	s1 =	sadd.s32 s1, s30  }
0xbb: {  	s0 =	sor.u32 s3, s0;
	s1 =	sshll.u32 s1, $0x11  }
0xbc: {  	s0 =	sor.u32 s1, s0  }
0xbd: {  	s0 =	sadd.s32 $0x8F2B, s0  }
0xbe: {  	[sflag:s0] =	ssyncadd.remote.s32 $0x1  }
0xbf: {  	_ =	sfence.sel $0xFFFF  }
0xc0: {  	[dreg:$0x0] =	wrdreg $0xFFFFFFFF;
	(pc) =	sbr.abs _section_cstart, $3  }
0xc1: {  	[dreg:$0x1] =	wrdreg $0xFFFFFFFF  }
0xc2: {  	_ =	task.clear_ibuf [dreg:s7], $0x2FFFF;
	_ =	strace $0x9FFFFFFF  }
0xc3: {  	(tm) =	ssettm $0x7FFFFFFF  }
tec
execute0_lowered:
.L_overlay_start_1:
0x0: {  	(tag) =	ssettag $0x1  }
0x1: {  	s1 =	rddreg [dreg:$0x0]  }
0x2: {  	s0 =	rddreg [dreg:$0x1]  }
0x3: {  	s2 =	rddreg [dreg:$0x2];
	s3 =	srdreg.scid  }
0x4: {  	s4 =	simm.s32 $0x0;
	s13 =	stileid.u32;
	s28 =	simm.s32 $0x100  }
0x5: {  	s29 =	simm.s32 $0x5;
	s30 =	simm.s32 $0x50;
	s3 =	sand.u32 $0x1, s3  }
0x6: {  	[smem:$0x7FF] =	sst s4;
	s8 =	smul.u32 $0x14000, s13;
	s5 =	sadd.s32 $0x15800, s0  }
0x7: {  	s7 =	smul.u32 $0x140000, s3;
	s6 =	sshll.u32 s3, $0x4;
	_ =	strace $0x80000047  }
0x8: {  	s3 =	ssub.s32 $0x2, s3;
	s10 =	sor.u32 s13, s6;
	s6 =	sadd.s32 $0xBA00, s0  }
0x9: {  	s11 =	sshrl.u32 s3, $0x1;
	s13 =	smul.u32 $0x50000, s13;
	s9 =	sadd.s32 s8, s7  }
0xa: {  	s7 =	smul.u32 $0xE10, s10;
	s8 =	sadd.s32 $0x1C00, s0;
	s3 =	ssub.s32 s3, s11  }
0xb: {  	s10 =	smul.u32 $0xE100, s10;
	s9 =	sshrl.u32 s9, $0x3;
	s18 =	sshrl.u32 s13, $0x2  }
0xc: {  	s19 =	smax.u32 s3, $0x1;
	s3 =	simm.s32 $0x180;
	s13 =	simm.s32 $0x1  }
0xd: {  	s0 =	sadd.s32 s9, s0;
	s10 =	sadd.s32 s5, s10;
	[dreg:$0xa] =	wrdreg s19  }
0xe: {  	s9 =	sadd.s32 $0x32000, s7;
	s22 =	sadd.s32 s18, s2;
	[dreg:$0x6] =	wrdreg s10  }
0xf: {  	s16 =	sshrl.u32 s7, $0x3;
	s0 =	sadd.s32 $0x1D7800, s0;
	[dreg:$0x9] =	wrdreg s22  }
0x10: {  	s14 =	sadd.s32 $0x320F0, s7;
	s20 =	sadd.s32 $0x2800, s22;
	[dreg:$0x8] =	wrdreg s0  }
0x11: {  	s18 =	simm.s32 $0x9;
	s21 =	sadd.s32 $0x5000, s22;
	[dreg:$0xb] =	wrdreg s20  }
0x12: {  	s19 =	simm.s32 $0x2;
	s23 =	sadd.s32 $0x7800, s22;
	[dreg:$0xc] =	wrdreg s21  }
0x13: {  	s15 =	sshrl.u32 s9, $0x3;
	s24 =	sadd.s32 $0xA000, s22;
	[dreg:$0xd] =	wrdreg s23  }
0x14: {  	s17 =	sadd.s32 s6, s16;
	s25 =	sadd.s32 $0xC800, s22;
	[dreg:$0xe] =	wrdreg s24  }
0x15: {  	s26 =	sadd.s32 $0xF000, s22;
	s31 =	sadd.s32 $0x11800, s22;
	[dreg:$0xf] =	wrdreg s25  }
0x16: {  	s12 =	sadd.s32 s6, s15;
	s11 =	sadd.s32 s8, s15;
	[dreg:$0x10] =	wrdreg s26  }
0x17: {  	s10 =	sadd.s32 $0x640A, s17;
	[dreg:$0x11] =	wrdreg s31;
	s25 =	simm.s32 $0x200  }
0x18: {  	s23 =	simm.s32 $0xB;
	s15 =	simm.s32 $0x3;
	[dreg:$0x4] =	wrdreg s12  }
0x19: {  	s17 =	simm.s32 $0x7;
	s20 =	simm.s32 $0x4;
	[dreg:$0x5] =	wrdreg s11  }
0x1a: {  	s21 =	simm.s32 $0x8;
	s24 =	simm.s32 $0x0;
	[dreg:$0x7] =	wrdreg s10  }
0x1b: {  	v0 =	vimm.f32 $0.0e+00;
	s10 =	simm.s32 $0x6;
	s11 =	simm.s32 $0x2A00;
	s12 =	simm.s32 $0x0  }
.LBB2_1:
0x1c: {  	[dreg:$0x12] =	wrdreg s12;
	s12 =	simm.s32 $0x0;
	s16 =	simm.s32 $0x200  }
.LBB2_2:
0x1d: {  	p0 =	sne.s32 s16, $0x9E00;
	[tilespmem:s12+$0x270] =	vst v0  }
0x1e: {  	[tilespmem:s12+$0x200] =	vst v0  }
0x1f: {  	[tilespmem:s12+$0x210] =	vst v0  }
.Ltmp0:
0x20: {  	[tilespmem:s12+$0x220] =	vst v0;
	(pc) =	sbr.rel @p0 .LBB2_2-.Ltmp0, $4  }
0x21: {  	[tilespmem:s12+$0x230] =	vst v0  }
0x22: {  	[tilespmem:s12+$0x240] =	vst v0  }
0x23: {  	[tilespmem:s12+$0x250] =	vst v0  }
0x24: {  	[tilespmem:s12+$0x260] =	vst v0;
	s12 =	sshra.s32 s16, $0x2;
	s16 =	sadd.s32 $0x200, s16  }
0x25: {  	[tilespmem:s12+$0x270] =	vst v0  }
0x26: {  	[tilespmem:s12+$0x200] =	vst v0  }
0x27: {  	[tilespmem:s12+$0x210] =	vst v0  }
0x28: {  	[tilespmem:s12+$0x220] =	vst v0  }
0x29: {  	[tilespmem:s12+$0x230] =	vst v0  }
0x2a: {  	[tilespmem:s12+$0x240] =	vst v0  }
0x2b: {  	[tilespmem:s12+$0x250] =	vst v0  }
0x2c: {  	[tilespmem:s12+$0x260] =	vst v0  }
0x2d: {  	[spmem:s22] =	stream.linear.scatter [tilespmem:s25], [sflag:$0xB], $0x2800, $0x38;
	[tilespmem:$0x1E200] =	vst v63  }
0x2e: {  	_ =	swait.ge [sflag:s23], $0x2800  }
0x2f: {  	[sflag:s23] =	ssyncset.done $0x0  }
0x30: {  	s0 =	rddreg [dreg:$0xb];
	[sflag:s23] =	ssyncadd.s32 $0xFFFFD800  }
0x31: {  	[spmem:s0] =	stream.linear.scatter [tilespmem:s25], [sflag:$0xB], $0x2800, $0x38;
	[tilespmem:$0x1E200] =	vst v63  }
0x32: {  	_ =	swait.ge [sflag:s23], $0x2800  }
0x33: {  	[sflag:s23] =	ssyncset.done $0x0  }
0x34: {  	s31 =	rddreg [dreg:$0xc];
	[sflag:s23] =	ssyncadd.s32 $0xFFFFD800  }
0x35: {  	[spmem:s31] =	stream.linear.scatter [tilespmem:s25], [sflag:$0xB], $0x2800, $0x38;
	[tilespmem:$0x1E200] =	vst v63  }
0x36: {  	_ =	swait.ge [sflag:s23], $0x2800  }
0x37: {  	[sflag:s23] =	ssyncset.done $0x0  }
0x38: {  	s12 =	rddreg [dreg:$0xd];
	[sflag:s23] =	ssyncadd.s32 $0xFFFFD800  }
0x39: {  	[spmem:s12] =	stream.linear.scatter [tilespmem:s25], [sflag:$0xB], $0x2800, $0x38;
	[tilespmem:$0x1E200] =	vst v63  }
0x3a: {  	_ =	swait.ge [sflag:s23], $0x2800  }
0x3b: {  	[sflag:s23] =	ssyncset.done $0x0  }
0x3c: {  	s16 =	rddreg [dreg:$0xe];
	[sflag:s23] =	ssyncadd.s32 $0xFFFFD800  }
0x3d: {  	[spmem:s16] =	stream.linear.scatter [tilespmem:s25], [sflag:$0xB], $0x2800, $0x38;
	[tilespmem:$0x1E200] =	vst v63  }
0x3e: {  	_ =	swait.ge [sflag:s23], $0x2800  }
0x3f: {  	[sflag:s23] =	ssyncset.done $0x0  }
0x40: {  	s22 =	rddreg [dreg:$0xf];
	[sflag:s23] =	ssyncadd.s32 $0xFFFFD800  }
0x41: {  	[spmem:s22] =	stream.linear.scatter [tilespmem:s25], [sflag:$0xB], $0x2800, $0x38;
	[tilespmem:$0x1E200] =	vst v63  }
0x42: {  	_ =	swait.ge [sflag:s23], $0x2800  }
0x43: {  	[sflag:s23] =	ssyncset.done $0x0  }
0x44: {  	s26 =	rddreg [dreg:$0x10];
	[sflag:s23] =	ssyncadd.s32 $0xFFFFD800  }
0x45: {  	[spmem:s26] =	stream.linear.scatter [tilespmem:s25], [sflag:$0xB], $0x2800, $0x38;
	[tilespmem:$0x1E200] =	vst v63  }
0x46: {  	_ =	swait.ge [sflag:s23], $0x2800  }
0x47: {  	[sflag:s23] =	ssyncset.done $0x0  }
0x48: {  	s31 =	rddreg [dreg:$0x11];
	[sflag:s23] =	ssyncadd.s32 $0xFFFFD800  }
0x49: {  	[spmem:s31] =	stream.linear.scatter [tilespmem:s25], [sflag:$0xB], $0x2800, $0x38;
	[tilespmem:$0x1E200] =	vst v63  }
0x4a: {  	_ =	swait.ge [sflag:s23], $0x2800  }
0x4b: {  	[sflag:s23] =	ssyncset.done $0x0  }
0x4c: {  	[sflag:s23] =	ssyncadd.s32 $0xFFFFD800  }
0x4d: {  	[bflag:$0x0] =	sbarrier.arrive $0xFFFF  }
0x4e: {  	s12 =	rddreg [dreg:$0x4]  }
0x4f: {  	[tilespmem:s24], [sflag:$0x5] =	stream.linear.gather [hbm4b:s12+s24], $0x50, $0x38;
	[tilespmem:$0x1E200] =	vst v63  }
0x50: {  	s16 =	rddreg [dreg:$0x5]  }
0x51: {  	[tilespmem:s28], [sflag:$0x7] =	stream.linear.gather [hbm4b:s16+s24], $0x50, $0x38;
	[tilespmem:$0x1E200] =	vst v63  }
0x52: {  	_ =	swait.ge [sflag:s29], $0x50  }
0x53: {  	[sflag:s29] =	ssyncset.done $0x0  }
0x54: {  	[sflag:s29] =	ssyncadd.s32 $0xFFFFFFB0  }
0x55: {  	[tilespmem:s25], [sflag:$0x1] =	stream.indirect.gather [hbm4b:s1+s30], $0x80, s24, s30, $0xb8;
	[tilespmem:$0x1E200] =	vst v63  }
0x56: {  	s23 =	simm.s32 $0x5200;
	s22 =	rddreg [dreg:$0x6]  }
0x57: {  	[tilespmem:s23], [sflag:$0x3] =	stream.linear.gather [hbm4b:s22+s24], $0x2800, $0x38;
	[tilespmem:$0x1E200] =	vst v63  }
0x58: {  	s31 =	simm.s32 $0x80;
	s26 =	rddreg [dreg:$0x7];
	s22 =	simm.s32 $0x0  }
0x59: {  	[tilespmem:s31], [sflag:$0x6] =	stream.linear.gather [hbm4b:s26+s24], $0x50, $0x38;
	[tilespmem:$0x1E200] =	vst v63  }
.LBB2_4:
0x5a: {  	p0 =	seq.s32 s22, $0x0  }
0x5b: {  	s16 =	smul.u32 @!p0 $0xA0, s22;
	_ =	sdelay $0x1  }
0x5c: {  	s12 =	sadd.s32 @!p0 $0x50, s16  }
0x5d: {  	s23 =	simm.s32 @!p0 $0xA;
	s12 =	simm.s32 @p0 $0x50  }
0x5e: {  	_ =	swait.ge @!p0 [sflag:s23], $0x2800;
	s26 =	sadd.s32 s9, s12  }
0x5f: {  	[sflag:s23] =	ssyncset.done @!p0 $0x0;
	s26 =	sshrl.u32 s26, $0x3  }
0x60: {  	[sflag:s23] =	ssyncadd.s32 @!p0 $0xFFFFD800;
	s0 =	sadd.s32 s8, s26  }
0x61: {  	[tilespmem:s3], [sflag:$0x8] =	stream.linear.gather [hbm4b:s0+s24], $0x50, $0x38;
	[tilespmem:$0x1E200] =	vst v63  }
0x62: {  	_ =	swait.ge [sflag:s10], $0x50  }
0x63: {  	s12 =	sadd.s32 s7, s12;
	[sflag:s10] =	ssyncset.done $0x0  }
0x64: {  	s12 =	sshll.u32 s12, $0x4;
	s0 =	simm.s32 $0x80;
	[sflag:s10] =	ssyncadd.s32 $0xFFFFFFB0  }
0x65: {  	[tilespmem:s11], [sflag:$0x2] =	stream.indirect.gather [hbm4b:s1+s30], $0x80, s0, s30, $0xb8;
	[tilespmem:$0x1E200] =	vst v63  }
0x66: {  	s23 =	simm.s32 $0x7A00;
	s12 =	sadd.s32 s5, s12  }
0x67: {  	[tilespmem:s23], [sflag:$0x4] =	stream.linear.gather [hbm4b:s12+s24], $0x2800, $0x38;
	[tilespmem:$0x1E200] =	vst v63  }
0x68: {  	_ =	swait.ge [sflag:s13], $0x2800  }
0x69: {  	s16 =	simm.s32 @p0 $0x0;
	[sflag:s13] =	ssyncset.done $0x0  }
0x6a: {  	s23 =	sadd.s32 $0xA0, s16;
	[sflag:s13] =	ssyncadd.s32 $0xFFFFD800  }
0x6b: {  	s26 =	sadd.s32 s9, s23;
	_ =	swait.ge [sflag:s15], $0x2800  }
0x6c: {  	s26 =	sshrl.u32 s26, $0x3;
	[sflag:s15] =	ssyncset.done $0x0  }
0x6d: {  	s12 =	sadd.s32 s6, s26;
	[sflag:s15] =	ssyncadd.s32 $0xFFFFD800  }
0x6e: {  	[tilespmem:s24], [sflag:$0x5] =	stream.linear.gather [hbm4b:s12+s24], $0x50, $0x38;
	[tilespmem:$0x1E200] =	vst v63  }
0x6f: {  	s12 =	simm.s32 $0x0  }
0x70: {  	v8 =	vld [tilespmem:s12+$0x5200]  }
0x71: {  	v12 =	vld [tilespmem:s12+$0x5210]  }
0x72: {  	v6 =	vld [tilespmem:s12+$0x5220]  }
0x73: {  	v5 =	vld [tilespmem:s12+$0x5230]  }
0x74: {  	v4 =	vld [tilespmem:s12+$0x5240]  }
0x75: {  	v3 =	vld [tilespmem:s12+$0x5250]  }
0x76: {  	v2 =	vld [tilespmem:s12+$0x5260]  }
0x77: {  	v1 =	vld [tilespmem:s12+$0x5270]  }
0x78: {  	v13 =	vld [tilespmem:s12+$0x200]  }
0x79: {  	v14 =	vld [tilespmem:s12+$0x210]  }
0x7a: {  	v11 =	vld [tilespmem:s12+$0x220]  }
0x7b: {  	v10 =	vld [tilespmem:s12+$0x230]  }
0x7c: {  	v9 =	vld [tilespmem:s12+$0x240]  }
0x7d: {  	v7 =	vld [tilespmem:s12+$0x250];
	v13 =	vmul.f32 v8, v13  }
0x7e: {  	s31 =	simm.s32 $0x200;
	v12 =	vmul.f32 v12, v14;
	v8 =	vld [tilespmem:s12+$0x260]  }
.LBB2_5:
0x7f: {  	s0 =	sshra.s32 s31, $0x2;
	p0 =	sne.s32 s31, $0x9E00;
	[tilespmem:s12+$0x200] =	vst v13;
	v6 =	vmul.f32 v6, v11;
	v11 =	vld [tilespmem:s12+$0x270]  }
0x80: {  	v13 =	vld [tilespmem:s0+$0x5200];
	[tilespmem:s12+$0x210] =	vst v12;
	v5 =	vmul.f32 v5, v10  }
0x81: {  	v12 =	vld [tilespmem:s0+$0x5210];
	[tilespmem:s12+$0x220] =	vst v6;
	v4 =	vmul.f32 v4, v9  }
0x82: {  	v6 =	vld [tilespmem:s0+$0x5220];
	[tilespmem:s12+$0x230] =	vst v5;
	v3 =	vmul.f32 v3, v7  }
0x83: {  	v5 =	vld [tilespmem:s0+$0x5230];
	[tilespmem:s12+$0x240] =	vst v4;
	v2 =	vmul.f32 v2, v8  }
0x84: {  	v4 =	vld [tilespmem:s0+$0x5240];
	[tilespmem:s12+$0x250] =	vst v3;
	v1 =	vmul.f32 v1, v11  }
0x85: {  	v3 =	vld [tilespmem:s0+$0x5250];
	[tilespmem:s12+$0x260] =	vst v2  }
0x86: {  	v2 =	vld [tilespmem:s0+$0x5260];
	[tilespmem:s12+$0x270] =	vst v1;
	s12 =	smov.u32 s0  }
0x87: {  	v1 =	vld [tilespmem:s12+$0x5270]  }
0x88: {  	v7 =	vld [tilespmem:s12+$0x200]  }
0x89: {  	v8 =	vld [tilespmem:s12+$0x210]  }
.Ltmp1:
0x8a: {  	v11 =	vld [tilespmem:s12+$0x220];
	(pc) =	sbr.rel @p0 .LBB2_5-.Ltmp1, $4  }
0x8b: {  	v10 =	vld [tilespmem:s12+$0x230]  }
0x8c: {  	v9 =	vld [tilespmem:s12+$0x240]  }
0x8d: {  	v13 =	vmul.f32 v13, v7;
	v7 =	vld [tilespmem:s12+$0x250]  }
0x8e: {  	s31 =	sadd.s32 $0x200, s31;
	v12 =	vmul.f32 v12, v8;
	v8 =	vld [tilespmem:s12+$0x260]  }
0x8f: {  	[tilespmem:s12+$0x200] =	vst v13;
	v6 =	vmul.f32 v6, v11;
	v11 =	vld [tilespmem:s12+$0x270]  }
0x90: {  	[tilespmem:s12+$0x210] =	vst v12;
	v5 =	vmul.f32 v5, v10  }
0x91: {  	[tilespmem:s12+$0x220] =	vst v6;
	v4 =	vmul.f32 v4, v9  }
0x92: {  	[tilespmem:s12+$0x230] =	vst v5;
	v3 =	vmul.f32 v3, v7  }
0x93: {  	[tilespmem:s12+$0x240] =	vst v4;
	v2 =	vmul.f32 v2, v8  }
0x94: {  	[tilespmem:s12+$0x250] =	vst v3;
	v1 =	vmul.f32 v1, v11  }
0x95: {  	[tilespmem:s12+$0x260] =	vst v2  }
0x96: {  	[tilespmem:s12+$0x270] =	vst v1  }
0x97: {  	_ =	swait.ge [sflag:s17], $0x50  }
0x98: {  	[sflag:s17] =	ssyncset.done $0x0  }
0x99: {  	[sflag:s17] =	ssyncadd.s32 $0xFFFFFFB0  }
0x9a: {  	[spmem:s2] =	stream.indirect.scatter.add.f32 [tilespmem:s25], [sflag:$0x9], $0x80, s28, s30, $0xb8;
	[tilespmem:$0x1E200] =	vst v63  }
0x9b: {  	_ =	swait.ge [sflag:s18], $0x2800  }
0x9c: {  	[sflag:s18] =	ssyncset.done $0x0  }
0x9d: {  	s0 =	sadd.s32 s8, s26;
	[sflag:s18] =	ssyncadd.s32 $0xFFFFD800  }
0x9e: {  	[tilespmem:s28], [sflag:$0x7] =	stream.linear.gather [hbm4b:s0+s4], $0x50, $0x38;
	[tilespmem:$0x1E200] =	vst v63  }
0x9f: {  	_ =	swait.ge [sflag:s29], $0x50  }
0xa0: {  	s26 =	sadd.s32 s7, s23;
	[sflag:s29] =	ssyncset.done $0x0  }
0xa1: {  	s0 =	sshll.u32 s26, $0x4;
	[sflag:s29] =	ssyncadd.s32 $0xFFFFFFB0  }
0xa2: {  	[tilespmem:s25], [sflag:$0x1] =	stream.indirect.gather [hbm4b:s1+s30], $0x80, s4, s30, $0xb8;
	[tilespmem:$0x1E200] =	vst v63  }
0xa3: {  	s31 =	simm.s32 $0x5200;
	s0 =	sadd.s32 s5, s0  }
0xa4: {  	[tilespmem:s31], [sflag:$0x3] =	stream.linear.gather [hbm4b:s0+s4], $0x2800, $0x38;
	[tilespmem:$0x1E200] =	vst v63  }
0xa5: {  	_ =	swait.ge [sflag:s19], $0x2800  }
0xa6: {  	[sflag:s19] =	ssyncset.done $0x0  }
0xa7: {  	p0 =	seq.s32 s22, $0x15;
	[sflag:s19] =	ssyncadd.s32 $0xFFFFD800  }
0xa8: {  	s0 =	sadd.s32 @!p0 s16, s14;
	_ =	swait.ge [sflag:s20], $0x2800  }
0xa9: {  	s12 =	simm.s32 @!p0 $0x0;
	s0 =	sshrl.u32 @!p0 s0, $0x3;
	[sflag:s20] =	ssyncset.done $0x0  }
0xaa: {  	s16 =	simm.s32 @!p0 $0x80;
	s0 =	sadd.s32 @!p0 s6, s0;
	[sflag:s20] =	ssyncadd.s32 $0xFFFFD800  }
0xab: {  	[tilespmem:s16], [sflag:$0x6] =	stream.linear.gather @!p0 [hbm4b:s0+s12], $0x50, $0x38;
	[tilespmem:$0x1E200] =	vst v63  }
0xac: {  	s12 =	simm.s32 $0x0  }
0xad: {  	v8 =	vld [tilespmem:s12+$0x7A00]  }
0xae: {  	v12 =	vld [tilespmem:s12+$0x7A10]  }
0xaf: {  	v6 =	vld [tilespmem:s12+$0x7A20]  }
0xb0: {  	v5 =	vld [tilespmem:s12+$0x7A30]  }
0xb1: {  	v4 =	vld [tilespmem:s12+$0x7A40]  }
0xb2: {  	v3 =	vld [tilespmem:s12+$0x7A50]  }
0xb3: {  	v2 =	vld [tilespmem:s12+$0x7A60]  }
0xb4: {  	v1 =	vld [tilespmem:s12+$0x7A70]  }
0xb5: {  	v13 =	vld [tilespmem:s12+$0x2A00]  }
0xb6: {  	v14 =	vld [tilespmem:s12+$0x2A10]  }
0xb7: {  	v11 =	vld [tilespmem:s12+$0x2A20]  }
0xb8: {  	v10 =	vld [tilespmem:s12+$0x2A30]  }
0xb9: {  	v9 =	vld [tilespmem:s12+$0x2A40]  }
0xba: {  	v7 =	vld [tilespmem:s12+$0x2A50];
	v13 =	vmul.f32 v8, v13  }
0xbb: {  	s16 =	simm.s32 $0x200;
	v12 =	vmul.f32 v12, v14;
	v8 =	vld [tilespmem:s12+$0x2A60]  }
.LBB2_7:
0xbc: {  	s0 =	sshra.s32 s16, $0x2;
	p0 =	sne.s32 s16, $0x9E00;
	[tilespmem:s12+$0x2A00] =	vst v13;
	v6 =	vmul.f32 v6, v11;
	v11 =	vld [tilespmem:s12+$0x2A70]  }
0xbd: {  	v13 =	vld [tilespmem:s0+$0x7A00];
	[tilespmem:s12+$0x2A10] =	vst v12;
	v5 =	vmul.f32 v5, v10  }
0xbe: {  	v12 =	vld [tilespmem:s0+$0x7A10];
	[tilespmem:s12+$0x2A20] =	vst v6;
	v4 =	vmul.f32 v4, v9  }
0xbf: {  	v6 =	vld [tilespmem:s0+$0x7A20];
	[tilespmem:s12+$0x2A30] =	vst v5;
	v3 =	vmul.f32 v3, v7  }
0xc0: {  	v5 =	vld [tilespmem:s0+$0x7A30];
	[tilespmem:s12+$0x2A40] =	vst v4;
	v2 =	vmul.f32 v2, v8  }
0xc1: {  	v4 =	vld [tilespmem:s0+$0x7A40];
	[tilespmem:s12+$0x2A50] =	vst v3;
	v1 =	vmul.f32 v1, v11  }
0xc2: {  	v3 =	vld [tilespmem:s0+$0x7A50];
	[tilespmem:s12+$0x2A60] =	vst v2  }
0xc3: {  	v2 =	vld [tilespmem:s0+$0x7A60];
	[tilespmem:s12+$0x2A70] =	vst v1;
	s12 =	smov.u32 s0  }
0xc4: {  	v1 =	vld [tilespmem:s12+$0x7A70]  }
0xc5: {  	v7 =	vld [tilespmem:s12+$0x2A00]  }
0xc6: {  	v8 =	vld [tilespmem:s12+$0x2A10]  }
.Ltmp2:
0xc7: {  	v11 =	vld [tilespmem:s12+$0x2A20];
	(pc) =	sbr.rel @p0 .LBB2_7-.Ltmp2, $4  }
0xc8: {  	v10 =	vld [tilespmem:s12+$0x2A30]  }
0xc9: {  	v9 =	vld [tilespmem:s12+$0x2A40]  }
0xca: {  	v13 =	vmul.f32 v13, v7;
	v7 =	vld [tilespmem:s12+$0x2A50]  }
0xcb: {  	s16 =	sadd.s32 $0x200, s16;
	v12 =	vmul.f32 v12, v8;
	v8 =	vld [tilespmem:s12+$0x2A60]  }
0xcc: {  	[tilespmem:s12+$0x2A00] =	vst v13;
	v6 =	vmul.f32 v6, v11;
	v63 =	vld [tilespmem:s12+$0x2A70]  }
0xcd: {  	[tilespmem:s12+$0x2A10] =	vst v12;
	v5 =	vmul.f32 v5, v10  }
0xce: {  	[tilespmem:s12+$0x2A20] =	vst v6;
	v4 =	vmul.f32 v4, v9  }
0xcf: {  	[tilespmem:s12+$0x2A30] =	vst v5;
	v3 =	vmul.f32 v3, v7  }
0xd0: {  	[tilespmem:s12+$0x2A40] =	vst v4;
	v2 =	vmul.f32 v2, v8  }
0xd1: {  	s22 =	sadd.s32 $0x1, s22;
	[tilespmem:s12+$0x2A50] =	vst v3;
	v1 =	vmul.f32 v1, v63  }
0xd2: {  	p0 =	sne.s32 s22, $0x16;
	[tilespmem:s12+$0x2A60] =	vst v2  }
.Ltmp3:
0xd3: {  	[tilespmem:s12+$0x2A70] =	vst v1;
	(pc) =	sbr.rel @p0 .LBB2_4-.Ltmp3, $4  }
0xd4: {  	_ =	swait.ge [sflag:s21], $0x50  }
0xd5: {  	[sflag:s21] =	ssyncset.done $0x0  }
0xd6: {  	[sflag:s21] =	ssyncadd.s32 $0xFFFFFFB0  }
0xd7: {  	[spmem:s2] =	stream.indirect.scatter.add.f32 [tilespmem:s11], [sflag:$0xA], $0x80, s3, s30, $0xb8;
	[tilespmem:$0x1E200] =	vst v63  }
0xd8: {  	_ =	swait.ge [sflag:s13], $0x2800  }
0xd9: {  	[sflag:s13] =	ssyncset.done $0x0  }
0xda: {  	[sflag:s13] =	ssyncadd.s32 $0xFFFFD800  }
0xdb: {  	_ =	swait.ge [sflag:s15], $0x2800  }
0xdc: {  	[sflag:s15] =	ssyncset.done $0x0  }
0xdd: {  	s12 =	simm.s32 $0x0;
	[sflag:s15] =	ssyncadd.s32 $0xFFFFD800  }
0xde: {  	v8 =	vld [tilespmem:s12+$0x5200]  }
0xdf: {  	v12 =	vld [tilespmem:s12+$0x5210]  }
0xe0: {  	v6 =	vld [tilespmem:s12+$0x5220]  }
0xe1: {  	v5 =	vld [tilespmem:s12+$0x5230]  }
0xe2: {  	v4 =	vld [tilespmem:s12+$0x5240]  }
0xe3: {  	v3 =	vld [tilespmem:s12+$0x5250]  }
0xe4: {  	v2 =	vld [tilespmem:s12+$0x5260]  }
0xe5: {  	v1 =	vld [tilespmem:s12+$0x5270]  }
0xe6: {  	v13 =	vld [tilespmem:s12+$0x200]  }
0xe7: {  	v14 =	vld [tilespmem:s12+$0x210]  }
0xe8: {  	v11 =	vld [tilespmem:s12+$0x220]  }
0xe9: {  	v10 =	vld [tilespmem:s12+$0x230]  }
0xea: {  	v9 =	vld [tilespmem:s12+$0x240]  }
0xeb: {  	v7 =	vld [tilespmem:s12+$0x250];
	v13 =	vmul.f32 v8, v13  }
0xec: {  	s16 =	simm.s32 $0x200;
	v12 =	vmul.f32 v12, v14;
	v8 =	vld [tilespmem:s12+$0x260]  }
.LBB2_10:
0xed: {  	s0 =	sshra.s32 s16, $0x2;
	p0 =	sne.s32 s16, $0x9E00;
	[tilespmem:s12+$0x200] =	vst v13;
	v6 =	vmul.f32 v6, v11;
	v11 =	vld [tilespmem:s12+$0x270]  }
0xee: {  	v13 =	vld [tilespmem:s0+$0x5200];
	[tilespmem:s12+$0x210] =	vst v12;
	v5 =	vmul.f32 v5, v10  }
0xef: {  	v12 =	vld [tilespmem:s0+$0x5210];
	[tilespmem:s12+$0x220] =	vst v6;
	v4 =	vmul.f32 v4, v9  }
0xf0: {  	v6 =	vld [tilespmem:s0+$0x5220];
	[tilespmem:s12+$0x230] =	vst v5;
	v3 =	vmul.f32 v3, v7  }
0xf1: {  	v5 =	vld [tilespmem:s0+$0x5230];
	[tilespmem:s12+$0x240] =	vst v4;
	v2 =	vmul.f32 v2, v8  }
0xf2: {  	v4 =	vld [tilespmem:s0+$0x5240];
	[tilespmem:s12+$0x250] =	vst v3;
	v1 =	vmul.f32 v1, v11  }
0xf3: {  	v3 =	vld [tilespmem:s0+$0x5250];
	[tilespmem:s12+$0x260] =	vst v2  }
0xf4: {  	v2 =	vld [tilespmem:s0+$0x5260];
	[tilespmem:s12+$0x270] =	vst v1;
	s12 =	smov.u32 s0  }
0xf5: {  	v1 =	vld [tilespmem:s12+$0x5270]  }
0xf6: {  	v7 =	vld [tilespmem:s12+$0x200]  }
0xf7: {  	v8 =	vld [tilespmem:s12+$0x210]  }
.Ltmp4:
0xf8: {  	v11 =	vld [tilespmem:s12+$0x220];
	(pc) =	sbr.rel @p0 .LBB2_10-.Ltmp4, $4  }
0xf9: {  	v10 =	vld [tilespmem:s12+$0x230]  }
0xfa: {  	v9 =	vld [tilespmem:s12+$0x240]  }
0xfb: {  	v13 =	vmul.f32 v13, v7;
	v7 =	vld [tilespmem:s12+$0x250]  }
0xfc: {  	s16 =	sadd.s32 $0x200, s16;
	v12 =	vmul.f32 v12, v8;
	v8 =	vld [tilespmem:s12+$0x260]  }
0xfd: {  	[tilespmem:s12+$0x200] =	vst v13;
	v6 =	vmul.f32 v6, v11;
	v63 =	vld [tilespmem:s12+$0x270]  }
0xfe: {  	[tilespmem:s12+$0x210] =	vst v12;
	v5 =	vmul.f32 v5, v10  }
0xff: {  	[tilespmem:s12+$0x220] =	vst v6;
	v4 =	vmul.f32 v4, v9  }
0x100: {  	[tilespmem:s12+$0x230] =	vst v5;
	v3 =	vmul.f32 v3, v7  }
0x101: {  	[tilespmem:s12+$0x240] =	vst v4;
	v2 =	vmul.f32 v2, v8  }
0x102: {  	[tilespmem:s12+$0x250] =	vst v3;
	v1 =	vmul.f32 v1, v63  }
0x103: {  	[tilespmem:s12+$0x260] =	vst v2  }
0x104: {  	s0 =	simm.s32 $0xA;
	[tilespmem:s12+$0x270] =	vst v1  }
0x105: {  	_ =	swait.ge [sflag:s0], $0x2800  }
0x106: {  	[sflag:s0] =	ssyncset.done $0x0  }
0x107: {  	[sflag:s0] =	ssyncadd.s32 $0xFFFFD800  }
0x108: {  	_ =	swait.ge [sflag:s17], $0x50  }
0x109: {  	[sflag:s17] =	ssyncset.done $0x0  }
0x10a: {  	[sflag:s17] =	ssyncadd.s32 $0xFFFFFFB0  }
0x10b: {  	[spmem:s2] =	stream.indirect.scatter.add.f32 [tilespmem:s25], [sflag:$0x9], $0x80, s28, s30, $0xb8;
	[tilespmem:$0x1E200] =	vst v63  }
0x10c: {  	_ =	swait.ge [sflag:s18], $0x2800  }
0x10d: {  	[sflag:s18] =	ssyncset.done $0x0  }
0x10e: {  	[sflag:s18] =	ssyncadd.s32 $0xFFFFD800  }
0x10f: {  	s22 =	stileid.u32;
	[bflag:$0x0] =	sbarrier.arrive $0xFFFF  }
0x110: {  	s0 =	sshll.u32 s22, $0x6;
	s22 =	rddreg [dreg:$0x9]  }
0x111: {  	s0 =	sor.u32 $0x1C0B, s0;
	s16 =	rddreg [dreg:$0x8];
	s23 =	sshrl.u32 s22, $0x3  }
0x112: {  	[hbm:s16], [sflag:s0] =	dma.local [spmem:s23], $0x2800  }
0x113: {  	s23 =	simm.s32 $0xB  }
0x114: {  	_ =	swait.ge [sflag:s23], $0x2800  }
0x115: {  	s26 =	rddreg [dreg:$0x12]  }
0x116: {  	s31 =	rddreg [dreg:$0xa];
	s12 =	sadd.s32 $0x1, s26  }
0x117: {  	p0 =	sne.s32 s12, s31  }
.Ltmp5:
0x118: {  	_ = 	snop;
	(pc) =	sbr.rel @p0 .LBB2_1-.Ltmp5, $3  }
0x119: {  	_ =	sdelay $0x1  }
0x11a: {  	[sflag:s23] =	ssyncset.done $0x0  }
0x11b: {  	[sflag:s23] =	ssyncadd.s32 $0xFFFFD800  }
0x11c: {  	_ =	sfence.sel $0x180000  }
0x11d: {  	[bflag:$0x0] =	sbarrier.arrive $0xFFFF  }
0x11e: {  	_ =	strace $0x90000047  }
0x11f: {  	s0 =	stileid.u32;
	[bflag:$0x2] =	sbarrier.arrive $0xFFFF  }
0x120: {  	p0 =	sne.s32 s0, $0x0;
	s0 =	rddreg [dreg:$0x3]  }
0x121: {  	s0 =	sadd.s32 @!p0 $0x100000, s0  }
0x122: {  	[sflag:s0] =	ssyncadd.tile.s32 @!p0 $0x1;
	_ =	shalt  }
.Lfunc_end2:
_tile_overlayer_lowered:
.L_overlay_start_2:
0x123: {  	(tag) =	ssettag $0x2  }
0x124: {  	s0 =	rddreg [dreg:$0x0];
	s2 =	stileid.u32  }
0x125: {  	s1 =	rddreg [dreg:$0x1];
	p0 =	sne.s32 s2, $0x0  }
0x126: {  	s3 =	rddreg [dreg:$0x2];
	[bflag:$0x3] =	sbarrier.arrive $0xFFFF;
	s2 =	simm.s32 @!p0 $0x1C0B  }
0x127: {  	[timem:s3], [sflag:s2] =	dma.local @!p0 [hbm:s0], s1  }
0x128: {  	s0 =	simm.s32 @!p0 $0xB  }
0x129: {  	_ =	swait.ge @!p0 [sflag:s0], s1  }
0x12a: {  	s1 =	ssub.s32 @!p0 $0x0, s1;
	[sflag:s0] =	ssyncset.done @!p0 $0x0  }
0x12b: {  	[sflag:s0] =	ssyncadd.s32 @!p0 s1  }
0x12c: {  	[bflag:$0x3] =	sbarrier.arrive $0xFFFF  }
0x12d: {  	_ =	shalt  }

</sc_bundles>
